<compile_context>
chip_gen: v7x
topology: tpu7x:2x2x1
jax: 0.10.2.dev20260603
libtpu: 0.0.44.dev20260713+nightly
codegen_flags: <defaults>
</compile_context>

<pallas_src>
import functools

import jax
import jax.numpy as jnp
from jax import lax
from jax.experimental import pallas as pl
from jax.experimental.pallas import tpu as pltpu
from jax.experimental.pallas import tpu_sc as plsc

N = 10000
D = 128
N_PAD = 10240
NC, NS, L = 2, 16, 16
NW = NC * NS
CHUNK = 128
ROWS_PT = N_PAD // NS
TR = 1280


def _wid(c, s):
    return s * NC + c


def _chunk_range(w, NCHUNK):
    BASE = NCHUNK // NW
    REM = NCHUNK % NW
    base = w * BASE + jnp.minimum(w, REM)
    nloc = jnp.where(w < REM, BASE + 1, BASE)
    return base, nloc, BASE, REM


def _load_idx(hbm1d, buf, base, w, BASE, REM):
    pltpu.sync_copy(hbm1d.at[pl.ds(base * CHUNK, BASE * CHUNK)],
                    buf.at[pl.ds(0, BASE * CHUNK)])
    if REM:
        @pl.when(w < REM)
        def _():
            pltpu.sync_copy(hbm1d.at[pl.ds((base + BASE) * CHUNK, CHUNK)],
                            buf.at[pl.ds(BASE * CHUNK, CHUNK)])


def _make_deg(E):
    NCHUNK = E // CHUNK
    NLOC = NCHUNK // NW + (1 if NCHUNK % NW else 0)
    K = 4

    mesh = plsc.VectorSubcoreMesh(core_axis_name="c", subcore_axis_name="s")

    @functools.partial(
        pl.kernel,
        out_type=(jax.ShapeDtypeStruct((NC, N_PAD), jnp.float32),
                  jax.ShapeDtypeStruct((E,), jnp.int32)),
        mesh=mesh,
        scratch_types=[
            pltpu.VMEM((NLOC * CHUNK,), jnp.int32),
            pltpu.VMEM((NLOC * CHUNK,), jnp.int32),
            pltpu.VMEM((CHUNK,), jnp.int32),
            pltpu.VMEM((CHUNK,), jnp.int32),
            pltpu.VMEM((CHUNK,), jnp.int32),
            pltpu.VMEM((CHUNK,), jnp.int32),
            pltpu.VMEM((CHUNK,), jnp.float32),
            pltpu.VMEM_SHARED((N_PAD,), jnp.float32),
            pltpu.SemaphoreType.DMA,
        ],
    )
    def deg_k(ei_hbm, dzero_hbm, out_hbm, pk_out, dstb, srcb, d0, d1, d2, d3,
              onesbuf, acc, ssem):
        dst_hbm = ei_hbm.at[1]
        src_hbm = ei_hbm.at[0]
        dbufs = (d0, d1, d2, d3)
        c = lax.axis_index("c")
        s = lax.axis_index("s")
        w = _wid(c, s)
        base, nloc, BASE, REM = _chunk_range(w, NCHUNK)

        for i in range(CHUNK // L):
            onesbuf[pl.ds(i * L, L)] = jnp.ones((L,), jnp.float32)

        pltpu.sync_copy(dzero_hbm, acc.at[pl.ds(s * ROWS_PT, ROWS_PT)])
        _load_idx(dst_hbm, dstb, base, w, BASE, REM)
        _load_idx(src_hbm, srcb, base, w, BASE, REM)
        plsc.subcore_barrier()

        ngrp = (nloc + K - 1) // K

        @pl.loop(0, ngrp)
        def _grp(g):
            for k, dk in enumerate(dbufs):
                i = g * K + k

                @pl.when(i < nloc)
                def _(i=i, dk=dk):
                    for t in range(CHUNK // L):
                        dk[pl.ds(t * L, L)] = (
                            dstb[pl.ds(i * CHUNK + t * L, L)])
                    pltpu.async_copy(onesbuf, acc.at[dk], ssem, add=True)

            for k, dk in enumerate(dbufs):
                i = g * K + k

                @pl.when(i < nloc)
                def _(dk=dk):
                    pltpu.make_async_copy(onesbuf, acc.at[dk], ssem).wait()

        @pl.loop(0, nloc * (CHUNK // L))
        def _pack(t):
            sl = pl.ds(t * L, L)
            srcb[sl] = jnp.bitwise_or(
                srcb[sl], lax.shift_left(dstb[sl], 16))

        pltpu.sync_copy(srcb.at[pl.ds(0, BASE * CHUNK)],
                        pk_out.at[pl.ds(base * CHUNK, BASE * CHUNK)])
        if REM:
            @pl.when(w < REM)
            def _():
                pltpu.sync_copy(
                    srcb.at[pl.ds(BASE * CHUNK, CHUNK)],
                    pk_out.at[pl.ds((base + BASE) * CHUNK, CHUNK)])

        plsc.subcore_barrier()
        pltpu.sync_copy(acc.at[pl.ds(s * ROWS_PT, ROWS_PT)],
                        out_hbm.at[c, pl.ds(s * ROWS_PT, ROWS_PT)])

    return deg_k


def _make_scatter(E):
    CH = 64
    NCHUNK = E // CH
    NLOC = NCHUNK // NW + (1 if NCHUNK % NW else 0)
    NB = 4

    mesh = plsc.VectorSubcoreMesh(core_axis_name="c", subcore_axis_name="s")

    @functools.partial(
        pl.kernel,
        out_type=jax.ShapeDtypeStruct((NC, N_PAD, D), jnp.float32),
        mesh=mesh,
        scratch_types=[
            pltpu.VMEM((NLOC * CH,), jnp.int32),
            pltpu.VMEM((3 * CH,), jnp.int32),
            pltpu.VMEM((CH,), jnp.int32),
            pltpu.VMEM((NB, CH, D), jnp.float32),
            pltpu.VMEM_SHARED((N_PAD, D), jnp.float32),
            pltpu.SemaphoreType.DMA,
            pltpu.SemaphoreType.DMA,
        ],
    )
    def scatter_k(g_hbm, pk_hbm, zeros_hbm, out_hbm,
                  pkb, srcc, dstc, rows, acc, gsem, ssem):
        c = lax.axis_index("c")
        s = lax.axis_index("s")
        w = _wid(c, s)
        BASE = NCHUNK // NW
        REM = NCHUNK % NW
        base = w * BASE + jnp.minimum(w, REM)
        nloc = jnp.where(w < REM, BASE + 1, BASE)

        def src_slot(i):
            off = pl.multiple_of((i % 3) * CH, CH)
            return srcc.at[pl.ds(off, CH)]

        def unpack_src(i):
            sl = src_slot(i)
            for t in range(CH // L):
                v = pkb[pl.ds(i * CH + t * L, L)]
                sl[pl.ds(t * L, L)] = jnp.bitwise_and(v, 0xFFFF)

        def unpack_dst(i):
            for t in range(CH // L):
                v = pkb[pl.ds(i * CH + t * L, L)]
                dstc[pl.ds(t * L, L)] = lax.shift_right_logical(v, 16)

        zinit = pltpu.async_copy(zeros_hbm,
                                 acc.at[pl.ds(s * ROWS_PT, ROWS_PT)], ssem)
        pltpu.sync_copy(pk_hbm.at[pl.ds(base * CH, BASE * CH)],
                        pkb.at[pl.ds(0, BASE * CH)])
        if REM:
            @pl.when(w < REM)
            def _():
                pltpu.sync_copy(pk_hbm.at[pl.ds((base + BASE) * CH, CH)],
                                pkb.at[pl.ds(BASE * CH, CH)])

        unpack_src(0)
        pltpu.async_copy(g_hbm.at[src_slot(0)], rows.at[0], gsem)

        @pl.when(nloc > 1)
        def _():
            unpack_src(1)
            pltpu.async_copy(g_hbm.at[src_slot(1)], rows.at[1], gsem)

        @pl.when(nloc > 2)
        def _():
            unpack_src(2)
            pltpu.async_copy(g_hbm.at[src_slot(2)], rows.at[2], gsem)

        zinit.wait()
        plsc.subcore_barrier()

        @pl.loop(0, nloc)
        def _edges(i):
            j = i % NB
            pltpu.make_async_copy(g_hbm.at[pl.ds(0, CH)],
                                  rows.at[j], gsem).wait()

            @pl.when(i >= 1)
            def _():
                pltpu.make_async_copy(rows.at[j],
                                      acc.at[pl.ds(0, CH)], ssem).wait()

            @pl.when(i + 3 < nloc)
            def _():
                unpack_src(i + 3)
                pltpu.async_copy(g_hbm.at[src_slot(i + 3)],
                                 rows.at[(i + 3) % NB], gsem)

            unpack_dst(i)
            pltpu.async_copy(rows.at[j], acc.at[dstc], ssem, add=True)

        pltpu.make_async_copy(rows.at[0],
                              acc.at[pl.ds(0, CH)], ssem).wait()
        plsc.subcore_barrier()
        pltpu.sync_copy(acc.at[pl.ds(s * ROWS_PT, ROWS_PT)],
                        out_hbm.at[c, pl.ds(s * ROWS_PT, ROWS_PT)])

    return scatter_k


def _dis_of(dp_ref):
    d = dp_ref[0] + dp_ref[1] + 1.0
    dis = lax.rsqrt(d)
    dis3 = lax.broadcast_in_dim(dis, (N_PAD // 128, 128, D), (0, 1))
    return dis3.reshape(N_PAD, D)


def _mm1_body(x_ref, w_ref, dp_ref, o_ref):
    dis = _dis_of(dp_ref)
    o_ref[...] = jnp.dot(x_ref[...], w_ref[...],
                         preferred_element_type=jnp.float32) * dis


def _mm2_body(sp_ref, g_ref, dp_ref, b_ref, w_ref, o_ref):
    dis = _dis_of(dp_ref)
    z = jnp.maximum((sp_ref[0] + sp_ref[1] + g_ref[...]) * dis + b_ref[...],
                    0.0)
    o_ref[...] = jnp.dot(z, w_ref[...],
                         preferred_element_type=jnp.float32) * dis


def _fin_body(sp_ref, g_ref, dp_ref, b_ref, o_ref):
    dis = _dis_of(dp_ref)
    o_ref[...] = (sp_ref[0] + sp_ref[1] + g_ref[...]) * dis + b_ref[...]


_GRID = (1,)
_bs_rows = pl.BlockSpec((N_PAD, D), lambda i: (0, 0))
_bs_part = pl.BlockSpec((NC, N_PAD, D), lambda i: (0, 0, 0))
_bs_deg = pl.BlockSpec((NC, N_PAD // 128, 128), lambda i: (0, 0, 0))
_bs_w = pl.BlockSpec((D, D), lambda i: (0, 0))
_bs_b = pl.BlockSpec((1, D), lambda i: (0, 0))
_OUT = jax.ShapeDtypeStruct((N_PAD, D), jnp.float32)
_OUT_N = jax.ShapeDtypeStruct((N, D), jnp.float32)

_mm1 = pl.pallas_call(_mm1_body, grid=_GRID, out_shape=_OUT,
                      in_specs=[_bs_rows, _bs_w, _bs_deg],
                      out_specs=_bs_rows)
_mm2 = pl.pallas_call(_mm2_body, grid=_GRID, out_shape=_OUT,
                      in_specs=[_bs_part, _bs_rows, _bs_deg, _bs_b, _bs_w],
                      out_specs=_bs_rows)
_fin = pl.pallas_call(_fin_body, grid=_GRID, out_shape=_OUT_N,
                      in_specs=[_bs_part, _bs_rows, _bs_deg, _bs_b],
                      out_specs=_bs_rows)


def kernel(x, edge_index, W1, b1, W2, b2):
    E = edge_index.shape[1]
    ei = edge_index.astype(jnp.int32)

    zeros = jnp.zeros((ROWS_PT, D), jnp.float32)
    dzero = jnp.zeros((ROWS_PT,), jnp.float32)
    b1r = b1.reshape(1, D)
    b2r = b2.reshape(1, D)

    degp, packed = _make_deg(E)(ei, dzero)
    degp = degp.reshape(NC, N_PAD // 128, 128)

    scat = _make_scatter(E)
    g1 = _mm1(x, W1, degp)
    s1 = scat(g1, packed, zeros)
    g2 = _mm2(s1, g1, degp, b1r, W2)
    s2 = scat(g2, packed, zeros)
    return _fin(s2, g2, degp, b2r)

# --- scband reference (transcript-rebuilt; emitter-appended) ---
"""Pipeline reference for scband-gcn1-86354612453594 (READ-ONLY COPY).

The authoritative reference and input builder live on the scoring server;
editing this copy changes nothing except your own understanding.
"""

import jax, jax.numpy as jnp
import numpy as np

N_NODES = 10000
N_EDGES = 320000
D_IN = 128
D_HID = 128
D_OUT = 128


def setup_inputs(seed: int = 0) -> dict:
    key = jax.random.key(seed)
    k1, k2, k3, k4, k5 = jax.random.split(key, 5)
    x = jax.random.normal(k1, (N_NODES, D_IN), dtype=jnp.float32)
    edge_index = jax.random.randint(k2, (2, N_EDGES), 0, N_NODES, dtype=jnp.int64)
    # Glorot-style init for GCNConv weights (stored as [in, out]); bias zeros like PyG default
    W1 = jax.random.normal(k3, (D_IN, D_HID), dtype=jnp.float32) * (1.0 / np.sqrt(D_IN))
    b1 = jnp.zeros((D_HID,), dtype=jnp.float32)
    W2 = jax.random.normal(k4, (D_HID, D_OUT), dtype=jnp.float32) * (1.0 / np.sqrt(D_HID))
    b2 = jnp.zeros((D_OUT,), dtype=jnp.float32)
    return {"x": x, "edge_index": edge_index, "W1": W1, "b1": b1, "W2": W2, "b2": b2}


def gcn_conv(x, edge_index, W, b):
    # Faithful PyG GCNConv: add self-loops, symmetric normalization, scatter-add aggregation
    N = x.shape[0]
    loop = jnp.arange(N, dtype=edge_index.dtype)
    src = jnp.concatenate([edge_index[0], loop])
    dst = jnp.concatenate([edge_index[1], loop])
    deg = jnp.zeros((N,), dtype=x.dtype).at[dst].add(1.0)
    deg_inv_sqrt = jnp.where(deg > 0, jax.lax.rsqrt(deg), 0.0)
    norm = deg_inv_sqrt[src] * deg_inv_sqrt[dst]
    h = x @ W
    msg = h[src] * norm[:, None]
    out = jnp.zeros((N, W.shape[1]), dtype=x.dtype).at[dst].add(msg)
    return out + b


def reference(x, edge_index, W1, b1, W2, b2):
    h = gcn_conv(x, edge_index, W1, b1)
    h = jax.nn.relu(h)
    out = gcn_conv(h, edge_index, W2, b2)
    return out

if __name__ == "__main__":
    import jax
    _d = setup_inputs()
    print(jax.jit(kernel)(*tuple(_d.values())))

</pallas_src>

<mosaic_0001>
#map = affine_map<(d0, d1) -> (0, 0)>
#map1 = affine_map<(d0, d1) -> (0)>
#map2 = affine_map<(d0, d1) -> (0, 0, 0)>
module attributes {stable_mosaic.version = 14 : i64} {
  func.func @scatter_k(%arg0: i32, %arg1: i32, %arg2: memref<10240x128xf32, #tpu.memory_space<hbm>>, %arg3: memref<320000xi32, #tpu.memory_space<hbm>>, %arg4: memref<640x128xf32, #tpu.memory_space<hbm>>, %arg5: memref<2x10240x128xf32, #tpu.memory_space<hbm>>, %arg6: memref<10048xi32, #tpu.memory_space<vmem>>, %arg7: memref<192xi32, #tpu.memory_space<vmem>>, %arg8: memref<64xi32, #tpu.memory_space<vmem>>, %arg9: memref<4x64x128xf32, #tpu.memory_space<vmem>>, %arg10: memref<10240x128xf32, #tpu.memory_space<vmem_shared>>, %arg11: memref<!tpu.dma_semaphore, #tpu.memory_space<semaphore_mem>>, %arg12: memref<!tpu.dma_semaphore, #tpu.memory_space<semaphore_mem>>) attributes {dimension_semantics = [#tpu.dimension_semantics<core_parallel>, #tpu.dimension_semantics<subcore_parallel>], iteration_bounds = array<i64: 2, 16>, scalar_prefetch = 0 : i64, scratch_operands = 7 : i64, tpu.core_type = #tpu.core_type<sc_vector_subcore>, window_params = [{transform_indices = #map}, {transform_indices = #map1}, {transform_indices = #map}, {transform_indices = #map2}]} {
    %mul3A = arith.constant 2 : i32
    %mul3A_0 = arith.muli %arg1, %mul3A : i32
    %add3A = arith.addi %mul3A_0, %arg0 : i32
    %mul3A_1 = arith.constant 156 : i32
    %mul3A_2 = arith.muli %add3A, %mul3A_1 : i32
    %min3A = arith.constant 8 : i32
    %min3A_3 = arith.minsi %add3A, %min3A : i32
    %add3A_4 = arith.addi %mul3A_2, %min3A_3 : i32
    %lt3A = arith.constant 8 : i32
    %lt3A_5 = arith.cmpi slt, %add3A, %lt3A : i32
    %jit3A = arith.constant 157 : i32
    %jit3A_6 = arith.constant 156 : i32
    %select_n3A = arith.select %lt3A_5, %jit3A, %jit3A_6 : i32
    %mul3A_7 = arith.constant 640 : i32
    %mul3A_8 = arith.muli %arg1, %mul3A_7 : i32
    %dma_start3A = arith.constant 0 : i32
    %dma_start3A_9 = tpu.memref_slice %arg10[%mul3A_8, %dma_start3A] : memref<10240x128xf32, #tpu.memory_space<vmem_shared>> -> memref<640x128xf32, #tpu.memory_space<vmem_shared>>
    tpu.enqueue_dma source(%arg4 : memref<640x128xf32, #tpu.memory_space<hbm>>) target(%dma_start3A_9 : memref<640x128xf32, #tpu.memory_space<vmem_shared>>) target_semaphore(%arg12 : memref<!tpu.dma_semaphore, #tpu.memory_space<semaphore_mem>>)
    %mul3A_10 = arith.constant 64 : i32
    %mul3A_11 = arith.muli %add3A_4, %mul3A_10 : i32
    "tpu.region"() ({
      %run_scoped3A = tpu.sem_alloc : memref<!tpu.dma_semaphore, #tpu.memory_space<semaphore_mem>>
      %dma_start3A_114 = arith.constant 0 : i32
      %dma_start3A_115 = tpu.memref_slice %arg6[%dma_start3A_114] : memref<10048xi32, #tpu.memory_space<vmem>> -> memref<9984xi32, #tpu.memory_space<vmem>>
      %dma_start3A_116 = tpu.memref_slice %arg3[%mul3A_11] : memref<320000xi32, #tpu.memory_space<hbm>> -> memref<9984xi32, #tpu.memory_space<hbm>>
      %dma_start3A_117 = arith.constant 0 : i32
      %dma_start3A_118 = tpu.memref_slice %arg6[%dma_start3A_117] : memref<10048xi32, #tpu.memory_space<vmem>> -> memref<9984xi32, #tpu.memory_space<vmem>>
      %dma_start3A_119 = tpu.memref_slice %arg3[%mul3A_11] : memref<320000xi32, #tpu.memory_space<hbm>> -> memref<9984xi32, #tpu.memory_space<hbm>>
      tpu.enqueue_dma source(%dma_start3A_119 : memref<9984xi32, #tpu.memory_space<hbm>>) target(%dma_start3A_118 : memref<9984xi32, #tpu.memory_space<vmem>>) target_semaphore(%run_scoped3A : memref<!tpu.dma_semaphore, #tpu.memory_space<semaphore_mem>>)
      %dma_wait3A_120 = arith.constant 0 : i32
      %dma_wait3A_121 = tpu.memref_slice %arg6[%dma_wait3A_120] : memref<10048xi32, #tpu.memory_space<vmem>> -> memref<9984xi32, #tpu.memory_space<vmem>>
      %dma_wait3A_122 = tpu.memref_slice %arg3[%mul3A_11] : memref<320000xi32, #tpu.memory_space<hbm>> -> memref<9984xi32, #tpu.memory_space<hbm>>
      %dma_wait3A_123 = arith.constant 0 : i32
      %dma_wait3A_124 = tpu.memref_slice %arg6[%dma_wait3A_123] : memref<10048xi32, #tpu.memory_space<vmem>> -> memref<9984xi32, #tpu.memory_space<vmem>>
      %dma_wait3A_125 = tpu.memref_slice %arg3[%mul3A_11] : memref<320000xi32, #tpu.memory_space<hbm>> -> memref<9984xi32, #tpu.memory_space<hbm>>
      tpu.wait_dma2 semaphore(%run_scoped3A : memref<!tpu.dma_semaphore, #tpu.memory_space<semaphore_mem>>) src(%dma_wait3A_125 : memref<9984xi32, #tpu.memory_space<hbm>>) dst(%dma_wait3A_124 : memref<9984xi32, #tpu.memory_space<vmem>>)
      tpu.yield
    }) : () -> ()
    %lt3A_12 = arith.constant 8 : i32
    %lt3A_13 = arith.cmpi slt, %add3A, %lt3A_12 : i32
    %convert_element_type3A = arith.extui %lt3A_13 : i1 to i32
    %cond3A = arith.constant 0 : i32
    %cond3A_14 = arith.cmpi ne, %convert_element_type3A, %cond3A : i32
    scf.if %cond3A_14 {
      %add3A_114 = arith.constant 156 : i32
      %add3A_115 = arith.addi %add3A_4, %add3A_114 : i32
      %mul3A_116 = arith.constant 64 : i32
      %mul3A_117 = arith.muli %add3A_115, %mul3A_116 : i32
      "tpu.region"() ({
        %run_scoped3A = tpu.sem_alloc : memref<!tpu.dma_semaphore, #tpu.memory_space<semaphore_mem>>
        %dma_start3A_118 = arith.constant 9984 : i32
        %dma_start3A_119 = tpu.memref_slice %arg6[%dma_start3A_118] : memref<10048xi32, #tpu.memory_space<vmem>> -> memref<64xi32, #tpu.memory_space<vmem>>
        %dma_start3A_120 = tpu.memref_slice %arg3[%mul3A_117] : memref<320000xi32, #tpu.memory_space<hbm>> -> memref<64xi32, #tpu.memory_space<hbm>>
        %dma_start3A_121 = arith.constant 9984 : i32
        %dma_start3A_122 = tpu.memref_slice %arg6[%dma_start3A_121] : memref<10048xi32, #tpu.memory_space<vmem>> -> memref<64xi32, #tpu.memory_space<vmem>>
        %dma_start3A_123 = tpu.memref_slice %arg3[%mul3A_117] : memref<320000xi32, #tpu.memory_space<hbm>> -> memref<64xi32, #tpu.memory_space<hbm>>
        tpu.enqueue_dma source(%dma_start3A_123 : memref<64xi32, #tpu.memory_space<hbm>>) target(%dma_start3A_122 : memref<64xi32, #tpu.memory_space<vmem>>) target_semaphore(%run_scoped3A : memref<!tpu.dma_semaphore, #tpu.memory_space<semaphore_mem>>)
        %dma_wait3A_124 = arith.constant 9984 : i32
        %dma_wait3A_125 = tpu.memref_slice %arg6[%dma_wait3A_124] : memref<10048xi32, #tpu.memory_space<vmem>> -> memref<64xi32, #tpu.memory_space<vmem>>
        %dma_wait3A_126 = tpu.memref_slice %arg3[%mul3A_117] : memref<320000xi32, #tpu.memory_space<hbm>> -> memref<64xi32, #tpu.memory_space<hbm>>
        %dma_wait3A_127 = arith.constant 9984 : i32
        %dma_wait3A_128 = tpu.memref_slice %arg6[%dma_wait3A_127] : memref<10048xi32, #tpu.memory_space<vmem>> -> memref<64xi32, #tpu.memory_space<vmem>>
        %dma_wait3A_129 = tpu.memref_slice %arg3[%mul3A_117] : memref<320000xi32, #tpu.memory_space<hbm>> -> memref<64xi32, #tpu.memory_space<hbm>>
        tpu.wait_dma2 semaphore(%run_scoped3A : memref<!tpu.dma_semaphore, #tpu.memory_space<semaphore_mem>>) src(%dma_wait3A_129 : memref<64xi32, #tpu.memory_space<hbm>>) dst(%dma_wait3A_128 : memref<64xi32, #tpu.memory_space<vmem>>)
        tpu.yield
      }) : () -> ()
    } else {
    }
    %multiple_of3A = arith.constant 0 : i32
    %multiple_of3A_15 = tpu.assume_multiple %multiple_of3A, 64 : i32
    %get3A = arith.constant 0 : index
    %get3A_16 = tpu.vector_load %arg6[%get3A] {strides = array<i32>} : memref<10048xi32, #tpu.memory_space<vmem>>, vector<16xi32>,
    %get3A_17 = vector.shape_cast %get3A_16 : vector<16xi32> to vector<16xi32>
    %and3A = arith.constant 65535 : i32
    %and3A_18 = vector.broadcast %and3A : i32 to vector<16xi32>
    %and3A_19 = arith.andi %get3A_17, %and3A_18 : vector<16xi32>
    %swap3A = tpu.memref_slice %arg7[%multiple_of3A_15] : memref<192xi32, #tpu.memory_space<vmem>> -> memref<64xi32, #tpu.memory_space<vmem>>
    %swap3A_20 = arith.constant 0 : index
    %swap3A_21 = tpu.vector_load %swap3A[%swap3A_20] {strides = array<i32>} : memref<64xi32, #tpu.memory_space<vmem>>, vector<16xi32>,
    %swap3A_22 = vector.shape_cast %swap3A_21 : vector<16xi32> to vector<16xi32>
    %swap3A_23 = vector.shape_cast %and3A_19 : vector<16xi32> to vector<16xi32>
    tpu.vector_store %swap3A[%swap3A_20], %swap3A_23 {strides = array<i32>} : memref<64xi32, #tpu.memory_space<vmem>>, vector<16xi32>,
    %get3A_24 = arith.constant 16 : index
    %get3A_25 = tpu.vector_load %arg6[%get3A_24] {strides = array<i32>} : memref<10048xi32, #tpu.memory_space<vmem>>, vector<16xi32>,
    %get3A_26 = vector.shape_cast %get3A_25 : vector<16xi32> to vector<16xi32>
    %and3A_27 = arith.constant 65535 : i32
    %and3A_28 = vector.broadcast %and3A_27 : i32 to vector<16xi32>
    %and3A_29 = arith.andi %get3A_26, %and3A_28 : vector<16xi32>
    %swap3A_30 = tpu.memref_slice %arg7[%multiple_of3A_15] : memref<192xi32, #tpu.memory_space<vmem>> -> memref<64xi32, #tpu.memory_space<vmem>>
    %swap3A_31 = arith.constant 16 : index
    %swap3A_32 = tpu.vector_load %swap3A_30[%swap3A_31] {strides = array<i32>} : memref<64xi32, #tpu.memory_space<vmem>>, vector<16xi32>,
    %swap3A_33 = vector.shape_cast %swap3A_32 : vector<16xi32> to vector<16xi32>
    %swap3A_34 = vector.shape_cast %and3A_29 : vector<16xi32> to vector<16xi32>
    tpu.vector_store %swap3A_30[%swap3A_31], %swap3A_34 {strides = array<i32>} : memref<64xi32, #tpu.memory_space<vmem>>, vector<16xi32>,
    %get3A_35 = arith.constant 32 : index
    %get3A_36 = tpu.vector_load %arg6[%get3A_35] {strides = array<i32>} : memref<10048xi32, #tpu.memory_space<vmem>>, vector<16xi32>,
    %get3A_37 = vector.shape_cast %get3A_36 : vector<16xi32> to vector<16xi32>
    %and3A_38 = arith.constant 65535 : i32
    %and3A_39 = vector.broadcast %and3A_38 : i32 to vector<16xi32>
    %and3A_40 = arith.andi %get3A_37, %and3A_39 : vector<16xi32>
    %swap3A_41 = tpu.memref_slice %arg7[%multiple_of3A_15] : memref<192xi32, #tpu.memory_space<vmem>> -> memref<64xi32, #tpu.memory_space<vmem>>
    %swap3A_42 = arith.constant 32 : index
    %swap3A_43 = tpu.vector_load %swap3A_41[%swap3A_42] {strides = array<i32>} : memref<64xi32, #tpu.memory_space<vmem>>, vector<16xi32>,
    %swap3A_44 = vector.shape_cast %swap3A_43 : vector<16xi32> to vector<16xi32>
    %swap3A_45 = vector.shape_cast %and3A_40 : vector<16xi32> to vector<16xi32>
    tpu.vector_store %swap3A_41[%swap3A_42], %swap3A_45 {strides = array<i32>} : memref<64xi32, #tpu.memory_space<vmem>>, vector<16xi32>,
    %get3A_46 = arith.constant 48 : index
    %get3A_47 = tpu.vector_load %arg6[%get3A_46] {strides = array<i32>} : memref<10048xi32, #tpu.memory_space<vmem>>, vector<16xi32>,
    %get3A_48 = vector.shape_cast %get3A_47 : vector<16xi32> to vector<16xi32>
    %and3A_49 = arith.constant 65535 : i32
    %and3A_50 = vector.broadcast %and3A_49 : i32 to vector<16xi32>
    %and3A_51 = arith.andi %get3A_48, %and3A_50 : vector<16xi32>
    %swap3A_52 = tpu.memref_slice %arg7[%multiple_of3A_15] : memref<192xi32, #tpu.memory_space<vmem>> -> memref<64xi32, #tpu.memory_space<vmem>>
    %swap3A_53 = arith.constant 48 : index
    %swap3A_54 = tpu.vector_load %swap3A_52[%swap3A_53] {strides = array<i32>} : memref<64xi32, #tpu.memory_space<vmem>>, vector<16xi32>,
    %swap3A_55 = vector.shape_cast %swap3A_54 : vector<16xi32> to vector<16xi32>
    %swap3A_56 = vector.shape_cast %and3A_51 : vector<16xi32> to vector<16xi32>
    tpu.vector_store %swap3A_52[%swap3A_53], %swap3A_56 {strides = array<i32>} : memref<64xi32, #tpu.memory_space<vmem>>, vector<16xi32>,
    %multiple_of3A_57 = arith.constant 0 : i32
    %multiple_of3A_58 = tpu.assume_multiple %multiple_of3A_57, 64 : i32
    %dma_start3A_59 = arith.constant 0 : i32
    %dma_start3A_60 = arith.constant 0 : i32
    %dma_start3A_61 = arith.constant 0 : i32
    %dma_start3A_62 = tpu.memref_slice %arg9[%dma_start3A_59, %dma_start3A_60, %dma_start3A_61] : memref<4x64x128xf32, #tpu.memory_space<vmem>> -> memref<1x64x128xf32, #tpu.memory_space<vmem>>
    %dma_start3A_63 = tpu.memref_squeeze %dma_start3A_62 : memref<1x64x128xf32, #tpu.memory_space<vmem>> -> memref<64x128xf32, #tpu.memory_space<vmem>>
    %dma_start3A_64 = tpu.memref_slice %arg7[%multiple_of3A_58] : memref<192xi32, #tpu.memory_space<vmem>> -> memref<64xi32, #tpu.memory_space<vmem>>
    %dma_start3A_65 = arith.constant 0 : i32
    %dma_start3A_66 = arith.constant 0 : i32
    %dma_start3A_67 = tpu.memref_slice %arg2[%dma_start3A_65, %dma_start3A_66] : memref<10240x128xf32, #tpu.memory_space<hbm>> -> memref<10240x128xf32, #tpu.memory_space<hbm>>
    tpu.enqueue_indirect_dma source(%dma_start3A_67 : memref<10240x128xf32, #tpu.memory_space<hbm>>) target(%dma_start3A_63 : memref<64x128xf32, #tpu.memory_space<vmem>>) offsets(%dma_start3A_64 : memref<64xi32, #tpu.memory_space<vmem>>) semaphore(%arg11 : memref<!tpu.dma_semaphore, #tpu.memory_space<semaphore_mem>>)
    %gt3A = arith.constant 1 : i32
    %gt3A_68 = arith.cmpi sgt, %select_n3A, %gt3A : i32
    %convert_element_type3A_69 = arith.extui %gt3A_68 : i1 to i32
    %cond3A_70 = arith.constant 0 : i32
    %cond3A_71 = arith.cmpi ne, %convert_element_type3A_69, %cond3A_70 : i32
    scf.if %cond3A_71 {
      %multiple_of3A_114 = arith.constant 64 : i32
      %multiple_of3A_115 = tpu.assume_multiple %multiple_of3A_114, 64 : i32
      %get3A_116 = arith.constant 64 : index
      %get3A_117 = tpu.vector_load %arg6[%get3A_116] {strides = array<i32>} : memref<10048xi32, #tpu.memory_space<vmem>>, vector<16xi32>,
      %get3A_118 = vector.shape_cast %get3A_117 : vector<16xi32> to vector<16xi32>
      %and3A_119 = arith.constant 65535 : i32
      %and3A_120 = vector.broadcast %and3A_119 : i32 to vector<16xi32>
      %and3A_121 = arith.andi %get3A_118, %and3A_120 : vector<16xi32>
      %swap3A_122 = tpu.memref_slice %arg7[%multiple_of3A_115] : memref<192xi32, #tpu.memory_space<vmem>> -> memref<64xi32, #tpu.memory_space<vmem>>
      %swap3A_123 = arith.constant 0 : index
      %swap3A_124 = tpu.vector_load %swap3A_122[%swap3A_123] {strides = array<i32>} : memref<64xi32, #tpu.memory_space<vmem>>, vector<16xi32>,
      %swap3A_125 = vector.shape_cast %swap3A_124 : vector<16xi32> to vector<16xi32>
      %swap3A_126 = vector.shape_cast %and3A_121 : vector<16xi32> to vector<16xi32>
      tpu.vector_store %swap3A_122[%swap3A_123], %swap3A_126 {strides = array<i32>} : memref<64xi32, #tpu.memory_space<vmem>>, vector<16xi32>,
      %get3A_127 = arith.constant 80 : index
      %get3A_128 = tpu.vector_load %arg6[%get3A_127] {strides = array<i32>} : memref<10048xi32, #tpu.memory_space<vmem>>, vector<16xi32>,
      %get3A_129 = vector.shape_cast %get3A_128 : vector<16xi32> to vector<16xi32>
      %and3A_130 = arith.constant 65535 : i32
      %and3A_131 = vector.broadcast %and3A_130 : i32 to vector<16xi32>
      %and3A_132 = arith.andi %get3A_129, %and3A_131 : vector<16xi32>
      %swap3A_133 = tpu.memref_slice %arg7[%multiple_of3A_115] : memref<192xi32, #tpu.memory_space<vmem>> -> memref<64xi32, #tpu.memory_space<vmem>>
      %swap3A_134 = arith.constant 16 : index
      %swap3A_135 = tpu.vector_load %swap3A_133[%swap3A_134] {strides = array<i32>} : memref<64xi32, #tpu.memory_space<vmem>>, vector<16xi32>,
      %swap3A_136 = vector.shape_cast %swap3A_135 : vector<16xi32> to vector<16xi32>
      %swap3A_137 = vector.shape_cast %and3A_132 : vector<16xi32> to vector<16xi32>
      tpu.vector_store %swap3A_133[%swap3A_134], %swap3A_137 {strides = array<i32>} : memref<64xi32, #tpu.memory_space<vmem>>, vector<16xi32>,
      %get3A_138 = arith.constant 96 : index
      %get3A_139 = tpu.vector_load %arg6[%get3A_138] {strides = array<i32>} : memref<10048xi32, #tpu.memory_space<vmem>>, vector<16xi32>,
      %get3A_140 = vector.shape_cast %get3A_139 : vector<16xi32> to vector<16xi32>
      %and3A_141 = arith.constant 65535 : i32
      %and3A_142 = vector.broadcast %and3A_141 : i32 to vector<16xi32>
      %and3A_143 = arith.andi %get3A_140, %and3A_142 : vector<16xi32>
      %swap3A_144 = tpu.memref_slice %arg7[%multiple_of3A_115] : memref<192xi32, #tpu.memory_space<vmem>> -> memref<64xi32, #tpu.memory_space<vmem>>
      %swap3A_145 = arith.constant 32 : index
      %swap3A_146 = tpu.vector_load %swap3A_144[%swap3A_145] {strides = array<i32>} : memref<64xi32, #tpu.memory_space<vmem>>, vector<16xi32>,
      %swap3A_147 = vector.shape_cast %swap3A_146 : vector<16xi32> to vector<16xi32>
      %swap3A_148 = vector.shape_cast %and3A_143 : vector<16xi32> to vector<16xi32>
      tpu.vector_store %swap3A_144[%swap3A_145], %swap3A_148 {strides = array<i32>} : memref<64xi32, #tpu.memory_space<vmem>>, vector<16xi32>,
      %get3A_149 = arith.constant 112 : index
      %get3A_150 = tpu.vector_load %arg6[%get3A_149] {strides = array<i32>} : memref<10048xi32, #tpu.memory_space<vmem>>, vector<16xi32>,
      %get3A_151 = vector.shape_cast %get3A_150 : vector<16xi32> to vector<16xi32>
      %and3A_152 = arith.constant 65535 : i32
      %and3A_153 = vector.broadcast %and3A_152 : i32 to vector<16xi32>
      %and3A_154 = arith.andi %get3A_151, %and3A_153 : vector<16xi32>
      %swap3A_155 = tpu.memref_slice %arg7[%multiple_of3A_115] : memref<192xi32, #tpu.memory_space<vmem>> -> memref<64xi32, #tpu.memory_space<vmem>>
      %swap3A_156 = arith.constant 48 : index
      %swap3A_157 = tpu.vector_load %swap3A_155[%swap3A_156] {strides = array<i32>} : memref<64xi32, #tpu.memory_space<vmem>>, vector<16xi32>,
      %swap3A_158 = vector.shape_cast %swap3A_157 : vector<16xi32> to vector<16xi32>
      %swap3A_159 = vector.shape_cast %and3A_154 : vector<16xi32> to vector<16xi32>
      tpu.vector_store %swap3A_155[%swap3A_156], %swap3A_159 {strides = array<i32>} : memref<64xi32, #tpu.memory_space<vmem>>, vector<16xi32>,
      %multiple_of3A_160 = arith.constant 64 : i32
      %multiple_of3A_161 = tpu.assume_multiple %multiple_of3A_160, 64 : i32
      %dma_start3A_162 = arith.constant 1 : i32
      %dma_start3A_163 = arith.constant 0 : i32
      %dma_start3A_164 = arith.constant 0 : i32
      %dma_start3A_165 = tpu.memref_slice %arg9[%dma_start3A_162, %dma_start3A_163, %dma_start3A_164] : memref<4x64x128xf32, #tpu.memory_space<vmem>> -> memref<1x64x128xf32, #tpu.memory_space<vmem>>
      %dma_start3A_166 = tpu.memref_squeeze %dma_start3A_165 : memref<1x64x128xf32, #tpu.memory_space<vmem>> -> memref<64x128xf32, #tpu.memory_space<vmem>>
      %dma_start3A_167 = tpu.memref_slice %arg7[%multiple_of3A_161] : memref<192xi32, #tpu.memory_space<vmem>> -> memref<64xi32, #tpu.memory_space<vmem>>
      %dma_start3A_168 = arith.constant 0 : i32
      %dma_start3A_169 = arith.constant 0 : i32
      %dma_start3A_170 = tpu.memref_slice %arg2[%dma_start3A_168, %dma_start3A_169] : memref<10240x128xf32, #tpu.memory_space<hbm>> -> memref<10240x128xf32, #tpu.memory_space<hbm>>
      tpu.enqueue_indirect_dma source(%dma_start3A_170 : memref<10240x128xf32, #tpu.memory_space<hbm>>) target(%dma_start3A_166 : memref<64x128xf32, #tpu.memory_space<vmem>>) offsets(%dma_start3A_167 : memref<64xi32, #tpu.memory_space<vmem>>) semaphore(%arg11 : memref<!tpu.dma_semaphore, #tpu.memory_space<semaphore_mem>>)
    } else {
    }
    %gt3A_72 = arith.constant 2 : i32
    %gt3A_73 = arith.cmpi sgt, %select_n3A, %gt3A_72 : i32
    %convert_element_type3A_74 = arith.extui %gt3A_73 : i1 to i32
    %cond3A_75 = arith.constant 0 : i32
    %cond3A_76 = arith.cmpi ne, %convert_element_type3A_74, %cond3A_75 : i32
    scf.if %cond3A_76 {
      %multiple_of3A_114 = arith.constant 128 : i32
      %multiple_of3A_115 = tpu.assume_multiple %multiple_of3A_114, 64 : i32
      %get3A_116 = arith.constant 128 : index
      %get3A_117 = tpu.vector_load %arg6[%get3A_116] {strides = array<i32>} : memref<10048xi32, #tpu.memory_space<vmem>>, vector<16xi32>,
      %get3A_118 = vector.shape_cast %get3A_117 : vector<16xi32> to vector<16xi32>
      %and3A_119 = arith.constant 65535 : i32
      %and3A_120 = vector.broadcast %and3A_119 : i32 to vector<16xi32>
      %and3A_121 = arith.andi %get3A_118, %and3A_120 : vector<16xi32>
      %swap3A_122 = tpu.memref_slice %arg7[%multiple_of3A_115] : memref<192xi32, #tpu.memory_space<vmem>> -> memref<64xi32, #tpu.memory_space<vmem>>
      %swap3A_123 = arith.constant 0 : index
      %swap3A_124 = tpu.vector_load %swap3A_122[%swap3A_123] {strides = array<i32>} : memref<64xi32, #tpu.memory_space<vmem>>, vector<16xi32>,
      %swap3A_125 = vector.shape_cast %swap3A_124 : vector<16xi32> to vector<16xi32>
      %swap3A_126 = vector.shape_cast %and3A_121 : vector<16xi32> to vector<16xi32>
      tpu.vector_store %swap3A_122[%swap3A_123], %swap3A_126 {strides = array<i32>} : memref<64xi32, #tpu.memory_space<vmem>>, vector<16xi32>,
      %get3A_127 = arith.constant 144 : index
      %get3A_128 = tpu.vector_load %arg6[%get3A_127] {strides = array<i32>} : memref<10048xi32, #tpu.memory_space<vmem>>, vector<16xi32>,
      %get3A_129 = vector.shape_cast %get3A_128 : vector<16xi32> to vector<16xi32>
      %and3A_130 = arith.constant 65535 : i32
      %and3A_131 = vector.broadcast %and3A_130 : i32 to vector<16xi32>
      %and3A_132 = arith.andi %get3A_129, %and3A_131 : vector<16xi32>
      %swap3A_133 = tpu.memref_slice %arg7[%multiple_of3A_115] : memref<192xi32, #tpu.memory_space<vmem>> -> memref<64xi32, #tpu.memory_space<vmem>>
      %swap3A_134 = arith.constant 16 : index
      %swap3A_135 = tpu.vector_load %swap3A_133[%swap3A_134] {strides = array<i32>} : memref<64xi32, #tpu.memory_space<vmem>>, vector<16xi32>,
      %swap3A_136 = vector.shape_cast %swap3A_135 : vector<16xi32> to vector<16xi32>
      %swap3A_137 = vector.shape_cast %and3A_132 : vector<16xi32> to vector<16xi32>
      tpu.vector_store %swap3A_133[%swap3A_134], %swap3A_137 {strides = array<i32>} : memref<64xi32, #tpu.memory_space<vmem>>, vector<16xi32>,
      %get3A_138 = arith.constant 160 : index
      %get3A_139 = tpu.vector_load %arg6[%get3A_138] {strides = array<i32>} : memref<10048xi32, #tpu.memory_space<vmem>>, vector<16xi32>,
      %get3A_140 = vector.shape_cast %get3A_139 : vector<16xi32> to vector<16xi32>
      %and3A_141 = arith.constant 65535 : i32
      %and3A_142 = vector.broadcast %and3A_141 : i32 to vector<16xi32>
      %and3A_143 = arith.andi %get3A_140, %and3A_142 : vector<16xi32>
      %swap3A_144 = tpu.memref_slice %arg7[%multiple_of3A_115] : memref<192xi32, #tpu.memory_space<vmem>> -> memref<64xi32, #tpu.memory_space<vmem>>
      %swap3A_145 = arith.constant 32 : index
      %swap3A_146 = tpu.vector_load %swap3A_144[%swap3A_145] {strides = array<i32>} : memref<64xi32, #tpu.memory_space<vmem>>, vector<16xi32>,
      %swap3A_147 = vector.shape_cast %swap3A_146 : vector<16xi32> to vector<16xi32>
      %swap3A_148 = vector.shape_cast %and3A_143 : vector<16xi32> to vector<16xi32>
      tpu.vector_store %swap3A_144[%swap3A_145], %swap3A_148 {strides = array<i32>} : memref<64xi32, #tpu.memory_space<vmem>>, vector<16xi32>,
      %get3A_149 = arith.constant 176 : index
      %get3A_150 = tpu.vector_load %arg6[%get3A_149] {strides = array<i32>} : memref<10048xi32, #tpu.memory_space<vmem>>, vector<16xi32>,
      %get3A_151 = vector.shape_cast %get3A_150 : vector<16xi32> to vector<16xi32>
      %and3A_152 = arith.constant 65535 : i32
      %and3A_153 = vector.broadcast %and3A_152 : i32 to vector<16xi32>
      %and3A_154 = arith.andi %get3A_151, %and3A_153 : vector<16xi32>
      %swap3A_155 = tpu.memref_slice %arg7[%multiple_of3A_115] : memref<192xi32, #tpu.memory_space<vmem>> -> memref<64xi32, #tpu.memory_space<vmem>>
      %swap3A_156 = arith.constant 48 : index
      %swap3A_157 = tpu.vector_load %swap3A_155[%swap3A_156] {strides = array<i32>} : memref<64xi32, #tpu.memory_space<vmem>>, vector<16xi32>,
      %swap3A_158 = vector.shape_cast %swap3A_157 : vector<16xi32> to vector<16xi32>
      %swap3A_159 = vector.shape_cast %and3A_154 : vector<16xi32> to vector<16xi32>
      tpu.vector_store %swap3A_155[%swap3A_156], %swap3A_159 {strides = array<i32>} : memref<64xi32, #tpu.memory_space<vmem>>, vector<16xi32>,
      %multiple_of3A_160 = arith.constant 128 : i32
      %multiple_of3A_161 = tpu.assume_multiple %multiple_of3A_160, 64 : i32
      %dma_start3A_162 = arith.constant 2 : i32
      %dma_start3A_163 = arith.constant 0 : i32
      %dma_start3A_164 = arith.constant 0 : i32
      %dma_start3A_165 = tpu.memref_slice %arg9[%dma_start3A_162, %dma_start3A_163, %dma_start3A_164] : memref<4x64x128xf32, #tpu.memory_space<vmem>> -> memref<1x64x128xf32, #tpu.memory_space<vmem>>
      %dma_start3A_166 = tpu.memref_squeeze %dma_start3A_165 : memref<1x64x128xf32, #tpu.memory_space<vmem>> -> memref<64x128xf32, #tpu.memory_space<vmem>>
      %dma_start3A_167 = tpu.memref_slice %arg7[%multiple_of3A_161] : memref<192xi32, #tpu.memory_space<vmem>> -> memref<64xi32, #tpu.memory_space<vmem>>
      %dma_start3A_168 = arith.constant 0 : i32
      %dma_start3A_169 = arith.constant 0 : i32
      %dma_start3A_170 = tpu.memref_slice %arg2[%dma_start3A_168, %dma_start3A_169] : memref<10240x128xf32, #tpu.memory_space<hbm>> -> memref<10240x128xf32, #tpu.memory_space<hbm>>
      tpu.enqueue_indirect_dma source(%dma_start3A_170 : memref<10240x128xf32, #tpu.memory_space<hbm>>) target(%dma_start3A_166 : memref<64x128xf32, #tpu.memory_space<vmem>>) offsets(%dma_start3A_167 : memref<64xi32, #tpu.memory_space<vmem>>) semaphore(%arg11 : memref<!tpu.dma_semaphore, #tpu.memory_space<semaphore_mem>>)
    } else {
    }
    %dma_wait3A = arith.constant 0 : i32
    %dma_wait3A_77 = tpu.memref_slice %arg10[%mul3A_8, %dma_wait3A] : memref<10240x128xf32, #tpu.memory_space<vmem_shared>> -> memref<640x128xf32, #tpu.memory_space<vmem_shared>>
    tpu.wait_dma2 semaphore(%arg12 : memref<!tpu.dma_semaphore, #tpu.memory_space<semaphore_mem>>) src(%arg4 : memref<640x128xf32, #tpu.memory_space<hbm>>) dst(%dma_wait3A_77 : memref<640x128xf32, #tpu.memory_space<vmem_shared>>)
    %barrier3A = arith.constant 0 : index
    tpu.barrier barrier_id(%barrier3A)
    %sub3A = arith.constant 0 : i32
    %sub3A_78 = arith.subi %select_n3A, %sub3A : i32
    %sub3A_79 = arith.constant 1 : i32
    %sub3A_80 = arith.constant 1 : i32
    %sub3A_81 = arith.subi %sub3A_79, %sub3A_80 : i32
    %add3A_82 = arith.addi %sub3A_78, %sub3A_81 : i32
    %div3A = arith.constant 1 : i32
    %div3A_83 = arith.divsi %add3A_82, %div3A : i32
    %while3A = arith.constant 1 : i32
    %while3A_84 = arith.constant 0 : i32
    %while3A_85 = arith.constant 0 : i32
    %while3A_86 = arith.subi %div3A_83, %while3A_85 : i32
    %while3A_87 = arith.addi %while3A_85, %while3A_86 : i32
    %while3A_88 = arith.constant 1 : i32
    %while3A_89 = arith.divsi %while3A_86, %while3A_88 : i32
    %while3A_90 = arith.muli %while3A_89, %while3A_88 : i32
    %while3A_91 = arith.addi %while3A_85, %while3A_90 : i32
    %while3A_92 = arith.constant 1 : i32
    scf.for %while3A_114 = %while3A_85 to %while3A_91 step %while3A_92  : i32 {
      %mul3A_115 = arith.muli %while3A_114, %while3A : i32
      %add3A_116 = arith.addi %while3A_84, %mul3A_115 : i32
      %jit3A_117 = arith.constant 4 : i32
      %eq3A = arith.constant 0 : i32
      %eq3A_118 = arith.cmpi eq, %jit3A_117, %eq3A : i32
      %jit3A_119 = arith.constant 1 : i32
      %select_n3A_120 = arith.select %eq3A_118, %jit3A_119, %jit3A_117 : i32
      %rem3A = arith.remsi %add3A_116, %select_n3A_120 : i32
      %ne3A = arith.constant 0 : i32
      %ne3A_121 = arith.cmpi ne, %rem3A, %ne3A : i32
      %lt3A_122 = arith.constant 0 : i32
      %lt3A_123 = arith.cmpi slt, %rem3A, %lt3A_122 : i32
      %lt3A_124 = arith.constant 0 : i32
      %lt3A_125 = arith.cmpi slt, %select_n3A_120, %lt3A_124 : i32
      %ne3A_126 = arith.xori %lt3A_123, %lt3A_125 : i1
      %and3A_127 = arith.andi %ne3A_126, %ne3A_121 : i1
      %add3A_128 = arith.addi %rem3A, %select_n3A_120 : i32
      %select_n3A_129 = arith.select %and3A_127, %add3A_128, %rem3A : i32
      %dma_wait3A_130 = arith.constant 0 : i32
      %dma_wait3A_131 = arith.constant 0 : i32
      %dma_wait3A_132 = tpu.memref_slice %arg9[%select_n3A_129, %dma_wait3A_130, %dma_wait3A_131] : memref<4x64x128xf32, #tpu.memory_space<vmem>> -> memref<1x64x128xf32, #tpu.memory_space<vmem>>
      %dma_wait3A_133 = tpu.memref_squeeze %dma_wait3A_132 : memref<1x64x128xf32, #tpu.memory_space<vmem>> -> memref<64x128xf32, #tpu.memory_space<vmem>>
      %dma_wait3A_134 = arith.constant 0 : i32
      %dma_wait3A_135 = arith.constant 0 : i32
      %dma_wait3A_136 = tpu.memref_slice %arg2[%dma_wait3A_134, %dma_wait3A_135] : memref<10240x128xf32, #tpu.memory_space<hbm>> -> memref<64x128xf32, #tpu.memory_space<hbm>>
      %dma_wait3A_137 = arith.constant 0 : i32
      %dma_wait3A_138 = arith.constant 0 : i32
      %dma_wait3A_139 = tpu.memref_slice %arg9[%select_n3A_129, %dma_wait3A_137, %dma_wait3A_138] : memref<4x64x128xf32, #tpu.memory_space<vmem>> -> memref<1x64x128xf32, #tpu.memory_space<vmem>>
      %dma_wait3A_140 = tpu.memref_squeeze %dma_wait3A_139 : memref<1x64x128xf32, #tpu.memory_space<vmem>> -> memref<64x128xf32, #tpu.memory_space<vmem>>
      %dma_wait3A_141 = arith.constant 0 : i32
      %dma_wait3A_142 = arith.constant 0 : i32
      %dma_wait3A_143 = tpu.memref_slice %arg2[%dma_wait3A_141, %dma_wait3A_142] : memref<10240x128xf32, #tpu.memory_space<hbm>> -> memref<64x128xf32, #tpu.memory_space<hbm>>
      tpu.wait_dma2 semaphore(%arg11 : memref<!tpu.dma_semaphore, #tpu.memory_space<semaphore_mem>>) src(%dma_wait3A_143 : memref<64x128xf32, #tpu.memory_space<hbm>>) dst(%dma_wait3A_140 : memref<64x128xf32, #tpu.memory_space<vmem>>)
      %ge3A = arith.constant 1 : i32
      %ge3A_144 = arith.cmpi sge, %add3A_116, %ge3A : i32
      %convert_element_type3A_145 = arith.extui %ge3A_144 : i1 to i32
      %cond3A_146 = arith.constant 0 : i32
      %cond3A_147 = arith.cmpi ne, %convert_element_type3A_145, %cond3A_146 : i32
      scf.if %cond3A_147 {
        %dma_wait3A_216 = arith.constant 0 : i32
        %dma_wait3A_217 = arith.constant 0 : i32
        %dma_wait3A_218 = tpu.memref_slice %arg9[%select_n3A_129, %dma_wait3A_216, %dma_wait3A_217] : memref<4x64x128xf32, #tpu.memory_space<vmem>> -> memref<1x64x128xf32, #tpu.memory_space<vmem>>
        %dma_wait3A_219 = tpu.memref_squeeze %dma_wait3A_218 : memref<1x64x128xf32, #tpu.memory_space<vmem>> -> memref<64x128xf32, #tpu.memory_space<vmem>>
        %dma_wait3A_220 = arith.constant 0 : i32
        %dma_wait3A_221 = arith.constant 0 : i32
        %dma_wait3A_222 = tpu.memref_slice %arg10[%dma_wait3A_220, %dma_wait3A_221] : memref<10240x128xf32, #tpu.memory_space<vmem_shared>> -> memref<64x128xf32, #tpu.memory_space<vmem_shared>>
        %dma_wait3A_223 = arith.constant 0 : i32
        %dma_wait3A_224 = arith.constant 0 : i32
        %dma_wait3A_225 = tpu.memref_slice %arg10[%dma_wait3A_223, %dma_wait3A_224] : memref<10240x128xf32, #tpu.memory_space<vmem_shared>> -> memref<64x128xf32, #tpu.memory_space<vmem_shared>>
        %dma_wait3A_226 = arith.constant 0 : i32
        %dma_wait3A_227 = arith.constant 0 : i32
        %dma_wait3A_228 = tpu.memref_slice %arg9[%select_n3A_129, %dma_wait3A_226, %dma_wait3A_227] : memref<4x64x128xf32, #tpu.memory_space<vmem>> -> memref<1x64x128xf32, #tpu.memory_space<vmem>>
        %dma_wait3A_229 = tpu.memref_squeeze %dma_wait3A_228 : memref<1x64x128xf32, #tpu.memory_space<vmem>> -> memref<64x128xf32, #tpu.memory_space<vmem>>
        tpu.wait_dma2 semaphore(%arg12 : memref<!tpu.dma_semaphore, #tpu.memory_space<semaphore_mem>>) src(%dma_wait3A_229 : memref<64x128xf32, #tpu.memory_space<vmem>>) dst(%dma_wait3A_225 : memref<64x128xf32, #tpu.memory_space<vmem_shared>>)
      } else {
      }
      %add3A_148 = arith.constant 3 : i32
      %add3A_149 = arith.addi %add3A_116, %add3A_148 : i32
      %lt3A_150 = arith.cmpi slt, %add3A_149, %select_n3A : i32
      %convert_element_type3A_151 = arith.extui %lt3A_150 : i1 to i32
      %cond3A_152 = arith.constant 0 : i32
      %cond3A_153 = arith.cmpi ne, %convert_element_type3A_151, %cond3A_152 : i32
      scf.if %cond3A_153 {
        %add3A_216 = arith.constant 3 : i32
        %add3A_217 = arith.addi %add3A_116, %add3A_216 : i32
        %jit3A_218 = arith.constant 3 : i32
        %eq3A_219 = arith.constant 0 : i32
        %eq3A_220 = arith.cmpi eq, %jit3A_218, %eq3A_219 : i32
        %jit3A_221 = arith.constant 1 : i32
        %select_n3A_222 = arith.select %eq3A_220, %jit3A_221, %jit3A_218 : i32
        %rem3A_223 = arith.remsi %add3A_217, %select_n3A_222 : i32
        %ne3A_224 = arith.constant 0 : i32
        %ne3A_225 = arith.cmpi ne, %rem3A_223, %ne3A_224 : i32
        %lt3A_226 = arith.constant 0 : i32
        %lt3A_227 = arith.cmpi slt, %rem3A_223, %lt3A_226 : i32
        %lt3A_228 = arith.constant 0 : i32
        %lt3A_229 = arith.cmpi slt, %select_n3A_222, %lt3A_228 : i32
        %ne3A_230 = arith.xori %lt3A_227, %lt3A_229 : i1
        %and3A_231 = arith.andi %ne3A_230, %ne3A_225 : i1
        %add3A_232 = arith.addi %rem3A_223, %select_n3A_222 : i32
        %select_n3A_233 = arith.select %and3A_231, %add3A_232, %rem3A_223 : i32
        %mul3A_234 = arith.constant 64 : i32
        %mul3A_235 = arith.muli %select_n3A_233, %mul3A_234 : i32
        %multiple_of3A_236 = tpu.assume_multiple %mul3A_235, 64 : i32
        %mul3A_237 = arith.constant 64 : i32
        %mul3A_238 = arith.muli %add3A_217, %mul3A_237 : i32
        %add3A_239 = arith.constant 0 : i32
        %add3A_240 = arith.addi %mul3A_238, %add3A_239 : i32
        %get3A_241 = arith.index_cast %add3A_240 : i32 to index
        %get3A_242 = tpu.vector_load %arg6[%get3A_241] {strides = array<i32>} : memref<10048xi32, #tpu.memory_space<vmem>>, vector<16xi32>,
        %get3A_243 = vector.shape_cast %get3A_242 : vector<16xi32> to vector<16xi32>
        %and3A_244 = arith.constant 65535 : i32
        %and3A_245 = vector.broadcast %and3A_244 : i32 to vector<16xi32>
        %and3A_246 = arith.andi %get3A_243, %and3A_245 : vector<16xi32>
        %swap3A_247 = tpu.memref_slice %arg7[%multiple_of3A_236] : memref<192xi32, #tpu.memory_space<vmem>> -> memref<64xi32, #tpu.memory_space<vmem>>
        %swap3A_248 = arith.constant 0 : index
        %swap3A_249 = tpu.vector_load %swap3A_247[%swap3A_248] {strides = array<i32>} : memref<64xi32, #tpu.memory_space<vmem>>, vector<16xi32>,
        %swap3A_250 = vector.shape_cast %swap3A_249 : vector<16xi32> to vector<16xi32>
        %swap3A_251 = vector.shape_cast %and3A_246 : vector<16xi32> to vector<16xi32>
        tpu.vector_store %swap3A_247[%swap3A_248], %swap3A_251 {strides = array<i32>} : memref<64xi32, #tpu.memory_space<vmem>>, vector<16xi32>,
        %mul3A_252 = arith.constant 64 : i32
        %mul3A_253 = arith.muli %add3A_217, %mul3A_252 : i32
        %add3A_254 = arith.constant 16 : i32
        %add3A_255 = arith.addi %mul3A_253, %add3A_254 : i32
        %get3A_256 = arith.index_cast %add3A_255 : i32 to index
        %get3A_257 = tpu.vector_load %arg6[%get3A_256] {strides = array<i32>} : memref<10048xi32, #tpu.memory_space<vmem>>, vector<16xi32>,
        %get3A_258 = vector.shape_cast %get3A_257 : vector<16xi32> to vector<16xi32>
        %and3A_259 = arith.constant 65535 : i32
        %and3A_260 = vector.broadcast %and3A_259 : i32 to vector<16xi32>
        %and3A_261 = arith.andi %get3A_258, %and3A_260 : vector<16xi32>
        %swap3A_262 = tpu.memref_slice %arg7[%multiple_of3A_236] : memref<192xi32, #tpu.memory_space<vmem>> -> memref<64xi32, #tpu.memory_space<vmem>>
        %swap3A_263 = arith.constant 16 : index
        %swap3A_264 = tpu.vector_load %swap3A_262[%swap3A_263] {strides = array<i32>} : memref<64xi32, #tpu.memory_space<vmem>>, vector<16xi32>,
        %swap3A_265 = vector.shape_cast %swap3A_264 : vector<16xi32> to vector<16xi32>
        %swap3A_266 = vector.shape_cast %and3A_261 : vector<16xi32> to vector<16xi32>
        tpu.vector_store %swap3A_262[%swap3A_263], %swap3A_266 {strides = array<i32>} : memref<64xi32, #tpu.memory_space<vmem>>, vector<16xi32>,
        %mul3A_267 = arith.constant 64 : i32
        %mul3A_268 = arith.muli %add3A_217, %mul3A_267 : i32
        %add3A_269 = arith.constant 32 : i32
        %add3A_270 = arith.addi %mul3A_268, %add3A_269 : i32
        %get3A_271 = arith.index_cast %add3A_270 : i32 to index
        %get3A_272 = tpu.vector_load %arg6[%get3A_271] {strides = array<i32>} : memref<10048xi32, #tpu.memory_space<vmem>>, vector<16xi32>,
        %get3A_273 = vector.shape_cast %get3A_272 : vector<16xi32> to vector<16xi32>
        %and3A_274 = arith.constant 65535 : i32
        %and3A_275 = vector.broadcast %and3A_274 : i32 to vector<16xi32>
        %and3A_276 = arith.andi %get3A_273, %and3A_275 : vector<16xi32>
        %swap3A_277 = tpu.memref_slice %arg7[%multiple_of3A_236] : memref<192xi32, #tpu.memory_space<vmem>> -> memref<64xi32, #tpu.memory_space<vmem>>
        %swap3A_278 = arith.constant 32 : index
        %swap3A_279 = tpu.vector_load %swap3A_277[%swap3A_278] {strides = array<i32>} : memref<64xi32, #tpu.memory_space<vmem>>, vector<16xi32>,
        %swap3A_280 = vector.shape_cast %swap3A_279 : vector<16xi32> to vector<16xi32>
        %swap3A_281 = vector.shape_cast %and3A_276 : vector<16xi32> to vector<16xi32>
        tpu.vector_store %swap3A_277[%swap3A_278], %swap3A_281 {strides = array<i32>} : memref<64xi32, #tpu.memory_space<vmem>>, vector<16xi32>,
        %mul3A_282 = arith.constant 64 : i32
        %mul3A_283 = arith.muli %add3A_217, %mul3A_282 : i32
        %add3A_284 = arith.constant 48 : i32
        %add3A_285 = arith.addi %mul3A_283, %add3A_284 : i32
        %get3A_286 = arith.index_cast %add3A_285 : i32 to index
        %get3A_287 = tpu.vector_load %arg6[%get3A_286] {strides = array<i32>} : memref<10048xi32, #tpu.memory_space<vmem>>, vector<16xi32>,
        %get3A_288 = vector.shape_cast %get3A_287 : vector<16xi32> to vector<16xi32>
        %and3A_289 = arith.constant 65535 : i32
        %and3A_290 = vector.broadcast %and3A_289 : i32 to vector<16xi32>
        %and3A_291 = arith.andi %get3A_288, %and3A_290 : vector<16xi32>
        %swap3A_292 = tpu.memref_slice %arg7[%multiple_of3A_236] : memref<192xi32, #tpu.memory_space<vmem>> -> memref<64xi32, #tpu.memory_space<vmem>>
        %swap3A_293 = arith.constant 48 : index
        %swap3A_294 = tpu.vector_load %swap3A_292[%swap3A_293] {strides = array<i32>} : memref<64xi32, #tpu.memory_space<vmem>>, vector<16xi32>,
        %swap3A_295 = vector.shape_cast %swap3A_294 : vector<16xi32> to vector<16xi32>
        %swap3A_296 = vector.shape_cast %and3A_291 : vector<16xi32> to vector<16xi32>
        tpu.vector_store %swap3A_292[%swap3A_293], %swap3A_296 {strides = array<i32>} : memref<64xi32, #tpu.memory_space<vmem>>, vector<16xi32>,
        %add3A_297 = arith.constant 3 : i32
        %add3A_298 = arith.addi %add3A_116, %add3A_297 : i32
        %jit3A_299 = arith.constant 3 : i32
        %eq3A_300 = arith.constant 0 : i32
        %eq3A_301 = arith.cmpi eq, %jit3A_299, %eq3A_300 : i32
        %jit3A_302 = arith.constant 1 : i32
        %select_n3A_303 = arith.select %eq3A_301, %jit3A_302, %jit3A_299 : i32
        %rem3A_304 = arith.remsi %add3A_298, %select_n3A_303 : i32
        %ne3A_305 = arith.constant 0 : i32
        %ne3A_306 = arith.cmpi ne, %rem3A_304, %ne3A_305 : i32
        %lt3A_307 = arith.constant 0 : i32
        %lt3A_308 = arith.cmpi slt, %rem3A_304, %lt3A_307 : i32
        %lt3A_309 = arith.constant 0 : i32
        %lt3A_310 = arith.cmpi slt, %select_n3A_303, %lt3A_309 : i32
        %ne3A_311 = arith.xori %lt3A_308, %lt3A_310 : i1
        %and3A_312 = arith.andi %ne3A_311, %ne3A_306 : i1
        %add3A_313 = arith.addi %rem3A_304, %select_n3A_303 : i32
        %select_n3A_314 = arith.select %and3A_312, %add3A_313, %rem3A_304 : i32
        %mul3A_315 = arith.constant 64 : i32
        %mul3A_316 = arith.muli %select_n3A_314, %mul3A_315 : i32
        %multiple_of3A_317 = tpu.assume_multiple %mul3A_316, 64 : i32
        %add3A_318 = arith.constant 3 : i32
        %add3A_319 = arith.addi %add3A_116, %add3A_318 : i32
        %jit3A_320 = arith.constant 4 : i32
        %eq3A_321 = arith.constant 0 : i32
        %eq3A_322 = arith.cmpi eq, %jit3A_320, %eq3A_321 : i32
        %jit3A_323 = arith.constant 1 : i32
        %select_n3A_324 = arith.select %eq3A_322, %jit3A_323, %jit3A_320 : i32
        %rem3A_325 = arith.remsi %add3A_319, %select_n3A_324 : i32
        %ne3A_326 = arith.constant 0 : i32
        %ne3A_327 = arith.cmpi ne, %rem3A_325, %ne3A_326 : i32
        %lt3A_328 = arith.constant 0 : i32
        %lt3A_329 = arith.cmpi slt, %rem3A_325, %lt3A_328 : i32
        %lt3A_330 = arith.constant 0 : i32
        %lt3A_331 = arith.cmpi slt, %select_n3A_324, %lt3A_330 : i32
        %ne3A_332 = arith.xori %lt3A_329, %lt3A_331 : i1
        %and3A_333 = arith.andi %ne3A_332, %ne3A_327 : i1
        %add3A_334 = arith.addi %rem3A_325, %select_n3A_324 : i32
        %select_n3A_335 = arith.select %and3A_333, %add3A_334, %rem3A_325 : i32
        %dma_start3A_336 = arith.constant 0 : i32
        %dma_start3A_337 = arith.constant 0 : i32
        %dma_start3A_338 = tpu.memref_slice %arg9[%select_n3A_335, %dma_start3A_336, %dma_start3A_337] : memref<4x64x128xf32, #tpu.memory_space<vmem>> -> memref<1x64x128xf32, #tpu.memory_space<vmem>>
        %dma_start3A_339 = tpu.memref_squeeze %dma_start3A_338 : memref<1x64x128xf32, #tpu.memory_space<vmem>> -> memref<64x128xf32, #tpu.memory_space<vmem>>
        %dma_start3A_340 = tpu.memref_slice %arg7[%multiple_of3A_317] : memref<192xi32, #tpu.memory_space<vmem>> -> memref<64xi32, #tpu.memory_space<vmem>>
        %dma_start3A_341 = arith.constant 0 : i32
        %dma_start3A_342 = arith.constant 0 : i32
        %dma_start3A_343 = tpu.memref_slice %arg2[%dma_start3A_341, %dma_start3A_342] : memref<10240x128xf32, #tpu.memory_space<hbm>> -> memref<10240x128xf32, #tpu.memory_space<hbm>>
        tpu.enqueue_indirect_dma source(%dma_start3A_343 : memref<10240x128xf32, #tpu.memory_space<hbm>>) target(%dma_start3A_339 : memref<64x128xf32, #tpu.memory_space<vmem>>) offsets(%dma_start3A_340 : memref<64xi32, #tpu.memory_space<vmem>>) semaphore(%arg11 : memref<!tpu.dma_semaphore, #tpu.memory_space<semaphore_mem>>)
      } else {
      }
      %mul3A_154 = arith.constant 64 : i32
      %mul3A_155 = arith.muli %add3A_116, %mul3A_154 : i32
      %add3A_156 = arith.constant 0 : i32
      %add3A_157 = arith.addi %mul3A_155, %add3A_156 : i32
      %get3A_158 = arith.index_cast %add3A_157 : i32 to index
      %get3A_159 = tpu.vector_load %arg6[%get3A_158] {strides = array<i32>} : memref<10048xi32, #tpu.memory_space<vmem>>, vector<16xi32>,
      %get3A_160 = vector.shape_cast %get3A_159 : vector<16xi32> to vector<16xi32>
      %shift_right_logical3A = arith.constant 16 : i32
      %shift_right_logical3A_161 = vector.broadcast %shift_right_logical3A : i32 to vector<16xi32>
      %shift_right_logical3A_162 = arith.shrui %get3A_160, %shift_right_logical3A_161 : vector<16xi32>
      %swap3A_163 = arith.constant 0 : index
      %swap3A_164 = tpu.vector_load %arg8[%swap3A_163] {strides = array<i32>} : memref<64xi32, #tpu.memory_space<vmem>>, vector<16xi32>,
      %swap3A_165 = vector.shape_cast %swap3A_164 : vector<16xi32> to vector<16xi32>
      %swap3A_166 = vector.shape_cast %shift_right_logical3A_162 : vector<16xi32> to vector<16xi32>
      tpu.vector_store %arg8[%swap3A_163], %swap3A_166 {strides = array<i32>} : memref<64xi32, #tpu.memory_space<vmem>>, vector<16xi32>,
      %mul3A_167 = arith.constant 64 : i32
      %mul3A_168 = arith.muli %add3A_116, %mul3A_167 : i32
      %add3A_169 = arith.constant 16 : i32
      %add3A_170 = arith.addi %mul3A_168, %add3A_169 : i32
      %get3A_171 = arith.index_cast %add3A_170 : i32 to index
      %get3A_172 = tpu.vector_load %arg6[%get3A_171] {strides = array<i32>} : memref<10048xi32, #tpu.memory_space<vmem>>, vector<16xi32>,
      %get3A_173 = vector.shape_cast %get3A_172 : vector<16xi32> to vector<16xi32>
      %shift_right_logical3A_174 = arith.constant 16 : i32
      %shift_right_logical3A_175 = vector.broadcast %shift_right_logical3A_174 : i32 to vector<16xi32>
      %shift_right_logical3A_176 = arith.shrui %get3A_173, %shift_right_logical3A_175 : vector<16xi32>
      %swap3A_177 = arith.constant 16 : index
      %swap3A_178 = tpu.vector_load %arg8[%swap3A_177] {strides = array<i32>} : memref<64xi32, #tpu.memory_space<vmem>>, vector<16xi32>,
      %swap3A_179 = vector.shape_cast %swap3A_178 : vector<16xi32> to vector<16xi32>
      %swap3A_180 = vector.shape_cast %shift_right_logical3A_176 : vector<16xi32> to vector<16xi32>
      tpu.vector_store %arg8[%swap3A_177], %swap3A_180 {strides = array<i32>} : memref<64xi32, #tpu.memory_space<vmem>>, vector<16xi32>,
      %mul3A_181 = arith.constant 64 : i32
      %mul3A_182 = arith.muli %add3A_116, %mul3A_181 : i32
      %add3A_183 = arith.constant 32 : i32
      %add3A_184 = arith.addi %mul3A_182, %add3A_183 : i32
      %get3A_185 = arith.index_cast %add3A_184 : i32 to index
      %get3A_186 = tpu.vector_load %arg6[%get3A_185] {strides = array<i32>} : memref<10048xi32, #tpu.memory_space<vmem>>, vector<16xi32>,
      %get3A_187 = vector.shape_cast %get3A_186 : vector<16xi32> to vector<16xi32>
      %shift_right_logical3A_188 = arith.constant 16 : i32
      %shift_right_logical3A_189 = vector.broadcast %shift_right_logical3A_188 : i32 to vector<16xi32>
      %shift_right_logical3A_190 = arith.shrui %get3A_187, %shift_right_logical3A_189 : vector<16xi32>
      %swap3A_191 = arith.constant 32 : index
      %swap3A_192 = tpu.vector_load %arg8[%swap3A_191] {strides = array<i32>} : memref<64xi32, #tpu.memory_space<vmem>>, vector<16xi32>,
      %swap3A_193 = vector.shape_cast %swap3A_192 : vector<16xi32> to vector<16xi32>
      %swap3A_194 = vector.shape_cast %shift_right_logical3A_190 : vector<16xi32> to vector<16xi32>
      tpu.vector_store %arg8[%swap3A_191], %swap3A_194 {strides = array<i32>} : memref<64xi32, #tpu.memory_space<vmem>>, vector<16xi32>,
      %mul3A_195 = arith.constant 64 : i32
      %mul3A_196 = arith.muli %add3A_116, %mul3A_195 : i32
      %add3A_197 = arith.constant 48 : i32
      %add3A_198 = arith.addi %mul3A_196, %add3A_197 : i32
      %get3A_199 = arith.index_cast %add3A_198 : i32 to index
      %get3A_200 = tpu.vector_load %arg6[%get3A_199] {strides = array<i32>} : memref<10048xi32, #tpu.memory_space<vmem>>, vector<16xi32>,
      %get3A_201 = vector.shape_cast %get3A_200 : vector<16xi32> to vector<16xi32>
      %shift_right_logical3A_202 = arith.constant 16 : i32
      %shift_right_logical3A_203 = vector.broadcast %shift_right_logical3A_202 : i32 to vector<16xi32>
      %shift_right_logical3A_204 = arith.shrui %get3A_201, %shift_right_logical3A_203 : vector<16xi32>
      %swap3A_205 = arith.constant 48 : index
      %swap3A_206 = tpu.vector_load %arg8[%swap3A_205] {strides = array<i32>} : memref<64xi32, #tpu.memory_space<vmem>>, vector<16xi32>,
      %swap3A_207 = vector.shape_cast %swap3A_206 : vector<16xi32> to vector<16xi32>
      %swap3A_208 = vector.shape_cast %shift_right_logical3A_204 : vector<16xi32> to vector<16xi32>
      tpu.vector_store %arg8[%swap3A_205], %swap3A_208 {strides = array<i32>} : memref<64xi32, #tpu.memory_space<vmem>>, vector<16xi32>,
      %dma_start3A_209 = arith.constant 0 : i32
      %dma_start3A_210 = arith.constant 0 : i32
      %dma_start3A_211 = tpu.memref_slice %arg9[%select_n3A_129, %dma_start3A_209, %dma_start3A_210] : memref<4x64x128xf32, #tpu.memory_space<vmem>> -> memref<1x64x128xf32, #tpu.memory_space<vmem>>
      %dma_start3A_212 = tpu.memref_squeeze %dma_start3A_211 : memref<1x64x128xf32, #tpu.memory_space<vmem>> -> memref<64x128xf32, #tpu.memory_space<vmem>>
      %dma_start3A_213 = arith.constant 0 : i32
      %dma_start3A_214 = arith.constant 0 : i32
      %dma_start3A_215 = tpu.memref_slice %arg10[%dma_start3A_213, %dma_start3A_214] : memref<10240x128xf32, #tpu.memory_space<vmem_shared>> -> memref<10240x128xf32, #tpu.memory_space<vmem_shared>>
      tpu.enqueue_indirect_dma source(%dma_start3A_212 : memref<64x128xf32, #tpu.memory_space<vmem>>) target(%dma_start3A_215 : memref<10240x128xf32, #tpu.memory_space<vmem_shared>>) offsets(%arg8 : memref<64xi32, #tpu.memory_space<vmem>>) semaphore(%arg12 : memref<!tpu.dma_semaphore, #tpu.memory_space<semaphore_mem>>) {add = true}
    }
    %while3A_93 = arith.constant 1 : i32
    scf.for %while3A_114 = %while3A_91 to %while3A_87 step %while3A_93  : i32 {
      %mul3A_115 = arith.muli %while3A_114, %while3A : i32
      %add3A_116 = arith.addi %while3A_84, %mul3A_115 : i32
      %jit3A_117 = arith.constant 4 : i32
      %eq3A = arith.constant 0 : i32
      %eq3A_118 = arith.cmpi eq, %jit3A_117, %eq3A : i32
      %jit3A_119 = arith.constant 1 : i32
      %select_n3A_120 = arith.select %eq3A_118, %jit3A_119, %jit3A_117 : i32
      %rem3A = arith.remsi %add3A_116, %select_n3A_120 : i32
      %ne3A = arith.constant 0 : i32
      %ne3A_121 = arith.cmpi ne, %rem3A, %ne3A : i32
      %lt3A_122 = arith.constant 0 : i32
      %lt3A_123 = arith.cmpi slt, %rem3A, %lt3A_122 : i32
      %lt3A_124 = arith.constant 0 : i32
      %lt3A_125 = arith.cmpi slt, %select_n3A_120, %lt3A_124 : i32
      %ne3A_126 = arith.xori %lt3A_123, %lt3A_125 : i1
      %and3A_127 = arith.andi %ne3A_126, %ne3A_121 : i1
      %add3A_128 = arith.addi %rem3A, %select_n3A_120 : i32
      %select_n3A_129 = arith.select %and3A_127, %add3A_128, %rem3A : i32
      %dma_wait3A_130 = arith.constant 0 : i32
      %dma_wait3A_131 = arith.constant 0 : i32
      %dma_wait3A_132 = tpu.memref_slice %arg9[%select_n3A_129, %dma_wait3A_130, %dma_wait3A_131] : memref<4x64x128xf32, #tpu.memory_space<vmem>> -> memref<1x64x128xf32, #tpu.memory_space<vmem>>
      %dma_wait3A_133 = tpu.memref_squeeze %dma_wait3A_132 : memref<1x64x128xf32, #tpu.memory_space<vmem>> -> memref<64x128xf32, #tpu.memory_space<vmem>>
      %dma_wait3A_134 = arith.constant 0 : i32
      %dma_wait3A_135 = arith.constant 0 : i32
      %dma_wait3A_136 = tpu.memref_slice %arg2[%dma_wait3A_134, %dma_wait3A_135] : memref<10240x128xf32, #tpu.memory_space<hbm>> -> memref<64x128xf32, #tpu.memory_space<hbm>>
      %dma_wait3A_137 = arith.constant 0 : i32
      %dma_wait3A_138 = arith.constant 0 : i32
      %dma_wait3A_139 = tpu.memref_slice %arg9[%select_n3A_129, %dma_wait3A_137, %dma_wait3A_138] : memref<4x64x128xf32, #tpu.memory_space<vmem>> -> memref<1x64x128xf32, #tpu.memory_space<vmem>>
      %dma_wait3A_140 = tpu.memref_squeeze %dma_wait3A_139 : memref<1x64x128xf32, #tpu.memory_space<vmem>> -> memref<64x128xf32, #tpu.memory_space<vmem>>
      %dma_wait3A_141 = arith.constant 0 : i32
      %dma_wait3A_142 = arith.constant 0 : i32
      %dma_wait3A_143 = tpu.memref_slice %arg2[%dma_wait3A_141, %dma_wait3A_142] : memref<10240x128xf32, #tpu.memory_space<hbm>> -> memref<64x128xf32, #tpu.memory_space<hbm>>
      tpu.wait_dma2 semaphore(%arg11 : memref<!tpu.dma_semaphore, #tpu.memory_space<semaphore_mem>>) src(%dma_wait3A_143 : memref<64x128xf32, #tpu.memory_space<hbm>>) dst(%dma_wait3A_140 : memref<64x128xf32, #tpu.memory_space<vmem>>)
      %ge3A = arith.constant 1 : i32
      %ge3A_144 = arith.cmpi sge, %add3A_116, %ge3A : i32
      %convert_element_type3A_145 = arith.extui %ge3A_144 : i1 to i32
      %cond3A_146 = arith.constant 0 : i32
      %cond3A_147 = arith.cmpi ne, %convert_element_type3A_145, %cond3A_146 : i32
      scf.if %cond3A_147 {
        %dma_wait3A_216 = arith.constant 0 : i32
        %dma_wait3A_217 = arith.constant 0 : i32
        %dma_wait3A_218 = tpu.memref_slice %arg9[%select_n3A_129, %dma_wait3A_216, %dma_wait3A_217] : memref<4x64x128xf32, #tpu.memory_space<vmem>> -> memref<1x64x128xf32, #tpu.memory_space<vmem>>
        %dma_wait3A_219 = tpu.memref_squeeze %dma_wait3A_218 : memref<1x64x128xf32, #tpu.memory_space<vmem>> -> memref<64x128xf32, #tpu.memory_space<vmem>>
        %dma_wait3A_220 = arith.constant 0 : i32
        %dma_wait3A_221 = arith.constant 0 : i32
        %dma_wait3A_222 = tpu.memref_slice %arg10[%dma_wait3A_220, %dma_wait3A_221] : memref<10240x128xf32, #tpu.memory_space<vmem_shared>> -> memref<64x128xf32, #tpu.memory_space<vmem_shared>>
        %dma_wait3A_223 = arith.constant 0 : i32
        %dma_wait3A_224 = arith.constant 0 : i32
        %dma_wait3A_225 = tpu.memref_slice %arg10[%dma_wait3A_223, %dma_wait3A_224] : memref<10240x128xf32, #tpu.memory_space<vmem_shared>> -> memref<64x128xf32, #tpu.memory_space<vmem_shared>>
        %dma_wait3A_226 = arith.constant 0 : i32
        %dma_wait3A_227 = arith.constant 0 : i32
        %dma_wait3A_228 = tpu.memref_slice %arg9[%select_n3A_129, %dma_wait3A_226, %dma_wait3A_227] : memref<4x64x128xf32, #tpu.memory_space<vmem>> -> memref<1x64x128xf32, #tpu.memory_space<vmem>>
        %dma_wait3A_229 = tpu.memref_squeeze %dma_wait3A_228 : memref<1x64x128xf32, #tpu.memory_space<vmem>> -> memref<64x128xf32, #tpu.memory_space<vmem>>
        tpu.wait_dma2 semaphore(%arg12 : memref<!tpu.dma_semaphore, #tpu.memory_space<semaphore_mem>>) src(%dma_wait3A_229 : memref<64x128xf32, #tpu.memory_space<vmem>>) dst(%dma_wait3A_225 : memref<64x128xf32, #tpu.memory_space<vmem_shared>>)
      } else {
      }
      %add3A_148 = arith.constant 3 : i32
      %add3A_149 = arith.addi %add3A_116, %add3A_148 : i32
      %lt3A_150 = arith.cmpi slt, %add3A_149, %select_n3A : i32
      %convert_element_type3A_151 = arith.extui %lt3A_150 : i1 to i32
      %cond3A_152 = arith.constant 0 : i32
      %cond3A_153 = arith.cmpi ne, %convert_element_type3A_151, %cond3A_152 : i32
      scf.if %cond3A_153 {
        %add3A_216 = arith.constant 3 : i32
        %add3A_217 = arith.addi %add3A_116, %add3A_216 : i32
        %jit3A_218 = arith.constant 3 : i32
        %eq3A_219 = arith.constant 0 : i32
        %eq3A_220 = arith.cmpi eq, %jit3A_218, %eq3A_219 : i32
        %jit3A_221 = arith.constant 1 : i32
        %select_n3A_222 = arith.select %eq3A_220, %jit3A_221, %jit3A_218 : i32
        %rem3A_223 = arith.remsi %add3A_217, %select_n3A_222 : i32
        %ne3A_224 = arith.constant 0 : i32
        %ne3A_225 = arith.cmpi ne, %rem3A_223, %ne3A_224 : i32
        %lt3A_226 = arith.constant 0 : i32
        %lt3A_227 = arith.cmpi slt, %rem3A_223, %lt3A_226 : i32
        %lt3A_228 = arith.constant 0 : i32
        %lt3A_229 = arith.cmpi slt, %select_n3A_222, %lt3A_228 : i32
        %ne3A_230 = arith.xori %lt3A_227, %lt3A_229 : i1
        %and3A_231 = arith.andi %ne3A_230, %ne3A_225 : i1
        %add3A_232 = arith.addi %rem3A_223, %select_n3A_222 : i32
        %select_n3A_233 = arith.select %and3A_231, %add3A_232, %rem3A_223 : i32
        %mul3A_234 = arith.constant 64 : i32
        %mul3A_235 = arith.muli %select_n3A_233, %mul3A_234 : i32
        %multiple_of3A_236 = tpu.assume_multiple %mul3A_235, 64 : i32
        %mul3A_237 = arith.constant 64 : i32
        %mul3A_238 = arith.muli %add3A_217, %mul3A_237 : i32
        %add3A_239 = arith.constant 0 : i32
        %add3A_240 = arith.addi %mul3A_238, %add3A_239 : i32
        %get3A_241 = arith.index_cast %add3A_240 : i32 to index
        %get3A_242 = tpu.vector_load %arg6[%get3A_241] {strides = array<i32>} : memref<10048xi32, #tpu.memory_space<vmem>>, vector<16xi32>,
        %get3A_243 = vector.shape_cast %get3A_242 : vector<16xi32> to vector<16xi32>
        %and3A_244 = arith.constant 65535 : i32
        %and3A_245 = vector.broadcast %and3A_244 : i32 to vector<16xi32>
        %and3A_246 = arith.andi %get3A_243, %and3A_245 : vector<16xi32>
        %swap3A_247 = tpu.memref_slice %arg7[%multiple_of3A_236] : memref<192xi32, #tpu.memory_space<vmem>> -> memref<64xi32, #tpu.memory_space<vmem>>
        %swap3A_248 = arith.constant 0 : index
        %swap3A_249 = tpu.vector_load %swap3A_247[%swap3A_248] {strides = array<i32>} : memref<64xi32, #tpu.memory_space<vmem>>, vector<16xi32>,
        %swap3A_250 = vector.shape_cast %swap3A_249 : vector<16xi32> to vector<16xi32>
        %swap3A_251 = vector.shape_cast %and3A_246 : vector<16xi32> to vector<16xi32>
        tpu.vector_store %swap3A_247[%swap3A_248], %swap3A_251 {strides = array<i32>} : memref<64xi32, #tpu.memory_space<vmem>>, vector<16xi32>,
        %mul3A_252 = arith.constant 64 : i32
        %mul3A_253 = arith.muli %add3A_217, %mul3A_252 : i32
        %add3A_254 = arith.constant 16 : i32
        %add3A_255 = arith.addi %mul3A_253, %add3A_254 : i32
        %get3A_256 = arith.index_cast %add3A_255 : i32 to index
        %get3A_257 = tpu.vector_load %arg6[%get3A_256] {strides = array<i32>} : memref<10048xi32, #tpu.memory_space<vmem>>, vector<16xi32>,
        %get3A_258 = vector.shape_cast %get3A_257 : vector<16xi32> to vector<16xi32>
        %and3A_259 = arith.constant 65535 : i32
        %and3A_260 = vector.broadcast %and3A_259 : i32 to vector<16xi32>
        %and3A_261 = arith.andi %get3A_258, %and3A_260 : vector<16xi32>
        %swap3A_262 = tpu.memref_slice %arg7[%multiple_of3A_236] : memref<192xi32, #tpu.memory_space<vmem>> -> memref<64xi32, #tpu.memory_space<vmem>>
        %swap3A_263 = arith.constant 16 : index
        %swap3A_264 = tpu.vector_load %swap3A_262[%swap3A_263] {strides = array<i32>} : memref<64xi32, #tpu.memory_space<vmem>>, vector<16xi32>,
        %swap3A_265 = vector.shape_cast %swap3A_264 : vector<16xi32> to vector<16xi32>
        %swap3A_266 = vector.shape_cast %and3A_261 : vector<16xi32> to vector<16xi32>
        tpu.vector_store %swap3A_262[%swap3A_263], %swap3A_266 {strides = array<i32>} : memref<64xi32, #tpu.memory_space<vmem>>, vector<16xi32>,
        %mul3A_267 = arith.constant 64 : i32
        %mul3A_268 = arith.muli %add3A_217, %mul3A_267 : i32
        %add3A_269 = arith.constant 32 : i32
        %add3A_270 = arith.addi %mul3A_268, %add3A_269 : i32
        %get3A_271 = arith.index_cast %add3A_270 : i32 to index
        %get3A_272 = tpu.vector_load %arg6[%get3A_271] {strides = array<i32>} : memref<10048xi32, #tpu.memory_space<vmem>>, vector<16xi32>,
        %get3A_273 = vector.shape_cast %get3A_272 : vector<16xi32> to vector<16xi32>
        %and3A_274 = arith.constant 65535 : i32
        %and3A_275 = vector.broadcast %and3A_274 : i32 to vector<16xi32>
        %and3A_276 = arith.andi %get3A_273, %and3A_275 : vector<16xi32>
        %swap3A_277 = tpu.memref_slice %arg7[%multiple_of3A_236] : memref<192xi32, #tpu.memory_space<vmem>> -> memref<64xi32, #tpu.memory_space<vmem>>
        %swap3A_278 = arith.constant 32 : index
        %swap3A_279 = tpu.vector_load %swap3A_277[%swap3A_278] {strides = array<i32>} : memref<64xi32, #tpu.memory_space<vmem>>, vector<16xi32>,
        %swap3A_280 = vector.shape_cast %swap3A_279 : vector<16xi32> to vector<16xi32>
        %swap3A_281 = vector.shape_cast %and3A_276 : vector<16xi32> to vector<16xi32>
        tpu.vector_store %swap3A_277[%swap3A_278], %swap3A_281 {strides = array<i32>} : memref<64xi32, #tpu.memory_space<vmem>>, vector<16xi32>,
        %mul3A_282 = arith.constant 64 : i32
        %mul3A_283 = arith.muli %add3A_217, %mul3A_282 : i32
        %add3A_284 = arith.constant 48 : i32
        %add3A_285 = arith.addi %mul3A_283, %add3A_284 : i32
        %get3A_286 = arith.index_cast %add3A_285 : i32 to index
        %get3A_287 = tpu.vector_load %arg6[%get3A_286] {strides = array<i32>} : memref<10048xi32, #tpu.memory_space<vmem>>, vector<16xi32>,
        %get3A_288 = vector.shape_cast %get3A_287 : vector<16xi32> to vector<16xi32>
        %and3A_289 = arith.constant 65535 : i32
        %and3A_290 = vector.broadcast %and3A_289 : i32 to vector<16xi32>
        %and3A_291 = arith.andi %get3A_288, %and3A_290 : vector<16xi32>
        %swap3A_292 = tpu.memref_slice %arg7[%multiple_of3A_236] : memref<192xi32, #tpu.memory_space<vmem>> -> memref<64xi32, #tpu.memory_space<vmem>>
        %swap3A_293 = arith.constant 48 : index
        %swap3A_294 = tpu.vector_load %swap3A_292[%swap3A_293] {strides = array<i32>} : memref<64xi32, #tpu.memory_space<vmem>>, vector<16xi32>,
        %swap3A_295 = vector.shape_cast %swap3A_294 : vector<16xi32> to vector<16xi32>
        %swap3A_296 = vector.shape_cast %and3A_291 : vector<16xi32> to vector<16xi32>
        tpu.vector_store %swap3A_292[%swap3A_293], %swap3A_296 {strides = array<i32>} : memref<64xi32, #tpu.memory_space<vmem>>, vector<16xi32>,
        %add3A_297 = arith.constant 3 : i32
        %add3A_298 = arith.addi %add3A_116, %add3A_297 : i32
        %jit3A_299 = arith.constant 3 : i32
        %eq3A_300 = arith.constant 0 : i32
        %eq3A_301 = arith.cmpi eq, %jit3A_299, %eq3A_300 : i32
        %jit3A_302 = arith.constant 1 : i32
        %select_n3A_303 = arith.select %eq3A_301, %jit3A_302, %jit3A_299 : i32
        %rem3A_304 = arith.remsi %add3A_298, %select_n3A_303 : i32
        %ne3A_305 = arith.constant 0 : i32
        %ne3A_306 = arith.cmpi ne, %rem3A_304, %ne3A_305 : i32
        %lt3A_307 = arith.constant 0 : i32
        %lt3A_308 = arith.cmpi slt, %rem3A_304, %lt3A_307 : i32
        %lt3A_309 = arith.constant 0 : i32
        %lt3A_310 = arith.cmpi slt, %select_n3A_303, %lt3A_309 : i32
        %ne3A_311 = arith.xori %lt3A_308, %lt3A_310 : i1
        %and3A_312 = arith.andi %ne3A_311, %ne3A_306 : i1
        %add3A_313 = arith.addi %rem3A_304, %select_n3A_303 : i32
        %select_n3A_314 = arith.select %and3A_312, %add3A_313, %rem3A_304 : i32
        %mul3A_315 = arith.constant 64 : i32
        %mul3A_316 = arith.muli %select_n3A_314, %mul3A_315 : i32
        %multiple_of3A_317 = tpu.assume_multiple %mul3A_316, 64 : i32
        %add3A_318 = arith.constant 3 : i32
        %add3A_319 = arith.addi %add3A_116, %add3A_318 : i32
        %jit3A_320 = arith.constant 4 : i32
        %eq3A_321 = arith.constant 0 : i32
        %eq3A_322 = arith.cmpi eq, %jit3A_320, %eq3A_321 : i32
        %jit3A_323 = arith.constant 1 : i32
        %select_n3A_324 = arith.select %eq3A_322, %jit3A_323, %jit3A_320 : i32
        %rem3A_325 = arith.remsi %add3A_319, %select_n3A_324 : i32
        %ne3A_326 = arith.constant 0 : i32
        %ne3A_327 = arith.cmpi ne, %rem3A_325, %ne3A_326 : i32
        %lt3A_328 = arith.constant 0 : i32
        %lt3A_329 = arith.cmpi slt, %rem3A_325, %lt3A_328 : i32
        %lt3A_330 = arith.constant 0 : i32
        %lt3A_331 = arith.cmpi slt, %select_n3A_324, %lt3A_330 : i32
        %ne3A_332 = arith.xori %lt3A_329, %lt3A_331 : i1
        %and3A_333 = arith.andi %ne3A_332, %ne3A_327 : i1
        %add3A_334 = arith.addi %rem3A_325, %select_n3A_324 : i32
        %select_n3A_335 = arith.select %and3A_333, %add3A_334, %rem3A_325 : i32
        %dma_start3A_336 = arith.constant 0 : i32
        %dma_start3A_337 = arith.constant 0 : i32
        %dma_start3A_338 = tpu.memref_slice %arg9[%select_n3A_335, %dma_start3A_336, %dma_start3A_337] : memref<4x64x128xf32, #tpu.memory_space<vmem>> -> memref<1x64x128xf32, #tpu.memory_space<vmem>>
        %dma_start3A_339 = tpu.memref_squeeze %dma_start3A_338 : memref<1x64x128xf32, #tpu.memory_space<vmem>> -> memref<64x128xf32, #tpu.memory_space<vmem>>
        %dma_start3A_340 = tpu.memref_slice %arg7[%multiple_of3A_317] : memref<192xi32, #tpu.memory_space<vmem>> -> memref<64xi32, #tpu.memory_space<vmem>>
        %dma_start3A_341 = arith.constant 0 : i32
        %dma_start3A_342 = arith.constant 0 : i32
        %dma_start3A_343 = tpu.memref_slice %arg2[%dma_start3A_341, %dma_start3A_342] : memref<10240x128xf32, #tpu.memory_space<hbm>> -> memref<10240x128xf32, #tpu.memory_space<hbm>>
        tpu.enqueue_indirect_dma source(%dma_start3A_343 : memref<10240x128xf32, #tpu.memory_space<hbm>>) target(%dma_start3A_339 : memref<64x128xf32, #tpu.memory_space<vmem>>) offsets(%dma_start3A_340 : memref<64xi32, #tpu.memory_space<vmem>>) semaphore(%arg11 : memref<!tpu.dma_semaphore, #tpu.memory_space<semaphore_mem>>)
      } else {
      }
      %mul3A_154 = arith.constant 64 : i32
      %mul3A_155 = arith.muli %add3A_116, %mul3A_154 : i32
      %add3A_156 = arith.constant 0 : i32
      %add3A_157 = arith.addi %mul3A_155, %add3A_156 : i32
      %get3A_158 = arith.index_cast %add3A_157 : i32 to index
      %get3A_159 = tpu.vector_load %arg6[%get3A_158] {strides = array<i32>} : memref<10048xi32, #tpu.memory_space<vmem>>, vector<16xi32>,
      %get3A_160 = vector.shape_cast %get3A_159 : vector<16xi32> to vector<16xi32>
      %shift_right_logical3A = arith.constant 16 : i32
      %shift_right_logical3A_161 = vector.broadcast %shift_right_logical3A : i32 to vector<16xi32>
      %shift_right_logical3A_162 = arith.shrui %get3A_160, %shift_right_logical3A_161 : vector<16xi32>
      %swap3A_163 = arith.constant 0 : index
      %swap3A_164 = tpu.vector_load %arg8[%swap3A_163] {strides = array<i32>} : memref<64xi32, #tpu.memory_space<vmem>>, vector<16xi32>,
      %swap3A_165 = vector.shape_cast %swap3A_164 : vector<16xi32> to vector<16xi32>
      %swap3A_166 = vector.shape_cast %shift_right_logical3A_162 : vector<16xi32> to vector<16xi32>
      tpu.vector_store %arg8[%swap3A_163], %swap3A_166 {strides = array<i32>} : memref<64xi32, #tpu.memory_space<vmem>>, vector<16xi32>,
      %mul3A_167 = arith.constant 64 : i32
      %mul3A_168 = arith.muli %add3A_116, %mul3A_167 : i32
      %add3A_169 = arith.constant 16 : i32
      %add3A_170 = arith.addi %mul3A_168, %add3A_169 : i32
      %get3A_171 = arith.index_cast %add3A_170 : i32 to index
      %get3A_172 = tpu.vector_load %arg6[%get3A_171] {strides = array<i32>} : memref<10048xi32, #tpu.memory_space<vmem>>, vector<16xi32>,
      %get3A_173 = vector.shape_cast %get3A_172 : vector<16xi32> to vector<16xi32>
      %shift_right_logical3A_174 = arith.constant 16 : i32
      %shift_right_logical3A_175 = vector.broadcast %shift_right_logical3A_174 : i32 to vector<16xi32>
      %shift_right_logical3A_176 = arith.shrui %get3A_173, %shift_right_logical3A_175 : vector<16xi32>
      %swap3A_177 = arith.constant 16 : index
      %swap3A_178 = tpu.vector_load %arg8[%swap3A_177] {strides = array<i32>} : memref<64xi32, #tpu.memory_space<vmem>>, vector<16xi32>,
      %swap3A_179 = vector.shape_cast %swap3A_178 : vector<16xi32> to vector<16xi32>
      %swap3A_180 = vector.shape_cast %shift_right_logical3A_176 : vector<16xi32> to vector<16xi32>
      tpu.vector_store %arg8[%swap3A_177], %swap3A_180 {strides = array<i32>} : memref<64xi32, #tpu.memory_space<vmem>>, vector<16xi32>,
      %mul3A_181 = arith.constant 64 : i32
      %mul3A_182 = arith.muli %add3A_116, %mul3A_181 : i32
      %add3A_183 = arith.constant 32 : i32
      %add3A_184 = arith.addi %mul3A_182, %add3A_183 : i32
      %get3A_185 = arith.index_cast %add3A_184 : i32 to index
      %get3A_186 = tpu.vector_load %arg6[%get3A_185] {strides = array<i32>} : memref<10048xi32, #tpu.memory_space<vmem>>, vector<16xi32>,
      %get3A_187 = vector.shape_cast %get3A_186 : vector<16xi32> to vector<16xi32>
      %shift_right_logical3A_188 = arith.constant 16 : i32
      %shift_right_logical3A_189 = vector.broadcast %shift_right_logical3A_188 : i32 to vector<16xi32>
      %shift_right_logical3A_190 = arith.shrui %get3A_187, %shift_right_logical3A_189 : vector<16xi32>
      %swap3A_191 = arith.constant 32 : index
      %swap3A_192 = tpu.vector_load %arg8[%swap3A_191] {strides = array<i32>} : memref<64xi32, #tpu.memory_space<vmem>>, vector<16xi32>,
      %swap3A_193 = vector.shape_cast %swap3A_192 : vector<16xi32> to vector<16xi32>
      %swap3A_194 = vector.shape_cast %shift_right_logical3A_190 : vector<16xi32> to vector<16xi32>
      tpu.vector_store %arg8[%swap3A_191], %swap3A_194 {strides = array<i32>} : memref<64xi32, #tpu.memory_space<vmem>>, vector<16xi32>,
      %mul3A_195 = arith.constant 64 : i32
      %mul3A_196 = arith.muli %add3A_116, %mul3A_195 : i32
      %add3A_197 = arith.constant 48 : i32
      %add3A_198 = arith.addi %mul3A_196, %add3A_197 : i32
      %get3A_199 = arith.index_cast %add3A_198 : i32 to index
      %get3A_200 = tpu.vector_load %arg6[%get3A_199] {strides = array<i32>} : memref<10048xi32, #tpu.memory_space<vmem>>, vector<16xi32>,
      %get3A_201 = vector.shape_cast %get3A_200 : vector<16xi32> to vector<16xi32>
      %shift_right_logical3A_202 = arith.constant 16 : i32
      %shift_right_logical3A_203 = vector.broadcast %shift_right_logical3A_202 : i32 to vector<16xi32>
      %shift_right_logical3A_204 = arith.shrui %get3A_201, %shift_right_logical3A_203 : vector<16xi32>
      %swap3A_205 = arith.constant 48 : index
      %swap3A_206 = tpu.vector_load %arg8[%swap3A_205] {strides = array<i32>} : memref<64xi32, #tpu.memory_space<vmem>>, vector<16xi32>,
      %swap3A_207 = vector.shape_cast %swap3A_206 : vector<16xi32> to vector<16xi32>
      %swap3A_208 = vector.shape_cast %shift_right_logical3A_204 : vector<16xi32> to vector<16xi32>
      tpu.vector_store %arg8[%swap3A_205], %swap3A_208 {strides = array<i32>} : memref<64xi32, #tpu.memory_space<vmem>>, vector<16xi32>,
      %dma_start3A_209 = arith.constant 0 : i32
      %dma_start3A_210 = arith.constant 0 : i32
      %dma_start3A_211 = tpu.memref_slice %arg9[%select_n3A_129, %dma_start3A_209, %dma_start3A_210] : memref<4x64x128xf32, #tpu.memory_space<vmem>> -> memref<1x64x128xf32, #tpu.memory_space<vmem>>
      %dma_start3A_212 = tpu.memref_squeeze %dma_start3A_211 : memref<1x64x128xf32, #tpu.memory_space<vmem>> -> memref<64x128xf32, #tpu.memory_space<vmem>>
      %dma_start3A_213 = arith.constant 0 : i32
      %dma_start3A_214 = arith.constant 0 : i32
      %dma_start3A_215 = tpu.memref_slice %arg10[%dma_start3A_213, %dma_start3A_214] : memref<10240x128xf32, #tpu.memory_space<vmem_shared>> -> memref<10240x128xf32, #tpu.memory_space<vmem_shared>>
      tpu.enqueue_indirect_dma source(%dma_start3A_212 : memref<64x128xf32, #tpu.memory_space<vmem>>) target(%dma_start3A_215 : memref<10240x128xf32, #tpu.memory_space<vmem_shared>>) offsets(%arg8 : memref<64xi32, #tpu.memory_space<vmem>>) semaphore(%arg12 : memref<!tpu.dma_semaphore, #tpu.memory_space<semaphore_mem>>) {add = true}
    }
    %dma_wait3A_94 = arith.constant 0 : i32
    %dma_wait3A_95 = arith.constant 0 : i32
    %dma_wait3A_96 = arith.constant 0 : i32
    %dma_wait3A_97 = tpu.memref_slice %arg9[%dma_wait3A_94, %dma_wait3A_95, %dma_wait3A_96] : memref<4x64x128xf32, #tpu.memory_space<vmem>> -> memref<1x64x128xf32, #tpu.memory_space<vmem>>
    %dma_wait3A_98 = tpu.memref_squeeze %dma_wait3A_97 : memref<1x64x128xf32, #tpu.memory_space<vmem>> -> memref<64x128xf32, #tpu.memory_space<vmem>>
    %dma_wait3A_99 = arith.constant 0 : i32
    %dma_wait3A_100 = arith.constant 0 : i32
    %dma_wait3A_101 = tpu.memref_slice %arg10[%dma_wait3A_99, %dma_wait3A_100] : memref<10240x128xf32, #tpu.memory_space<vmem_shared>> -> memref<64x128xf32, #tpu.memory_space<vmem_shared>>
    %dma_wait3A_102 = arith.constant 0 : i32
    %dma_wait3A_103 = arith.constant 0 : i32
    %dma_wait3A_104 = tpu.memref_slice %arg10[%dma_wait3A_102, %dma_wait3A_103] : memref<10240x128xf32, #tpu.memory_space<vmem_shared>> -> memref<64x128xf32, #tpu.memory_space<vmem_shared>>
    %dma_wait3A_105 = arith.constant 0 : i32
    %dma_wait3A_106 = arith.constant 0 : i32
    %dma_wait3A_107 = tpu.memref_slice %arg9[%dma_wait3A_94, %dma_wait3A_105, %dma_wait3A_106] : memref<4x64x128xf32, #tpu.memory_space<vmem>> -> memref<1x64x128xf32, #tpu.memory_space<vmem>>
    %dma_wait3A_108 = tpu.memref_squeeze %dma_wait3A_107 : memref<1x64x128xf32, #tpu.memory_space<vmem>> -> memref<64x128xf32, #tpu.memory_space<vmem>>
    tpu.wait_dma2 semaphore(%arg12 : memref<!tpu.dma_semaphore, #tpu.memory_space<semaphore_mem>>) src(%dma_wait3A_108 : memref<64x128xf32, #tpu.memory_space<vmem>>) dst(%dma_wait3A_104 : memref<64x128xf32, #tpu.memory_space<vmem_shared>>)
    %barrier3A_109 = arith.constant 0 : index
    tpu.barrier barrier_id(%barrier3A_109)
    %mul3A_110 = arith.constant 640 : i32
    %mul3A_111 = arith.muli %arg1, %mul3A_110 : i32
    %mul3A_112 = arith.constant 640 : i32
    %mul3A_113 = arith.muli %arg1, %mul3A_112 : i32
    "tpu.region"() ({
      %run_scoped3A = tpu.sem_alloc : memref<!tpu.dma_semaphore, #tpu.memory_space<semaphore_mem>>
      %dma_start3A_114 = arith.constant 0 : i32
      %dma_start3A_115 = tpu.memref_slice %arg5[%arg0, %mul3A_113, %dma_start3A_114] : memref<2x10240x128xf32, #tpu.memory_space<hbm>> -> memref<1x640x128xf32, #tpu.memory_space<hbm>>
      %dma_start3A_116 = tpu.memref_squeeze %dma_start3A_115 : memref<1x640x128xf32, #tpu.memory_space<hbm>> -> memref<640x128xf32, #tpu.memory_space<hbm>>
      %dma_start3A_117 = arith.constant 0 : i32
      %dma_start3A_118 = tpu.memref_slice %arg10[%mul3A_111, %dma_start3A_117] : memref<10240x128xf32, #tpu.memory_space<vmem_shared>> -> memref<640x128xf32, #tpu.memory_space<vmem_shared>>
      tpu.enqueue_dma source(%dma_start3A_118 : memref<640x128xf32, #tpu.memory_space<vmem_shared>>) target(%dma_start3A_116 : memref<640x128xf32, #tpu.memory_space<hbm>>) target_semaphore(%run_scoped3A : memref<!tpu.dma_semaphore, #tpu.memory_space<semaphore_mem>>)
      %dma_wait3A_119 = arith.constant 0 : i32
      %dma_wait3A_120 = tpu.memref_slice %arg5[%arg0, %mul3A_113, %dma_wait3A_119] : memref<2x10240x128xf32, #tpu.memory_space<hbm>> -> memref<1x640x128xf32, #tpu.memory_space<hbm>>
      %dma_wait3A_121 = tpu.memref_squeeze %dma_wait3A_120 : memref<1x640x128xf32, #tpu.memory_space<hbm>> -> memref<640x128xf32, #tpu.memory_space<hbm>>
      %dma_wait3A_122 = arith.constant 0 : i32
      %dma_wait3A_123 = tpu.memref_slice %arg10[%mul3A_111, %dma_wait3A_122] : memref<10240x128xf32, #tpu.memory_space<vmem_shared>> -> memref<640x128xf32, #tpu.memory_space<vmem_shared>>
      tpu.wait_dma2 semaphore(%run_scoped3A : memref<!tpu.dma_semaphore, #tpu.memory_space<semaphore_mem>>) src(%dma_wait3A_123 : memref<640x128xf32, #tpu.memory_space<vmem_shared>>) dst(%dma_wait3A_121 : memref<640x128xf32, #tpu.memory_space<hbm>>)
      tpu.yield
    }) : () -> ()
    return
  }
}

#map = affine_map<(d0, d1) -> (0, 0)>
#map1 = affine_map<(d0, d1) -> (0)>
module attributes {stable_mosaic.version = 14 : i64} {
  func.func @deg_k(%arg0: i32, %arg1: i32, %arg2: memref<2x320000xi32, #tpu.memory_space<hbm>>, %arg3: memref<640xf32, #tpu.memory_space<hbm>>, %arg4: memref<2x10240xf32, #tpu.memory_space<hbm>>, %arg5: memref<320000xi32, #tpu.memory_space<hbm>>, %arg6: memref<10112xi32, #tpu.memory_space<vmem>>, %arg7: memref<10112xi32, #tpu.memory_space<vmem>>, %arg8: memref<128xi32, #tpu.memory_space<vmem>>, %arg9: memref<128xi32, #tpu.memory_space<vmem>>, %arg10: memref<128xi32, #tpu.memory_space<vmem>>, %arg11: memref<128xi32, #tpu.memory_space<vmem>>, %arg12: memref<128xf32, #tpu.memory_space<vmem>>, %arg13: memref<10240xf32, #tpu.memory_space<vmem_shared>>, %arg14: memref<!tpu.dma_semaphore, #tpu.memory_space<semaphore_mem>>) attributes {dimension_semantics = [#tpu.dimension_semantics<core_parallel>, #tpu.dimension_semantics<subcore_parallel>], iteration_bounds = array<i64: 2, 16>, scalar_prefetch = 0 : i64, scratch_operands = 9 : i64, tpu.core_type = #tpu.core_type<sc_vector_subcore>, window_params = [{transform_indices = #map}, {transform_indices = #map1}, {transform_indices = #map}, {transform_indices = #map1}]} {
    %mul3A = arith.constant 2 : i32
    %mul3A_0 = arith.muli %arg1, %mul3A : i32
    %add3A = arith.addi %mul3A_0, %arg0 : i32
    %mul3A_1 = arith.constant 78 : i32
    %mul3A_2 = arith.muli %add3A, %mul3A_1 : i32
    %min3A = arith.constant 4 : i32
    %min3A_3 = arith.minsi %add3A, %min3A : i32
    %add3A_4 = arith.addi %mul3A_2, %min3A_3 : i32
    %lt3A = arith.constant 4 : i32
    %lt3A_5 = arith.cmpi slt, %add3A, %lt3A : i32
    %jit3A = arith.constant 79 : i32
    %jit3A_6 = arith.constant 78 : i32
    %select_n3A = arith.select %lt3A_5, %jit3A, %jit3A_6 : i32
    %broadcast_in_dim3A = arith.constant 1.000000e+00 : f32
    %broadcast_in_dim3A_7 = vector.broadcast %broadcast_in_dim3A : f32 to vector<16xf32>
    %swap3A = arith.constant 0 : index
    %swap3A_8 = tpu.vector_load %arg12[%swap3A] {strides = array<i32>} : memref<128xf32, #tpu.memory_space<vmem>>, vector<16xf32>,
    %swap3A_9 = vector.shape_cast %swap3A_8 : vector<16xf32> to vector<16xf32>
    %swap3A_10 = vector.shape_cast %broadcast_in_dim3A_7 : vector<16xf32> to vector<16xf32>
    tpu.vector_store %arg12[%swap3A], %swap3A_10 {strides = array<i32>} : memref<128xf32, #tpu.memory_space<vmem>>, vector<16xf32>,
    %broadcast_in_dim3A_11 = arith.constant 1.000000e+00 : f32
    %broadcast_in_dim3A_12 = vector.broadcast %broadcast_in_dim3A_11 : f32 to vector<16xf32>
    %swap3A_13 = arith.constant 16 : index
    %swap3A_14 = tpu.vector_load %arg12[%swap3A_13] {strides = array<i32>} : memref<128xf32, #tpu.memory_space<vmem>>, vector<16xf32>,
    %swap3A_15 = vector.shape_cast %swap3A_14 : vector<16xf32> to vector<16xf32>
    %swap3A_16 = vector.shape_cast %broadcast_in_dim3A_12 : vector<16xf32> to vector<16xf32>
    tpu.vector_store %arg12[%swap3A_13], %swap3A_16 {strides = array<i32>} : memref<128xf32, #tpu.memory_space<vmem>>, vector<16xf32>,
    %broadcast_in_dim3A_17 = arith.constant 1.000000e+00 : f32
    %broadcast_in_dim3A_18 = vector.broadcast %broadcast_in_dim3A_17 : f32 to vector<16xf32>
    %swap3A_19 = arith.constant 32 : index
    %swap3A_20 = tpu.vector_load %arg12[%swap3A_19] {strides = array<i32>} : memref<128xf32, #tpu.memory_space<vmem>>, vector<16xf32>,
    %swap3A_21 = vector.shape_cast %swap3A_20 : vector<16xf32> to vector<16xf32>
    %swap3A_22 = vector.shape_cast %broadcast_in_dim3A_18 : vector<16xf32> to vector<16xf32>
    tpu.vector_store %arg12[%swap3A_19], %swap3A_22 {strides = array<i32>} : memref<128xf32, #tpu.memory_space<vmem>>, vector<16xf32>,
    %broadcast_in_dim3A_23 = arith.constant 1.000000e+00 : f32
    %broadcast_in_dim3A_24 = vector.broadcast %broadcast_in_dim3A_23 : f32 to vector<16xf32>
    %swap3A_25 = arith.constant 48 : index
    %swap3A_26 = tpu.vector_load %arg12[%swap3A_25] {strides = array<i32>} : memref<128xf32, #tpu.memory_space<vmem>>, vector<16xf32>,
    %swap3A_27 = vector.shape_cast %swap3A_26 : vector<16xf32> to vector<16xf32>
    %swap3A_28 = vector.shape_cast %broadcast_in_dim3A_24 : vector<16xf32> to vector<16xf32>
    tpu.vector_store %arg12[%swap3A_25], %swap3A_28 {strides = array<i32>} : memref<128xf32, #tpu.memory_space<vmem>>, vector<16xf32>,
    %broadcast_in_dim3A_29 = arith.constant 1.000000e+00 : f32
    %broadcast_in_dim3A_30 = vector.broadcast %broadcast_in_dim3A_29 : f32 to vector<16xf32>
    %swap3A_31 = arith.constant 64 : index
    %swap3A_32 = tpu.vector_load %arg12[%swap3A_31] {strides = array<i32>} : memref<128xf32, #tpu.memory_space<vmem>>, vector<16xf32>,
    %swap3A_33 = vector.shape_cast %swap3A_32 : vector<16xf32> to vector<16xf32>
    %swap3A_34 = vector.shape_cast %broadcast_in_dim3A_30 : vector<16xf32> to vector<16xf32>
    tpu.vector_store %arg12[%swap3A_31], %swap3A_34 {strides = array<i32>} : memref<128xf32, #tpu.memory_space<vmem>>, vector<16xf32>,
    %broadcast_in_dim3A_35 = arith.constant 1.000000e+00 : f32
    %broadcast_in_dim3A_36 = vector.broadcast %broadcast_in_dim3A_35 : f32 to vector<16xf32>
    %swap3A_37 = arith.constant 80 : index
    %swap3A_38 = tpu.vector_load %arg12[%swap3A_37] {strides = array<i32>} : memref<128xf32, #tpu.memory_space<vmem>>, vector<16xf32>,
    %swap3A_39 = vector.shape_cast %swap3A_38 : vector<16xf32> to vector<16xf32>
    %swap3A_40 = vector.shape_cast %broadcast_in_dim3A_36 : vector<16xf32> to vector<16xf32>
    tpu.vector_store %arg12[%swap3A_37], %swap3A_40 {strides = array<i32>} : memref<128xf32, #tpu.memory_space<vmem>>, vector<16xf32>,
    %broadcast_in_dim3A_41 = arith.constant 1.000000e+00 : f32
    %broadcast_in_dim3A_42 = vector.broadcast %broadcast_in_dim3A_41 : f32 to vector<16xf32>
    %swap3A_43 = arith.constant 96 : index
    %swap3A_44 = tpu.vector_load %arg12[%swap3A_43] {strides = array<i32>} : memref<128xf32, #tpu.memory_space<vmem>>, vector<16xf32>,
    %swap3A_45 = vector.shape_cast %swap3A_44 : vector<16xf32> to vector<16xf32>
    %swap3A_46 = vector.shape_cast %broadcast_in_dim3A_42 : vector<16xf32> to vector<16xf32>
    tpu.vector_store %arg12[%swap3A_43], %swap3A_46 {strides = array<i32>} : memref<128xf32, #tpu.memory_space<vmem>>, vector<16xf32>,
    %broadcast_in_dim3A_47 = arith.constant 1.000000e+00 : f32
    %broadcast_in_dim3A_48 = vector.broadcast %broadcast_in_dim3A_47 : f32 to vector<16xf32>
    %swap3A_49 = arith.constant 112 : index
    %swap3A_50 = tpu.vector_load %arg12[%swap3A_49] {strides = array<i32>} : memref<128xf32, #tpu.memory_space<vmem>>, vector<16xf32>,
    %swap3A_51 = vector.shape_cast %swap3A_50 : vector<16xf32> to vector<16xf32>
    %swap3A_52 = vector.shape_cast %broadcast_in_dim3A_48 : vector<16xf32> to vector<16xf32>
    tpu.vector_store %arg12[%swap3A_49], %swap3A_52 {strides = array<i32>} : memref<128xf32, #tpu.memory_space<vmem>>, vector<16xf32>,
    %mul3A_53 = arith.constant 640 : i32
    %mul3A_54 = arith.muli %arg1, %mul3A_53 : i32
    "tpu.region"() ({
      %run_scoped3A_143 = tpu.sem_alloc : memref<!tpu.dma_semaphore, #tpu.memory_space<semaphore_mem>>
      %dma_start3A = tpu.memref_slice %arg13[%mul3A_54] : memref<10240xf32, #tpu.memory_space<vmem_shared>> -> memref<640xf32, #tpu.memory_space<vmem_shared>>
      tpu.enqueue_dma source(%arg3 : memref<640xf32, #tpu.memory_space<hbm>>) target(%dma_start3A : memref<640xf32, #tpu.memory_space<vmem_shared>>) target_semaphore(%run_scoped3A_143 : memref<!tpu.dma_semaphore, #tpu.memory_space<semaphore_mem>>)
      %dma_wait3A = tpu.memref_slice %arg13[%mul3A_54] : memref<10240xf32, #tpu.memory_space<vmem_shared>> -> memref<640xf32, #tpu.memory_space<vmem_shared>>
      tpu.wait_dma2 semaphore(%run_scoped3A_143 : memref<!tpu.dma_semaphore, #tpu.memory_space<semaphore_mem>>) src(%arg3 : memref<640xf32, #tpu.memory_space<hbm>>) dst(%dma_wait3A : memref<640xf32, #tpu.memory_space<vmem_shared>>)
      tpu.yield
    }) : () -> ()
    %mul3A_55 = arith.constant 128 : i32
    %mul3A_56 = arith.muli %add3A_4, %mul3A_55 : i32
    %run_scoped3A = arith.constant 1 : i32
    "tpu.region"() ({
      %run_scoped3A_143 = tpu.sem_alloc : memref<!tpu.dma_semaphore, #tpu.memory_space<semaphore_mem>>
      %dma_start3A = arith.constant 0 : i32
      %dma_start3A_144 = tpu.memref_slice %arg6[%dma_start3A] : memref<10112xi32, #tpu.memory_space<vmem>> -> memref<9984xi32, #tpu.memory_space<vmem>>
      %dma_start3A_145 = arith.constant 0 : i32
      %dma_start3A_146 = tpu.memref_slice %arg2[%run_scoped3A, %dma_start3A_145] : memref<2x320000xi32, #tpu.memory_space<hbm>> -> memref<1x320000xi32, #tpu.memory_space<hbm>>
      %dma_start3A_147 = tpu.memref_squeeze %dma_start3A_146 : memref<1x320000xi32, #tpu.memory_space<hbm>> -> memref<320000xi32, #tpu.memory_space<hbm>>
      %dma_start3A_148 = tpu.memref_slice %dma_start3A_147[%mul3A_56] : memref<320000xi32, #tpu.memory_space<hbm>> -> memref<9984xi32, #tpu.memory_space<hbm>>
      %dma_start3A_149 = arith.constant 0 : i32
      %dma_start3A_150 = tpu.memref_slice %arg6[%dma_start3A_149] : memref<10112xi32, #tpu.memory_space<vmem>> -> memref<9984xi32, #tpu.memory_space<vmem>>
      %dma_start3A_151 = arith.constant 0 : i32
      %dma_start3A_152 = tpu.memref_slice %arg2[%run_scoped3A, %dma_start3A_151] : memref<2x320000xi32, #tpu.memory_space<hbm>> -> memref<1x320000xi32, #tpu.memory_space<hbm>>
      %dma_start3A_153 = tpu.memref_squeeze %dma_start3A_152 : memref<1x320000xi32, #tpu.memory_space<hbm>> -> memref<320000xi32, #tpu.memory_space<hbm>>
      %dma_start3A_154 = tpu.memref_slice %dma_start3A_153[%mul3A_56] : memref<320000xi32, #tpu.memory_space<hbm>> -> memref<9984xi32, #tpu.memory_space<hbm>>
      tpu.enqueue_dma source(%dma_start3A_154 : memref<9984xi32, #tpu.memory_space<hbm>>) target(%dma_start3A_150 : memref<9984xi32, #tpu.memory_space<vmem>>) target_semaphore(%run_scoped3A_143 : memref<!tpu.dma_semaphore, #tpu.memory_space<semaphore_mem>>)
      %dma_wait3A = arith.constant 0 : i32
      %dma_wait3A_155 = tpu.memref_slice %arg6[%dma_wait3A] : memref<10112xi32, #tpu.memory_space<vmem>> -> memref<9984xi32, #tpu.memory_space<vmem>>
      %dma_wait3A_156 = arith.constant 0 : i32
      %dma_wait3A_157 = tpu.memref_slice %arg2[%run_scoped3A, %dma_wait3A_156] : memref<2x320000xi32, #tpu.memory_space<hbm>> -> memref<1x320000xi32, #tpu.memory_space<hbm>>
      %dma_wait3A_158 = tpu.memref_squeeze %dma_wait3A_157 : memref<1x320000xi32, #tpu.memory_space<hbm>> -> memref<320000xi32, #tpu.memory_space<hbm>>
      %dma_wait3A_159 = tpu.memref_slice %dma_wait3A_158[%mul3A_56] : memref<320000xi32, #tpu.memory_space<hbm>> -> memref<9984xi32, #tpu.memory_space<hbm>>
      %dma_wait3A_160 = arith.constant 0 : i32
      %dma_wait3A_161 = tpu.memref_slice %arg6[%dma_wait3A_160] : memref<10112xi32, #tpu.memory_space<vmem>> -> memref<9984xi32, #tpu.memory_space<vmem>>
      %dma_wait3A_162 = arith.constant 0 : i32
      %dma_wait3A_163 = tpu.memref_slice %arg2[%run_scoped3A, %dma_wait3A_162] : memref<2x320000xi32, #tpu.memory_space<hbm>> -> memref<1x320000xi32, #tpu.memory_space<hbm>>
      %dma_wait3A_164 = tpu.memref_squeeze %dma_wait3A_163 : memref<1x320000xi32, #tpu.memory_space<hbm>> -> memref<320000xi32, #tpu.memory_space<hbm>>
      %dma_wait3A_165 = tpu.memref_slice %dma_wait3A_164[%mul3A_56] : memref<320000xi32, #tpu.memory_space<hbm>> -> memref<9984xi32, #tpu.memory_space<hbm>>
      tpu.wait_dma2 semaphore(%run_scoped3A_143 : memref<!tpu.dma_semaphore, #tpu.memory_space<semaphore_mem>>) src(%dma_wait3A_165 : memref<9984xi32, #tpu.memory_space<hbm>>) dst(%dma_wait3A_161 : memref<9984xi32, #tpu.memory_space<vmem>>)
      tpu.yield
    }) : () -> ()
    %lt3A_57 = arith.constant 4 : i32
    %lt3A_58 = arith.cmpi slt, %add3A, %lt3A_57 : i32
    %convert_element_type3A = arith.extui %lt3A_58 : i1 to i32
    %cond3A = arith.constant 1 : i32
    %cond3A_59 = arith.constant 0 : i32
    %cond3A_60 = arith.cmpi ne, %convert_element_type3A, %cond3A_59 : i32
    scf.if %cond3A_60 {
      %add3A_143 = arith.constant 78 : i32
      %add3A_144 = arith.addi %add3A_4, %add3A_143 : i32
      %mul3A_145 = arith.constant 128 : i32
      %mul3A_146 = arith.muli %add3A_144, %mul3A_145 : i32
      "tpu.region"() ({
        %run_scoped3A_147 = tpu.sem_alloc : memref<!tpu.dma_semaphore, #tpu.memory_space<semaphore_mem>>
        %dma_start3A = arith.constant 9984 : i32
        %dma_start3A_148 = tpu.memref_slice %arg6[%dma_start3A] : memref<10112xi32, #tpu.memory_space<vmem>> -> memref<128xi32, #tpu.memory_space<vmem>>
        %dma_start3A_149 = arith.constant 0 : i32
        %dma_start3A_150 = tpu.memref_slice %arg2[%cond3A, %dma_start3A_149] : memref<2x320000xi32, #tpu.memory_space<hbm>> -> memref<1x320000xi32, #tpu.memory_space<hbm>>
        %dma_start3A_151 = tpu.memref_squeeze %dma_start3A_150 : memref<1x320000xi32, #tpu.memory_space<hbm>> -> memref<320000xi32, #tpu.memory_space<hbm>>
        %dma_start3A_152 = tpu.memref_slice %dma_start3A_151[%mul3A_146] : memref<320000xi32, #tpu.memory_space<hbm>> -> memref<128xi32, #tpu.memory_space<hbm>>
        %dma_start3A_153 = arith.constant 9984 : i32
        %dma_start3A_154 = tpu.memref_slice %arg6[%dma_start3A_153] : memref<10112xi32, #tpu.memory_space<vmem>> -> memref<128xi32, #tpu.memory_space<vmem>>
        %dma_start3A_155 = arith.constant 0 : i32
        %dma_start3A_156 = tpu.memref_slice %arg2[%cond3A, %dma_start3A_155] : memref<2x320000xi32, #tpu.memory_space<hbm>> -> memref<1x320000xi32, #tpu.memory_space<hbm>>
        %dma_start3A_157 = tpu.memref_squeeze %dma_start3A_156 : memref<1x320000xi32, #tpu.memory_space<hbm>> -> memref<320000xi32, #tpu.memory_space<hbm>>
        %dma_start3A_158 = tpu.memref_slice %dma_start3A_157[%mul3A_146] : memref<320000xi32, #tpu.memory_space<hbm>> -> memref<128xi32, #tpu.memory_space<hbm>>
        tpu.enqueue_dma source(%dma_start3A_158 : memref<128xi32, #tpu.memory_space<hbm>>) target(%dma_start3A_154 : memref<128xi32, #tpu.memory_space<vmem>>) target_semaphore(%run_scoped3A_147 : memref<!tpu.dma_semaphore, #tpu.memory_space<semaphore_mem>>)
        %dma_wait3A = arith.constant 9984 : i32
        %dma_wait3A_159 = tpu.memref_slice %arg6[%dma_wait3A] : memref<10112xi32, #tpu.memory_space<vmem>> -> memref<128xi32, #tpu.memory_space<vmem>>
        %dma_wait3A_160 = arith.constant 0 : i32
        %dma_wait3A_161 = tpu.memref_slice %arg2[%cond3A, %dma_wait3A_160] : memref<2x320000xi32, #tpu.memory_space<hbm>> -> memref<1x320000xi32, #tpu.memory_space<hbm>>
        %dma_wait3A_162 = tpu.memref_squeeze %dma_wait3A_161 : memref<1x320000xi32, #tpu.memory_space<hbm>> -> memref<320000xi32, #tpu.memory_space<hbm>>
        %dma_wait3A_163 = tpu.memref_slice %dma_wait3A_162[%mul3A_146] : memref<320000xi32, #tpu.memory_space<hbm>> -> memref<128xi32, #tpu.memory_space<hbm>>
        %dma_wait3A_164 = arith.constant 9984 : i32
        %dma_wait3A_165 = tpu.memref_slice %arg6[%dma_wait3A_164] : memref<10112xi32, #tpu.memory_space<vmem>> -> memref<128xi32, #tpu.memory_space<vmem>>
        %dma_wait3A_166 = arith.constant 0 : i32
        %dma_wait3A_167 = tpu.memref_slice %arg2[%cond3A, %dma_wait3A_166] : memref<2x320000xi32, #tpu.memory_space<hbm>> -> memref<1x320000xi32, #tpu.memory_space<hbm>>
        %dma_wait3A_168 = tpu.memref_squeeze %dma_wait3A_167 : memref<1x320000xi32, #tpu.memory_space<hbm>> -> memref<320000xi32, #tpu.memory_space<hbm>>
        %dma_wait3A_169 = tpu.memref_slice %dma_wait3A_168[%mul3A_146] : memref<320000xi32, #tpu.memory_space<hbm>> -> memref<128xi32, #tpu.memory_space<hbm>>
        tpu.wait_dma2 semaphore(%run_scoped3A_147 : memref<!tpu.dma_semaphore, #tpu.memory_space<semaphore_mem>>) src(%dma_wait3A_169 : memref<128xi32, #tpu.memory_space<hbm>>) dst(%dma_wait3A_165 : memref<128xi32, #tpu.memory_space<vmem>>)
        tpu.yield
      }) : () -> ()
    } else {
    }
    %mul3A_61 = arith.constant 128 : i32
    %mul3A_62 = arith.muli %add3A_4, %mul3A_61 : i32
    %run_scoped3A_63 = arith.constant 0 : i32
    "tpu.region"() ({
      %run_scoped3A_143 = tpu.sem_alloc : memref<!tpu.dma_semaphore, #tpu.memory_space<semaphore_mem>>
      %dma_start3A = arith.constant 0 : i32
      %dma_start3A_144 = tpu.memref_slice %arg7[%dma_start3A] : memref<10112xi32, #tpu.memory_space<vmem>> -> memref<9984xi32, #tpu.memory_space<vmem>>
      %dma_start3A_145 = arith.constant 0 : i32
      %dma_start3A_146 = tpu.memref_slice %arg2[%run_scoped3A_63, %dma_start3A_145] : memref<2x320000xi32, #tpu.memory_space<hbm>> -> memref<1x320000xi32, #tpu.memory_space<hbm>>
      %dma_start3A_147 = tpu.memref_squeeze %dma_start3A_146 : memref<1x320000xi32, #tpu.memory_space<hbm>> -> memref<320000xi32, #tpu.memory_space<hbm>>
      %dma_start3A_148 = tpu.memref_slice %dma_start3A_147[%mul3A_62] : memref<320000xi32, #tpu.memory_space<hbm>> -> memref<9984xi32, #tpu.memory_space<hbm>>
      %dma_start3A_149 = arith.constant 0 : i32
      %dma_start3A_150 = tpu.memref_slice %arg7[%dma_start3A_149] : memref<10112xi32, #tpu.memory_space<vmem>> -> memref<9984xi32, #tpu.memory_space<vmem>>
      %dma_start3A_151 = arith.constant 0 : i32
      %dma_start3A_152 = tpu.memref_slice %arg2[%run_scoped3A_63, %dma_start3A_151] : memref<2x320000xi32, #tpu.memory_space<hbm>> -> memref<1x320000xi32, #tpu.memory_space<hbm>>
      %dma_start3A_153 = tpu.memref_squeeze %dma_start3A_152 : memref<1x320000xi32, #tpu.memory_space<hbm>> -> memref<320000xi32, #tpu.memory_space<hbm>>
      %dma_start3A_154 = tpu.memref_slice %dma_start3A_153[%mul3A_62] : memref<320000xi32, #tpu.memory_space<hbm>> -> memref<9984xi32, #tpu.memory_space<hbm>>
      tpu.enqueue_dma source(%dma_start3A_154 : memref<9984xi32, #tpu.memory_space<hbm>>) target(%dma_start3A_150 : memref<9984xi32, #tpu.memory_space<vmem>>) target_semaphore(%run_scoped3A_143 : memref<!tpu.dma_semaphore, #tpu.memory_space<semaphore_mem>>)
      %dma_wait3A = arith.constant 0 : i32
      %dma_wait3A_155 = tpu.memref_slice %arg7[%dma_wait3A] : memref<10112xi32, #tpu.memory_space<vmem>> -> memref<9984xi32, #tpu.memory_space<vmem>>
      %dma_wait3A_156 = arith.constant 0 : i32
      %dma_wait3A_157 = tpu.memref_slice %arg2[%run_scoped3A_63, %dma_wait3A_156] : memref<2x320000xi32, #tpu.memory_space<hbm>> -> memref<1x320000xi32, #tpu.memory_space<hbm>>
      %dma_wait3A_158 = tpu.memref_squeeze %dma_wait3A_157 : memref<1x320000xi32, #tpu.memory_space<hbm>> -> memref<320000xi32, #tpu.memory_space<hbm>>
      %dma_wait3A_159 = tpu.memref_slice %dma_wait3A_158[%mul3A_62] : memref<320000xi32, #tpu.memory_space<hbm>> -> memref<9984xi32, #tpu.memory_space<hbm>>
      %dma_wait3A_160 = arith.constant 0 : i32
      %dma_wait3A_161 = tpu.memref_slice %arg7[%dma_wait3A_160] : memref<10112xi32, #tpu.memory_space<vmem>> -> memref<9984xi32, #tpu.memory_space<vmem>>
      %dma_wait3A_162 = arith.constant 0 : i32
      %dma_wait3A_163 = tpu.memref_slice %arg2[%run_scoped3A_63, %dma_wait3A_162] : memref<2x320000xi32, #tpu.memory_space<hbm>> -> memref<1x320000xi32, #tpu.memory_space<hbm>>
      %dma_wait3A_164 = tpu.memref_squeeze %dma_wait3A_163 : memref<1x320000xi32, #tpu.memory_space<hbm>> -> memref<320000xi32, #tpu.memory_space<hbm>>
      %dma_wait3A_165 = tpu.memref_slice %dma_wait3A_164[%mul3A_62] : memref<320000xi32, #tpu.memory_space<hbm>> -> memref<9984xi32, #tpu.memory_space<hbm>>
      tpu.wait_dma2 semaphore(%run_scoped3A_143 : memref<!tpu.dma_semaphore, #tpu.memory_space<semaphore_mem>>) src(%dma_wait3A_165 : memref<9984xi32, #tpu.memory_space<hbm>>) dst(%dma_wait3A_161 : memref<9984xi32, #tpu.memory_space<vmem>>)
      tpu.yield
    }) : () -> ()
    %lt3A_64 = arith.constant 4 : i32
    %lt3A_65 = arith.cmpi slt, %add3A, %lt3A_64 : i32
    %convert_element_type3A_66 = arith.extui %lt3A_65 : i1 to i32
    %cond3A_67 = arith.constant 0 : i32
    %cond3A_68 = arith.constant 0 : i32
    %cond3A_69 = arith.cmpi ne, %convert_element_type3A_66, %cond3A_68 : i32
    scf.if %cond3A_69 {
      %add3A_143 = arith.constant 78 : i32
      %add3A_144 = arith.addi %add3A_4, %add3A_143 : i32
      %mul3A_145 = arith.constant 128 : i32
      %mul3A_146 = arith.muli %add3A_144, %mul3A_145 : i32
      "tpu.region"() ({
        %run_scoped3A_147 = tpu.sem_alloc : memref<!tpu.dma_semaphore, #tpu.memory_space<semaphore_mem>>
        %dma_start3A = arith.constant 9984 : i32
        %dma_start3A_148 = tpu.memref_slice %arg7[%dma_start3A] : memref<10112xi32, #tpu.memory_space<vmem>> -> memref<128xi32, #tpu.memory_space<vmem>>
        %dma_start3A_149 = arith.constant 0 : i32
        %dma_start3A_150 = tpu.memref_slice %arg2[%cond3A_67, %dma_start3A_149] : memref<2x320000xi32, #tpu.memory_space<hbm>> -> memref<1x320000xi32, #tpu.memory_space<hbm>>
        %dma_start3A_151 = tpu.memref_squeeze %dma_start3A_150 : memref<1x320000xi32, #tpu.memory_space<hbm>> -> memref<320000xi32, #tpu.memory_space<hbm>>
        %dma_start3A_152 = tpu.memref_slice %dma_start3A_151[%mul3A_146] : memref<320000xi32, #tpu.memory_space<hbm>> -> memref<128xi32, #tpu.memory_space<hbm>>
        %dma_start3A_153 = arith.constant 9984 : i32
        %dma_start3A_154 = tpu.memref_slice %arg7[%dma_start3A_153] : memref<10112xi32, #tpu.memory_space<vmem>> -> memref<128xi32, #tpu.memory_space<vmem>>
        %dma_start3A_155 = arith.constant 0 : i32
        %dma_start3A_156 = tpu.memref_slice %arg2[%cond3A_67, %dma_start3A_155] : memref<2x320000xi32, #tpu.memory_space<hbm>> -> memref<1x320000xi32, #tpu.memory_space<hbm>>
        %dma_start3A_157 = tpu.memref_squeeze %dma_start3A_156 : memref<1x320000xi32, #tpu.memory_space<hbm>> -> memref<320000xi32, #tpu.memory_space<hbm>>
        %dma_start3A_158 = tpu.memref_slice %dma_start3A_157[%mul3A_146] : memref<320000xi32, #tpu.memory_space<hbm>> -> memref<128xi32, #tpu.memory_space<hbm>>
        tpu.enqueue_dma source(%dma_start3A_158 : memref<128xi32, #tpu.memory_space<hbm>>) target(%dma_start3A_154 : memref<128xi32, #tpu.memory_space<vmem>>) target_semaphore(%run_scoped3A_147 : memref<!tpu.dma_semaphore, #tpu.memory_space<semaphore_mem>>)
        %dma_wait3A = arith.constant 9984 : i32
        %dma_wait3A_159 = tpu.memref_slice %arg7[%dma_wait3A] : memref<10112xi32, #tpu.memory_space<vmem>> -> memref<128xi32, #tpu.memory_space<vmem>>
        %dma_wait3A_160 = arith.constant 0 : i32
        %dma_wait3A_161 = tpu.memref_slice %arg2[%cond3A_67, %dma_wait3A_160] : memref<2x320000xi32, #tpu.memory_space<hbm>> -> memref<1x320000xi32, #tpu.memory_space<hbm>>
        %dma_wait3A_162 = tpu.memref_squeeze %dma_wait3A_161 : memref<1x320000xi32, #tpu.memory_space<hbm>> -> memref<320000xi32, #tpu.memory_space<hbm>>
        %dma_wait3A_163 = tpu.memref_slice %dma_wait3A_162[%mul3A_146] : memref<320000xi32, #tpu.memory_space<hbm>> -> memref<128xi32, #tpu.memory_space<hbm>>
        %dma_wait3A_164 = arith.constant 9984 : i32
        %dma_wait3A_165 = tpu.memref_slice %arg7[%dma_wait3A_164] : memref<10112xi32, #tpu.memory_space<vmem>> -> memref<128xi32, #tpu.memory_space<vmem>>
        %dma_wait3A_166 = arith.constant 0 : i32
        %dma_wait3A_167 = tpu.memref_slice %arg2[%cond3A_67, %dma_wait3A_166] : memref<2x320000xi32, #tpu.memory_space<hbm>> -> memref<1x320000xi32, #tpu.memory_space<hbm>>
        %dma_wait3A_168 = tpu.memref_squeeze %dma_wait3A_167 : memref<1x320000xi32, #tpu.memory_space<hbm>> -> memref<320000xi32, #tpu.memory_space<hbm>>
        %dma_wait3A_169 = tpu.memref_slice %dma_wait3A_168[%mul3A_146] : memref<320000xi32, #tpu.memory_space<hbm>> -> memref<128xi32, #tpu.memory_space<hbm>>
        tpu.wait_dma2 semaphore(%run_scoped3A_147 : memref<!tpu.dma_semaphore, #tpu.memory_space<semaphore_mem>>) src(%dma_wait3A_169 : memref<128xi32, #tpu.memory_space<hbm>>) dst(%dma_wait3A_165 : memref<128xi32, #tpu.memory_space<vmem>>)
        tpu.yield
      }) : () -> ()
    } else {
    }
    %barrier3A = arith.constant 0 : index
    tpu.barrier barrier_id(%barrier3A)
    %add3A_70 = arith.constant 4 : i32
    %add3A_71 = arith.addi %select_n3A, %add3A_70 : i32
    %sub3A = arith.constant 1 : i32
    %sub3A_72 = arith.subi %add3A_71, %sub3A : i32
    %jit3A_73 = arith.constant 4 : i32
    %div3A = arith.divsi %sub3A_72, %jit3A_73 : i32
    %sign3A = arith.constant 0 : i32
    %sign3A_74 = arith.cmpi sgt, %sub3A_72, %sign3A : i32
    %sign3A_75 = arith.extui %sign3A_74 : i1 to i32
    %sign3A_76 = arith.constant 0 : i32
    %sign3A_77 = arith.cmpi slt, %sub3A_72, %sign3A_76 : i32
    %sign3A_78 = arith.extui %sign3A_77 : i1 to i32
    %sign3A_79 = arith.subi %sign3A_75, %sign3A_78 : i32
    %sign3A_80 = arith.constant 0 : i32
    %sign3A_81 = arith.cmpi sgt, %jit3A_73, %sign3A_80 : i32
    %sign3A_82 = arith.extui %sign3A_81 : i1 to i32
    %sign3A_83 = arith.constant 0 : i32
    %sign3A_84 = arith.cmpi slt, %jit3A_73, %sign3A_83 : i32
    %sign3A_85 = arith.extui %sign3A_84 : i1 to i32
    %sign3A_86 = arith.subi %sign3A_82, %sign3A_85 : i32
    %ne3A = arith.cmpi ne, %sign3A_79, %sign3A_86 : i32
    %rem3A = arith.remsi %sub3A_72, %jit3A_73 : i32
    %ne3A_87 = arith.constant 0 : i32
    %ne3A_88 = arith.cmpi ne, %rem3A, %ne3A_87 : i32
    %and3A = arith.andi %ne3A, %ne3A_88 : i1
    %sub3A_89 = arith.constant 1 : i32
    %sub3A_90 = arith.subi %div3A, %sub3A_89 : i32
    %select_n3A_91 = arith.select %and3A, %sub3A_90, %div3A : i32
    %sub3A_92 = arith.constant 0 : i32
    %sub3A_93 = arith.subi %select_n3A_91, %sub3A_92 : i32
    %sub3A_94 = arith.constant 1 : i32
    %sub3A_95 = arith.constant 1 : i32
    %sub3A_96 = arith.subi %sub3A_94, %sub3A_95 : i32
    %add3A_97 = arith.addi %sub3A_93, %sub3A_96 : i32
    %div3A_98 = arith.constant 1 : i32
    %div3A_99 = arith.divsi %add3A_97, %div3A_98 : i32
    %while3A = arith.constant 1 : i32
    %while3A_100 = arith.constant 0 : i32
    %while3A_101 = arith.constant 0 : i32
    %while3A_102 = arith.subi %div3A_99, %while3A_101 : i32
    %while3A_103 = arith.addi %while3A_101, %while3A_102 : i32
    %while3A_104 = arith.constant 1 : i32
    %while3A_105 = arith.divsi %while3A_102, %while3A_104 : i32
    %while3A_106 = arith.muli %while3A_105, %while3A_104 : i32
    %while3A_107 = arith.addi %while3A_101, %while3A_106 : i32
    %while3A_108 = arith.constant 1 : i32
    scf.for %while3A_143 = %while3A_101 to %while3A_107 step %while3A_108  : i32 {
      %mul3A_144 = arith.muli %while3A_143, %while3A : i32
      %add3A_145 = arith.addi %while3A_100, %mul3A_144 : i32
      %mul3A_146 = arith.constant 4 : i32
      %mul3A_147 = arith.muli %add3A_145, %mul3A_146 : i32
      %add3A_148 = arith.constant 0 : i32
      %add3A_149 = arith.addi %mul3A_147, %add3A_148 : i32
      %lt3A_150 = arith.cmpi slt, %add3A_149, %select_n3A : i32
      %convert_element_type3A_151 = arith.extui %lt3A_150 : i1 to i32
      %cond3A_152 = arith.constant 0 : i32
      %cond3A_153 = arith.cmpi ne, %convert_element_type3A_151, %cond3A_152 : i32
      scf.if %cond3A_153 {
        %mul3A_210 = arith.constant 128 : i32
        %mul3A_211 = arith.muli %add3A_149, %mul3A_210 : i32
        %add3A_212 = arith.constant 0 : i32
        %add3A_213 = arith.addi %mul3A_211, %add3A_212 : i32
        %get3A = arith.index_cast %add3A_213 : i32 to index
        %get3A_214 = tpu.vector_load %arg6[%get3A] {strides = array<i32>} : memref<10112xi32, #tpu.memory_space<vmem>>, vector<16xi32>,
        %get3A_215 = vector.shape_cast %get3A_214 : vector<16xi32> to vector<16xi32>
        %swap3A_216 = arith.constant 0 : index
        %swap3A_217 = tpu.vector_load %arg8[%swap3A_216] {strides = array<i32>} : memref<128xi32, #tpu.memory_space<vmem>>, vector<16xi32>,
        %swap3A_218 = vector.shape_cast %swap3A_217 : vector<16xi32> to vector<16xi32>
        %swap3A_219 = vector.shape_cast %get3A_215 : vector<16xi32> to vector<16xi32>
        tpu.vector_store %arg8[%swap3A_216], %swap3A_219 {strides = array<i32>} : memref<128xi32, #tpu.memory_space<vmem>>, vector<16xi32>,
        %mul3A_220 = arith.constant 128 : i32
        %mul3A_221 = arith.muli %add3A_149, %mul3A_220 : i32
        %add3A_222 = arith.constant 16 : i32
        %add3A_223 = arith.addi %mul3A_221, %add3A_222 : i32
        %get3A_224 = arith.index_cast %add3A_223 : i32 to index
        %get3A_225 = tpu.vector_load %arg6[%get3A_224] {strides = array<i32>} : memref<10112xi32, #tpu.memory_space<vmem>>, vector<16xi32>,
        %get3A_226 = vector.shape_cast %get3A_225 : vector<16xi32> to vector<16xi32>
        %swap3A_227 = arith.constant 16 : index
        %swap3A_228 = tpu.vector_load %arg8[%swap3A_227] {strides = array<i32>} : memref<128xi32, #tpu.memory_space<vmem>>, vector<16xi32>,
        %swap3A_229 = vector.shape_cast %swap3A_228 : vector<16xi32> to vector<16xi32>
        %swap3A_230 = vector.shape_cast %get3A_226 : vector<16xi32> to vector<16xi32>
        tpu.vector_store %arg8[%swap3A_227], %swap3A_230 {strides = array<i32>} : memref<128xi32, #tpu.memory_space<vmem>>, vector<16xi32>,
        %mul3A_231 = arith.constant 128 : i32
        %mul3A_232 = arith.muli %add3A_149, %mul3A_231 : i32
        %add3A_233 = arith.constant 32 : i32
        %add3A_234 = arith.addi %mul3A_232, %add3A_233 : i32
        %get3A_235 = arith.index_cast %add3A_234 : i32 to index
        %get3A_236 = tpu.vector_load %arg6[%get3A_235] {strides = array<i32>} : memref<10112xi32, #tpu.memory_space<vmem>>, vector<16xi32>,
        %get3A_237 = vector.shape_cast %get3A_236 : vector<16xi32> to vector<16xi32>
        %swap3A_238 = arith.constant 32 : index
        %swap3A_239 = tpu.vector_load %arg8[%swap3A_238] {strides = array<i32>} : memref<128xi32, #tpu.memory_space<vmem>>, vector<16xi32>,
        %swap3A_240 = vector.shape_cast %swap3A_239 : vector<16xi32> to vector<16xi32>
        %swap3A_241 = vector.shape_cast %get3A_237 : vector<16xi32> to vector<16xi32>
        tpu.vector_store %arg8[%swap3A_238], %swap3A_241 {strides = array<i32>} : memref<128xi32, #tpu.memory_space<vmem>>, vector<16xi32>,
        %mul3A_242 = arith.constant 128 : i32
        %mul3A_243 = arith.muli %add3A_149, %mul3A_242 : i32
        %add3A_244 = arith.constant 48 : i32
        %add3A_245 = arith.addi %mul3A_243, %add3A_244 : i32
        %get3A_246 = arith.index_cast %add3A_245 : i32 to index
        %get3A_247 = tpu.vector_load %arg6[%get3A_246] {strides = array<i32>} : memref<10112xi32, #tpu.memory_space<vmem>>, vector<16xi32>,
        %get3A_248 = vector.shape_cast %get3A_247 : vector<16xi32> to vector<16xi32>
        %swap3A_249 = arith.constant 48 : index
        %swap3A_250 = tpu.vector_load %arg8[%swap3A_249] {strides = array<i32>} : memref<128xi32, #tpu.memory_space<vmem>>, vector<16xi32>,
        %swap3A_251 = vector.shape_cast %swap3A_250 : vector<16xi32> to vector<16xi32>
        %swap3A_252 = vector.shape_cast %get3A_248 : vector<16xi32> to vector<16xi32>
        tpu.vector_store %arg8[%swap3A_249], %swap3A_252 {strides = array<i32>} : memref<128xi32, #tpu.memory_space<vmem>>, vector<16xi32>,
        %mul3A_253 = arith.constant 128 : i32
        %mul3A_254 = arith.muli %add3A_149, %mul3A_253 : i32
        %add3A_255 = arith.constant 64 : i32
        %add3A_256 = arith.addi %mul3A_254, %add3A_255 : i32
        %get3A_257 = arith.index_cast %add3A_256 : i32 to index
        %get3A_258 = tpu.vector_load %arg6[%get3A_257] {strides = array<i32>} : memref<10112xi32, #tpu.memory_space<vmem>>, vector<16xi32>,
        %get3A_259 = vector.shape_cast %get3A_258 : vector<16xi32> to vector<16xi32>
        %swap3A_260 = arith.constant 64 : index
        %swap3A_261 = tpu.vector_load %arg8[%swap3A_260] {strides = array<i32>} : memref<128xi32, #tpu.memory_space<vmem>>, vector<16xi32>,
        %swap3A_262 = vector.shape_cast %swap3A_261 : vector<16xi32> to vector<16xi32>
        %swap3A_263 = vector.shape_cast %get3A_259 : vector<16xi32> to vector<16xi32>
        tpu.vector_store %arg8[%swap3A_260], %swap3A_263 {strides = array<i32>} : memref<128xi32, #tpu.memory_space<vmem>>, vector<16xi32>,
        %mul3A_264 = arith.constant 128 : i32
        %mul3A_265 = arith.muli %add3A_149, %mul3A_264 : i32
        %add3A_266 = arith.constant 80 : i32
        %add3A_267 = arith.addi %mul3A_265, %add3A_266 : i32
        %get3A_268 = arith.index_cast %add3A_267 : i32 to index
        %get3A_269 = tpu.vector_load %arg6[%get3A_268] {strides = array<i32>} : memref<10112xi32, #tpu.memory_space<vmem>>, vector<16xi32>,
        %get3A_270 = vector.shape_cast %get3A_269 : vector<16xi32> to vector<16xi32>
        %swap3A_271 = arith.constant 80 : index
        %swap3A_272 = tpu.vector_load %arg8[%swap3A_271] {strides = array<i32>} : memref<128xi32, #tpu.memory_space<vmem>>, vector<16xi32>,
        %swap3A_273 = vector.shape_cast %swap3A_272 : vector<16xi32> to vector<16xi32>
        %swap3A_274 = vector.shape_cast %get3A_270 : vector<16xi32> to vector<16xi32>
        tpu.vector_store %arg8[%swap3A_271], %swap3A_274 {strides = array<i32>} : memref<128xi32, #tpu.memory_space<vmem>>, vector<16xi32>,
        %mul3A_275 = arith.constant 128 : i32
        %mul3A_276 = arith.muli %add3A_149, %mul3A_275 : i32
        %add3A_277 = arith.constant 96 : i32
        %add3A_278 = arith.addi %mul3A_276, %add3A_277 : i32
        %get3A_279 = arith.index_cast %add3A_278 : i32 to index
        %get3A_280 = tpu.vector_load %arg6[%get3A_279] {strides = array<i32>} : memref<10112xi32, #tpu.memory_space<vmem>>, vector<16xi32>,
        %get3A_281 = vector.shape_cast %get3A_280 : vector<16xi32> to vector<16xi32>
        %swap3A_282 = arith.constant 96 : index
        %swap3A_283 = tpu.vector_load %arg8[%swap3A_282] {strides = array<i32>} : memref<128xi32, #tpu.memory_space<vmem>>, vector<16xi32>,
        %swap3A_284 = vector.shape_cast %swap3A_283 : vector<16xi32> to vector<16xi32>
        %swap3A_285 = vector.shape_cast %get3A_281 : vector<16xi32> to vector<16xi32>
        tpu.vector_store %arg8[%swap3A_282], %swap3A_285 {strides = array<i32>} : memref<128xi32, #tpu.memory_space<vmem>>, vector<16xi32>,
        %mul3A_286 = arith.constant 128 : i32
        %mul3A_287 = arith.muli %add3A_149, %mul3A_286 : i32
        %add3A_288 = arith.constant 112 : i32
        %add3A_289 = arith.addi %mul3A_287, %add3A_288 : i32
        %get3A_290 = arith.index_cast %add3A_289 : i32 to index
        %get3A_291 = tpu.vector_load %arg6[%get3A_290] {strides = array<i32>} : memref<10112xi32, #tpu.memory_space<vmem>>, vector<16xi32>,
        %get3A_292 = vector.shape_cast %get3A_291 : vector<16xi32> to vector<16xi32>
        %swap3A_293 = arith.constant 112 : index
        %swap3A_294 = tpu.vector_load %arg8[%swap3A_293] {strides = array<i32>} : memref<128xi32, #tpu.memory_space<vmem>>, vector<16xi32>,
        %swap3A_295 = vector.shape_cast %swap3A_294 : vector<16xi32> to vector<16xi32>
        %swap3A_296 = vector.shape_cast %get3A_292 : vector<16xi32> to vector<16xi32>
        tpu.vector_store %arg8[%swap3A_293], %swap3A_296 {strides = array<i32>} : memref<128xi32, #tpu.memory_space<vmem>>, vector<16xi32>,
        %dma_start3A = arith.constant 0 : i32
        %dma_start3A_297 = tpu.memref_slice %arg13[%dma_start3A] : memref<10240xf32, #tpu.memory_space<vmem_shared>> -> memref<10240xf32, #tpu.memory_space<vmem_shared>>
        tpu.enqueue_indirect_dma source(%arg12 : memref<128xf32, #tpu.memory_space<vmem>>) target(%dma_start3A_297 : memref<10240xf32, #tpu.memory_space<vmem_shared>>) offsets(%arg8 : memref<128xi32, #tpu.memory_space<vmem>>) semaphore(%arg14 : memref<!tpu.dma_semaphore, #tpu.memory_space<semaphore_mem>>) {add = true}
      } else {
      }
      %mul3A_154 = arith.constant 4 : i32
      %mul3A_155 = arith.muli %add3A_145, %mul3A_154 : i32
      %add3A_156 = arith.constant 1 : i32
      %add3A_157 = arith.addi %mul3A_155, %add3A_156 : i32
      %lt3A_158 = arith.cmpi slt, %add3A_157, %select_n3A : i32
      %convert_element_type3A_159 = arith.extui %lt3A_158 : i1 to i32
      %cond3A_160 = arith.constant 0 : i32
      %cond3A_161 = arith.cmpi ne, %convert_element_type3A_159, %cond3A_160 : i32
      scf.if %cond3A_161 {
        %mul3A_210 = arith.constant 128 : i32
        %mul3A_211 = arith.muli %add3A_157, %mul3A_210 : i32
        %add3A_212 = arith.constant 0 : i32
        %add3A_213 = arith.addi %mul3A_211, %add3A_212 : i32
        %get3A = arith.index_cast %add3A_213 : i32 to index
        %get3A_214 = tpu.vector_load %arg6[%get3A] {strides = array<i32>} : memref<10112xi32, #tpu.memory_space<vmem>>, vector<16xi32>,
        %get3A_215 = vector.shape_cast %get3A_214 : vector<16xi32> to vector<16xi32>
        %swap3A_216 = arith.constant 0 : index
        %swap3A_217 = tpu.vector_load %arg9[%swap3A_216] {strides = array<i32>} : memref<128xi32, #tpu.memory_space<vmem>>, vector<16xi32>,
        %swap3A_218 = vector.shape_cast %swap3A_217 : vector<16xi32> to vector<16xi32>
        %swap3A_219 = vector.shape_cast %get3A_215 : vector<16xi32> to vector<16xi32>
        tpu.vector_store %arg9[%swap3A_216], %swap3A_219 {strides = array<i32>} : memref<128xi32, #tpu.memory_space<vmem>>, vector<16xi32>,
        %mul3A_220 = arith.constant 128 : i32
        %mul3A_221 = arith.muli %add3A_157, %mul3A_220 : i32
        %add3A_222 = arith.constant 16 : i32
        %add3A_223 = arith.addi %mul3A_221, %add3A_222 : i32
        %get3A_224 = arith.index_cast %add3A_223 : i32 to index
        %get3A_225 = tpu.vector_load %arg6[%get3A_224] {strides = array<i32>} : memref<10112xi32, #tpu.memory_space<vmem>>, vector<16xi32>,
        %get3A_226 = vector.shape_cast %get3A_225 : vector<16xi32> to vector<16xi32>
        %swap3A_227 = arith.constant 16 : index
        %swap3A_228 = tpu.vector_load %arg9[%swap3A_227] {strides = array<i32>} : memref<128xi32, #tpu.memory_space<vmem>>, vector<16xi32>,
        %swap3A_229 = vector.shape_cast %swap3A_228 : vector<16xi32> to vector<16xi32>
        %swap3A_230 = vector.shape_cast %get3A_226 : vector<16xi32> to vector<16xi32>
        tpu.vector_store %arg9[%swap3A_227], %swap3A_230 {strides = array<i32>} : memref<128xi32, #tpu.memory_space<vmem>>, vector<16xi32>,
        %mul3A_231 = arith.constant 128 : i32
        %mul3A_232 = arith.muli %add3A_157, %mul3A_231 : i32
        %add3A_233 = arith.constant 32 : i32
        %add3A_234 = arith.addi %mul3A_232, %add3A_233 : i32
        %get3A_235 = arith.index_cast %add3A_234 : i32 to index
        %get3A_236 = tpu.vector_load %arg6[%get3A_235] {strides = array<i32>} : memref<10112xi32, #tpu.memory_space<vmem>>, vector<16xi32>,
        %get3A_237 = vector.shape_cast %get3A_236 : vector<16xi32> to vector<16xi32>
        %swap3A_238 = arith.constant 32 : index
        %swap3A_239 = tpu.vector_load %arg9[%swap3A_238] {strides = array<i32>} : memref<128xi32, #tpu.memory_space<vmem>>, vector<16xi32>,
        %swap3A_240 = vector.shape_cast %swap3A_239 : vector<16xi32> to vector<16xi32>
        %swap3A_241 = vector.shape_cast %get3A_237 : vector<16xi32> to vector<16xi32>
        tpu.vector_store %arg9[%swap3A_238], %swap3A_241 {strides = array<i32>} : memref<128xi32, #tpu.memory_space<vmem>>, vector<16xi32>,
        %mul3A_242 = arith.constant 128 : i32
        %mul3A_243 = arith.muli %add3A_157, %mul3A_242 : i32
        %add3A_244 = arith.constant 48 : i32
        %add3A_245 = arith.addi %mul3A_243, %add3A_244 : i32
        %get3A_246 = arith.index_cast %add3A_245 : i32 to index
        %get3A_247 = tpu.vector_load %arg6[%get3A_246] {strides = array<i32>} : memref<10112xi32, #tpu.memory_space<vmem>>, vector<16xi32>,
        %get3A_248 = vector.shape_cast %get3A_247 : vector<16xi32> to vector<16xi32>
        %swap3A_249 = arith.constant 48 : index
        %swap3A_250 = tpu.vector_load %arg9[%swap3A_249] {strides = array<i32>} : memref<128xi32, #tpu.memory_space<vmem>>, vector<16xi32>,
        %swap3A_251 = vector.shape_cast %swap3A_250 : vector<16xi32> to vector<16xi32>
        %swap3A_252 = vector.shape_cast %get3A_248 : vector<16xi32> to vector<16xi32>
        tpu.vector_store %arg9[%swap3A_249], %swap3A_252 {strides = array<i32>} : memref<128xi32, #tpu.memory_space<vmem>>, vector<16xi32>,
        %mul3A_253 = arith.constant 128 : i32
        %mul3A_254 = arith.muli %add3A_157, %mul3A_253 : i32
        %add3A_255 = arith.constant 64 : i32
        %add3A_256 = arith.addi %mul3A_254, %add3A_255 : i32
        %get3A_257 = arith.index_cast %add3A_256 : i32 to index
        %get3A_258 = tpu.vector_load %arg6[%get3A_257] {strides = array<i32>} : memref<10112xi32, #tpu.memory_space<vmem>>, vector<16xi32>,
        %get3A_259 = vector.shape_cast %get3A_258 : vector<16xi32> to vector<16xi32>
        %swap3A_260 = arith.constant 64 : index
        %swap3A_261 = tpu.vector_load %arg9[%swap3A_260] {strides = array<i32>} : memref<128xi32, #tpu.memory_space<vmem>>, vector<16xi32>,
        %swap3A_262 = vector.shape_cast %swap3A_261 : vector<16xi32> to vector<16xi32>
        %swap3A_263 = vector.shape_cast %get3A_259 : vector<16xi32> to vector<16xi32>
        tpu.vector_store %arg9[%swap3A_260], %swap3A_263 {strides = array<i32>} : memref<128xi32, #tpu.memory_space<vmem>>, vector<16xi32>,
        %mul3A_264 = arith.constant 128 : i32
        %mul3A_265 = arith.muli %add3A_157, %mul3A_264 : i32
        %add3A_266 = arith.constant 80 : i32
        %add3A_267 = arith.addi %mul3A_265, %add3A_266 : i32
        %get3A_268 = arith.index_cast %add3A_267 : i32 to index
        %get3A_269 = tpu.vector_load %arg6[%get3A_268] {strides = array<i32>} : memref<10112xi32, #tpu.memory_space<vmem>>, vector<16xi32>,
        %get3A_270 = vector.shape_cast %get3A_269 : vector<16xi32> to vector<16xi32>
        %swap3A_271 = arith.constant 80 : index
        %swap3A_272 = tpu.vector_load %arg9[%swap3A_271] {strides = array<i32>} : memref<128xi32, #tpu.memory_space<vmem>>, vector<16xi32>,
        %swap3A_273 = vector.shape_cast %swap3A_272 : vector<16xi32> to vector<16xi32>
        %swap3A_274 = vector.shape_cast %get3A_270 : vector<16xi32> to vector<16xi32>
        tpu.vector_store %arg9[%swap3A_271], %swap3A_274 {strides = array<i32>} : memref<128xi32, #tpu.memory_space<vmem>>, vector<16xi32>,
        %mul3A_275 = arith.constant 128 : i32
        %mul3A_276 = arith.muli %add3A_157, %mul3A_275 : i32
        %add3A_277 = arith.constant 96 : i32
        %add3A_278 = arith.addi %mul3A_276, %add3A_277 : i32
        %get3A_279 = arith.index_cast %add3A_278 : i32 to index
        %get3A_280 = tpu.vector_load %arg6[%get3A_279] {strides = array<i32>} : memref<10112xi32, #tpu.memory_space<vmem>>, vector<16xi32>,
        %get3A_281 = vector.shape_cast %get3A_280 : vector<16xi32> to vector<16xi32>
        %swap3A_282 = arith.constant 96 : index
        %swap3A_283 = tpu.vector_load %arg9[%swap3A_282] {strides = array<i32>} : memref<128xi32, #tpu.memory_space<vmem>>, vector<16xi32>,
        %swap3A_284 = vector.shape_cast %swap3A_283 : vector<16xi32> to vector<16xi32>
        %swap3A_285 = vector.shape_cast %get3A_281 : vector<16xi32> to vector<16xi32>
        tpu.vector_store %arg9[%swap3A_282], %swap3A_285 {strides = array<i32>} : memref<128xi32, #tpu.memory_space<vmem>>, vector<16xi32>,
        %mul3A_286 = arith.constant 128 : i32
        %mul3A_287 = arith.muli %add3A_157, %mul3A_286 : i32
        %add3A_288 = arith.constant 112 : i32
        %add3A_289 = arith.addi %mul3A_287, %add3A_288 : i32
        %get3A_290 = arith.index_cast %add3A_289 : i32 to index
        %get3A_291 = tpu.vector_load %arg6[%get3A_290] {strides = array<i32>} : memref<10112xi32, #tpu.memory_space<vmem>>, vector<16xi32>,
        %get3A_292 = vector.shape_cast %get3A_291 : vector<16xi32> to vector<16xi32>
        %swap3A_293 = arith.constant 112 : index
        %swap3A_294 = tpu.vector_load %arg9[%swap3A_293] {strides = array<i32>} : memref<128xi32, #tpu.memory_space<vmem>>, vector<16xi32>,
        %swap3A_295 = vector.shape_cast %swap3A_294 : vector<16xi32> to vector<16xi32>
        %swap3A_296 = vector.shape_cast %get3A_292 : vector<16xi32> to vector<16xi32>
        tpu.vector_store %arg9[%swap3A_293], %swap3A_296 {strides = array<i32>} : memref<128xi32, #tpu.memory_space<vmem>>, vector<16xi32>,
        %dma_start3A = arith.constant 0 : i32
        %dma_start3A_297 = tpu.memref_slice %arg13[%dma_start3A] : memref<10240xf32, #tpu.memory_space<vmem_shared>> -> memref<10240xf32, #tpu.memory_space<vmem_shared>>
        tpu.enqueue_indirect_dma source(%arg12 : memref<128xf32, #tpu.memory_space<vmem>>) target(%dma_start3A_297 : memref<10240xf32, #tpu.memory_space<vmem_shared>>) offsets(%arg9 : memref<128xi32, #tpu.memory_space<vmem>>) semaphore(%arg14 : memref<!tpu.dma_semaphore, #tpu.memory_space<semaphore_mem>>) {add = true}
      } else {
      }
      %mul3A_162 = arith.constant 4 : i32
      %mul3A_163 = arith.muli %add3A_145, %mul3A_162 : i32
      %add3A_164 = arith.constant 2 : i32
      %add3A_165 = arith.addi %mul3A_163, %add3A_164 : i32
      %lt3A_166 = arith.cmpi slt, %add3A_165, %select_n3A : i32
      %convert_element_type3A_167 = arith.extui %lt3A_166 : i1 to i32
      %cond3A_168 = arith.constant 0 : i32
      %cond3A_169 = arith.cmpi ne, %convert_element_type3A_167, %cond3A_168 : i32
      scf.if %cond3A_169 {
        %mul3A_210 = arith.constant 128 : i32
        %mul3A_211 = arith.muli %add3A_165, %mul3A_210 : i32
        %add3A_212 = arith.constant 0 : i32
        %add3A_213 = arith.addi %mul3A_211, %add3A_212 : i32
        %get3A = arith.index_cast %add3A_213 : i32 to index
        %get3A_214 = tpu.vector_load %arg6[%get3A] {strides = array<i32>} : memref<10112xi32, #tpu.memory_space<vmem>>, vector<16xi32>,
        %get3A_215 = vector.shape_cast %get3A_214 : vector<16xi32> to vector<16xi32>
        %swap3A_216 = arith.constant 0 : index
        %swap3A_217 = tpu.vector_load %arg10[%swap3A_216] {strides = array<i32>} : memref<128xi32, #tpu.memory_space<vmem>>, vector<16xi32>,
        %swap3A_218 = vector.shape_cast %swap3A_217 : vector<16xi32> to vector<16xi32>
        %swap3A_219 = vector.shape_cast %get3A_215 : vector<16xi32> to vector<16xi32>
        tpu.vector_store %arg10[%swap3A_216], %swap3A_219 {strides = array<i32>} : memref<128xi32, #tpu.memory_space<vmem>>, vector<16xi32>,
        %mul3A_220 = arith.constant 128 : i32
        %mul3A_221 = arith.muli %add3A_165, %mul3A_220 : i32
        %add3A_222 = arith.constant 16 : i32
        %add3A_223 = arith.addi %mul3A_221, %add3A_222 : i32
        %get3A_224 = arith.index_cast %add3A_223 : i32 to index
        %get3A_225 = tpu.vector_load %arg6[%get3A_224] {strides = array<i32>} : memref<10112xi32, #tpu.memory_space<vmem>>, vector<16xi32>,
        %get3A_226 = vector.shape_cast %get3A_225 : vector<16xi32> to vector<16xi32>
        %swap3A_227 = arith.constant 16 : index
        %swap3A_228 = tpu.vector_load %arg10[%swap3A_227] {strides = array<i32>} : memref<128xi32, #tpu.memory_space<vmem>>, vector<16xi32>,
        %swap3A_229 = vector.shape_cast %swap3A_228 : vector<16xi32> to vector<16xi32>
        %swap3A_230 = vector.shape_cast %get3A_226 : vector<16xi32> to vector<16xi32>
        tpu.vector_store %arg10[%swap3A_227], %swap3A_230 {strides = array<i32>} : memref<128xi32, #tpu.memory_space<vmem>>, vector<16xi32>,
        %mul3A_231 = arith.constant 128 : i32
        %mul3A_232 = arith.muli %add3A_165, %mul3A_231 : i32
        %add3A_233 = arith.constant 32 : i32
        %add3A_234 = arith.addi %mul3A_232, %add3A_233 : i32
        %get3A_235 = arith.index_cast %add3A_234 : i32 to index
        %get3A_236 = tpu.vector_load %arg6[%get3A_235] {strides = array<i32>} : memref<10112xi32, #tpu.memory_space<vmem>>, vector<16xi32>,
        %get3A_237 = vector.shape_cast %get3A_236 : vector<16xi32> to vector<16xi32>
        %swap3A_238 = arith.constant 32 : index
        %swap3A_239 = tpu.vector_load %arg10[%swap3A_238] {strides = array<i32>} : memref<128xi32, #tpu.memory_space<vmem>>, vector<16xi32>,
        %swap3A_240 = vector.shape_cast %swap3A_239 : vector<16xi32> to vector<16xi32>
        %swap3A_241 = vector.shape_cast %get3A_237 : vector<16xi32> to vector<16xi32>
        tpu.vector_store %arg10[%swap3A_238], %swap3A_241 {strides = array<i32>} : memref<128xi32, #tpu.memory_space<vmem>>, vector<16xi32>,
        %mul3A_242 = arith.constant 128 : i32
        %mul3A_243 = arith.muli %add3A_165, %mul3A_242 : i32
        %add3A_244 = arith.constant 48 : i32
        %add3A_245 = arith.addi %mul3A_243, %add3A_244 : i32
        %get3A_246 = arith.index_cast %add3A_245 : i32 to index
        %get3A_247 = tpu.vector_load %arg6[%get3A_246] {strides = array<i32>} : memref<10112xi32, #tpu.memory_space<vmem>>, vector<16xi32>,
        %get3A_248 = vector.shape_cast %get3A_247 : vector<16xi32> to vector<16xi32>
        %swap3A_249 = arith.constant 48 : index
        %swap3A_250 = tpu.vector_load %arg10[%swap3A_249] {strides = array<i32>} : memref<128xi32, #tpu.memory_space<vmem>>, vector<16xi32>,
        %swap3A_251 = vector.shape_cast %swap3A_250 : vector<16xi32> to vector<16xi32>
        %swap3A_252 = vector.shape_cast %get3A_248 : vector<16xi32> to vector<16xi32>
        tpu.vector_store %arg10[%swap3A_249], %swap3A_252 {strides = array<i32>} : memref<128xi32, #tpu.memory_space<vmem>>, vector<16xi32>,
        %mul3A_253 = arith.constant 128 : i32
        %mul3A_254 = arith.muli %add3A_165, %mul3A_253 : i32
        %add3A_255 = arith.constant 64 : i32
        %add3A_256 = arith.addi %mul3A_254, %add3A_255 : i32
        %get3A_257 = arith.index_cast %add3A_256 : i32 to index
        %get3A_258 = tpu.vector_load %arg6[%get3A_257] {strides = array<i32>} : memref<10112xi32, #tpu.memory_space<vmem>>, vector<16xi32>,
        %get3A_259 = vector.shape_cast %get3A_258 : vector<16xi32> to vector<16xi32>
        %swap3A_260 = arith.constant 64 : index
        %swap3A_261 = tpu.vector_load %arg10[%swap3A_260] {strides = array<i32>} : memref<128xi32, #tpu.memory_space<vmem>>, vector<16xi32>,
        %swap3A_262 = vector.shape_cast %swap3A_261 : vector<16xi32> to vector<16xi32>
        %swap3A_263 = vector.shape_cast %get3A_259 : vector<16xi32> to vector<16xi32>
        tpu.vector_store %arg10[%swap3A_260], %swap3A_263 {strides = array<i32>} : memref<128xi32, #tpu.memory_space<vmem>>, vector<16xi32>,
        %mul3A_264 = arith.constant 128 : i32
        %mul3A_265 = arith.muli %add3A_165, %mul3A_264 : i32
        %add3A_266 = arith.constant 80 : i32
        %add3A_267 = arith.addi %mul3A_265, %add3A_266 : i32
        %get3A_268 = arith.index_cast %add3A_267 : i32 to index
        %get3A_269 = tpu.vector_load %arg6[%get3A_268] {strides = array<i32>} : memref<10112xi32, #tpu.memory_space<vmem>>, vector<16xi32>,
        %get3A_270 = vector.shape_cast %get3A_269 : vector<16xi32> to vector<16xi32>
        %swap3A_271 = arith.constant 80 : index
        %swap3A_272 = tpu.vector_load %arg10[%swap3A_271] {strides = array<i32>} : memref<128xi32, #tpu.memory_space<vmem>>, vector<16xi32>,
        %swap3A_273 = vector.shape_cast %swap3A_272 : vector<16xi32> to vector<16xi32>
        %swap3A_274 = vector.shape_cast %get3A_270 : vector<16xi32> to vector<16xi32>
        tpu.vector_store %arg10[%swap3A_271], %swap3A_274 {strides = array<i32>} : memref<128xi32, #tpu.memory_space<vmem>>, vector<16xi32>,
        %mul3A_275 = arith.constant 128 : i32
        %mul3A_276 = arith.muli %add3A_165, %mul3A_275 : i32
        %add3A_277 = arith.constant 96 : i32
        %add3A_278 = arith.addi %mul3A_276, %add3A_277 : i32
        %get3A_279 = arith.index_cast %add3A_278 : i32 to index
        %get3A_280 = tpu.vector_load %arg6[%get3A_279] {strides = array<i32>} : memref<10112xi32, #tpu.memory_space<vmem>>, vector<16xi32>,
        %get3A_281 = vector.shape_cast %get3A_280 : vector<16xi32> to vector<16xi32>
        %swap3A_282 = arith.constant 96 : index
        %swap3A_283 = tpu.vector_load %arg10[%swap3A_282] {strides = array<i32>} : memref<128xi32, #tpu.memory_space<vmem>>, vector<16xi32>,
        %swap3A_284 = vector.shape_cast %swap3A_283 : vector<16xi32> to vector<16xi32>
        %swap3A_285 = vector.shape_cast %get3A_281 : vector<16xi32> to vector<16xi32>
        tpu.vector_store %arg10[%swap3A_282], %swap3A_285 {strides = array<i32>} : memref<128xi32, #tpu.memory_space<vmem>>, vector<16xi32>,
        %mul3A_286 = arith.constant 128 : i32
        %mul3A_287 = arith.muli %add3A_165, %mul3A_286 : i32
        %add3A_288 = arith.constant 112 : i32
        %add3A_289 = arith.addi %mul3A_287, %add3A_288 : i32
        %get3A_290 = arith.index_cast %add3A_289 : i32 to index
        %get3A_291 = tpu.vector_load %arg6[%get3A_290] {strides = array<i32>} : memref<10112xi32, #tpu.memory_space<vmem>>, vector<16xi32>,
        %get3A_292 = vector.shape_cast %get3A_291 : vector<16xi32> to vector<16xi32>
        %swap3A_293 = arith.constant 112 : index
        %swap3A_294 = tpu.vector_load %arg10[%swap3A_293] {strides = array<i32>} : memref<128xi32, #tpu.memory_space<vmem>>, vector<16xi32>,
        %swap3A_295 = vector.shape_cast %swap3A_294 : vector<16xi32> to vector<16xi32>
        %swap3A_296 = vector.shape_cast %get3A_292 : vector<16xi32> to vector<16xi32>
        tpu.vector_store %arg10[%swap3A_293], %swap3A_296 {strides = array<i32>} : memref<128xi32, #tpu.memory_space<vmem>>, vector<16xi32>,
        %dma_start3A = arith.constant 0 : i32
        %dma_start3A_297 = tpu.memref_slice %arg13[%dma_start3A] : memref<10240xf32, #tpu.memory_space<vmem_shared>> -> memref<10240xf32, #tpu.memory_space<vmem_shared>>
        tpu.enqueue_indirect_dma source(%arg12 : memref<128xf32, #tpu.memory_space<vmem>>) target(%dma_start3A_297 : memref<10240xf32, #tpu.memory_space<vmem_shared>>) offsets(%arg10 : memref<128xi32, #tpu.memory_space<vmem>>) semaphore(%arg14 : memref<!tpu.dma_semaphore, #tpu.memory_space<semaphore_mem>>) {add = true}
      } else {
      }
      %mul3A_170 = arith.constant 4 : i32
      %mul3A_171 = arith.muli %add3A_145, %mul3A_170 : i32
      %add3A_172 = arith.constant 3 : i32
      %add3A_173 = arith.addi %mul3A_171, %add3A_172 : i32
      %lt3A_174 = arith.cmpi slt, %add3A_173, %select_n3A : i32
      %convert_element_type3A_175 = arith.extui %lt3A_174 : i1 to i32
      %cond3A_176 = arith.constant 0 : i32
      %cond3A_177 = arith.cmpi ne, %convert_element_type3A_175, %cond3A_176 : i32
      scf.if %cond3A_177 {
        %mul3A_210 = arith.constant 128 : i32
        %mul3A_211 = arith.muli %add3A_173, %mul3A_210 : i32
        %add3A_212 = arith.constant 0 : i32
        %add3A_213 = arith.addi %mul3A_211, %add3A_212 : i32
        %get3A = arith.index_cast %add3A_213 : i32 to index
        %get3A_214 = tpu.vector_load %arg6[%get3A] {strides = array<i32>} : memref<10112xi32, #tpu.memory_space<vmem>>, vector<16xi32>,
        %get3A_215 = vector.shape_cast %get3A_214 : vector<16xi32> to vector<16xi32>
        %swap3A_216 = arith.constant 0 : index
        %swap3A_217 = tpu.vector_load %arg11[%swap3A_216] {strides = array<i32>} : memref<128xi32, #tpu.memory_space<vmem>>, vector<16xi32>,
        %swap3A_218 = vector.shape_cast %swap3A_217 : vector<16xi32> to vector<16xi32>
        %swap3A_219 = vector.shape_cast %get3A_215 : vector<16xi32> to vector<16xi32>
        tpu.vector_store %arg11[%swap3A_216], %swap3A_219 {strides = array<i32>} : memref<128xi32, #tpu.memory_space<vmem>>, vector<16xi32>,
        %mul3A_220 = arith.constant 128 : i32
        %mul3A_221 = arith.muli %add3A_173, %mul3A_220 : i32
        %add3A_222 = arith.constant 16 : i32
        %add3A_223 = arith.addi %mul3A_221, %add3A_222 : i32
        %get3A_224 = arith.index_cast %add3A_223 : i32 to index
        %get3A_225 = tpu.vector_load %arg6[%get3A_224] {strides = array<i32>} : memref<10112xi32, #tpu.memory_space<vmem>>, vector<16xi32>,
        %get3A_226 = vector.shape_cast %get3A_225 : vector<16xi32> to vector<16xi32>
        %swap3A_227 = arith.constant 16 : index
        %swap3A_228 = tpu.vector_load %arg11[%swap3A_227] {strides = array<i32>} : memref<128xi32, #tpu.memory_space<vmem>>, vector<16xi32>,
        %swap3A_229 = vector.shape_cast %swap3A_228 : vector<16xi32> to vector<16xi32>
        %swap3A_230 = vector.shape_cast %get3A_226 : vector<16xi32> to vector<16xi32>
        tpu.vector_store %arg11[%swap3A_227], %swap3A_230 {strides = array<i32>} : memref<128xi32, #tpu.memory_space<vmem>>, vector<16xi32>,
        %mul3A_231 = arith.constant 128 : i32
        %mul3A_232 = arith.muli %add3A_173, %mul3A_231 : i32
        %add3A_233 = arith.constant 32 : i32
        %add3A_234 = arith.addi %mul3A_232, %add3A_233 : i32
        %get3A_235 = arith.index_cast %add3A_234 : i32 to index
        %get3A_236 = tpu.vector_load %arg6[%get3A_235] {strides = array<i32>} : memref<10112xi32, #tpu.memory_space<vmem>>, vector<16xi32>,
        %get3A_237 = vector.shape_cast %get3A_236 : vector<16xi32> to vector<16xi32>
        %swap3A_238 = arith.constant 32 : index
        %swap3A_239 = tpu.vector_load %arg11[%swap3A_238] {strides = array<i32>} : memref<128xi32, #tpu.memory_space<vmem>>, vector<16xi32>,
        %swap3A_240 = vector.shape_cast %swap3A_239 : vector<16xi32> to vector<16xi32>
        %swap3A_241 = vector.shape_cast %get3A_237 : vector<16xi32> to vector<16xi32>
        tpu.vector_store %arg11[%swap3A_238], %swap3A_241 {strides = array<i32>} : memref<128xi32, #tpu.memory_space<vmem>>, vector<16xi32>,
        %mul3A_242 = arith.constant 128 : i32
        %mul3A_243 = arith.muli %add3A_173, %mul3A_242 : i32
        %add3A_244 = arith.constant 48 : i32
        %add3A_245 = arith.addi %mul3A_243, %add3A_244 : i32
        %get3A_246 = arith.index_cast %add3A_245 : i32 to index
        %get3A_247 = tpu.vector_load %arg6[%get3A_246] {strides = array<i32>} : memref<10112xi32, #tpu.memory_space<vmem>>, vector<16xi32>,
        %get3A_248 = vector.shape_cast %get3A_247 : vector<16xi32> to vector<16xi32>
        %swap3A_249 = arith.constant 48 : index
        %swap3A_250 = tpu.vector_load %arg11[%swap3A_249] {strides = array<i32>} : memref<128xi32, #tpu.memory_space<vmem>>, vector<16xi32>,
        %swap3A_251 = vector.shape_cast %swap3A_250 : vector<16xi32> to vector<16xi32>
        %swap3A_252 = vector.shape_cast %get3A_248 : vector<16xi32> to vector<16xi32>
        tpu.vector_store %arg11[%swap3A_249], %swap3A_252 {strides = array<i32>} : memref<128xi32, #tpu.memory_space<vmem>>, vector<16xi32>,
        %mul3A_253 = arith.constant 128 : i32
        %mul3A_254 = arith.muli %add3A_173, %mul3A_253 : i32
        %add3A_255 = arith.constant 64 : i32
        %add3A_256 = arith.addi %mul3A_254, %add3A_255 : i32
        %get3A_257 = arith.index_cast %add3A_256 : i32 to index
        %get3A_258 = tpu.vector_load %arg6[%get3A_257] {strides = array<i32>} : memref<10112xi32, #tpu.memory_space<vmem>>, vector<16xi32>,
        %get3A_259 = vector.shape_cast %get3A_258 : vector<16xi32> to vector<16xi32>
        %swap3A_260 = arith.constant 64 : index
        %swap3A_261 = tpu.vector_load %arg11[%swap3A_260] {strides = array<i32>} : memref<128xi32, #tpu.memory_space<vmem>>, vector<16xi32>,
        %swap3A_262 = vector.shape_cast %swap3A_261 : vector<16xi32> to vector<16xi32>
        %swap3A_263 = vector.shape_cast %get3A_259 : vector<16xi32> to vector<16xi32>
        tpu.vector_store %arg11[%swap3A_260], %swap3A_263 {strides = array<i32>} : memref<128xi32, #tpu.memory_space<vmem>>, vector<16xi32>,
        %mul3A_264 = arith.constant 128 : i32
        %mul3A_265 = arith.muli %add3A_173, %mul3A_264 : i32
        %add3A_266 = arith.constant 80 : i32
        %add3A_267 = arith.addi %mul3A_265, %add3A_266 : i32
        %get3A_268 = arith.index_cast %add3A_267 : i32 to index
        %get3A_269 = tpu.vector_load %arg6[%get3A_268] {strides = array<i32>} : memref<10112xi32, #tpu.memory_space<vmem>>, vector<16xi32>,
        %get3A_270 = vector.shape_cast %get3A_269 : vector<16xi32> to vector<16xi32>
        %swap3A_271 = arith.constant 80 : index
        %swap3A_272 = tpu.vector_load %arg11[%swap3A_271] {strides = array<i32>} : memref<128xi32, #tpu.memory_space<vmem>>, vector<16xi32>,
        %swap3A_273 = vector.shape_cast %swap3A_272 : vector<16xi32> to vector<16xi32>
        %swap3A_274 = vector.shape_cast %get3A_270 : vector<16xi32> to vector<16xi32>
        tpu.vector_store %arg11[%swap3A_271], %swap3A_274 {strides = array<i32>} : memref<128xi32, #tpu.memory_space<vmem>>, vector<16xi32>,
        %mul3A_275 = arith.constant 128 : i32
        %mul3A_276 = arith.muli %add3A_173, %mul3A_275 : i32
        %add3A_277 = arith.constant 96 : i32
        %add3A_278 = arith.addi %mul3A_276, %add3A_277 : i32
        %get3A_279 = arith.index_cast %add3A_278 : i32 to index
        %get3A_280 = tpu.vector_load %arg6[%get3A_279] {strides = array<i32>} : memref<10112xi32, #tpu.memory_space<vmem>>, vector<16xi32>,
        %get3A_281 = vector.shape_cast %get3A_280 : vector<16xi32> to vector<16xi32>
        %swap3A_282 = arith.constant 96 : index
        %swap3A_283 = tpu.vector_load %arg11[%swap3A_282] {strides = array<i32>} : memref<128xi32, #tpu.memory_space<vmem>>, vector<16xi32>,
        %swap3A_284 = vector.shape_cast %swap3A_283 : vector<16xi32> to vector<16xi32>
        %swap3A_285 = vector.shape_cast %get3A_281 : vector<16xi32> to vector<16xi32>
        tpu.vector_store %arg11[%swap3A_282], %swap3A_285 {strides = array<i32>} : memref<128xi32, #tpu.memory_space<vmem>>, vector<16xi32>,
        %mul3A_286 = arith.constant 128 : i32
        %mul3A_287 = arith.muli %add3A_173, %mul3A_286 : i32
        %add3A_288 = arith.constant 112 : i32
        %add3A_289 = arith.addi %mul3A_287, %add3A_288 : i32
        %get3A_290 = arith.index_cast %add3A_289 : i32 to index
        %get3A_291 = tpu.vector_load %arg6[%get3A_290] {strides = array<i32>} : memref<10112xi32, #tpu.memory_space<vmem>>, vector<16xi32>,
        %get3A_292 = vector.shape_cast %get3A_291 : vector<16xi32> to vector<16xi32>
        %swap3A_293 = arith.constant 112 : index
        %swap3A_294 = tpu.vector_load %arg11[%swap3A_293] {strides = array<i32>} : memref<128xi32, #tpu.memory_space<vmem>>, vector<16xi32>,
        %swap3A_295 = vector.shape_cast %swap3A_294 : vector<16xi32> to vector<16xi32>
        %swap3A_296 = vector.shape_cast %get3A_292 : vector<16xi32> to vector<16xi32>
        tpu.vector_store %arg11[%swap3A_293], %swap3A_296 {strides = array<i32>} : memref<128xi32, #tpu.memory_space<vmem>>, vector<16xi32>,
        %dma_start3A = arith.constant 0 : i32
        %dma_start3A_297 = tpu.memref_slice %arg13[%dma_start3A] : memref<10240xf32, #tpu.memory_space<vmem_shared>> -> memref<10240xf32, #tpu.memory_space<vmem_shared>>
        tpu.enqueue_indirect_dma source(%arg12 : memref<128xf32, #tpu.memory_space<vmem>>) target(%dma_start3A_297 : memref<10240xf32, #tpu.memory_space<vmem_shared>>) offsets(%arg11 : memref<128xi32, #tpu.memory_space<vmem>>) semaphore(%arg14 : memref<!tpu.dma_semaphore, #tpu.memory_space<semaphore_mem>>) {add = true}
      } else {
      }
      %mul3A_178 = arith.constant 4 : i32
      %mul3A_179 = arith.muli %add3A_145, %mul3A_178 : i32
      %add3A_180 = arith.constant 0 : i32
      %add3A_181 = arith.addi %mul3A_179, %add3A_180 : i32
      %lt3A_182 = arith.cmpi slt, %add3A_181, %select_n3A : i32
      %convert_element_type3A_183 = arith.extui %lt3A_182 : i1 to i32
      %cond3A_184 = arith.constant 0 : i32
      %cond3A_185 = arith.cmpi ne, %convert_element_type3A_183, %cond3A_184 : i32
      scf.if %cond3A_185 {
        %dma_wait3A = arith.constant 0 : i32
        %dma_wait3A_210 = tpu.memref_slice %arg13[%dma_wait3A] : memref<10240xf32, #tpu.memory_space<vmem_shared>> -> memref<10240xf32, #tpu.memory_space<vmem_shared>>
        tpu.wait_indirect_dma semaphore(%arg14 : memref<!tpu.dma_semaphore, #tpu.memory_space<semaphore_mem>>) src(%arg12 : memref<128xf32, #tpu.memory_space<vmem>>) dst(%dma_wait3A_210 : memref<10240xf32, #tpu.memory_space<vmem_shared>>)
      } else {
      }
      %mul3A_186 = arith.constant 4 : i32
      %mul3A_187 = arith.muli %add3A_145, %mul3A_186 : i32
      %add3A_188 = arith.constant 1 : i32
      %add3A_189 = arith.addi %mul3A_187, %add3A_188 : i32
      %lt3A_190 = arith.cmpi slt, %add3A_189, %select_n3A : i32
      %convert_element_type3A_191 = arith.extui %lt3A_190 : i1 to i32
      %cond3A_192 = arith.constant 0 : i32
      %cond3A_193 = arith.cmpi ne, %convert_element_type3A_191, %cond3A_192 : i32
      scf.if %cond3A_193 {
        %dma_wait3A = arith.constant 0 : i32
        %dma_wait3A_210 = tpu.memref_slice %arg13[%dma_wait3A] : memref<10240xf32, #tpu.memory_space<vmem_shared>> -> memref<10240xf32, #tpu.memory_space<vmem_shared>>
        tpu.wait_indirect_dma semaphore(%arg14 : memref<!tpu.dma_semaphore, #tpu.memory_space<semaphore_mem>>) src(%arg12 : memref<128xf32, #tpu.memory_space<vmem>>) dst(%dma_wait3A_210 : memref<10240xf32, #tpu.memory_space<vmem_shared>>)
      } else {
      }
      %mul3A_194 = arith.constant 4 : i32
      %mul3A_195 = arith.muli %add3A_145, %mul3A_194 : i32
      %add3A_196 = arith.constant 2 : i32
      %add3A_197 = arith.addi %mul3A_195, %add3A_196 : i32
      %lt3A_198 = arith.cmpi slt, %add3A_197, %select_n3A : i32
      %convert_element_type3A_199 = arith.extui %lt3A_198 : i1 to i32
      %cond3A_200 = arith.constant 0 : i32
      %cond3A_201 = arith.cmpi ne, %convert_element_type3A_199, %cond3A_200 : i32
      scf.if %cond3A_201 {
        %dma_wait3A = arith.constant 0 : i32
        %dma_wait3A_210 = tpu.memref_slice %arg13[%dma_wait3A] : memref<10240xf32, #tpu.memory_space<vmem_shared>> -> memref<10240xf32, #tpu.memory_space<vmem_shared>>
        tpu.wait_indirect_dma semaphore(%arg14 : memref<!tpu.dma_semaphore, #tpu.memory_space<semaphore_mem>>) src(%arg12 : memref<128xf32, #tpu.memory_space<vmem>>) dst(%dma_wait3A_210 : memref<10240xf32, #tpu.memory_space<vmem_shared>>)
      } else {
      }
      %mul3A_202 = arith.constant 4 : i32
      %mul3A_203 = arith.muli %add3A_145, %mul3A_202 : i32
      %add3A_204 = arith.constant 3 : i32
      %add3A_205 = arith.addi %mul3A_203, %add3A_204 : i32
      %lt3A_206 = arith.cmpi slt, %add3A_205, %select_n3A : i32
      %convert_element_type3A_207 = arith.extui %lt3A_206 : i1 to i32
      %cond3A_208 = arith.constant 0 : i32
      %cond3A_209 = arith.cmpi ne, %convert_element_type3A_207, %cond3A_208 : i32
      scf.if %cond3A_209 {
        %dma_wait3A = arith.constant 0 : i32
        %dma_wait3A_210 = tpu.memref_slice %arg13[%dma_wait3A] : memref<10240xf32, #tpu.memory_space<vmem_shared>> -> memref<10240xf32, #tpu.memory_space<vmem_shared>>
        tpu.wait_indirect_dma semaphore(%arg14 : memref<!tpu.dma_semaphore, #tpu.memory_space<semaphore_mem>>) src(%arg12 : memref<128xf32, #tpu.memory_space<vmem>>) dst(%dma_wait3A_210 : memref<10240xf32, #tpu.memory_space<vmem_shared>>)
      } else {
      }
    }
    %while3A_109 = arith.constant 1 : i32
    scf.for %while3A_143 = %while3A_107 to %while3A_103 step %while3A_109  : i32 {
      %mul3A_144 = arith.muli %while3A_143, %while3A : i32
      %add3A_145 = arith.addi %while3A_100, %mul3A_144 : i32
      %mul3A_146 = arith.constant 4 : i32
      %mul3A_147 = arith.muli %add3A_145, %mul3A_146 : i32
      %add3A_148 = arith.constant 0 : i32
      %add3A_149 = arith.addi %mul3A_147, %add3A_148 : i32
      %lt3A_150 = arith.cmpi slt, %add3A_149, %select_n3A : i32
      %convert_element_type3A_151 = arith.extui %lt3A_150 : i1 to i32
      %cond3A_152 = arith.constant 0 : i32
      %cond3A_153 = arith.cmpi ne, %convert_element_type3A_151, %cond3A_152 : i32
      scf.if %cond3A_153 {
        %mul3A_210 = arith.constant 128 : i32
        %mul3A_211 = arith.muli %add3A_149, %mul3A_210 : i32
        %add3A_212 = arith.constant 0 : i32
        %add3A_213 = arith.addi %mul3A_211, %add3A_212 : i32
        %get3A = arith.index_cast %add3A_213 : i32 to index
        %get3A_214 = tpu.vector_load %arg6[%get3A] {strides = array<i32>} : memref<10112xi32, #tpu.memory_space<vmem>>, vector<16xi32>,
        %get3A_215 = vector.shape_cast %get3A_214 : vector<16xi32> to vector<16xi32>
        %swap3A_216 = arith.constant 0 : index
        %swap3A_217 = tpu.vector_load %arg8[%swap3A_216] {strides = array<i32>} : memref<128xi32, #tpu.memory_space<vmem>>, vector<16xi32>,
        %swap3A_218 = vector.shape_cast %swap3A_217 : vector<16xi32> to vector<16xi32>
        %swap3A_219 = vector.shape_cast %get3A_215 : vector<16xi32> to vector<16xi32>
        tpu.vector_store %arg8[%swap3A_216], %swap3A_219 {strides = array<i32>} : memref<128xi32, #tpu.memory_space<vmem>>, vector<16xi32>,
        %mul3A_220 = arith.constant 128 : i32
        %mul3A_221 = arith.muli %add3A_149, %mul3A_220 : i32
        %add3A_222 = arith.constant 16 : i32
        %add3A_223 = arith.addi %mul3A_221, %add3A_222 : i32
        %get3A_224 = arith.index_cast %add3A_223 : i32 to index
        %get3A_225 = tpu.vector_load %arg6[%get3A_224] {strides = array<i32>} : memref<10112xi32, #tpu.memory_space<vmem>>, vector<16xi32>,
        %get3A_226 = vector.shape_cast %get3A_225 : vector<16xi32> to vector<16xi32>
        %swap3A_227 = arith.constant 16 : index
        %swap3A_228 = tpu.vector_load %arg8[%swap3A_227] {strides = array<i32>} : memref<128xi32, #tpu.memory_space<vmem>>, vector<16xi32>,
        %swap3A_229 = vector.shape_cast %swap3A_228 : vector<16xi32> to vector<16xi32>
        %swap3A_230 = vector.shape_cast %get3A_226 : vector<16xi32> to vector<16xi32>
        tpu.vector_store %arg8[%swap3A_227], %swap3A_230 {strides = array<i32>} : memref<128xi32, #tpu.memory_space<vmem>>, vector<16xi32>,
        %mul3A_231 = arith.constant 128 : i32
        %mul3A_232 = arith.muli %add3A_149, %mul3A_231 : i32
        %add3A_233 = arith.constant 32 : i32
        %add3A_234 = arith.addi %mul3A_232, %add3A_233 : i32
        %get3A_235 = arith.index_cast %add3A_234 : i32 to index
        %get3A_236 = tpu.vector_load %arg6[%get3A_235] {strides = array<i32>} : memref<10112xi32, #tpu.memory_space<vmem>>, vector<16xi32>,
        %get3A_237 = vector.shape_cast %get3A_236 : vector<16xi32> to vector<16xi32>
        %swap3A_238 = arith.constant 32 : index
        %swap3A_239 = tpu.vector_load %arg8[%swap3A_238] {strides = array<i32>} : memref<128xi32, #tpu.memory_space<vmem>>, vector<16xi32>,
        %swap3A_240 = vector.shape_cast %swap3A_239 : vector<16xi32> to vector<16xi32>
        %swap3A_241 = vector.shape_cast %get3A_237 : vector<16xi32> to vector<16xi32>
        tpu.vector_store %arg8[%swap3A_238], %swap3A_241 {strides = array<i32>} : memref<128xi32, #tpu.memory_space<vmem>>, vector<16xi32>,
        %mul3A_242 = arith.constant 128 : i32
        %mul3A_243 = arith.muli %add3A_149, %mul3A_242 : i32
        %add3A_244 = arith.constant 48 : i32
        %add3A_245 = arith.addi %mul3A_243, %add3A_244 : i32
        %get3A_246 = arith.index_cast %add3A_245 : i32 to index
        %get3A_247 = tpu.vector_load %arg6[%get3A_246] {strides = array<i32>} : memref<10112xi32, #tpu.memory_space<vmem>>, vector<16xi32>,
        %get3A_248 = vector.shape_cast %get3A_247 : vector<16xi32> to vector<16xi32>
        %swap3A_249 = arith.constant 48 : index
        %swap3A_250 = tpu.vector_load %arg8[%swap3A_249] {strides = array<i32>} : memref<128xi32, #tpu.memory_space<vmem>>, vector<16xi32>,
        %swap3A_251 = vector.shape_cast %swap3A_250 : vector<16xi32> to vector<16xi32>
        %swap3A_252 = vector.shape_cast %get3A_248 : vector<16xi32> to vector<16xi32>
        tpu.vector_store %arg8[%swap3A_249], %swap3A_252 {strides = array<i32>} : memref<128xi32, #tpu.memory_space<vmem>>, vector<16xi32>,
        %mul3A_253 = arith.constant 128 : i32
        %mul3A_254 = arith.muli %add3A_149, %mul3A_253 : i32
        %add3A_255 = arith.constant 64 : i32
        %add3A_256 = arith.addi %mul3A_254, %add3A_255 : i32
        %get3A_257 = arith.index_cast %add3A_256 : i32 to index
        %get3A_258 = tpu.vector_load %arg6[%get3A_257] {strides = array<i32>} : memref<10112xi32, #tpu.memory_space<vmem>>, vector<16xi32>,
        %get3A_259 = vector.shape_cast %get3A_258 : vector<16xi32> to vector<16xi32>
        %swap3A_260 = arith.constant 64 : index
        %swap3A_261 = tpu.vector_load %arg8[%swap3A_260] {strides = array<i32>} : memref<128xi32, #tpu.memory_space<vmem>>, vector<16xi32>,
        %swap3A_262 = vector.shape_cast %swap3A_261 : vector<16xi32> to vector<16xi32>
        %swap3A_263 = vector.shape_cast %get3A_259 : vector<16xi32> to vector<16xi32>
        tpu.vector_store %arg8[%swap3A_260], %swap3A_263 {strides = array<i32>} : memref<128xi32, #tpu.memory_space<vmem>>, vector<16xi32>,
        %mul3A_264 = arith.constant 128 : i32
        %mul3A_265 = arith.muli %add3A_149, %mul3A_264 : i32
        %add3A_266 = arith.constant 80 : i32
        %add3A_267 = arith.addi %mul3A_265, %add3A_266 : i32
        %get3A_268 = arith.index_cast %add3A_267 : i32 to index
        %get3A_269 = tpu.vector_load %arg6[%get3A_268] {strides = array<i32>} : memref<10112xi32, #tpu.memory_space<vmem>>, vector<16xi32>,
        %get3A_270 = vector.shape_cast %get3A_269 : vector<16xi32> to vector<16xi32>
        %swap3A_271 = arith.constant 80 : index
        %swap3A_272 = tpu.vector_load %arg8[%swap3A_271] {strides = array<i32>} : memref<128xi32, #tpu.memory_space<vmem>>, vector<16xi32>,
        %swap3A_273 = vector.shape_cast %swap3A_272 : vector<16xi32> to vector<16xi32>
        %swap3A_274 = vector.shape_cast %get3A_270 : vector<16xi32> to vector<16xi32>
        tpu.vector_store %arg8[%swap3A_271], %swap3A_274 {strides = array<i32>} : memref<128xi32, #tpu.memory_space<vmem>>, vector<16xi32>,
        %mul3A_275 = arith.constant 128 : i32
        %mul3A_276 = arith.muli %add3A_149, %mul3A_275 : i32
        %add3A_277 = arith.constant 96 : i32
        %add3A_278 = arith.addi %mul3A_276, %add3A_277 : i32
        %get3A_279 = arith.index_cast %add3A_278 : i32 to index
        %get3A_280 = tpu.vector_load %arg6[%get3A_279] {strides = array<i32>} : memref<10112xi32, #tpu.memory_space<vmem>>, vector<16xi32>,
        %get3A_281 = vector.shape_cast %get3A_280 : vector<16xi32> to vector<16xi32>
        %swap3A_282 = arith.constant 96 : index
        %swap3A_283 = tpu.vector_load %arg8[%swap3A_282] {strides = array<i32>} : memref<128xi32, #tpu.memory_space<vmem>>, vector<16xi32>,
        %swap3A_284 = vector.shape_cast %swap3A_283 : vector<16xi32> to vector<16xi32>
        %swap3A_285 = vector.shape_cast %get3A_281 : vector<16xi32> to vector<16xi32>
        tpu.vector_store %arg8[%swap3A_282], %swap3A_285 {strides = array<i32>} : memref<128xi32, #tpu.memory_space<vmem>>, vector<16xi32>,
        %mul3A_286 = arith.constant 128 : i32
        %mul3A_287 = arith.muli %add3A_149, %mul3A_286 : i32
        %add3A_288 = arith.constant 112 : i32
        %add3A_289 = arith.addi %mul3A_287, %add3A_288 : i32
        %get3A_290 = arith.index_cast %add3A_289 : i32 to index
        %get3A_291 = tpu.vector_load %arg6[%get3A_290] {strides = array<i32>} : memref<10112xi32, #tpu.memory_space<vmem>>, vector<16xi32>,
        %get3A_292 = vector.shape_cast %get3A_291 : vector<16xi32> to vector<16xi32>
        %swap3A_293 = arith.constant 112 : index
        %swap3A_294 = tpu.vector_load %arg8[%swap3A_293] {strides = array<i32>} : memref<128xi32, #tpu.memory_space<vmem>>, vector<16xi32>,
        %swap3A_295 = vector.shape_cast %swap3A_294 : vector<16xi32> to vector<16xi32>
        %swap3A_296 = vector.shape_cast %get3A_292 : vector<16xi32> to vector<16xi32>
        tpu.vector_store %arg8[%swap3A_293], %swap3A_296 {strides = array<i32>} : memref<128xi32, #tpu.memory_space<vmem>>, vector<16xi32>,
        %dma_start3A = arith.constant 0 : i32
        %dma_start3A_297 = tpu.memref_slice %arg13[%dma_start3A] : memref<10240xf32, #tpu.memory_space<vmem_shared>> -> memref<10240xf32, #tpu.memory_space<vmem_shared>>
        tpu.enqueue_indirect_dma source(%arg12 : memref<128xf32, #tpu.memory_space<vmem>>) target(%dma_start3A_297 : memref<10240xf32, #tpu.memory_space<vmem_shared>>) offsets(%arg8 : memref<128xi32, #tpu.memory_space<vmem>>) semaphore(%arg14 : memref<!tpu.dma_semaphore, #tpu.memory_space<semaphore_mem>>) {add = true}
      } else {
      }
      %mul3A_154 = arith.constant 4 : i32
      %mul3A_155 = arith.muli %add3A_145, %mul3A_154 : i32
      %add3A_156 = arith.constant 1 : i32
      %add3A_157 = arith.addi %mul3A_155, %add3A_156 : i32
      %lt3A_158 = arith.cmpi slt, %add3A_157, %select_n3A : i32
      %convert_element_type3A_159 = arith.extui %lt3A_158 : i1 to i32
      %cond3A_160 = arith.constant 0 : i32
      %cond3A_161 = arith.cmpi ne, %convert_element_type3A_159, %cond3A_160 : i32
      scf.if %cond3A_161 {
        %mul3A_210 = arith.constant 128 : i32
        %mul3A_211 = arith.muli %add3A_157, %mul3A_210 : i32
        %add3A_212 = arith.constant 0 : i32
        %add3A_213 = arith.addi %mul3A_211, %add3A_212 : i32
        %get3A = arith.index_cast %add3A_213 : i32 to index
        %get3A_214 = tpu.vector_load %arg6[%get3A] {strides = array<i32>} : memref<10112xi32, #tpu.memory_space<vmem>>, vector<16xi32>,
        %get3A_215 = vector.shape_cast %get3A_214 : vector<16xi32> to vector<16xi32>
        %swap3A_216 = arith.constant 0 : index
        %swap3A_217 = tpu.vector_load %arg9[%swap3A_216] {strides = array<i32>} : memref<128xi32, #tpu.memory_space<vmem>>, vector<16xi32>,
        %swap3A_218 = vector.shape_cast %swap3A_217 : vector<16xi32> to vector<16xi32>
        %swap3A_219 = vector.shape_cast %get3A_215 : vector<16xi32> to vector<16xi32>
        tpu.vector_store %arg9[%swap3A_216], %swap3A_219 {strides = array<i32>} : memref<128xi32, #tpu.memory_space<vmem>>, vector<16xi32>,
        %mul3A_220 = arith.constant 128 : i32
        %mul3A_221 = arith.muli %add3A_157, %mul3A_220 : i32
        %add3A_222 = arith.constant 16 : i32
        %add3A_223 = arith.addi %mul3A_221, %add3A_222 : i32
        %get3A_224 = arith.index_cast %add3A_223 : i32 to index
        %get3A_225 = tpu.vector_load %arg6[%get3A_224] {strides = array<i32>} : memref<10112xi32, #tpu.memory_space<vmem>>, vector<16xi32>,
        %get3A_226 = vector.shape_cast %get3A_225 : vector<16xi32> to vector<16xi32>
        %swap3A_227 = arith.constant 16 : index
        %swap3A_228 = tpu.vector_load %arg9[%swap3A_227] {strides = array<i32>} : memref<128xi32, #tpu.memory_space<vmem>>, vector<16xi32>,
        %swap3A_229 = vector.shape_cast %swap3A_228 : vector<16xi32> to vector<16xi32>
        %swap3A_230 = vector.shape_cast %get3A_226 : vector<16xi32> to vector<16xi32>
        tpu.vector_store %arg9[%swap3A_227], %swap3A_230 {strides = array<i32>} : memref<128xi32, #tpu.memory_space<vmem>>, vector<16xi32>,
        %mul3A_231 = arith.constant 128 : i32
        %mul3A_232 = arith.muli %add3A_157, %mul3A_231 : i32
        %add3A_233 = arith.constant 32 : i32
        %add3A_234 = arith.addi %mul3A_232, %add3A_233 : i32
        %get3A_235 = arith.index_cast %add3A_234 : i32 to index
        %get3A_236 = tpu.vector_load %arg6[%get3A_235] {strides = array<i32>} : memref<10112xi32, #tpu.memory_space<vmem>>, vector<16xi32>,
        %get3A_237 = vector.shape_cast %get3A_236 : vector<16xi32> to vector<16xi32>
        %swap3A_238 = arith.constant 32 : index
        %swap3A_239 = tpu.vector_load %arg9[%swap3A_238] {strides = array<i32>} : memref<128xi32, #tpu.memory_space<vmem>>, vector<16xi32>,
        %swap3A_240 = vector.shape_cast %swap3A_239 : vector<16xi32> to vector<16xi32>
        %swap3A_241 = vector.shape_cast %get3A_237 : vector<16xi32> to vector<16xi32>
        tpu.vector_store %arg9[%swap3A_238], %swap3A_241 {strides = array<i32>} : memref<128xi32, #tpu.memory_space<vmem>>, vector<16xi32>,
        %mul3A_242 = arith.constant 128 : i32
        %mul3A_243 = arith.muli %add3A_157, %mul3A_242 : i32
        %add3A_244 = arith.constant 48 : i32
        %add3A_245 = arith.addi %mul3A_243, %add3A_244 : i32
        %get3A_246 = arith.index_cast %add3A_245 : i32 to index
        %get3A_247 = tpu.vector_load %arg6[%get3A_246] {strides = array<i32>} : memref<10112xi32, #tpu.memory_space<vmem>>, vector<16xi32>,
        %get3A_248 = vector.shape_cast %get3A_247 : vector<16xi32> to vector<16xi32>
        %swap3A_249 = arith.constant 48 : index
        %swap3A_250 = tpu.vector_load %arg9[%swap3A_249] {strides = array<i32>} : memref<128xi32, #tpu.memory_space<vmem>>, vector<16xi32>,
        %swap3A_251 = vector.shape_cast %swap3A_250 : vector<16xi32> to vector<16xi32>
        %swap3A_252 = vector.shape_cast %get3A_248 : vector<16xi32> to vector<16xi32>
        tpu.vector_store %arg9[%swap3A_249], %swap3A_252 {strides = array<i32>} : memref<128xi32, #tpu.memory_space<vmem>>, vector<16xi32>,
        %mul3A_253 = arith.constant 128 : i32
        %mul3A_254 = arith.muli %add3A_157, %mul3A_253 : i32
        %add3A_255 = arith.constant 64 : i32
        %add3A_256 = arith.addi %mul3A_254, %add3A_255 : i32
        %get3A_257 = arith.index_cast %add3A_256 : i32 to index
        %get3A_258 = tpu.vector_load %arg6[%get3A_257] {strides = array<i32>} : memref<10112xi32, #tpu.memory_space<vmem>>, vector<16xi32>,
        %get3A_259 = vector.shape_cast %get3A_258 : vector<16xi32> to vector<16xi32>
        %swap3A_260 = arith.constant 64 : index
        %swap3A_261 = tpu.vector_load %arg9[%swap3A_260] {strides = array<i32>} : memref<128xi32, #tpu.memory_space<vmem>>, vector<16xi32>,
        %swap3A_262 = vector.shape_cast %swap3A_261 : vector<16xi32> to vector<16xi32>
        %swap3A_263 = vector.shape_cast %get3A_259 : vector<16xi32> to vector<16xi32>
        tpu.vector_store %arg9[%swap3A_260], %swap3A_263 {strides = array<i32>} : memref<128xi32, #tpu.memory_space<vmem>>, vector<16xi32>,
        %mul3A_264 = arith.constant 128 : i32
        %mul3A_265 = arith.muli %add3A_157, %mul3A_264 : i32
        %add3A_266 = arith.constant 80 : i32
        %add3A_267 = arith.addi %mul3A_265, %add3A_266 : i32
        %get3A_268 = arith.index_cast %add3A_267 : i32 to index
        %get3A_269 = tpu.vector_load %arg6[%get3A_268] {strides = array<i32>} : memref<10112xi32, #tpu.memory_space<vmem>>, vector<16xi32>,
        %get3A_270 = vector.shape_cast %get3A_269 : vector<16xi32> to vector<16xi32>
        %swap3A_271 = arith.constant 80 : index
        %swap3A_272 = tpu.vector_load %arg9[%swap3A_271] {strides = array<i32>} : memref<128xi32, #tpu.memory_space<vmem>>, vector<16xi32>,
        %swap3A_273 = vector.shape_cast %swap3A_272 : vector<16xi32> to vector<16xi32>
        %swap3A_274 = vector.shape_cast %get3A_270 : vector<16xi32> to vector<16xi32>
        tpu.vector_store %arg9[%swap3A_271], %swap3A_274 {strides = array<i32>} : memref<128xi32, #tpu.memory_space<vmem>>, vector<16xi32>,
        %mul3A_275 = arith.constant 128 : i32
        %mul3A_276 = arith.muli %add3A_157, %mul3A_275 : i32
        %add3A_277 = arith.constant 96 : i32
        %add3A_278 = arith.addi %mul3A_276, %add3A_277 : i32
        %get3A_279 = arith.index_cast %add3A_278 : i32 to index
        %get3A_280 = tpu.vector_load %arg6[%get3A_279] {strides = array<i32>} : memref<10112xi32, #tpu.memory_space<vmem>>, vector<16xi32>,
        %get3A_281 = vector.shape_cast %get3A_280 : vector<16xi32> to vector<16xi32>
        %swap3A_282 = arith.constant 96 : index
        %swap3A_283 = tpu.vector_load %arg9[%swap3A_282] {strides = array<i32>} : memref<128xi32, #tpu.memory_space<vmem>>, vector<16xi32>,
        %swap3A_284 = vector.shape_cast %swap3A_283 : vector<16xi32> to vector<16xi32>
        %swap3A_285 = vector.shape_cast %get3A_281 : vector<16xi32> to vector<16xi32>
        tpu.vector_store %arg9[%swap3A_282], %swap3A_285 {strides = array<i32>} : memref<128xi32, #tpu.memory_space<vmem>>, vector<16xi32>,
        %mul3A_286 = arith.constant 128 : i32
        %mul3A_287 = arith.muli %add3A_157, %mul3A_286 : i32
        %add3A_288 = arith.constant 112 : i32
        %add3A_289 = arith.addi %mul3A_287, %add3A_288 : i32
        %get3A_290 = arith.index_cast %add3A_289 : i32 to index
        %get3A_291 = tpu.vector_load %arg6[%get3A_290] {strides = array<i32>} : memref<10112xi32, #tpu.memory_space<vmem>>, vector<16xi32>,
        %get3A_292 = vector.shape_cast %get3A_291 : vector<16xi32> to vector<16xi32>
        %swap3A_293 = arith.constant 112 : index
        %swap3A_294 = tpu.vector_load %arg9[%swap3A_293] {strides = array<i32>} : memref<128xi32, #tpu.memory_space<vmem>>, vector<16xi32>,
        %swap3A_295 = vector.shape_cast %swap3A_294 : vector<16xi32> to vector<16xi32>
        %swap3A_296 = vector.shape_cast %get3A_292 : vector<16xi32> to vector<16xi32>
        tpu.vector_store %arg9[%swap3A_293], %swap3A_296 {strides = array<i32>} : memref<128xi32, #tpu.memory_space<vmem>>, vector<16xi32>,
        %dma_start3A = arith.constant 0 : i32
        %dma_start3A_297 = tpu.memref_slice %arg13[%dma_start3A] : memref<10240xf32, #tpu.memory_space<vmem_shared>> -> memref<10240xf32, #tpu.memory_space<vmem_shared>>
        tpu.enqueue_indirect_dma source(%arg12 : memref<128xf32, #tpu.memory_space<vmem>>) target(%dma_start3A_297 : memref<10240xf32, #tpu.memory_space<vmem_shared>>) offsets(%arg9 : memref<128xi32, #tpu.memory_space<vmem>>) semaphore(%arg14 : memref<!tpu.dma_semaphore, #tpu.memory_space<semaphore_mem>>) {add = true}
      } else {
      }
      %mul3A_162 = arith.constant 4 : i32
      %mul3A_163 = arith.muli %add3A_145, %mul3A_162 : i32
      %add3A_164 = arith.constant 2 : i32
      %add3A_165 = arith.addi %mul3A_163, %add3A_164 : i32
      %lt3A_166 = arith.cmpi slt, %add3A_165, %select_n3A : i32
      %convert_element_type3A_167 = arith.extui %lt3A_166 : i1 to i32
      %cond3A_168 = arith.constant 0 : i32
      %cond3A_169 = arith.cmpi ne, %convert_element_type3A_167, %cond3A_168 : i32
      scf.if %cond3A_169 {
        %mul3A_210 = arith.constant 128 : i32
        %mul3A_211 = arith.muli %add3A_165, %mul3A_210 : i32
        %add3A_212 = arith.constant 0 : i32
        %add3A_213 = arith.addi %mul3A_211, %add3A_212 : i32
        %get3A = arith.index_cast %add3A_213 : i32 to index
        %get3A_214 = tpu.vector_load %arg6[%get3A] {strides = array<i32>} : memref<10112xi32, #tpu.memory_space<vmem>>, vector<16xi32>,
        %get3A_215 = vector.shape_cast %get3A_214 : vector<16xi32> to vector<16xi32>
        %swap3A_216 = arith.constant 0 : index
        %swap3A_217 = tpu.vector_load %arg10[%swap3A_216] {strides = array<i32>} : memref<128xi32, #tpu.memory_space<vmem>>, vector<16xi32>,
        %swap3A_218 = vector.shape_cast %swap3A_217 : vector<16xi32> to vector<16xi32>
        %swap3A_219 = vector.shape_cast %get3A_215 : vector<16xi32> to vector<16xi32>
        tpu.vector_store %arg10[%swap3A_216], %swap3A_219 {strides = array<i32>} : memref<128xi32, #tpu.memory_space<vmem>>, vector<16xi32>,
        %mul3A_220 = arith.constant 128 : i32
        %mul3A_221 = arith.muli %add3A_165, %mul3A_220 : i32
        %add3A_222 = arith.constant 16 : i32
        %add3A_223 = arith.addi %mul3A_221, %add3A_222 : i32
        %get3A_224 = arith.index_cast %add3A_223 : i32 to index
        %get3A_225 = tpu.vector_load %arg6[%get3A_224] {strides = array<i32>} : memref<10112xi32, #tpu.memory_space<vmem>>, vector<16xi32>,
        %get3A_226 = vector.shape_cast %get3A_225 : vector<16xi32> to vector<16xi32>
        %swap3A_227 = arith.constant 16 : index
        %swap3A_228 = tpu.vector_load %arg10[%swap3A_227] {strides = array<i32>} : memref<128xi32, #tpu.memory_space<vmem>>, vector<16xi32>,
        %swap3A_229 = vector.shape_cast %swap3A_228 : vector<16xi32> to vector<16xi32>
        %swap3A_230 = vector.shape_cast %get3A_226 : vector<16xi32> to vector<16xi32>
        tpu.vector_store %arg10[%swap3A_227], %swap3A_230 {strides = array<i32>} : memref<128xi32, #tpu.memory_space<vmem>>, vector<16xi32>,
        %mul3A_231 = arith.constant 128 : i32
        %mul3A_232 = arith.muli %add3A_165, %mul3A_231 : i32
        %add3A_233 = arith.constant 32 : i32
        %add3A_234 = arith.addi %mul3A_232, %add3A_233 : i32
        %get3A_235 = arith.index_cast %add3A_234 : i32 to index
        %get3A_236 = tpu.vector_load %arg6[%get3A_235] {strides = array<i32>} : memref<10112xi32, #tpu.memory_space<vmem>>, vector<16xi32>,
        %get3A_237 = vector.shape_cast %get3A_236 : vector<16xi32> to vector<16xi32>
        %swap3A_238 = arith.constant 32 : index
        %swap3A_239 = tpu.vector_load %arg10[%swap3A_238] {strides = array<i32>} : memref<128xi32, #tpu.memory_space<vmem>>, vector<16xi32>,
        %swap3A_240 = vector.shape_cast %swap3A_239 : vector<16xi32> to vector<16xi32>
        %swap3A_241 = vector.shape_cast %get3A_237 : vector<16xi32> to vector<16xi32>
        tpu.vector_store %arg10[%swap3A_238], %swap3A_241 {strides = array<i32>} : memref<128xi32, #tpu.memory_space<vmem>>, vector<16xi32>,
        %mul3A_242 = arith.constant 128 : i32
        %mul3A_243 = arith.muli %add3A_165, %mul3A_242 : i32
        %add3A_244 = arith.constant 48 : i32
        %add3A_245 = arith.addi %mul3A_243, %add3A_244 : i32
        %get3A_246 = arith.index_cast %add3A_245 : i32 to index
        %get3A_247 = tpu.vector_load %arg6[%get3A_246] {strides = array<i32>} : memref<10112xi32, #tpu.memory_space<vmem>>, vector<16xi32>,
        %get3A_248 = vector.shape_cast %get3A_247 : vector<16xi32> to vector<16xi32>
        %swap3A_249 = arith.constant 48 : index
        %swap3A_250 = tpu.vector_load %arg10[%swap3A_249] {strides = array<i32>} : memref<128xi32, #tpu.memory_space<vmem>>, vector<16xi32>,
        %swap3A_251 = vector.shape_cast %swap3A_250 : vector<16xi32> to vector<16xi32>
        %swap3A_252 = vector.shape_cast %get3A_248 : vector<16xi32> to vector<16xi32>
        tpu.vector_store %arg10[%swap3A_249], %swap3A_252 {strides = array<i32>} : memref<128xi32, #tpu.memory_space<vmem>>, vector<16xi32>,
        %mul3A_253 = arith.constant 128 : i32
        %mul3A_254 = arith.muli %add3A_165, %mul3A_253 : i32
        %add3A_255 = arith.constant 64 : i32
        %add3A_256 = arith.addi %mul3A_254, %add3A_255 : i32
        %get3A_257 = arith.index_cast %add3A_256 : i32 to index
        %get3A_258 = tpu.vector_load %arg6[%get3A_257] {strides = array<i32>} : memref<10112xi32, #tpu.memory_space<vmem>>, vector<16xi32>,
        %get3A_259 = vector.shape_cast %get3A_258 : vector<16xi32> to vector<16xi32>
        %swap3A_260 = arith.constant 64 : index
        %swap3A_261 = tpu.vector_load %arg10[%swap3A_260] {strides = array<i32>} : memref<128xi32, #tpu.memory_space<vmem>>, vector<16xi32>,
        %swap3A_262 = vector.shape_cast %swap3A_261 : vector<16xi32> to vector<16xi32>
        %swap3A_263 = vector.shape_cast %get3A_259 : vector<16xi32> to vector<16xi32>
        tpu.vector_store %arg10[%swap3A_260], %swap3A_263 {strides = array<i32>} : memref<128xi32, #tpu.memory_space<vmem>>, vector<16xi32>,
        %mul3A_264 = arith.constant 128 : i32
        %mul3A_265 = arith.muli %add3A_165, %mul3A_264 : i32
        %add3A_266 = arith.constant 80 : i32
        %add3A_267 = arith.addi %mul3A_265, %add3A_266 : i32
        %get3A_268 = arith.index_cast %add3A_267 : i32 to index
        %get3A_269 = tpu.vector_load %arg6[%get3A_268] {strides = array<i32>} : memref<10112xi32, #tpu.memory_space<vmem>>, vector<16xi32>,
        %get3A_270 = vector.shape_cast %get3A_269 : vector<16xi32> to vector<16xi32>
        %swap3A_271 = arith.constant 80 : index
        %swap3A_272 = tpu.vector_load %arg10[%swap3A_271] {strides = array<i32>} : memref<128xi32, #tpu.memory_space<vmem>>, vector<16xi32>,
        %swap3A_273 = vector.shape_cast %swap3A_272 : vector<16xi32> to vector<16xi32>
        %swap3A_274 = vector.shape_cast %get3A_270 : vector<16xi32> to vector<16xi32>
        tpu.vector_store %arg10[%swap3A_271], %swap3A_274 {strides = array<i32>} : memref<128xi32, #tpu.memory_space<vmem>>, vector<16xi32>,
        %mul3A_275 = arith.constant 128 : i32
        %mul3A_276 = arith.muli %add3A_165, %mul3A_275 : i32
        %add3A_277 = arith.constant 96 : i32
        %add3A_278 = arith.addi %mul3A_276, %add3A_277 : i32
        %get3A_279 = arith.index_cast %add3A_278 : i32 to index
        %get3A_280 = tpu.vector_load %arg6[%get3A_279] {strides = array<i32>} : memref<10112xi32, #tpu.memory_space<vmem>>, vector<16xi32>,
        %get3A_281 = vector.shape_cast %get3A_280 : vector<16xi32> to vector<16xi32>
        %swap3A_282 = arith.constant 96 : index
        %swap3A_283 = tpu.vector_load %arg10[%swap3A_282] {strides = array<i32>} : memref<128xi32, #tpu.memory_space<vmem>>, vector<16xi32>,
        %swap3A_284 = vector.shape_cast %swap3A_283 : vector<16xi32> to vector<16xi32>
        %swap3A_285 = vector.shape_cast %get3A_281 : vector<16xi32> to vector<16xi32>
        tpu.vector_store %arg10[%swap3A_282], %swap3A_285 {strides = array<i32>} : memref<128xi32, #tpu.memory_space<vmem>>, vector<16xi32>,
        %mul3A_286 = arith.constant 128 : i32
        %mul3A_287 = arith.muli %add3A_165, %mul3A_286 : i32
        %add3A_288 = arith.constant 112 : i32
        %add3A_289 = arith.addi %mul3A_287, %add3A_288 : i32
        %get3A_290 = arith.index_cast %add3A_289 : i32 to index
        %get3A_291 = tpu.vector_load %arg6[%get3A_290] {strides = array<i32>} : memref<10112xi32, #tpu.memory_space<vmem>>, vector<16xi32>,
        %get3A_292 = vector.shape_cast %get3A_291 : vector<16xi32> to vector<16xi32>
        %swap3A_293 = arith.constant 112 : index
        %swap3A_294 = tpu.vector_load %arg10[%swap3A_293] {strides = array<i32>} : memref<128xi32, #tpu.memory_space<vmem>>, vector<16xi32>,
        %swap3A_295 = vector.shape_cast %swap3A_294 : vector<16xi32> to vector<16xi32>
        %swap3A_296 = vector.shape_cast %get3A_292 : vector<16xi32> to vector<16xi32>
        tpu.vector_store %arg10[%swap3A_293], %swap3A_296 {strides = array<i32>} : memref<128xi32, #tpu.memory_space<vmem>>, vector<16xi32>,
        %dma_start3A = arith.constant 0 : i32
        %dma_start3A_297 = tpu.memref_slice %arg13[%dma_start3A] : memref<10240xf32, #tpu.memory_space<vmem_shared>> -> memref<10240xf32, #tpu.memory_space<vmem_shared>>
        tpu.enqueue_indirect_dma source(%arg12 : memref<128xf32, #tpu.memory_space<vmem>>) target(%dma_start3A_297 : memref<10240xf32, #tpu.memory_space<vmem_shared>>) offsets(%arg10 : memref<128xi32, #tpu.memory_space<vmem>>) semaphore(%arg14 : memref<!tpu.dma_semaphore, #tpu.memory_space<semaphore_mem>>) {add = true}
      } else {
      }
      %mul3A_170 = arith.constant 4 : i32
      %mul3A_171 = arith.muli %add3A_145, %mul3A_170 : i32
      %add3A_172 = arith.constant 3 : i32
      %add3A_173 = arith.addi %mul3A_171, %add3A_172 : i32
      %lt3A_174 = arith.cmpi slt, %add3A_173, %select_n3A : i32
      %convert_element_type3A_175 = arith.extui %lt3A_174 : i1 to i32
      %cond3A_176 = arith.constant 0 : i32
      %cond3A_177 = arith.cmpi ne, %convert_element_type3A_175, %cond3A_176 : i32
      scf.if %cond3A_177 {
        %mul3A_210 = arith.constant 128 : i32
        %mul3A_211 = arith.muli %add3A_173, %mul3A_210 : i32
        %add3A_212 = arith.constant 0 : i32
        %add3A_213 = arith.addi %mul3A_211, %add3A_212 : i32
        %get3A = arith.index_cast %add3A_213 : i32 to index
        %get3A_214 = tpu.vector_load %arg6[%get3A] {strides = array<i32>} : memref<10112xi32, #tpu.memory_space<vmem>>, vector<16xi32>,
        %get3A_215 = vector.shape_cast %get3A_214 : vector<16xi32> to vector<16xi32>
        %swap3A_216 = arith.constant 0 : index
        %swap3A_217 = tpu.vector_load %arg11[%swap3A_216] {strides = array<i32>} : memref<128xi32, #tpu.memory_space<vmem>>, vector<16xi32>,
        %swap3A_218 = vector.shape_cast %swap3A_217 : vector<16xi32> to vector<16xi32>
        %swap3A_219 = vector.shape_cast %get3A_215 : vector<16xi32> to vector<16xi32>
        tpu.vector_store %arg11[%swap3A_216], %swap3A_219 {strides = array<i32>} : memref<128xi32, #tpu.memory_space<vmem>>, vector<16xi32>,
        %mul3A_220 = arith.constant 128 : i32
        %mul3A_221 = arith.muli %add3A_173, %mul3A_220 : i32
        %add3A_222 = arith.constant 16 : i32
        %add3A_223 = arith.addi %mul3A_221, %add3A_222 : i32
        %get3A_224 = arith.index_cast %add3A_223 : i32 to index
        %get3A_225 = tpu.vector_load %arg6[%get3A_224] {strides = array<i32>} : memref<10112xi32, #tpu.memory_space<vmem>>, vector<16xi32>,
        %get3A_226 = vector.shape_cast %get3A_225 : vector<16xi32> to vector<16xi32>
        %swap3A_227 = arith.constant 16 : index
        %swap3A_228 = tpu.vector_load %arg11[%swap3A_227] {strides = array<i32>} : memref<128xi32, #tpu.memory_space<vmem>>, vector<16xi32>,
        %swap3A_229 = vector.shape_cast %swap3A_228 : vector<16xi32> to vector<16xi32>
        %swap3A_230 = vector.shape_cast %get3A_226 : vector<16xi32> to vector<16xi32>
        tpu.vector_store %arg11[%swap3A_227], %swap3A_230 {strides = array<i32>} : memref<128xi32, #tpu.memory_space<vmem>>, vector<16xi32>,
        %mul3A_231 = arith.constant 128 : i32
        %mul3A_232 = arith.muli %add3A_173, %mul3A_231 : i32
        %add3A_233 = arith.constant 32 : i32
        %add3A_234 = arith.addi %mul3A_232, %add3A_233 : i32
        %get3A_235 = arith.index_cast %add3A_234 : i32 to index
        %get3A_236 = tpu.vector_load %arg6[%get3A_235] {strides = array<i32>} : memref<10112xi32, #tpu.memory_space<vmem>>, vector<16xi32>,
        %get3A_237 = vector.shape_cast %get3A_236 : vector<16xi32> to vector<16xi32>
        %swap3A_238 = arith.constant 32 : index
        %swap3A_239 = tpu.vector_load %arg11[%swap3A_238] {strides = array<i32>} : memref<128xi32, #tpu.memory_space<vmem>>, vector<16xi32>,
        %swap3A_240 = vector.shape_cast %swap3A_239 : vector<16xi32> to vector<16xi32>
        %swap3A_241 = vector.shape_cast %get3A_237 : vector<16xi32> to vector<16xi32>
        tpu.vector_store %arg11[%swap3A_238], %swap3A_241 {strides = array<i32>} : memref<128xi32, #tpu.memory_space<vmem>>, vector<16xi32>,
        %mul3A_242 = arith.constant 128 : i32
        %mul3A_243 = arith.muli %add3A_173, %mul3A_242 : i32
        %add3A_244 = arith.constant 48 : i32
        %add3A_245 = arith.addi %mul3A_243, %add3A_244 : i32
        %get3A_246 = arith.index_cast %add3A_245 : i32 to index
        %get3A_247 = tpu.vector_load %arg6[%get3A_246] {strides = array<i32>} : memref<10112xi32, #tpu.memory_space<vmem>>, vector<16xi32>,
        %get3A_248 = vector.shape_cast %get3A_247 : vector<16xi32> to vector<16xi32>
        %swap3A_249 = arith.constant 48 : index
        %swap3A_250 = tpu.vector_load %arg11[%swap3A_249] {strides = array<i32>} : memref<128xi32, #tpu.memory_space<vmem>>, vector<16xi32>,
        %swap3A_251 = vector.shape_cast %swap3A_250 : vector<16xi32> to vector<16xi32>
        %swap3A_252 = vector.shape_cast %get3A_248 : vector<16xi32> to vector<16xi32>
        tpu.vector_store %arg11[%swap3A_249], %swap3A_252 {strides = array<i32>} : memref<128xi32, #tpu.memory_space<vmem>>, vector<16xi32>,
        %mul3A_253 = arith.constant 128 : i32
        %mul3A_254 = arith.muli %add3A_173, %mul3A_253 : i32
        %add3A_255 = arith.constant 64 : i32
        %add3A_256 = arith.addi %mul3A_254, %add3A_255 : i32
        %get3A_257 = arith.index_cast %add3A_256 : i32 to index
        %get3A_258 = tpu.vector_load %arg6[%get3A_257] {strides = array<i32>} : memref<10112xi32, #tpu.memory_space<vmem>>, vector<16xi32>,
        %get3A_259 = vector.shape_cast %get3A_258 : vector<16xi32> to vector<16xi32>
        %swap3A_260 = arith.constant 64 : index
        %swap3A_261 = tpu.vector_load %arg11[%swap3A_260] {strides = array<i32>} : memref<128xi32, #tpu.memory_space<vmem>>, vector<16xi32>,
        %swap3A_262 = vector.shape_cast %swap3A_261 : vector<16xi32> to vector<16xi32>
        %swap3A_263 = vector.shape_cast %get3A_259 : vector<16xi32> to vector<16xi32>
        tpu.vector_store %arg11[%swap3A_260], %swap3A_263 {strides = array<i32>} : memref<128xi32, #tpu.memory_space<vmem>>, vector<16xi32>,
        %mul3A_264 = arith.constant 128 : i32
        %mul3A_265 = arith.muli %add3A_173, %mul3A_264 : i32
        %add3A_266 = arith.constant 80 : i32
        %add3A_267 = arith.addi %mul3A_265, %add3A_266 : i32
        %get3A_268 = arith.index_cast %add3A_267 : i32 to index
        %get3A_269 = tpu.vector_load %arg6[%get3A_268] {strides = array<i32>} : memref<10112xi32, #tpu.memory_space<vmem>>, vector<16xi32>,
        %get3A_270 = vector.shape_cast %get3A_269 : vector<16xi32> to vector<16xi32>
        %swap3A_271 = arith.constant 80 : index
        %swap3A_272 = tpu.vector_load %arg11[%swap3A_271] {strides = array<i32>} : memref<128xi32, #tpu.memory_space<vmem>>, vector<16xi32>,
        %swap3A_273 = vector.shape_cast %swap3A_272 : vector<16xi32> to vector<16xi32>
        %swap3A_274 = vector.shape_cast %get3A_270 : vector<16xi32> to vector<16xi32>
        tpu.vector_store %arg11[%swap3A_271], %swap3A_274 {strides = array<i32>} : memref<128xi32, #tpu.memory_space<vmem>>, vector<16xi32>,
        %mul3A_275 = arith.constant 128 : i32
        %mul3A_276 = arith.muli %add3A_173, %mul3A_275 : i32
        %add3A_277 = arith.constant 96 : i32
        %add3A_278 = arith.addi %mul3A_276, %add3A_277 : i32
        %get3A_279 = arith.index_cast %add3A_278 : i32 to index
        %get3A_280 = tpu.vector_load %arg6[%get3A_279] {strides = array<i32>} : memref<10112xi32, #tpu.memory_space<vmem>>, vector<16xi32>,
        %get3A_281 = vector.shape_cast %get3A_280 : vector<16xi32> to vector<16xi32>
        %swap3A_282 = arith.constant 96 : index
        %swap3A_283 = tpu.vector_load %arg11[%swap3A_282] {strides = array<i32>} : memref<128xi32, #tpu.memory_space<vmem>>, vector<16xi32>,
        %swap3A_284 = vector.shape_cast %swap3A_283 : vector<16xi32> to vector<16xi32>
        %swap3A_285 = vector.shape_cast %get3A_281 : vector<16xi32> to vector<16xi32>
        tpu.vector_store %arg11[%swap3A_282], %swap3A_285 {strides = array<i32>} : memref<128xi32, #tpu.memory_space<vmem>>, vector<16xi32>,
        %mul3A_286 = arith.constant 128 : i32
        %mul3A_287 = arith.muli %add3A_173, %mul3A_286 : i32
        %add3A_288 = arith.constant 112 : i32
        %add3A_289 = arith.addi %mul3A_287, %add3A_288 : i32
        %get3A_290 = arith.index_cast %add3A_289 : i32 to index
        %get3A_291 = tpu.vector_load %arg6[%get3A_290] {strides = array<i32>} : memref<10112xi32, #tpu.memory_space<vmem>>, vector<16xi32>,
        %get3A_292 = vector.shape_cast %get3A_291 : vector<16xi32> to vector<16xi32>
        %swap3A_293 = arith.constant 112 : index
        %swap3A_294 = tpu.vector_load %arg11[%swap3A_293] {strides = array<i32>} : memref<128xi32, #tpu.memory_space<vmem>>, vector<16xi32>,
        %swap3A_295 = vector.shape_cast %swap3A_294 : vector<16xi32> to vector<16xi32>
        %swap3A_296 = vector.shape_cast %get3A_292 : vector<16xi32> to vector<16xi32>
        tpu.vector_store %arg11[%swap3A_293], %swap3A_296 {strides = array<i32>} : memref<128xi32, #tpu.memory_space<vmem>>, vector<16xi32>,
        %dma_start3A = arith.constant 0 : i32
        %dma_start3A_297 = tpu.memref_slice %arg13[%dma_start3A] : memref<10240xf32, #tpu.memory_space<vmem_shared>> -> memref<10240xf32, #tpu.memory_space<vmem_shared>>
        tpu.enqueue_indirect_dma source(%arg12 : memref<128xf32, #tpu.memory_space<vmem>>) target(%dma_start3A_297 : memref<10240xf32, #tpu.memory_space<vmem_shared>>) offsets(%arg11 : memref<128xi32, #tpu.memory_space<vmem>>) semaphore(%arg14 : memref<!tpu.dma_semaphore, #tpu.memory_space<semaphore_mem>>) {add = true}
      } else {
      }
      %mul3A_178 = arith.constant 4 : i32
      %mul3A_179 = arith.muli %add3A_145, %mul3A_178 : i32
      %add3A_180 = arith.constant 0 : i32
      %add3A_181 = arith.addi %mul3A_179, %add3A_180 : i32
      %lt3A_182 = arith.cmpi slt, %add3A_181, %select_n3A : i32
      %convert_element_type3A_183 = arith.extui %lt3A_182 : i1 to i32
      %cond3A_184 = arith.constant 0 : i32
      %cond3A_185 = arith.cmpi ne, %convert_element_type3A_183, %cond3A_184 : i32
      scf.if %cond3A_185 {
        %dma_wait3A = arith.constant 0 : i32
        %dma_wait3A_210 = tpu.memref_slice %arg13[%dma_wait3A] : memref<10240xf32, #tpu.memory_space<vmem_shared>> -> memref<10240xf32, #tpu.memory_space<vmem_shared>>
        tpu.wait_indirect_dma semaphore(%arg14 : memref<!tpu.dma_semaphore, #tpu.memory_space<semaphore_mem>>) src(%arg12 : memref<128xf32, #tpu.memory_space<vmem>>) dst(%dma_wait3A_210 : memref<10240xf32, #tpu.memory_space<vmem_shared>>)
      } else {
      }
      %mul3A_186 = arith.constant 4 : i32
      %mul3A_187 = arith.muli %add3A_145, %mul3A_186 : i32
      %add3A_188 = arith.constant 1 : i32
      %add3A_189 = arith.addi %mul3A_187, %add3A_188 : i32
      %lt3A_190 = arith.cmpi slt, %add3A_189, %select_n3A : i32
      %convert_element_type3A_191 = arith.extui %lt3A_190 : i1 to i32
      %cond3A_192 = arith.constant 0 : i32
      %cond3A_193 = arith.cmpi ne, %convert_element_type3A_191, %cond3A_192 : i32
      scf.if %cond3A_193 {
        %dma_wait3A = arith.constant 0 : i32
        %dma_wait3A_210 = tpu.memref_slice %arg13[%dma_wait3A] : memref<10240xf32, #tpu.memory_space<vmem_shared>> -> memref<10240xf32, #tpu.memory_space<vmem_shared>>
        tpu.wait_indirect_dma semaphore(%arg14 : memref<!tpu.dma_semaphore, #tpu.memory_space<semaphore_mem>>) src(%arg12 : memref<128xf32, #tpu.memory_space<vmem>>) dst(%dma_wait3A_210 : memref<10240xf32, #tpu.memory_space<vmem_shared>>)
      } else {
      }
      %mul3A_194 = arith.constant 4 : i32
      %mul3A_195 = arith.muli %add3A_145, %mul3A_194 : i32
      %add3A_196 = arith.constant 2 : i32
      %add3A_197 = arith.addi %mul3A_195, %add3A_196 : i32
      %lt3A_198 = arith.cmpi slt, %add3A_197, %select_n3A : i32
      %convert_element_type3A_199 = arith.extui %lt3A_198 : i1 to i32
      %cond3A_200 = arith.constant 0 : i32
      %cond3A_201 = arith.cmpi ne, %convert_element_type3A_199, %cond3A_200 : i32
      scf.if %cond3A_201 {
        %dma_wait3A = arith.constant 0 : i32
        %dma_wait3A_210 = tpu.memref_slice %arg13[%dma_wait3A] : memref<10240xf32, #tpu.memory_space<vmem_shared>> -> memref<10240xf32, #tpu.memory_space<vmem_shared>>
        tpu.wait_indirect_dma semaphore(%arg14 : memref<!tpu.dma_semaphore, #tpu.memory_space<semaphore_mem>>) src(%arg12 : memref<128xf32, #tpu.memory_space<vmem>>) dst(%dma_wait3A_210 : memref<10240xf32, #tpu.memory_space<vmem_shared>>)
      } else {
      }
      %mul3A_202 = arith.constant 4 : i32
      %mul3A_203 = arith.muli %add3A_145, %mul3A_202 : i32
      %add3A_204 = arith.constant 3 : i32
      %add3A_205 = arith.addi %mul3A_203, %add3A_204 : i32
      %lt3A_206 = arith.cmpi slt, %add3A_205, %select_n3A : i32
      %convert_element_type3A_207 = arith.extui %lt3A_206 : i1 to i32
      %cond3A_208 = arith.constant 0 : i32
      %cond3A_209 = arith.cmpi ne, %convert_element_type3A_207, %cond3A_208 : i32
      scf.if %cond3A_209 {
        %dma_wait3A = arith.constant 0 : i32
        %dma_wait3A_210 = tpu.memref_slice %arg13[%dma_wait3A] : memref<10240xf32, #tpu.memory_space<vmem_shared>> -> memref<10240xf32, #tpu.memory_space<vmem_shared>>
        tpu.wait_indirect_dma semaphore(%arg14 : memref<!tpu.dma_semaphore, #tpu.memory_space<semaphore_mem>>) src(%arg12 : memref<128xf32, #tpu.memory_space<vmem>>) dst(%dma_wait3A_210 : memref<10240xf32, #tpu.memory_space<vmem_shared>>)
      } else {
      }
    }
    %mul3A_110 = arith.constant 8 : i32
    %mul3A_111 = arith.muli %select_n3A, %mul3A_110 : i32
    %sub3A_112 = arith.constant 0 : i32
    %sub3A_113 = arith.subi %mul3A_111, %sub3A_112 : i32
    %sub3A_114 = arith.constant 1 : i32
    %sub3A_115 = arith.constant 1 : i32
    %sub3A_116 = arith.subi %sub3A_114, %sub3A_115 : i32
    %add3A_117 = arith.addi %sub3A_113, %sub3A_116 : i32
    %div3A_118 = arith.constant 1 : i32
    %div3A_119 = arith.divsi %add3A_117, %div3A_118 : i32
    %while3A_120 = arith.constant 1 : i32
    %while3A_121 = arith.constant 0 : i32
    %while3A_122 = arith.constant 0 : i32
    %while3A_123 = arith.subi %div3A_119, %while3A_122 : i32
    %while3A_124 = arith.addi %while3A_122, %while3A_123 : i32
    %while3A_125 = arith.constant 1 : i32
    %while3A_126 = arith.divsi %while3A_123, %while3A_125 : i32
    %while3A_127 = arith.muli %while3A_126, %while3A_125 : i32
    %while3A_128 = arith.addi %while3A_122, %while3A_127 : i32
    %while3A_129 = arith.constant 1 : i32
    scf.for %while3A_143 = %while3A_122 to %while3A_128 step %while3A_129  : i32 {
      %mul3A_144 = arith.muli %while3A_143, %while3A_120 : i32
      %add3A_145 = arith.addi %while3A_121, %mul3A_144 : i32
      %mul3A_146 = arith.constant 16 : i32
      %mul3A_147 = arith.muli %add3A_145, %mul3A_146 : i32
      %get3A = arith.index_cast %mul3A_147 : i32 to index
      %get3A_148 = tpu.vector_load %arg7[%get3A] {strides = array<i32>} : memref<10112xi32, #tpu.memory_space<vmem>>, vector<16xi32>,
      %get3A_149 = vector.shape_cast %get3A_148 : vector<16xi32> to vector<16xi32>
      %get3A_150 = arith.index_cast %mul3A_147 : i32 to index
      %get3A_151 = tpu.vector_load %arg6[%get3A_150] {strides = array<i32>} : memref<10112xi32, #tpu.memory_space<vmem>>, vector<16xi32>,
      %get3A_152 = vector.shape_cast %get3A_151 : vector<16xi32> to vector<16xi32>
      %shift_left3A = arith.constant 16 : i32
      %shift_left3A_153 = vector.broadcast %shift_left3A : i32 to vector<16xi32>
      %shift_left3A_154 = arith.shli %get3A_152, %shift_left3A_153 : vector<16xi32>
      %or3A = arith.ori %get3A_149, %shift_left3A_154 : vector<16xi32>
      %swap3A_155 = arith.index_cast %mul3A_147 : i32 to index
      %swap3A_156 = tpu.vector_load %arg7[%swap3A_155] {strides = array<i32>} : memref<10112xi32, #tpu.memory_space<vmem>>, vector<16xi32>,
      %swap3A_157 = vector.shape_cast %swap3A_156 : vector<16xi32> to vector<16xi32>
      %swap3A_158 = vector.shape_cast %or3A : vector<16xi32> to vector<16xi32>
      tpu.vector_store %arg7[%swap3A_155], %swap3A_158 {strides = array<i32>} : memref<10112xi32, #tpu.memory_space<vmem>>, vector<16xi32>,
    }
    %while3A_130 = arith.constant 1 : i32
    scf.for %while3A_143 = %while3A_128 to %while3A_124 step %while3A_130  : i32 {
      %mul3A_144 = arith.muli %while3A_143, %while3A_120 : i32
      %add3A_145 = arith.addi %while3A_121, %mul3A_144 : i32
      %mul3A_146 = arith.constant 16 : i32
      %mul3A_147 = arith.muli %add3A_145, %mul3A_146 : i32
      %get3A = arith.index_cast %mul3A_147 : i32 to index
      %get3A_148 = tpu.vector_load %arg7[%get3A] {strides = array<i32>} : memref<10112xi32, #tpu.memory_space<vmem>>, vector<16xi32>,
      %get3A_149 = vector.shape_cast %get3A_148 : vector<16xi32> to vector<16xi32>
      %get3A_150 = arith.index_cast %mul3A_147 : i32 to index
      %get3A_151 = tpu.vector_load %arg6[%get3A_150] {strides = array<i32>} : memref<10112xi32, #tpu.memory_space<vmem>>, vector<16xi32>,
      %get3A_152 = vector.shape_cast %get3A_151 : vector<16xi32> to vector<16xi32>
      %shift_left3A = arith.constant 16 : i32
      %shift_left3A_153 = vector.broadcast %shift_left3A : i32 to vector<16xi32>
      %shift_left3A_154 = arith.shli %get3A_152, %shift_left3A_153 : vector<16xi32>
      %or3A = arith.ori %get3A_149, %shift_left3A_154 : vector<16xi32>
      %swap3A_155 = arith.index_cast %mul3A_147 : i32 to index
      %swap3A_156 = tpu.vector_load %arg7[%swap3A_155] {strides = array<i32>} : memref<10112xi32, #tpu.memory_space<vmem>>, vector<16xi32>,
      %swap3A_157 = vector.shape_cast %swap3A_156 : vector<16xi32> to vector<16xi32>
      %swap3A_158 = vector.shape_cast %or3A : vector<16xi32> to vector<16xi32>
      tpu.vector_store %arg7[%swap3A_155], %swap3A_158 {strides = array<i32>} : memref<10112xi32, #tpu.memory_space<vmem>>, vector<16xi32>,
    }
    %mul3A_131 = arith.constant 128 : i32
    %mul3A_132 = arith.muli %add3A_4, %mul3A_131 : i32
    "tpu.region"() ({
      %run_scoped3A_143 = tpu.sem_alloc : memref<!tpu.dma_semaphore, #tpu.memory_space<semaphore_mem>>
      %dma_start3A = arith.constant 0 : i32
      %dma_start3A_144 = tpu.memref_slice %arg7[%dma_start3A] : memref<10112xi32, #tpu.memory_space<vmem>> -> memref<9984xi32, #tpu.memory_space<vmem>>
      %dma_start3A_145 = tpu.memref_slice %arg5[%mul3A_132] : memref<320000xi32, #tpu.memory_space<hbm>> -> memref<9984xi32, #tpu.memory_space<hbm>>
      %dma_start3A_146 = tpu.memref_slice %arg5[%mul3A_132] : memref<320000xi32, #tpu.memory_space<hbm>> -> memref<9984xi32, #tpu.memory_space<hbm>>
      %dma_start3A_147 = arith.constant 0 : i32
      %dma_start3A_148 = tpu.memref_slice %arg7[%dma_start3A_147] : memref<10112xi32, #tpu.memory_space<vmem>> -> memref<9984xi32, #tpu.memory_space<vmem>>
      tpu.enqueue_dma source(%dma_start3A_148 : memref<9984xi32, #tpu.memory_space<vmem>>) target(%dma_start3A_146 : memref<9984xi32, #tpu.memory_space<hbm>>) target_semaphore(%run_scoped3A_143 : memref<!tpu.dma_semaphore, #tpu.memory_space<semaphore_mem>>)
      %dma_wait3A = arith.constant 0 : i32
      %dma_wait3A_149 = tpu.memref_slice %arg7[%dma_wait3A] : memref<10112xi32, #tpu.memory_space<vmem>> -> memref<9984xi32, #tpu.memory_space<vmem>>
      %dma_wait3A_150 = tpu.memref_slice %arg5[%mul3A_132] : memref<320000xi32, #tpu.memory_space<hbm>> -> memref<9984xi32, #tpu.memory_space<hbm>>
      %dma_wait3A_151 = tpu.memref_slice %arg5[%mul3A_132] : memref<320000xi32, #tpu.memory_space<hbm>> -> memref<9984xi32, #tpu.memory_space<hbm>>
      %dma_wait3A_152 = arith.constant 0 : i32
      %dma_wait3A_153 = tpu.memref_slice %arg7[%dma_wait3A_152] : memref<10112xi32, #tpu.memory_space<vmem>> -> memref<9984xi32, #tpu.memory_space<vmem>>
      tpu.wait_dma2 semaphore(%run_scoped3A_143 : memref<!tpu.dma_semaphore, #tpu.memory_space<semaphore_mem>>) src(%dma_wait3A_153 : memref<9984xi32, #tpu.memory_space<vmem>>) dst(%dma_wait3A_151 : memref<9984xi32, #tpu.memory_space<hbm>>)
      tpu.yield
    }) : () -> ()
    %lt3A_133 = arith.constant 4 : i32
    %lt3A_134 = arith.cmpi slt, %add3A, %lt3A_133 : i32
    %convert_element_type3A_135 = arith.extui %lt3A_134 : i1 to i32
    %cond3A_136 = arith.constant 0 : i32
    %cond3A_137 = arith.cmpi ne, %convert_element_type3A_135, %cond3A_136 : i32
    scf.if %cond3A_137 {
      %add3A_143 = arith.constant 78 : i32
      %add3A_144 = arith.addi %add3A_4, %add3A_143 : i32
      %mul3A_145 = arith.constant 128 : i32
      %mul3A_146 = arith.muli %add3A_144, %mul3A_145 : i32
      "tpu.region"() ({
        %run_scoped3A_147 = tpu.sem_alloc : memref<!tpu.dma_semaphore, #tpu.memory_space<semaphore_mem>>
        %dma_start3A = arith.constant 9984 : i32
        %dma_start3A_148 = tpu.memref_slice %arg7[%dma_start3A] : memref<10112xi32, #tpu.memory_space<vmem>> -> memref<128xi32, #tpu.memory_space<vmem>>
        %dma_start3A_149 = tpu.memref_slice %arg5[%mul3A_146] : memref<320000xi32, #tpu.memory_space<hbm>> -> memref<128xi32, #tpu.memory_space<hbm>>
        %dma_start3A_150 = tpu.memref_slice %arg5[%mul3A_146] : memref<320000xi32, #tpu.memory_space<hbm>> -> memref<128xi32, #tpu.memory_space<hbm>>
        %dma_start3A_151 = arith.constant 9984 : i32
        %dma_start3A_152 = tpu.memref_slice %arg7[%dma_start3A_151] : memref<10112xi32, #tpu.memory_space<vmem>> -> memref<128xi32, #tpu.memory_space<vmem>>
        tpu.enqueue_dma source(%dma_start3A_152 : memref<128xi32, #tpu.memory_space<vmem>>) target(%dma_start3A_150 : memref<128xi32, #tpu.memory_space<hbm>>) target_semaphore(%run_scoped3A_147 : memref<!tpu.dma_semaphore, #tpu.memory_space<semaphore_mem>>)
        %dma_wait3A = arith.constant 9984 : i32
        %dma_wait3A_153 = tpu.memref_slice %arg7[%dma_wait3A] : memref<10112xi32, #tpu.memory_space<vmem>> -> memref<128xi32, #tpu.memory_space<vmem>>
        %dma_wait3A_154 = tpu.memref_slice %arg5[%mul3A_146] : memref<320000xi32, #tpu.memory_space<hbm>> -> memref<128xi32, #tpu.memory_space<hbm>>
        %dma_wait3A_155 = tpu.memref_slice %arg5[%mul3A_146] : memref<320000xi32, #tpu.memory_space<hbm>> -> memref<128xi32, #tpu.memory_space<hbm>>
        %dma_wait3A_156 = arith.constant 9984 : i32
        %dma_wait3A_157 = tpu.memref_slice %arg7[%dma_wait3A_156] : memref<10112xi32, #tpu.memory_space<vmem>> -> memref<128xi32, #tpu.memory_space<vmem>>
        tpu.wait_dma2 semaphore(%run_scoped3A_147 : memref<!tpu.dma_semaphore, #tpu.memory_space<semaphore_mem>>) src(%dma_wait3A_157 : memref<128xi32, #tpu.memory_space<vmem>>) dst(%dma_wait3A_155 : memref<128xi32, #tpu.memory_space<hbm>>)
        tpu.yield
      }) : () -> ()
    } else {
    }
    %barrier3A_138 = arith.constant 0 : index
    tpu.barrier barrier_id(%barrier3A_138)
    %mul3A_139 = arith.constant 640 : i32
    %mul3A_140 = arith.muli %arg1, %mul3A_139 : i32
    %mul3A_141 = arith.constant 640 : i32
    %mul3A_142 = arith.muli %arg1, %mul3A_141 : i32
    "tpu.region"() ({
      %run_scoped3A_143 = tpu.sem_alloc : memref<!tpu.dma_semaphore, #tpu.memory_space<semaphore_mem>>
      %dma_start3A = tpu.memref_slice %arg4[%arg0, %mul3A_142] : memref<2x10240xf32, #tpu.memory_space<hbm>> -> memref<1x640xf32, #tpu.memory_space<hbm>>
      %dma_start3A_144 = tpu.memref_squeeze %dma_start3A : memref<1x640xf32, #tpu.memory_space<hbm>> -> memref<640xf32, #tpu.memory_space<hbm>>
      %dma_start3A_145 = tpu.memref_slice %arg13[%mul3A_140] : memref<10240xf32, #tpu.memory_space<vmem_shared>> -> memref<640xf32, #tpu.memory_space<vmem_shared>>
      tpu.enqueue_dma source(%dma_start3A_145 : memref<640xf32, #tpu.memory_space<vmem_shared>>) target(%dma_start3A_144 : memref<640xf32, #tpu.memory_space<hbm>>) target_semaphore(%run_scoped3A_143 : memref<!tpu.dma_semaphore, #tpu.memory_space<semaphore_mem>>)
      %dma_wait3A = tpu.memref_slice %arg4[%arg0, %mul3A_142] : memref<2x10240xf32, #tpu.memory_space<hbm>> -> memref<1x640xf32, #tpu.memory_space<hbm>>
      %dma_wait3A_146 = tpu.memref_squeeze %dma_wait3A : memref<1x640xf32, #tpu.memory_space<hbm>> -> memref<640xf32, #tpu.memory_space<hbm>>
      %dma_wait3A_147 = tpu.memref_slice %arg13[%mul3A_140] : memref<10240xf32, #tpu.memory_space<vmem_shared>> -> memref<640xf32, #tpu.memory_space<vmem_shared>>
      tpu.wait_dma2 semaphore(%run_scoped3A_143 : memref<!tpu.dma_semaphore, #tpu.memory_space<semaphore_mem>>) src(%dma_wait3A_147 : memref<640xf32, #tpu.memory_space<vmem_shared>>) dst(%dma_wait3A_146 : memref<640xf32, #tpu.memory_space<hbm>>)
      tpu.yield
    }) : () -> ()
    return
  }
}

#map = affine_map<(d0, d1) -> (0, 0)>
#map1 = affine_map<(d0, d1) -> (0)>
#map2 = affine_map<(d0, d1) -> (0, 0, 0)>
module attributes {stable_mosaic.version = 14 : i64} {
  func.func @scatter_k(%arg0: i32, %arg1: i32, %arg2: memref<10240x128xf32, #tpu.memory_space<hbm>>, %arg3: memref<320000xi32, #tpu.memory_space<hbm>>, %arg4: memref<640x128xf32, #tpu.memory_space<hbm>>, %arg5: memref<2x10240x128xf32, #tpu.memory_space<hbm>>, %arg6: memref<10048xi32, #tpu.memory_space<vmem>>, %arg7: memref<192xi32, #tpu.memory_space<vmem>>, %arg8: memref<64xi32, #tpu.memory_space<vmem>>, %arg9: memref<4x64x128xf32, #tpu.memory_space<vmem>>, %arg10: memref<10240x128xf32, #tpu.memory_space<vmem_shared>>, %arg11: memref<!tpu.dma_semaphore, #tpu.memory_space<semaphore_mem>>, %arg12: memref<!tpu.dma_semaphore, #tpu.memory_space<semaphore_mem>>) attributes {dimension_semantics = [#tpu.dimension_semantics<core_parallel>, #tpu.dimension_semantics<subcore_parallel>], iteration_bounds = array<i64: 2, 16>, scalar_prefetch = 0 : i64, scratch_operands = 7 : i64, tpu.core_type = #tpu.core_type<sc_vector_subcore>, window_params = [{transform_indices = #map}, {transform_indices = #map1}, {transform_indices = #map}, {transform_indices = #map2}]} {
    %mul3A = arith.constant 2 : i32
    %mul3A_0 = arith.muli %arg1, %mul3A : i32
    %add3A = arith.addi %mul3A_0, %arg0 : i32
    %mul3A_1 = arith.constant 156 : i32
    %mul3A_2 = arith.muli %add3A, %mul3A_1 : i32
    %min3A = arith.constant 8 : i32
    %min3A_3 = arith.minsi %add3A, %min3A : i32
    %add3A_4 = arith.addi %mul3A_2, %min3A_3 : i32
    %lt3A = arith.constant 8 : i32
    %lt3A_5 = arith.cmpi slt, %add3A, %lt3A : i32
    %jit3A = arith.constant 157 : i32
    %jit3A_6 = arith.constant 156 : i32
    %select_n3A = arith.select %lt3A_5, %jit3A, %jit3A_6 : i32
    %mul3A_7 = arith.constant 640 : i32
    %mul3A_8 = arith.muli %arg1, %mul3A_7 : i32
    %dma_start3A = arith.constant 0 : i32
    %dma_start3A_9 = tpu.memref_slice %arg10[%mul3A_8, %dma_start3A] : memref<10240x128xf32, #tpu.memory_space<vmem_shared>> -> memref<640x128xf32, #tpu.memory_space<vmem_shared>>
    tpu.enqueue_dma source(%arg4 : memref<640x128xf32, #tpu.memory_space<hbm>>) target(%dma_start3A_9 : memref<640x128xf32, #tpu.memory_space<vmem_shared>>) target_semaphore(%arg12 : memref<!tpu.dma_semaphore, #tpu.memory_space<semaphore_mem>>)
    %mul3A_10 = arith.constant 64 : i32
    %mul3A_11 = arith.muli %add3A_4, %mul3A_10 : i32
    "tpu.region"() ({
      %run_scoped3A = tpu.sem_alloc : memref<!tpu.dma_semaphore, #tpu.memory_space<semaphore_mem>>
      %dma_start3A_114 = arith.constant 0 : i32
      %dma_start3A_115 = tpu.memref_slice %arg6[%dma_start3A_114] : memref<10048xi32, #tpu.memory_space<vmem>> -> memref<9984xi32, #tpu.memory_space<vmem>>
      %dma_start3A_116 = tpu.memref_slice %arg3[%mul3A_11] : memref<320000xi32, #tpu.memory_space<hbm>> -> memref<9984xi32, #tpu.memory_space<hbm>>
      %dma_start3A_117 = arith.constant 0 : i32
      %dma_start3A_118 = tpu.memref_slice %arg6[%dma_start3A_117] : memref<10048xi32, #tpu.memory_space<vmem>> -> memref<9984xi32, #tpu.memory_space<vmem>>
      %dma_start3A_119 = tpu.memref_slice %arg3[%mul3A_11] : memref<320000xi32, #tpu.memory_space<hbm>> -> memref<9984xi32, #tpu.memory_space<hbm>>
      tpu.enqueue_dma source(%dma_start3A_119 : memref<9984xi32, #tpu.memory_space<hbm>>) target(%dma_start3A_118 : memref<9984xi32, #tpu.memory_space<vmem>>) target_semaphore(%run_scoped3A : memref<!tpu.dma_semaphore, #tpu.memory_space<semaphore_mem>>)
      %dma_wait3A_120 = arith.constant 0 : i32
      %dma_wait3A_121 = tpu.memref_slice %arg6[%dma_wait3A_120] : memref<10048xi32, #tpu.memory_space<vmem>> -> memref<9984xi32, #tpu.memory_space<vmem>>
      %dma_wait3A_122 = tpu.memref_slice %arg3[%mul3A_11] : memref<320000xi32, #tpu.memory_space<hbm>> -> memref<9984xi32, #tpu.memory_space<hbm>>
      %dma_wait3A_123 = arith.constant 0 : i32
      %dma_wait3A_124 = tpu.memref_slice %arg6[%dma_wait3A_123] : memref<10048xi32, #tpu.memory_space<vmem>> -> memref<9984xi32, #tpu.memory_space<vmem>>
      %dma_wait3A_125 = tpu.memref_slice %arg3[%mul3A_11] : memref<320000xi32, #tpu.memory_space<hbm>> -> memref<9984xi32, #tpu.memory_space<hbm>>
      tpu.wait_dma2 semaphore(%run_scoped3A : memref<!tpu.dma_semaphore, #tpu.memory_space<semaphore_mem>>) src(%dma_wait3A_125 : memref<9984xi32, #tpu.memory_space<hbm>>) dst(%dma_wait3A_124 : memref<9984xi32, #tpu.memory_space<vmem>>)
      tpu.yield
    }) : () -> ()
    %lt3A_12 = arith.constant 8 : i32
    %lt3A_13 = arith.cmpi slt, %add3A, %lt3A_12 : i32
    %convert_element_type3A = arith.extui %lt3A_13 : i1 to i32
    %cond3A = arith.constant 0 : i32
    %cond3A_14 = arith.cmpi ne, %convert_element_type3A, %cond3A : i32
    scf.if %cond3A_14 {
      %add3A_114 = arith.constant 156 : i32
      %add3A_115 = arith.addi %add3A_4, %add3A_114 : i32
      %mul3A_116 = arith.constant 64 : i32
      %mul3A_117 = arith.muli %add3A_115, %mul3A_116 : i32
      "tpu.region"() ({
        %run_scoped3A = tpu.sem_alloc : memref<!tpu.dma_semaphore, #tpu.memory_space<semaphore_mem>>
        %dma_start3A_118 = arith.constant 9984 : i32
        %dma_start3A_119 = tpu.memref_slice %arg6[%dma_start3A_118] : memref<10048xi32, #tpu.memory_space<vmem>> -> memref<64xi32, #tpu.memory_space<vmem>>
        %dma_start3A_120 = tpu.memref_slice %arg3[%mul3A_117] : memref<320000xi32, #tpu.memory_space<hbm>> -> memref<64xi32, #tpu.memory_space<hbm>>
        %dma_start3A_121 = arith.constant 9984 : i32
        %dma_start3A_122 = tpu.memref_slice %arg6[%dma_start3A_121] : memref<10048xi32, #tpu.memory_space<vmem>> -> memref<64xi32, #tpu.memory_space<vmem>>
        %dma_start3A_123 = tpu.memref_slice %arg3[%mul3A_117] : memref<320000xi32, #tpu.memory_space<hbm>> -> memref<64xi32, #tpu.memory_space<hbm>>
        tpu.enqueue_dma source(%dma_start3A_123 : memref<64xi32, #tpu.memory_space<hbm>>) target(%dma_start3A_122 : memref<64xi32, #tpu.memory_space<vmem>>) target_semaphore(%run_scoped3A : memref<!tpu.dma_semaphore, #tpu.memory_space<semaphore_mem>>)
        %dma_wait3A_124 = arith.constant 9984 : i32
        %dma_wait3A_125 = tpu.memref_slice %arg6[%dma_wait3A_124] : memref<10048xi32, #tpu.memory_space<vmem>> -> memref<64xi32, #tpu.memory_space<vmem>>
        %dma_wait3A_126 = tpu.memref_slice %arg3[%mul3A_117] : memref<320000xi32, #tpu.memory_space<hbm>> -> memref<64xi32, #tpu.memory_space<hbm>>
        %dma_wait3A_127 = arith.constant 9984 : i32
        %dma_wait3A_128 = tpu.memref_slice %arg6[%dma_wait3A_127] : memref<10048xi32, #tpu.memory_space<vmem>> -> memref<64xi32, #tpu.memory_space<vmem>>
        %dma_wait3A_129 = tpu.memref_slice %arg3[%mul3A_117] : memref<320000xi32, #tpu.memory_space<hbm>> -> memref<64xi32, #tpu.memory_space<hbm>>
        tpu.wait_dma2 semaphore(%run_scoped3A : memref<!tpu.dma_semaphore, #tpu.memory_space<semaphore_mem>>) src(%dma_wait3A_129 : memref<64xi32, #tpu.memory_space<hbm>>) dst(%dma_wait3A_128 : memref<64xi32, #tpu.memory_space<vmem>>)
        tpu.yield
      }) : () -> ()
    } else {
    }
    %multiple_of3A = arith.constant 0 : i32
    %multiple_of3A_15 = tpu.assume_multiple %multiple_of3A, 64 : i32
    %get3A = arith.constant 0 : index
    %get3A_16 = tpu.vector_load %arg6[%get3A] {strides = array<i32>} : memref<10048xi32, #tpu.memory_space<vmem>>, vector<16xi32>,
    %get3A_17 = vector.shape_cast %get3A_16 : vector<16xi32> to vector<16xi32>
    %and3A = arith.constant 65535 : i32
    %and3A_18 = vector.broadcast %and3A : i32 to vector<16xi32>
    %and3A_19 = arith.andi %get3A_17, %and3A_18 : vector<16xi32>
    %swap3A = tpu.memref_slice %arg7[%multiple_of3A_15] : memref<192xi32, #tpu.memory_space<vmem>> -> memref<64xi32, #tpu.memory_space<vmem>>
    %swap3A_20 = arith.constant 0 : index
    %swap3A_21 = tpu.vector_load %swap3A[%swap3A_20] {strides = array<i32>} : memref<64xi32, #tpu.memory_space<vmem>>, vector<16xi32>,
    %swap3A_22 = vector.shape_cast %swap3A_21 : vector<16xi32> to vector<16xi32>
    %swap3A_23 = vector.shape_cast %and3A_19 : vector<16xi32> to vector<16xi32>
    tpu.vector_store %swap3A[%swap3A_20], %swap3A_23 {strides = array<i32>} : memref<64xi32, #tpu.memory_space<vmem>>, vector<16xi32>,
    %get3A_24 = arith.constant 16 : index
    %get3A_25 = tpu.vector_load %arg6[%get3A_24] {strides = array<i32>} : memref<10048xi32, #tpu.memory_space<vmem>>, vector<16xi32>,
    %get3A_26 = vector.shape_cast %get3A_25 : vector<16xi32> to vector<16xi32>
    %and3A_27 = arith.constant 65535 : i32
    %and3A_28 = vector.broadcast %and3A_27 : i32 to vector<16xi32>
    %and3A_29 = arith.andi %get3A_26, %and3A_28 : vector<16xi32>
    %swap3A_30 = tpu.memref_slice %arg7[%multiple_of3A_15] : memref<192xi32, #tpu.memory_space<vmem>> -> memref<64xi32, #tpu.memory_space<vmem>>
    %swap3A_31 = arith.constant 16 : index
    %swap3A_32 = tpu.vector_load %swap3A_30[%swap3A_31] {strides = array<i32>} : memref<64xi32, #tpu.memory_space<vmem>>, vector<16xi32>,
    %swap3A_33 = vector.shape_cast %swap3A_32 : vector<16xi32> to vector<16xi32>
    %swap3A_34 = vector.shape_cast %and3A_29 : vector<16xi32> to vector<16xi32>
    tpu.vector_store %swap3A_30[%swap3A_31], %swap3A_34 {strides = array<i32>} : memref<64xi32, #tpu.memory_space<vmem>>, vector<16xi32>,
    %get3A_35 = arith.constant 32 : index
    %get3A_36 = tpu.vector_load %arg6[%get3A_35] {strides = array<i32>} : memref<10048xi32, #tpu.memory_space<vmem>>, vector<16xi32>,
    %get3A_37 = vector.shape_cast %get3A_36 : vector<16xi32> to vector<16xi32>
    %and3A_38 = arith.constant 65535 : i32
    %and3A_39 = vector.broadcast %and3A_38 : i32 to vector<16xi32>
    %and3A_40 = arith.andi %get3A_37, %and3A_39 : vector<16xi32>
    %swap3A_41 = tpu.memref_slice %arg7[%multiple_of3A_15] : memref<192xi32, #tpu.memory_space<vmem>> -> memref<64xi32, #tpu.memory_space<vmem>>
    %swap3A_42 = arith.constant 32 : index
    %swap3A_43 = tpu.vector_load %swap3A_41[%swap3A_42] {strides = array<i32>} : memref<64xi32, #tpu.memory_space<vmem>>, vector<16xi32>,
    %swap3A_44 = vector.shape_cast %swap3A_43 : vector<16xi32> to vector<16xi32>
    %swap3A_45 = vector.shape_cast %and3A_40 : vector<16xi32> to vector<16xi32>
    tpu.vector_store %swap3A_41[%swap3A_42], %swap3A_45 {strides = array<i32>} : memref<64xi32, #tpu.memory_space<vmem>>, vector<16xi32>,
    %get3A_46 = arith.constant 48 : index
    %get3A_47 = tpu.vector_load %arg6[%get3A_46] {strides = array<i32>} : memref<10048xi32, #tpu.memory_space<vmem>>, vector<16xi32>,
    %get3A_48 = vector.shape_cast %get3A_47 : vector<16xi32> to vector<16xi32>
    %and3A_49 = arith.constant 65535 : i32
    %and3A_50 = vector.broadcast %and3A_49 : i32 to vector<16xi32>
    %and3A_51 = arith.andi %get3A_48, %and3A_50 : vector<16xi32>
    %swap3A_52 = tpu.memref_slice %arg7[%multiple_of3A_15] : memref<192xi32, #tpu.memory_space<vmem>> -> memref<64xi32, #tpu.memory_space<vmem>>
    %swap3A_53 = arith.constant 48 : index
    %swap3A_54 = tpu.vector_load %swap3A_52[%swap3A_53] {strides = array<i32>} : memref<64xi32, #tpu.memory_space<vmem>>, vector<16xi32>,
    %swap3A_55 = vector.shape_cast %swap3A_54 : vector<16xi32> to vector<16xi32>
    %swap3A_56 = vector.shape_cast %and3A_51 : vector<16xi32> to vector<16xi32>
    tpu.vector_store %swap3A_52[%swap3A_53], %swap3A_56 {strides = array<i32>} : memref<64xi32, #tpu.memory_space<vmem>>, vector<16xi32>,
    %multiple_of3A_57 = arith.constant 0 : i32
    %multiple_of3A_58 = tpu.assume_multiple %multiple_of3A_57, 64 : i32
    %dma_start3A_59 = arith.constant 0 : i32
    %dma_start3A_60 = arith.constant 0 : i32
    %dma_start3A_61 = arith.constant 0 : i32
    %dma_start3A_62 = tpu.memref_slice %arg9[%dma_start3A_59, %dma_start3A_60, %dma_start3A_61] : memref<4x64x128xf32, #tpu.memory_space<vmem>> -> memref<1x64x128xf32, #tpu.memory_space<vmem>>
    %dma_start3A_63 = tpu.memref_squeeze %dma_start3A_62 : memref<1x64x128xf32, #tpu.memory_space<vmem>> -> memref<64x128xf32, #tpu.memory_space<vmem>>
    %dma_start3A_64 = tpu.memref_slice %arg7[%multiple_of3A_58] : memref<192xi32, #tpu.memory_space<vmem>> -> memref<64xi32, #tpu.memory_space<vmem>>
    %dma_start3A_65 = arith.constant 0 : i32
    %dma_start3A_66 = arith.constant 0 : i32
    %dma_start3A_67 = tpu.memref_slice %arg2[%dma_start3A_65, %dma_start3A_66] : memref<10240x128xf32, #tpu.memory_space<hbm>> -> memref<10240x128xf32, #tpu.memory_space<hbm>>
    tpu.enqueue_indirect_dma source(%dma_start3A_67 : memref<10240x128xf32, #tpu.memory_space<hbm>>) target(%dma_start3A_63 : memref<64x128xf32, #tpu.memory_space<vmem>>) offsets(%dma_start3A_64 : memref<64xi32, #tpu.memory_space<vmem>>) semaphore(%arg11 : memref<!tpu.dma_semaphore, #tpu.memory_space<semaphore_mem>>)
    %gt3A = arith.constant 1 : i32
    %gt3A_68 = arith.cmpi sgt, %select_n3A, %gt3A : i32
    %convert_element_type3A_69 = arith.extui %gt3A_68 : i1 to i32
    %cond3A_70 = arith.constant 0 : i32
    %cond3A_71 = arith.cmpi ne, %convert_element_type3A_69, %cond3A_70 : i32
    scf.if %cond3A_71 {
      %multiple_of3A_114 = arith.constant 64 : i32
      %multiple_of3A_115 = tpu.assume_multiple %multiple_of3A_114, 64 : i32
      %get3A_116 = arith.constant 64 : index
      %get3A_117 = tpu.vector_load %arg6[%get3A_116] {strides = array<i32>} : memref<10048xi32, #tpu.memory_space<vmem>>, vector<16xi32>,
      %get3A_118 = vector.shape_cast %get3A_117 : vector<16xi32> to vector<16xi32>
      %and3A_119 = arith.constant 65535 : i32
      %and3A_120 = vector.broadcast %and3A_119 : i32 to vector<16xi32>
      %and3A_121 = arith.andi %get3A_118, %and3A_120 : vector<16xi32>
      %swap3A_122 = tpu.memref_slice %arg7[%multiple_of3A_115] : memref<192xi32, #tpu.memory_space<vmem>> -> memref<64xi32, #tpu.memory_space<vmem>>
      %swap3A_123 = arith.constant 0 : index
      %swap3A_124 = tpu.vector_load %swap3A_122[%swap3A_123] {strides = array<i32>} : memref<64xi32, #tpu.memory_space<vmem>>, vector<16xi32>,
      %swap3A_125 = vector.shape_cast %swap3A_124 : vector<16xi32> to vector<16xi32>
      %swap3A_126 = vector.shape_cast %and3A_121 : vector<16xi32> to vector<16xi32>
      tpu.vector_store %swap3A_122[%swap3A_123], %swap3A_126 {strides = array<i32>} : memref<64xi32, #tpu.memory_space<vmem>>, vector<16xi32>,
      %get3A_127 = arith.constant 80 : index
      %get3A_128 = tpu.vector_load %arg6[%get3A_127] {strides = array<i32>} : memref<10048xi32, #tpu.memory_space<vmem>>, vector<16xi32>,
      %get3A_129 = vector.shape_cast %get3A_128 : vector<16xi32> to vector<16xi32>
      %and3A_130 = arith.constant 65535 : i32
      %and3A_131 = vector.broadcast %and3A_130 : i32 to vector<16xi32>
      %and3A_132 = arith.andi %get3A_129, %and3A_131 : vector<16xi32>
      %swap3A_133 = tpu.memref_slice %arg7[%multiple_of3A_115] : memref<192xi32, #tpu.memory_space<vmem>> -> memref<64xi32, #tpu.memory_space<vmem>>
      %swap3A_134 = arith.constant 16 : index
      %swap3A_135 = tpu.vector_load %swap3A_133[%swap3A_134] {strides = array<i32>} : memref<64xi32, #tpu.memory_space<vmem>>, vector<16xi32>,
      %swap3A_136 = vector.shape_cast %swap3A_135 : vector<16xi32> to vector<16xi32>
      %swap3A_137 = vector.shape_cast %and3A_132 : vector<16xi32> to vector<16xi32>
      tpu.vector_store %swap3A_133[%swap3A_134], %swap3A_137 {strides = array<i32>} : memref<64xi32, #tpu.memory_space<vmem>>, vector<16xi32>,
      %get3A_138 = arith.constant 96 : index
      %get3A_139 = tpu.vector_load %arg6[%get3A_138] {strides = array<i32>} : memref<10048xi32, #tpu.memory_space<vmem>>, vector<16xi32>,
      %get3A_140 = vector.shape_cast %get3A_139 : vector<16xi32> to vector<16xi32>
      %and3A_141 = arith.constant 65535 : i32
      %and3A_142 = vector.broadcast %and3A_141 : i32 to vector<16xi32>
      %and3A_143 = arith.andi %get3A_140, %and3A_142 : vector<16xi32>
      %swap3A_144 = tpu.memref_slice %arg7[%multiple_of3A_115] : memref<192xi32, #tpu.memory_space<vmem>> -> memref<64xi32, #tpu.memory_space<vmem>>
      %swap3A_145 = arith.constant 32 : index
      %swap3A_146 = tpu.vector_load %swap3A_144[%swap3A_145] {strides = array<i32>} : memref<64xi32, #tpu.memory_space<vmem>>, vector<16xi32>,
      %swap3A_147 = vector.shape_cast %swap3A_146 : vector<16xi32> to vector<16xi32>
      %swap3A_148 = vector.shape_cast %and3A_143 : vector<16xi32> to vector<16xi32>
      tpu.vector_store %swap3A_144[%swap3A_145], %swap3A_148 {strides = array<i32>} : memref<64xi32, #tpu.memory_space<vmem>>, vector<16xi32>,
      %get3A_149 = arith.constant 112 : index
      %get3A_150 = tpu.vector_load %arg6[%get3A_149] {strides = array<i32>} : memref<10048xi32, #tpu.memory_space<vmem>>, vector<16xi32>,
      %get3A_151 = vector.shape_cast %get3A_150 : vector<16xi32> to vector<16xi32>
      %and3A_152 = arith.constant 65535 : i32
      %and3A_153 = vector.broadcast %and3A_152 : i32 to vector<16xi32>
      %and3A_154 = arith.andi %get3A_151, %and3A_153 : vector<16xi32>
      %swap3A_155 = tpu.memref_slice %arg7[%multiple_of3A_115] : memref<192xi32, #tpu.memory_space<vmem>> -> memref<64xi32, #tpu.memory_space<vmem>>
      %swap3A_156 = arith.constant 48 : index
      %swap3A_157 = tpu.vector_load %swap3A_155[%swap3A_156] {strides = array<i32>} : memref<64xi32, #tpu.memory_space<vmem>>, vector<16xi32>,
      %swap3A_158 = vector.shape_cast %swap3A_157 : vector<16xi32> to vector<16xi32>
      %swap3A_159 = vector.shape_cast %and3A_154 : vector<16xi32> to vector<16xi32>
      tpu.vector_store %swap3A_155[%swap3A_156], %swap3A_159 {strides = array<i32>} : memref<64xi32, #tpu.memory_space<vmem>>, vector<16xi32>,
      %multiple_of3A_160 = arith.constant 64 : i32
      %multiple_of3A_161 = tpu.assume_multiple %multiple_of3A_160, 64 : i32
      %dma_start3A_162 = arith.constant 1 : i32
      %dma_start3A_163 = arith.constant 0 : i32
      %dma_start3A_164 = arith.constant 0 : i32
      %dma_start3A_165 = tpu.memref_slice %arg9[%dma_start3A_162, %dma_start3A_163, %dma_start3A_164] : memref<4x64x128xf32, #tpu.memory_space<vmem>> -> memref<1x64x128xf32, #tpu.memory_space<vmem>>
      %dma_start3A_166 = tpu.memref_squeeze %dma_start3A_165 : memref<1x64x128xf32, #tpu.memory_space<vmem>> -> memref<64x128xf32, #tpu.memory_space<vmem>>
      %dma_start3A_167 = tpu.memref_slice %arg7[%multiple_of3A_161] : memref<192xi32, #tpu.memory_space<vmem>> -> memref<64xi32, #tpu.memory_space<vmem>>
      %dma_start3A_168 = arith.constant 0 : i32
      %dma_start3A_169 = arith.constant 0 : i32
      %dma_start3A_170 = tpu.memref_slice %arg2[%dma_start3A_168, %dma_start3A_169] : memref<10240x128xf32, #tpu.memory_space<hbm>> -> memref<10240x128xf32, #tpu.memory_space<hbm>>
      tpu.enqueue_indirect_dma source(%dma_start3A_170 : memref<10240x128xf32, #tpu.memory_space<hbm>>) target(%dma_start3A_166 : memref<64x128xf32, #tpu.memory_space<vmem>>) offsets(%dma_start3A_167 : memref<64xi32, #tpu.memory_space<vmem>>) semaphore(%arg11 : memref<!tpu.dma_semaphore, #tpu.memory_space<semaphore_mem>>)
    } else {
    }
    %gt3A_72 = arith.constant 2 : i32
    %gt3A_73 = arith.cmpi sgt, %select_n3A, %gt3A_72 : i32
    %convert_element_type3A_74 = arith.extui %gt3A_73 : i1 to i32
    %cond3A_75 = arith.constant 0 : i32
    %cond3A_76 = arith.cmpi ne, %convert_element_type3A_74, %cond3A_75 : i32
    scf.if %cond3A_76 {
      %multiple_of3A_114 = arith.constant 128 : i32
      %multiple_of3A_115 = tpu.assume_multiple %multiple_of3A_114, 64 : i32
      %get3A_116 = arith.constant 128 : index
      %get3A_117 = tpu.vector_load %arg6[%get3A_116] {strides = array<i32>} : memref<10048xi32, #tpu.memory_space<vmem>>, vector<16xi32>,
      %get3A_118 = vector.shape_cast %get3A_117 : vector<16xi32> to vector<16xi32>
      %and3A_119 = arith.constant 65535 : i32
      %and3A_120 = vector.broadcast %and3A_119 : i32 to vector<16xi32>
      %and3A_121 = arith.andi %get3A_118, %and3A_120 : vector<16xi32>
      %swap3A_122 = tpu.memref_slice %arg7[%multiple_of3A_115] : memref<192xi32, #tpu.memory_space<vmem>> -> memref<64xi32, #tpu.memory_space<vmem>>
      %swap3A_123 = arith.constant 0 : index
      %swap3A_124 = tpu.vector_load %swap3A_122[%swap3A_123] {strides = array<i32>} : memref<64xi32, #tpu.memory_space<vmem>>, vector<16xi32>,
      %swap3A_125 = vector.shape_cast %swap3A_124 : vector<16xi32> to vector<16xi32>
      %swap3A_126 = vector.shape_cast %and3A_121 : vector<16xi32> to vector<16xi32>
      tpu.vector_store %swap3A_122[%swap3A_123], %swap3A_126 {strides = array<i32>} : memref<64xi32, #tpu.memory_space<vmem>>, vector<16xi32>,
      %get3A_127 = arith.constant 144 : index
      %get3A_128 = tpu.vector_load %arg6[%get3A_127] {strides = array<i32>} : memref<10048xi32, #tpu.memory_space<vmem>>, vector<16xi32>,
      %get3A_129 = vector.shape_cast %get3A_128 : vector<16xi32> to vector<16xi32>
      %and3A_130 = arith.constant 65535 : i32
      %and3A_131 = vector.broadcast %and3A_130 : i32 to vector<16xi32>
      %and3A_132 = arith.andi %get3A_129, %and3A_131 : vector<16xi32>
      %swap3A_133 = tpu.memref_slice %arg7[%multiple_of3A_115] : memref<192xi32, #tpu.memory_space<vmem>> -> memref<64xi32, #tpu.memory_space<vmem>>
      %swap3A_134 = arith.constant 16 : index
      %swap3A_135 = tpu.vector_load %swap3A_133[%swap3A_134] {strides = array<i32>} : memref<64xi32, #tpu.memory_space<vmem>>, vector<16xi32>,
      %swap3A_136 = vector.shape_cast %swap3A_135 : vector<16xi32> to vector<16xi32>
      %swap3A_137 = vector.shape_cast %and3A_132 : vector<16xi32> to vector<16xi32>
      tpu.vector_store %swap3A_133[%swap3A_134], %swap3A_137 {strides = array<i32>} : memref<64xi32, #tpu.memory_space<vmem>>, vector<16xi32>,
      %get3A_138 = arith.constant 160 : index
      %get3A_139 = tpu.vector_load %arg6[%get3A_138] {strides = array<i32>} : memref<10048xi32, #tpu.memory_space<vmem>>, vector<16xi32>,
      %get3A_140 = vector.shape_cast %get3A_139 : vector<16xi32> to vector<16xi32>
      %and3A_141 = arith.constant 65535 : i32
      %and3A_142 = vector.broadcast %and3A_141 : i32 to vector<16xi32>
      %and3A_143 = arith.andi %get3A_140, %and3A_142 : vector<16xi32>
      %swap3A_144 = tpu.memref_slice %arg7[%multiple_of3A_115] : memref<192xi32, #tpu.memory_space<vmem>> -> memref<64xi32, #tpu.memory_space<vmem>>
      %swap3A_145 = arith.constant 32 : index
      %swap3A_146 = tpu.vector_load %swap3A_144[%swap3A_145] {strides = array<i32>} : memref<64xi32, #tpu.memory_space<vmem>>, vector<16xi32>,
      %swap3A_147 = vector.shape_cast %swap3A_146 : vector<16xi32> to vector<16xi32>
      %swap3A_148 = vector.shape_cast %and3A_143 : vector<16xi32> to vector<16xi32>
      tpu.vector_store %swap3A_144[%swap3A_145], %swap3A_148 {strides = array<i32>} : memref<64xi32, #tpu.memory_space<vmem>>, vector<16xi32>,
      %get3A_149 = arith.constant 176 : index
      %get3A_150 = tpu.vector_load %arg6[%get3A_149] {strides = array<i32>} : memref<10048xi32, #tpu.memory_space<vmem>>, vector<16xi32>,
      %get3A_151 = vector.shape_cast %get3A_150 : vector<16xi32> to vector<16xi32>
      %and3A_152 = arith.constant 65535 : i32
      %and3A_153 = vector.broadcast %and3A_152 : i32 to vector<16xi32>
      %and3A_154 = arith.andi %get3A_151, %and3A_153 : vector<16xi32>
      %swap3A_155 = tpu.memref_slice %arg7[%multiple_of3A_115] : memref<192xi32, #tpu.memory_space<vmem>> -> memref<64xi32, #tpu.memory_space<vmem>>
      %swap3A_156 = arith.constant 48 : index
      %swap3A_157 = tpu.vector_load %swap3A_155[%swap3A_156] {strides = array<i32>} : memref<64xi32, #tpu.memory_space<vmem>>, vector<16xi32>,
      %swap3A_158 = vector.shape_cast %swap3A_157 : vector<16xi32> to vector<16xi32>
      %swap3A_159 = vector.shape_cast %and3A_154 : vector<16xi32> to vector<16xi32>
      tpu.vector_store %swap3A_155[%swap3A_156], %swap3A_159 {strides = array<i32>} : memref<64xi32, #tpu.memory_space<vmem>>, vector<16xi32>,
      %multiple_of3A_160 = arith.constant 128 : i32
      %multiple_of3A_161 = tpu.assume_multiple %multiple_of3A_160, 64 : i32
      %dma_start3A_162 = arith.constant 2 : i32
      %dma_start3A_163 = arith.constant 0 : i32
      %dma_start3A_164 = arith.constant 0 : i32
      %dma_start3A_165 = tpu.memref_slice %arg9[%dma_start3A_162, %dma_start3A_163, %dma_start3A_164] : memref<4x64x128xf32, #tpu.memory_space<vmem>> -> memref<1x64x128xf32, #tpu.memory_space<vmem>>
      %dma_start3A_166 = tpu.memref_squeeze %dma_start3A_165 : memref<1x64x128xf32, #tpu.memory_space<vmem>> -> memref<64x128xf32, #tpu.memory_space<vmem>>
      %dma_start3A_167 = tpu.memref_slice %arg7[%multiple_of3A_161] : memref<192xi32, #tpu.memory_space<vmem>> -> memref<64xi32, #tpu.memory_space<vmem>>
      %dma_start3A_168 = arith.constant 0 : i32
      %dma_start3A_169 = arith.constant 0 : i32
      %dma_start3A_170 = tpu.memref_slice %arg2[%dma_start3A_168, %dma_start3A_169] : memref<10240x128xf32, #tpu.memory_space<hbm>> -> memref<10240x128xf32, #tpu.memory_space<hbm>>
      tpu.enqueue_indirect_dma source(%dma_start3A_170 : memref<10240x128xf32, #tpu.memory_space<hbm>>) target(%dma_start3A_166 : memref<64x128xf32, #tpu.memory_space<vmem>>) offsets(%dma_start3A_167 : memref<64xi32, #tpu.memory_space<vmem>>) semaphore(%arg11 : memref<!tpu.dma_semaphore, #tpu.memory_space<semaphore_mem>>)
    } else {
    }
    %dma_wait3A = arith.constant 0 : i32
    %dma_wait3A_77 = tpu.memref_slice %arg10[%mul3A_8, %dma_wait3A] : memref<10240x128xf32, #tpu.memory_space<vmem_shared>> -> memref<640x128xf32, #tpu.memory_space<vmem_shared>>
    tpu.wait_dma2 semaphore(%arg12 : memref<!tpu.dma_semaphore, #tpu.memory_space<semaphore_mem>>) src(%arg4 : memref<640x128xf32, #tpu.memory_space<hbm>>) dst(%dma_wait3A_77 : memref<640x128xf32, #tpu.memory_space<vmem_shared>>)
    %barrier3A = arith.constant 0 : index
    tpu.barrier barrier_id(%barrier3A)
    %sub3A = arith.constant 0 : i32
    %sub3A_78 = arith.subi %select_n3A, %sub3A : i32
    %sub3A_79 = arith.constant 1 : i32
    %sub3A_80 = arith.constant 1 : i32
    %sub3A_81 = arith.subi %sub3A_79, %sub3A_80 : i32
    %add3A_82 = arith.addi %sub3A_78, %sub3A_81 : i32
    %div3A = arith.constant 1 : i32
    %div3A_83 = arith.divsi %add3A_82, %div3A : i32
    %while3A = arith.constant 1 : i32
    %while3A_84 = arith.constant 0 : i32
    %while3A_85 = arith.constant 0 : i32
    %while3A_86 = arith.subi %div3A_83, %while3A_85 : i32
    %while3A_87 = arith.addi %while3A_85, %while3A_86 : i32
    %while3A_88 = arith.constant 1 : i32
    %while3A_89 = arith.divsi %while3A_86, %while3A_88 : i32
    %while3A_90 = arith.muli %while3A_89, %while3A_88 : i32
    %while3A_91 = arith.addi %while3A_85, %while3A_90 : i32
    %while3A_92 = arith.constant 1 : i32
    scf.for %while3A_114 = %while3A_85 to %while3A_91 step %while3A_92  : i32 {
      %mul3A_115 = arith.muli %while3A_114, %while3A : i32
      %add3A_116 = arith.addi %while3A_84, %mul3A_115 : i32
      %jit3A_117 = arith.constant 4 : i32
      %eq3A = arith.constant 0 : i32
      %eq3A_118 = arith.cmpi eq, %jit3A_117, %eq3A : i32
      %jit3A_119 = arith.constant 1 : i32
      %select_n3A_120 = arith.select %eq3A_118, %jit3A_119, %jit3A_117 : i32
      %rem3A = arith.remsi %add3A_116, %select_n3A_120 : i32
      %ne3A = arith.constant 0 : i32
      %ne3A_121 = arith.cmpi ne, %rem3A, %ne3A : i32
      %lt3A_122 = arith.constant 0 : i32
      %lt3A_123 = arith.cmpi slt, %rem3A, %lt3A_122 : i32
      %lt3A_124 = arith.constant 0 : i32
      %lt3A_125 = arith.cmpi slt, %select_n3A_120, %lt3A_124 : i32
      %ne3A_126 = arith.xori %lt3A_123, %lt3A_125 : i1
      %and3A_127 = arith.andi %ne3A_126, %ne3A_121 : i1
      %add3A_128 = arith.addi %rem3A, %select_n3A_120 : i32
      %select_n3A_129 = arith.select %and3A_127, %add3A_128, %rem3A : i32
      %dma_wait3A_130 = arith.constant 0 : i32
      %dma_wait3A_131 = arith.constant 0 : i32
      %dma_wait3A_132 = tpu.memref_slice %arg9[%select_n3A_129, %dma_wait3A_130, %dma_wait3A_131] : memref<4x64x128xf32, #tpu.memory_space<vmem>> -> memref<1x64x128xf32, #tpu.memory_space<vmem>>
      %dma_wait3A_133 = tpu.memref_squeeze %dma_wait3A_132 : memref<1x64x128xf32, #tpu.memory_space<vmem>> -> memref<64x128xf32, #tpu.memory_space<vmem>>
      %dma_wait3A_134 = arith.constant 0 : i32
      %dma_wait3A_135 = arith.constant 0 : i32
      %dma_wait3A_136 = tpu.memref_slice %arg2[%dma_wait3A_134, %dma_wait3A_135] : memref<10240x128xf32, #tpu.memory_space<hbm>> -> memref<64x128xf32, #tpu.memory_space<hbm>>
      %dma_wait3A_137 = arith.constant 0 : i32
      %dma_wait3A_138 = arith.constant 0 : i32
      %dma_wait3A_139 = tpu.memref_slice %arg9[%select_n3A_129, %dma_wait3A_137, %dma_wait3A_138] : memref<4x64x128xf32, #tpu.memory_space<vmem>> -> memref<1x64x128xf32, #tpu.memory_space<vmem>>
      %dma_wait3A_140 = tpu.memref_squeeze %dma_wait3A_139 : memref<1x64x128xf32, #tpu.memory_space<vmem>> -> memref<64x128xf32, #tpu.memory_space<vmem>>
      %dma_wait3A_141 = arith.constant 0 : i32
      %dma_wait3A_142 = arith.constant 0 : i32
      %dma_wait3A_143 = tpu.memref_slice %arg2[%dma_wait3A_141, %dma_wait3A_142] : memref<10240x128xf32, #tpu.memory_space<hbm>> -> memref<64x128xf32, #tpu.memory_space<hbm>>
      tpu.wait_dma2 semaphore(%arg11 : memref<!tpu.dma_semaphore, #tpu.memory_space<semaphore_mem>>) src(%dma_wait3A_143 : memref<64x128xf32, #tpu.memory_space<hbm>>) dst(%dma_wait3A_140 : memref<64x128xf32, #tpu.memory_space<vmem>>)
      %ge3A = arith.constant 1 : i32
      %ge3A_144 = arith.cmpi sge, %add3A_116, %ge3A : i32
      %convert_element_type3A_145 = arith.extui %ge3A_144 : i1 to i32
      %cond3A_146 = arith.constant 0 : i32
      %cond3A_147 = arith.cmpi ne, %convert_element_type3A_145, %cond3A_146 : i32
      scf.if %cond3A_147 {
        %dma_wait3A_216 = arith.constant 0 : i32
        %dma_wait3A_217 = arith.constant 0 : i32
        %dma_wait3A_218 = tpu.memref_slice %arg9[%select_n3A_129, %dma_wait3A_216, %dma_wait3A_217] : memref<4x64x128xf32, #tpu.memory_space<vmem>> -> memref<1x64x128xf32, #tpu.memory_space<vmem>>
        %dma_wait3A_219 = tpu.memref_squeeze %dma_wait3A_218 : memref<1x64x128xf32, #tpu.memory_space<vmem>> -> memref<64x128xf32, #tpu.memory_space<vmem>>
        %dma_wait3A_220 = arith.constant 0 : i32
        %dma_wait3A_221 = arith.constant 0 : i32
        %dma_wait3A_222 = tpu.memref_slice %arg10[%dma_wait3A_220, %dma_wait3A_221] : memref<10240x128xf32, #tpu.memory_space<vmem_shared>> -> memref<64x128xf32, #tpu.memory_space<vmem_shared>>
        %dma_wait3A_223 = arith.constant 0 : i32
        %dma_wait3A_224 = arith.constant 0 : i32
        %dma_wait3A_225 = tpu.memref_slice %arg10[%dma_wait3A_223, %dma_wait3A_224] : memref<10240x128xf32, #tpu.memory_space<vmem_shared>> -> memref<64x128xf32, #tpu.memory_space<vmem_shared>>
        %dma_wait3A_226 = arith.constant 0 : i32
        %dma_wait3A_227 = arith.constant 0 : i32
        %dma_wait3A_228 = tpu.memref_slice %arg9[%select_n3A_129, %dma_wait3A_226, %dma_wait3A_227] : memref<4x64x128xf32, #tpu.memory_space<vmem>> -> memref<1x64x128xf32, #tpu.memory_space<vmem>>
        %dma_wait3A_229 = tpu.memref_squeeze %dma_wait3A_228 : memref<1x64x128xf32, #tpu.memory_space<vmem>> -> memref<64x128xf32, #tpu.memory_space<vmem>>
        tpu.wait_dma2 semaphore(%arg12 : memref<!tpu.dma_semaphore, #tpu.memory_space<semaphore_mem>>) src(%dma_wait3A_229 : memref<64x128xf32, #tpu.memory_space<vmem>>) dst(%dma_wait3A_225 : memref<64x128xf32, #tpu.memory_space<vmem_shared>>)
      } else {
      }
      %add3A_148 = arith.constant 3 : i32
      %add3A_149 = arith.addi %add3A_116, %add3A_148 : i32
      %lt3A_150 = arith.cmpi slt, %add3A_149, %select_n3A : i32
      %convert_element_type3A_151 = arith.extui %lt3A_150 : i1 to i32
      %cond3A_152 = arith.constant 0 : i32
      %cond3A_153 = arith.cmpi ne, %convert_element_type3A_151, %cond3A_152 : i32
      scf.if %cond3A_153 {
        %add3A_216 = arith.constant 3 : i32
        %add3A_217 = arith.addi %add3A_116, %add3A_216 : i32
        %jit3A_218 = arith.constant 3 : i32
        %eq3A_219 = arith.constant 0 : i32
        %eq3A_220 = arith.cmpi eq, %jit3A_218, %eq3A_219 : i32
        %jit3A_221 = arith.constant 1 : i32
        %select_n3A_222 = arith.select %eq3A_220, %jit3A_221, %jit3A_218 : i32
        %rem3A_223 = arith.remsi %add3A_217, %select_n3A_222 : i32
        %ne3A_224 = arith.constant 0 : i32
        %ne3A_225 = arith.cmpi ne, %rem3A_223, %ne3A_224 : i32
        %lt3A_226 = arith.constant 0 : i32
        %lt3A_227 = arith.cmpi slt, %rem3A_223, %lt3A_226 : i32
        %lt3A_228 = arith.constant 0 : i32
        %lt3A_229 = arith.cmpi slt, %select_n3A_222, %lt3A_228 : i32
        %ne3A_230 = arith.xori %lt3A_227, %lt3A_229 : i1
        %and3A_231 = arith.andi %ne3A_230, %ne3A_225 : i1
        %add3A_232 = arith.addi %rem3A_223, %select_n3A_222 : i32
        %select_n3A_233 = arith.select %and3A_231, %add3A_232, %rem3A_223 : i32
        %mul3A_234 = arith.constant 64 : i32
        %mul3A_235 = arith.muli %select_n3A_233, %mul3A_234 : i32
        %multiple_of3A_236 = tpu.assume_multiple %mul3A_235, 64 : i32
        %mul3A_237 = arith.constant 64 : i32
        %mul3A_238 = arith.muli %add3A_217, %mul3A_237 : i32
        %add3A_239 = arith.constant 0 : i32
        %add3A_240 = arith.addi %mul3A_238, %add3A_239 : i32
        %get3A_241 = arith.index_cast %add3A_240 : i32 to index
        %get3A_242 = tpu.vector_load %arg6[%get3A_241] {strides = array<i32>} : memref<10048xi32, #tpu.memory_space<vmem>>, vector<16xi32>,
        %get3A_243 = vector.shape_cast %get3A_242 : vector<16xi32> to vector<16xi32>
        %and3A_244 = arith.constant 65535 : i32
        %and3A_245 = vector.broadcast %and3A_244 : i32 to vector<16xi32>
        %and3A_246 = arith.andi %get3A_243, %and3A_245 : vector<16xi32>
        %swap3A_247 = tpu.memref_slice %arg7[%multiple_of3A_236] : memref<192xi32, #tpu.memory_space<vmem>> -> memref<64xi32, #tpu.memory_space<vmem>>
        %swap3A_248 = arith.constant 0 : index
        %swap3A_249 = tpu.vector_load %swap3A_247[%swap3A_248] {strides = array<i32>} : memref<64xi32, #tpu.memory_space<vmem>>, vector<16xi32>,
        %swap3A_250 = vector.shape_cast %swap3A_249 : vector<16xi32> to vector<16xi32>
        %swap3A_251 = vector.shape_cast %and3A_246 : vector<16xi32> to vector<16xi32>
        tpu.vector_store %swap3A_247[%swap3A_248], %swap3A_251 {strides = array<i32>} : memref<64xi32, #tpu.memory_space<vmem>>, vector<16xi32>,
        %mul3A_252 = arith.constant 64 : i32
        %mul3A_253 = arith.muli %add3A_217, %mul3A_252 : i32
        %add3A_254 = arith.constant 16 : i32
        %add3A_255 = arith.addi %mul3A_253, %add3A_254 : i32
        %get3A_256 = arith.index_cast %add3A_255 : i32 to index
        %get3A_257 = tpu.vector_load %arg6[%get3A_256] {strides = array<i32>} : memref<10048xi32, #tpu.memory_space<vmem>>, vector<16xi32>,
        %get3A_258 = vector.shape_cast %get3A_257 : vector<16xi32> to vector<16xi32>
        %and3A_259 = arith.constant 65535 : i32
        %and3A_260 = vector.broadcast %and3A_259 : i32 to vector<16xi32>
        %and3A_261 = arith.andi %get3A_258, %and3A_260 : vector<16xi32>
        %swap3A_262 = tpu.memref_slice %arg7[%multiple_of3A_236] : memref<192xi32, #tpu.memory_space<vmem>> -> memref<64xi32, #tpu.memory_space<vmem>>
        %swap3A_263 = arith.constant 16 : index
        %swap3A_264 = tpu.vector_load %swap3A_262[%swap3A_263] {strides = array<i32>} : memref<64xi32, #tpu.memory_space<vmem>>, vector<16xi32>,
        %swap3A_265 = vector.shape_cast %swap3A_264 : vector<16xi32> to vector<16xi32>
        %swap3A_266 = vector.shape_cast %and3A_261 : vector<16xi32> to vector<16xi32>
        tpu.vector_store %swap3A_262[%swap3A_263], %swap3A_266 {strides = array<i32>} : memref<64xi32, #tpu.memory_space<vmem>>, vector<16xi32>,
        %mul3A_267 = arith.constant 64 : i32
        %mul3A_268 = arith.muli %add3A_217, %mul3A_267 : i32
        %add3A_269 = arith.constant 32 : i32
        %add3A_270 = arith.addi %mul3A_268, %add3A_269 : i32
        %get3A_271 = arith.index_cast %add3A_270 : i32 to index
        %get3A_272 = tpu.vector_load %arg6[%get3A_271] {strides = array<i32>} : memref<10048xi32, #tpu.memory_space<vmem>>, vector<16xi32>,
        %get3A_273 = vector.shape_cast %get3A_272 : vector<16xi32> to vector<16xi32>
        %and3A_274 = arith.constant 65535 : i32
        %and3A_275 = vector.broadcast %and3A_274 : i32 to vector<16xi32>
        %and3A_276 = arith.andi %get3A_273, %and3A_275 : vector<16xi32>
        %swap3A_277 = tpu.memref_slice %arg7[%multiple_of3A_236] : memref<192xi32, #tpu.memory_space<vmem>> -> memref<64xi32, #tpu.memory_space<vmem>>
        %swap3A_278 = arith.constant 32 : index
        %swap3A_279 = tpu.vector_load %swap3A_277[%swap3A_278] {strides = array<i32>} : memref<64xi32, #tpu.memory_space<vmem>>, vector<16xi32>,
        %swap3A_280 = vector.shape_cast %swap3A_279 : vector<16xi32> to vector<16xi32>
        %swap3A_281 = vector.shape_cast %and3A_276 : vector<16xi32> to vector<16xi32>
        tpu.vector_store %swap3A_277[%swap3A_278], %swap3A_281 {strides = array<i32>} : memref<64xi32, #tpu.memory_space<vmem>>, vector<16xi32>,
        %mul3A_282 = arith.constant 64 : i32
        %mul3A_283 = arith.muli %add3A_217, %mul3A_282 : i32
        %add3A_284 = arith.constant 48 : i32
        %add3A_285 = arith.addi %mul3A_283, %add3A_284 : i32
        %get3A_286 = arith.index_cast %add3A_285 : i32 to index
        %get3A_287 = tpu.vector_load %arg6[%get3A_286] {strides = array<i32>} : memref<10048xi32, #tpu.memory_space<vmem>>, vector<16xi32>,
        %get3A_288 = vector.shape_cast %get3A_287 : vector<16xi32> to vector<16xi32>
        %and3A_289 = arith.constant 65535 : i32
        %and3A_290 = vector.broadcast %and3A_289 : i32 to vector<16xi32>
        %and3A_291 = arith.andi %get3A_288, %and3A_290 : vector<16xi32>
        %swap3A_292 = tpu.memref_slice %arg7[%multiple_of3A_236] : memref<192xi32, #tpu.memory_space<vmem>> -> memref<64xi32, #tpu.memory_space<vmem>>
        %swap3A_293 = arith.constant 48 : index
        %swap3A_294 = tpu.vector_load %swap3A_292[%swap3A_293] {strides = array<i32>} : memref<64xi32, #tpu.memory_space<vmem>>, vector<16xi32>,
        %swap3A_295 = vector.shape_cast %swap3A_294 : vector<16xi32> to vector<16xi32>
        %swap3A_296 = vector.shape_cast %and3A_291 : vector<16xi32> to vector<16xi32>
        tpu.vector_store %swap3A_292[%swap3A_293], %swap3A_296 {strides = array<i32>} : memref<64xi32, #tpu.memory_space<vmem>>, vector<16xi32>,
        %add3A_297 = arith.constant 3 : i32
        %add3A_298 = arith.addi %add3A_116, %add3A_297 : i32
        %jit3A_299 = arith.constant 3 : i32
        %eq3A_300 = arith.constant 0 : i32
        %eq3A_301 = arith.cmpi eq, %jit3A_299, %eq3A_300 : i32
        %jit3A_302 = arith.constant 1 : i32
        %select_n3A_303 = arith.select %eq3A_301, %jit3A_302, %jit3A_299 : i32
        %rem3A_304 = arith.remsi %add3A_298, %select_n3A_303 : i32
        %ne3A_305 = arith.constant 0 : i32
        %ne3A_306 = arith.cmpi ne, %rem3A_304, %ne3A_305 : i32
        %lt3A_307 = arith.constant 0 : i32
        %lt3A_308 = arith.cmpi slt, %rem3A_304, %lt3A_307 : i32
        %lt3A_309 = arith.constant 0 : i32
        %lt3A_310 = arith.cmpi slt, %select_n3A_303, %lt3A_309 : i32
        %ne3A_311 = arith.xori %lt3A_308, %lt3A_310 : i1
        %and3A_312 = arith.andi %ne3A_311, %ne3A_306 : i1
        %add3A_313 = arith.addi %rem3A_304, %select_n3A_303 : i32
        %select_n3A_314 = arith.select %and3A_312, %add3A_313, %rem3A_304 : i32
        %mul3A_315 = arith.constant 64 : i32
        %mul3A_316 = arith.muli %select_n3A_314, %mul3A_315 : i32
        %multiple_of3A_317 = tpu.assume_multiple %mul3A_316, 64 : i32
        %add3A_318 = arith.constant 3 : i32
        %add3A_319 = arith.addi %add3A_116, %add3A_318 : i32
        %jit3A_320 = arith.constant 4 : i32
        %eq3A_321 = arith.constant 0 : i32
        %eq3A_322 = arith.cmpi eq, %jit3A_320, %eq3A_321 : i32
        %jit3A_323 = arith.constant 1 : i32
        %select_n3A_324 = arith.select %eq3A_322, %jit3A_323, %jit3A_320 : i32
        %rem3A_325 = arith.remsi %add3A_319, %select_n3A_324 : i32
        %ne3A_326 = arith.constant 0 : i32
        %ne3A_327 = arith.cmpi ne, %rem3A_325, %ne3A_326 : i32
        %lt3A_328 = arith.constant 0 : i32
        %lt3A_329 = arith.cmpi slt, %rem3A_325, %lt3A_328 : i32
        %lt3A_330 = arith.constant 0 : i32
        %lt3A_331 = arith.cmpi slt, %select_n3A_324, %lt3A_330 : i32
        %ne3A_332 = arith.xori %lt3A_329, %lt3A_331 : i1
        %and3A_333 = arith.andi %ne3A_332, %ne3A_327 : i1
        %add3A_334 = arith.addi %rem3A_325, %select_n3A_324 : i32
        %select_n3A_335 = arith.select %and3A_333, %add3A_334, %rem3A_325 : i32
        %dma_start3A_336 = arith.constant 0 : i32
        %dma_start3A_337 = arith.constant 0 : i32
        %dma_start3A_338 = tpu.memref_slice %arg9[%select_n3A_335, %dma_start3A_336, %dma_start3A_337] : memref<4x64x128xf32, #tpu.memory_space<vmem>> -> memref<1x64x128xf32, #tpu.memory_space<vmem>>
        %dma_start3A_339 = tpu.memref_squeeze %dma_start3A_338 : memref<1x64x128xf32, #tpu.memory_space<vmem>> -> memref<64x128xf32, #tpu.memory_space<vmem>>
        %dma_start3A_340 = tpu.memref_slice %arg7[%multiple_of3A_317] : memref<192xi32, #tpu.memory_space<vmem>> -> memref<64xi32, #tpu.memory_space<vmem>>
        %dma_start3A_341 = arith.constant 0 : i32
        %dma_start3A_342 = arith.constant 0 : i32
        %dma_start3A_343 = tpu.memref_slice %arg2[%dma_start3A_341, %dma_start3A_342] : memref<10240x128xf32, #tpu.memory_space<hbm>> -> memref<10240x128xf32, #tpu.memory_space<hbm>>
        tpu.enqueue_indirect_dma source(%dma_start3A_343 : memref<10240x128xf32, #tpu.memory_space<hbm>>) target(%dma_start3A_339 : memref<64x128xf32, #tpu.memory_space<vmem>>) offsets(%dma_start3A_340 : memref<64xi32, #tpu.memory_space<vmem>>) semaphore(%arg11 : memref<!tpu.dma_semaphore, #tpu.memory_space<semaphore_mem>>)
      } else {
      }
      %mul3A_154 = arith.constant 64 : i32
      %mul3A_155 = arith.muli %add3A_116, %mul3A_154 : i32
      %add3A_156 = arith.constant 0 : i32
      %add3A_157 = arith.addi %mul3A_155, %add3A_156 : i32
      %get3A_158 = arith.index_cast %add3A_157 : i32 to index
      %get3A_159 = tpu.vector_load %arg6[%get3A_158] {strides = array<i32>} : memref<10048xi32, #tpu.memory_space<vmem>>, vector<16xi32>,
      %get3A_160 = vector.shape_cast %get3A_159 : vector<16xi32> to vector<16xi32>
      %shift_right_logical3A = arith.constant 16 : i32
      %shift_right_logical3A_161 = vector.broadcast %shift_right_logical3A : i32 to vector<16xi32>
      %shift_right_logical3A_162 = arith.shrui %get3A_160, %shift_right_logical3A_161 : vector<16xi32>
      %swap3A_163 = arith.constant 0 : index
      %swap3A_164 = tpu.vector_load %arg8[%swap3A_163] {strides = array<i32>} : memref<64xi32, #tpu.memory_space<vmem>>, vector<16xi32>,
      %swap3A_165 = vector.shape_cast %swap3A_164 : vector<16xi32> to vector<16xi32>
      %swap3A_166 = vector.shape_cast %shift_right_logical3A_162 : vector<16xi32> to vector<16xi32>
      tpu.vector_store %arg8[%swap3A_163], %swap3A_166 {strides = array<i32>} : memref<64xi32, #tpu.memory_space<vmem>>, vector<16xi32>,
      %mul3A_167 = arith.constant 64 : i32
      %mul3A_168 = arith.muli %add3A_116, %mul3A_167 : i32
      %add3A_169 = arith.constant 16 : i32
      %add3A_170 = arith.addi %mul3A_168, %add3A_169 : i32
      %get3A_171 = arith.index_cast %add3A_170 : i32 to index
      %get3A_172 = tpu.vector_load %arg6[%get3A_171] {strides = array<i32>} : memref<10048xi32, #tpu.memory_space<vmem>>, vector<16xi32>,
      %get3A_173 = vector.shape_cast %get3A_172 : vector<16xi32> to vector<16xi32>
      %shift_right_logical3A_174 = arith.constant 16 : i32
      %shift_right_logical3A_175 = vector.broadcast %shift_right_logical3A_174 : i32 to vector<16xi32>
      %shift_right_logical3A_176 = arith.shrui %get3A_173, %shift_right_logical3A_175 : vector<16xi32>
      %swap3A_177 = arith.constant 16 : index
      %swap3A_178 = tpu.vector_load %arg8[%swap3A_177] {strides = array<i32>} : memref<64xi32, #tpu.memory_space<vmem>>, vector<16xi32>,
      %swap3A_179 = vector.shape_cast %swap3A_178 : vector<16xi32> to vector<16xi32>
      %swap3A_180 = vector.shape_cast %shift_right_logical3A_176 : vector<16xi32> to vector<16xi32>
      tpu.vector_store %arg8[%swap3A_177], %swap3A_180 {strides = array<i32>} : memref<64xi32, #tpu.memory_space<vmem>>, vector<16xi32>,
      %mul3A_181 = arith.constant 64 : i32
      %mul3A_182 = arith.muli %add3A_116, %mul3A_181 : i32
      %add3A_183 = arith.constant 32 : i32
      %add3A_184 = arith.addi %mul3A_182, %add3A_183 : i32
      %get3A_185 = arith.index_cast %add3A_184 : i32 to index
      %get3A_186 = tpu.vector_load %arg6[%get3A_185] {strides = array<i32>} : memref<10048xi32, #tpu.memory_space<vmem>>, vector<16xi32>,
      %get3A_187 = vector.shape_cast %get3A_186 : vector<16xi32> to vector<16xi32>
      %shift_right_logical3A_188 = arith.constant 16 : i32
      %shift_right_logical3A_189 = vector.broadcast %shift_right_logical3A_188 : i32 to vector<16xi32>
      %shift_right_logical3A_190 = arith.shrui %get3A_187, %shift_right_logical3A_189 : vector<16xi32>
      %swap3A_191 = arith.constant 32 : index
      %swap3A_192 = tpu.vector_load %arg8[%swap3A_191] {strides = array<i32>} : memref<64xi32, #tpu.memory_space<vmem>>, vector<16xi32>,
      %swap3A_193 = vector.shape_cast %swap3A_192 : vector<16xi32> to vector<16xi32>
      %swap3A_194 = vector.shape_cast %shift_right_logical3A_190 : vector<16xi32> to vector<16xi32>
      tpu.vector_store %arg8[%swap3A_191], %swap3A_194 {strides = array<i32>} : memref<64xi32, #tpu.memory_space<vmem>>, vector<16xi32>,
      %mul3A_195 = arith.constant 64 : i32
      %mul3A_196 = arith.muli %add3A_116, %mul3A_195 : i32
      %add3A_197 = arith.constant 48 : i32
      %add3A_198 = arith.addi %mul3A_196, %add3A_197 : i32
      %get3A_199 = arith.index_cast %add3A_198 : i32 to index
      %get3A_200 = tpu.vector_load %arg6[%get3A_199] {strides = array<i32>} : memref<10048xi32, #tpu.memory_space<vmem>>, vector<16xi32>,
      %get3A_201 = vector.shape_cast %get3A_200 : vector<16xi32> to vector<16xi32>
      %shift_right_logical3A_202 = arith.constant 16 : i32
      %shift_right_logical3A_203 = vector.broadcast %shift_right_logical3A_202 : i32 to vector<16xi32>
      %shift_right_logical3A_204 = arith.shrui %get3A_201, %shift_right_logical3A_203 : vector<16xi32>
      %swap3A_205 = arith.constant 48 : index
      %swap3A_206 = tpu.vector_load %arg8[%swap3A_205] {strides = array<i32>} : memref<64xi32, #tpu.memory_space<vmem>>, vector<16xi32>,
      %swap3A_207 = vector.shape_cast %swap3A_206 : vector<16xi32> to vector<16xi32>
      %swap3A_208 = vector.shape_cast %shift_right_logical3A_204 : vector<16xi32> to vector<16xi32>
      tpu.vector_store %arg8[%swap3A_205], %swap3A_208 {strides = array<i32>} : memref<64xi32, #tpu.memory_space<vmem>>, vector<16xi32>,
      %dma_start3A_209 = arith.constant 0 : i32
      %dma_start3A_210 = arith.constant 0 : i32
      %dma_start3A_211 = tpu.memref_slice %arg9[%select_n3A_129, %dma_start3A_209, %dma_start3A_210] : memref<4x64x128xf32, #tpu.memory_space<vmem>> -> memref<1x64x128xf32, #tpu.memory_space<vmem>>
      %dma_start3A_212 = tpu.memref_squeeze %dma_start3A_211 : memref<1x64x128xf32, #tpu.memory_space<vmem>> -> memref<64x128xf32, #tpu.memory_space<vmem>>
      %dma_start3A_213 = arith.constant 0 : i32
      %dma_start3A_214 = arith.constant 0 : i32
      %dma_start3A_215 = tpu.memref_slice %arg10[%dma_start3A_213, %dma_start3A_214] : memref<10240x128xf32, #tpu.memory_space<vmem_shared>> -> memref<10240x128xf32, #tpu.memory_space<vmem_shared>>
      tpu.enqueue_indirect_dma source(%dma_start3A_212 : memref<64x128xf32, #tpu.memory_space<vmem>>) target(%dma_start3A_215 : memref<10240x128xf32, #tpu.memory_space<vmem_shared>>) offsets(%arg8 : memref<64xi32, #tpu.memory_space<vmem>>) semaphore(%arg12 : memref<!tpu.dma_semaphore, #tpu.memory_space<semaphore_mem>>) {add = true}
    }
    %while3A_93 = arith.constant 1 : i32
    scf.for %while3A_114 = %while3A_91 to %while3A_87 step %while3A_93  : i32 {
      %mul3A_115 = arith.muli %while3A_114, %while3A : i32
      %add3A_116 = arith.addi %while3A_84, %mul3A_115 : i32
      %jit3A_117 = arith.constant 4 : i32
      %eq3A = arith.constant 0 : i32
      %eq3A_118 = arith.cmpi eq, %jit3A_117, %eq3A : i32
      %jit3A_119 = arith.constant 1 : i32
      %select_n3A_120 = arith.select %eq3A_118, %jit3A_119, %jit3A_117 : i32
      %rem3A = arith.remsi %add3A_116, %select_n3A_120 : i32
      %ne3A = arith.constant 0 : i32
      %ne3A_121 = arith.cmpi ne, %rem3A, %ne3A : i32
      %lt3A_122 = arith.constant 0 : i32
      %lt3A_123 = arith.cmpi slt, %rem3A, %lt3A_122 : i32
      %lt3A_124 = arith.constant 0 : i32
      %lt3A_125 = arith.cmpi slt, %select_n3A_120, %lt3A_124 : i32
      %ne3A_126 = arith.xori %lt3A_123, %lt3A_125 : i1
      %and3A_127 = arith.andi %ne3A_126, %ne3A_121 : i1
      %add3A_128 = arith.addi %rem3A, %select_n3A_120 : i32
      %select_n3A_129 = arith.select %and3A_127, %add3A_128, %rem3A : i32
      %dma_wait3A_130 = arith.constant 0 : i32
      %dma_wait3A_131 = arith.constant 0 : i32
      %dma_wait3A_132 = tpu.memref_slice %arg9[%select_n3A_129, %dma_wait3A_130, %dma_wait3A_131] : memref<4x64x128xf32, #tpu.memory_space<vmem>> -> memref<1x64x128xf32, #tpu.memory_space<vmem>>
      %dma_wait3A_133 = tpu.memref_squeeze %dma_wait3A_132 : memref<1x64x128xf32, #tpu.memory_space<vmem>> -> memref<64x128xf32, #tpu.memory_space<vmem>>
      %dma_wait3A_134 = arith.constant 0 : i32
      %dma_wait3A_135 = arith.constant 0 : i32
      %dma_wait3A_136 = tpu.memref_slice %arg2[%dma_wait3A_134, %dma_wait3A_135] : memref<10240x128xf32, #tpu.memory_space<hbm>> -> memref<64x128xf32, #tpu.memory_space<hbm>>
      %dma_wait3A_137 = arith.constant 0 : i32
      %dma_wait3A_138 = arith.constant 0 : i32
      %dma_wait3A_139 = tpu.memref_slice %arg9[%select_n3A_129, %dma_wait3A_137, %dma_wait3A_138] : memref<4x64x128xf32, #tpu.memory_space<vmem>> -> memref<1x64x128xf32, #tpu.memory_space<vmem>>
      %dma_wait3A_140 = tpu.memref_squeeze %dma_wait3A_139 : memref<1x64x128xf32, #tpu.memory_space<vmem>> -> memref<64x128xf32, #tpu.memory_space<vmem>>
      %dma_wait3A_141 = arith.constant 0 : i32
      %dma_wait3A_142 = arith.constant 0 : i32
      %dma_wait3A_143 = tpu.memref_slice %arg2[%dma_wait3A_141, %dma_wait3A_142] : memref<10240x128xf32, #tpu.memory_space<hbm>> -> memref<64x128xf32, #tpu.memory_space<hbm>>
      tpu.wait_dma2 semaphore(%arg11 : memref<!tpu.dma_semaphore, #tpu.memory_space<semaphore_mem>>) src(%dma_wait3A_143 : memref<64x128xf32, #tpu.memory_space<hbm>>) dst(%dma_wait3A_140 : memref<64x128xf32, #tpu.memory_space<vmem>>)
      %ge3A = arith.constant 1 : i32
      %ge3A_144 = arith.cmpi sge, %add3A_116, %ge3A : i32
      %convert_element_type3A_145 = arith.extui %ge3A_144 : i1 to i32
      %cond3A_146 = arith.constant 0 : i32
      %cond3A_147 = arith.cmpi ne, %convert_element_type3A_145, %cond3A_146 : i32
      scf.if %cond3A_147 {
        %dma_wait3A_216 = arith.constant 0 : i32
        %dma_wait3A_217 = arith.constant 0 : i32
        %dma_wait3A_218 = tpu.memref_slice %arg9[%select_n3A_129, %dma_wait3A_216, %dma_wait3A_217] : memref<4x64x128xf32, #tpu.memory_space<vmem>> -> memref<1x64x128xf32, #tpu.memory_space<vmem>>
        %dma_wait3A_219 = tpu.memref_squeeze %dma_wait3A_218 : memref<1x64x128xf32, #tpu.memory_space<vmem>> -> memref<64x128xf32, #tpu.memory_space<vmem>>
        %dma_wait3A_220 = arith.constant 0 : i32
        %dma_wait3A_221 = arith.constant 0 : i32
        %dma_wait3A_222 = tpu.memref_slice %arg10[%dma_wait3A_220, %dma_wait3A_221] : memref<10240x128xf32, #tpu.memory_space<vmem_shared>> -> memref<64x128xf32, #tpu.memory_space<vmem_shared>>
        %dma_wait3A_223 = arith.constant 0 : i32
        %dma_wait3A_224 = arith.constant 0 : i32
        %dma_wait3A_225 = tpu.memref_slice %arg10[%dma_wait3A_223, %dma_wait3A_224] : memref<10240x128xf32, #tpu.memory_space<vmem_shared>> -> memref<64x128xf32, #tpu.memory_space<vmem_shared>>
        %dma_wait3A_226 = arith.constant 0 : i32
        %dma_wait3A_227 = arith.constant 0 : i32
        %dma_wait3A_228 = tpu.memref_slice %arg9[%select_n3A_129, %dma_wait3A_226, %dma_wait3A_227] : memref<4x64x128xf32, #tpu.memory_space<vmem>> -> memref<1x64x128xf32, #tpu.memory_space<vmem>>
        %dma_wait3A_229 = tpu.memref_squeeze %dma_wait3A_228 : memref<1x64x128xf32, #tpu.memory_space<vmem>> -> memref<64x128xf32, #tpu.memory_space<vmem>>
        tpu.wait_dma2 semaphore(%arg12 : memref<!tpu.dma_semaphore, #tpu.memory_space<semaphore_mem>>) src(%dma_wait3A_229 : memref<64x128xf32, #tpu.memory_space<vmem>>) dst(%dma_wait3A_225 : memref<64x128xf32, #tpu.memory_space<vmem_shared>>)
      } else {
      }
      %add3A_148 = arith.constant 3 : i32
      %add3A_149 = arith.addi %add3A_116, %add3A_148 : i32
      %lt3A_150 = arith.cmpi slt, %add3A_149, %select_n3A : i32
      %convert_element_type3A_151 = arith.extui %lt3A_150 : i1 to i32
      %cond3A_152 = arith.constant 0 : i32
      %cond3A_153 = arith.cmpi ne, %convert_element_type3A_151, %cond3A_152 : i32
      scf.if %cond3A_153 {
        %add3A_216 = arith.constant 3 : i32
        %add3A_217 = arith.addi %add3A_116, %add3A_216 : i32
        %jit3A_218 = arith.constant 3 : i32
        %eq3A_219 = arith.constant 0 : i32
        %eq3A_220 = arith.cmpi eq, %jit3A_218, %eq3A_219 : i32
        %jit3A_221 = arith.constant 1 : i32
        %select_n3A_222 = arith.select %eq3A_220, %jit3A_221, %jit3A_218 : i32
        %rem3A_223 = arith.remsi %add3A_217, %select_n3A_222 : i32
        %ne3A_224 = arith.constant 0 : i32
        %ne3A_225 = arith.cmpi ne, %rem3A_223, %ne3A_224 : i32
        %lt3A_226 = arith.constant 0 : i32
        %lt3A_227 = arith.cmpi slt, %rem3A_223, %lt3A_226 : i32
        %lt3A_228 = arith.constant 0 : i32
        %lt3A_229 = arith.cmpi slt, %select_n3A_222, %lt3A_228 : i32
        %ne3A_230 = arith.xori %lt3A_227, %lt3A_229 : i1
        %and3A_231 = arith.andi %ne3A_230, %ne3A_225 : i1
        %add3A_232 = arith.addi %rem3A_223, %select_n3A_222 : i32
        %select_n3A_233 = arith.select %and3A_231, %add3A_232, %rem3A_223 : i32
        %mul3A_234 = arith.constant 64 : i32
        %mul3A_235 = arith.muli %select_n3A_233, %mul3A_234 : i32
        %multiple_of3A_236 = tpu.assume_multiple %mul3A_235, 64 : i32
        %mul3A_237 = arith.constant 64 : i32
        %mul3A_238 = arith.muli %add3A_217, %mul3A_237 : i32
        %add3A_239 = arith.constant 0 : i32
        %add3A_240 = arith.addi %mul3A_238, %add3A_239 : i32
        %get3A_241 = arith.index_cast %add3A_240 : i32 to index
        %get3A_242 = tpu.vector_load %arg6[%get3A_241] {strides = array<i32>} : memref<10048xi32, #tpu.memory_space<vmem>>, vector<16xi32>,
        %get3A_243 = vector.shape_cast %get3A_242 : vector<16xi32> to vector<16xi32>
        %and3A_244 = arith.constant 65535 : i32
        %and3A_245 = vector.broadcast %and3A_244 : i32 to vector<16xi32>
        %and3A_246 = arith.andi %get3A_243, %and3A_245 : vector<16xi32>
        %swap3A_247 = tpu.memref_slice %arg7[%multiple_of3A_236] : memref<192xi32, #tpu.memory_space<vmem>> -> memref<64xi32, #tpu.memory_space<vmem>>
        %swap3A_248 = arith.constant 0 : index
        %swap3A_249 = tpu.vector_load %swap3A_247[%swap3A_248] {strides = array<i32>} : memref<64xi32, #tpu.memory_space<vmem>>, vector<16xi32>,
        %swap3A_250 = vector.shape_cast %swap3A_249 : vector<16xi32> to vector<16xi32>
        %swap3A_251 = vector.shape_cast %and3A_246 : vector<16xi32> to vector<16xi32>
        tpu.vector_store %swap3A_247[%swap3A_248], %swap3A_251 {strides = array<i32>} : memref<64xi32, #tpu.memory_space<vmem>>, vector<16xi32>,
        %mul3A_252 = arith.constant 64 : i32
        %mul3A_253 = arith.muli %add3A_217, %mul3A_252 : i32
        %add3A_254 = arith.constant 16 : i32
        %add3A_255 = arith.addi %mul3A_253, %add3A_254 : i32
        %get3A_256 = arith.index_cast %add3A_255 : i32 to index
        %get3A_257 = tpu.vector_load %arg6[%get3A_256] {strides = array<i32>} : memref<10048xi32, #tpu.memory_space<vmem>>, vector<16xi32>,
        %get3A_258 = vector.shape_cast %get3A_257 : vector<16xi32> to vector<16xi32>
        %and3A_259 = arith.constant 65535 : i32
        %and3A_260 = vector.broadcast %and3A_259 : i32 to vector<16xi32>
        %and3A_261 = arith.andi %get3A_258, %and3A_260 : vector<16xi32>
        %swap3A_262 = tpu.memref_slice %arg7[%multiple_of3A_236] : memref<192xi32, #tpu.memory_space<vmem>> -> memref<64xi32, #tpu.memory_space<vmem>>
        %swap3A_263 = arith.constant 16 : index
        %swap3A_264 = tpu.vector_load %swap3A_262[%swap3A_263] {strides = array<i32>} : memref<64xi32, #tpu.memory_space<vmem>>, vector<16xi32>,
        %swap3A_265 = vector.shape_cast %swap3A_264 : vector<16xi32> to vector<16xi32>
        %swap3A_266 = vector.shape_cast %and3A_261 : vector<16xi32> to vector<16xi32>
        tpu.vector_store %swap3A_262[%swap3A_263], %swap3A_266 {strides = array<i32>} : memref<64xi32, #tpu.memory_space<vmem>>, vector<16xi32>,
        %mul3A_267 = arith.constant 64 : i32
        %mul3A_268 = arith.muli %add3A_217, %mul3A_267 : i32
        %add3A_269 = arith.constant 32 : i32
        %add3A_270 = arith.addi %mul3A_268, %add3A_269 : i32
        %get3A_271 = arith.index_cast %add3A_270 : i32 to index
        %get3A_272 = tpu.vector_load %arg6[%get3A_271] {strides = array<i32>} : memref<10048xi32, #tpu.memory_space<vmem>>, vector<16xi32>,
        %get3A_273 = vector.shape_cast %get3A_272 : vector<16xi32> to vector<16xi32>
        %and3A_274 = arith.constant 65535 : i32
        %and3A_275 = vector.broadcast %and3A_274 : i32 to vector<16xi32>
        %and3A_276 = arith.andi %get3A_273, %and3A_275 : vector<16xi32>
        %swap3A_277 = tpu.memref_slice %arg7[%multiple_of3A_236] : memref<192xi32, #tpu.memory_space<vmem>> -> memref<64xi32, #tpu.memory_space<vmem>>
        %swap3A_278 = arith.constant 32 : index
        %swap3A_279 = tpu.vector_load %swap3A_277[%swap3A_278] {strides = array<i32>} : memref<64xi32, #tpu.memory_space<vmem>>, vector<16xi32>,
        %swap3A_280 = vector.shape_cast %swap3A_279 : vector<16xi32> to vector<16xi32>
        %swap3A_281 = vector.shape_cast %and3A_276 : vector<16xi32> to vector<16xi32>
        tpu.vector_store %swap3A_277[%swap3A_278], %swap3A_281 {strides = array<i32>} : memref<64xi32, #tpu.memory_space<vmem>>, vector<16xi32>,
        %mul3A_282 = arith.constant 64 : i32
        %mul3A_283 = arith.muli %add3A_217, %mul3A_282 : i32
        %add3A_284 = arith.constant 48 : i32
        %add3A_285 = arith.addi %mul3A_283, %add3A_284 : i32
        %get3A_286 = arith.index_cast %add3A_285 : i32 to index
        %get3A_287 = tpu.vector_load %arg6[%get3A_286] {strides = array<i32>} : memref<10048xi32, #tpu.memory_space<vmem>>, vector<16xi32>,
        %get3A_288 = vector.shape_cast %get3A_287 : vector<16xi32> to vector<16xi32>
        %and3A_289 = arith.constant 65535 : i32
        %and3A_290 = vector.broadcast %and3A_289 : i32 to vector<16xi32>
        %and3A_291 = arith.andi %get3A_288, %and3A_290 : vector<16xi32>
        %swap3A_292 = tpu.memref_slice %arg7[%multiple_of3A_236] : memref<192xi32, #tpu.memory_space<vmem>> -> memref<64xi32, #tpu.memory_space<vmem>>
        %swap3A_293 = arith.constant 48 : index
        %swap3A_294 = tpu.vector_load %swap3A_292[%swap3A_293] {strides = array<i32>} : memref<64xi32, #tpu.memory_space<vmem>>, vector<16xi32>,
        %swap3A_295 = vector.shape_cast %swap3A_294 : vector<16xi32> to vector<16xi32>
        %swap3A_296 = vector.shape_cast %and3A_291 : vector<16xi32> to vector<16xi32>
        tpu.vector_store %swap3A_292[%swap3A_293], %swap3A_296 {strides = array<i32>} : memref<64xi32, #tpu.memory_space<vmem>>, vector<16xi32>,
        %add3A_297 = arith.constant 3 : i32
        %add3A_298 = arith.addi %add3A_116, %add3A_297 : i32
        %jit3A_299 = arith.constant 3 : i32
        %eq3A_300 = arith.constant 0 : i32
        %eq3A_301 = arith.cmpi eq, %jit3A_299, %eq3A_300 : i32
        %jit3A_302 = arith.constant 1 : i32
        %select_n3A_303 = arith.select %eq3A_301, %jit3A_302, %jit3A_299 : i32
        %rem3A_304 = arith.remsi %add3A_298, %select_n3A_303 : i32
        %ne3A_305 = arith.constant 0 : i32
        %ne3A_306 = arith.cmpi ne, %rem3A_304, %ne3A_305 : i32
        %lt3A_307 = arith.constant 0 : i32
        %lt3A_308 = arith.cmpi slt, %rem3A_304, %lt3A_307 : i32
        %lt3A_309 = arith.constant 0 : i32
        %lt3A_310 = arith.cmpi slt, %select_n3A_303, %lt3A_309 : i32
        %ne3A_311 = arith.xori %lt3A_308, %lt3A_310 : i1
        %and3A_312 = arith.andi %ne3A_311, %ne3A_306 : i1
        %add3A_313 = arith.addi %rem3A_304, %select_n3A_303 : i32
        %select_n3A_314 = arith.select %and3A_312, %add3A_313, %rem3A_304 : i32
        %mul3A_315 = arith.constant 64 : i32
        %mul3A_316 = arith.muli %select_n3A_314, %mul3A_315 : i32
        %multiple_of3A_317 = tpu.assume_multiple %mul3A_316, 64 : i32
        %add3A_318 = arith.constant 3 : i32
        %add3A_319 = arith.addi %add3A_116, %add3A_318 : i32
        %jit3A_320 = arith.constant 4 : i32
        %eq3A_321 = arith.constant 0 : i32
        %eq3A_322 = arith.cmpi eq, %jit3A_320, %eq3A_321 : i32
        %jit3A_323 = arith.constant 1 : i32
        %select_n3A_324 = arith.select %eq3A_322, %jit3A_323, %jit3A_320 : i32
        %rem3A_325 = arith.remsi %add3A_319, %select_n3A_324 : i32
        %ne3A_326 = arith.constant 0 : i32
        %ne3A_327 = arith.cmpi ne, %rem3A_325, %ne3A_326 : i32
        %lt3A_328 = arith.constant 0 : i32
        %lt3A_329 = arith.cmpi slt, %rem3A_325, %lt3A_328 : i32
        %lt3A_330 = arith.constant 0 : i32
        %lt3A_331 = arith.cmpi slt, %select_n3A_324, %lt3A_330 : i32
        %ne3A_332 = arith.xori %lt3A_329, %lt3A_331 : i1
        %and3A_333 = arith.andi %ne3A_332, %ne3A_327 : i1
        %add3A_334 = arith.addi %rem3A_325, %select_n3A_324 : i32
        %select_n3A_335 = arith.select %and3A_333, %add3A_334, %rem3A_325 : i32
        %dma_start3A_336 = arith.constant 0 : i32
        %dma_start3A_337 = arith.constant 0 : i32
        %dma_start3A_338 = tpu.memref_slice %arg9[%select_n3A_335, %dma_start3A_336, %dma_start3A_337] : memref<4x64x128xf32, #tpu.memory_space<vmem>> -> memref<1x64x128xf32, #tpu.memory_space<vmem>>
        %dma_start3A_339 = tpu.memref_squeeze %dma_start3A_338 : memref<1x64x128xf32, #tpu.memory_space<vmem>> -> memref<64x128xf32, #tpu.memory_space<vmem>>
        %dma_start3A_340 = tpu.memref_slice %arg7[%multiple_of3A_317] : memref<192xi32, #tpu.memory_space<vmem>> -> memref<64xi32, #tpu.memory_space<vmem>>
        %dma_start3A_341 = arith.constant 0 : i32
        %dma_start3A_342 = arith.constant 0 : i32
        %dma_start3A_343 = tpu.memref_slice %arg2[%dma_start3A_341, %dma_start3A_342] : memref<10240x128xf32, #tpu.memory_space<hbm>> -> memref<10240x128xf32, #tpu.memory_space<hbm>>
        tpu.enqueue_indirect_dma source(%dma_start3A_343 : memref<10240x128xf32, #tpu.memory_space<hbm>>) target(%dma_start3A_339 : memref<64x128xf32, #tpu.memory_space<vmem>>) offsets(%dma_start3A_340 : memref<64xi32, #tpu.memory_space<vmem>>) semaphore(%arg11 : memref<!tpu.dma_semaphore, #tpu.memory_space<semaphore_mem>>)
      } else {
      }
      %mul3A_154 = arith.constant 64 : i32
      %mul3A_155 = arith.muli %add3A_116, %mul3A_154 : i32
      %add3A_156 = arith.constant 0 : i32
      %add3A_157 = arith.addi %mul3A_155, %add3A_156 : i32
      %get3A_158 = arith.index_cast %add3A_157 : i32 to index
      %get3A_159 = tpu.vector_load %arg6[%get3A_158] {strides = array<i32>} : memref<10048xi32, #tpu.memory_space<vmem>>, vector<16xi32>,
      %get3A_160 = vector.shape_cast %get3A_159 : vector<16xi32> to vector<16xi32>
      %shift_right_logical3A = arith.constant 16 : i32
      %shift_right_logical3A_161 = vector.broadcast %shift_right_logical3A : i32 to vector<16xi32>
      %shift_right_logical3A_162 = arith.shrui %get3A_160, %shift_right_logical3A_161 : vector<16xi32>
      %swap3A_163 = arith.constant 0 : index
      %swap3A_164 = tpu.vector_load %arg8[%swap3A_163] {strides = array<i32>} : memref<64xi32, #tpu.memory_space<vmem>>, vector<16xi32>,
      %swap3A_165 = vector.shape_cast %swap3A_164 : vector<16xi32> to vector<16xi32>
      %swap3A_166 = vector.shape_cast %shift_right_logical3A_162 : vector<16xi32> to vector<16xi32>
      tpu.vector_store %arg8[%swap3A_163], %swap3A_166 {strides = array<i32>} : memref<64xi32, #tpu.memory_space<vmem>>, vector<16xi32>,
      %mul3A_167 = arith.constant 64 : i32
      %mul3A_168 = arith.muli %add3A_116, %mul3A_167 : i32
      %add3A_169 = arith.constant 16 : i32
      %add3A_170 = arith.addi %mul3A_168, %add3A_169 : i32
      %get3A_171 = arith.index_cast %add3A_170 : i32 to index
      %get3A_172 = tpu.vector_load %arg6[%get3A_171] {strides = array<i32>} : memref<10048xi32, #tpu.memory_space<vmem>>, vector<16xi32>,
      %get3A_173 = vector.shape_cast %get3A_172 : vector<16xi32> to vector<16xi32>
      %shift_right_logical3A_174 = arith.constant 16 : i32
      %shift_right_logical3A_175 = vector.broadcast %shift_right_logical3A_174 : i32 to vector<16xi32>
      %shift_right_logical3A_176 = arith.shrui %get3A_173, %shift_right_logical3A_175 : vector<16xi32>
      %swap3A_177 = arith.constant 16 : index
      %swap3A_178 = tpu.vector_load %arg8[%swap3A_177] {strides = array<i32>} : memref<64xi32, #tpu.memory_space<vmem>>, vector<16xi32>,
      %swap3A_179 = vector.shape_cast %swap3A_178 : vector<16xi32> to vector<16xi32>
      %swap3A_180 = vector.shape_cast %shift_right_logical3A_176 : vector<16xi32> to vector<16xi32>
      tpu.vector_store %arg8[%swap3A_177], %swap3A_180 {strides = array<i32>} : memref<64xi32, #tpu.memory_space<vmem>>, vector<16xi32>,
      %mul3A_181 = arith.constant 64 : i32
      %mul3A_182 = arith.muli %add3A_116, %mul3A_181 : i32
      %add3A_183 = arith.constant 32 : i32
      %add3A_184 = arith.addi %mul3A_182, %add3A_183 : i32
      %get3A_185 = arith.index_cast %add3A_184 : i32 to index
      %get3A_186 = tpu.vector_load %arg6[%get3A_185] {strides = array<i32>} : memref<10048xi32, #tpu.memory_space<vmem>>, vector<16xi32>,
      %get3A_187 = vector.shape_cast %get3A_186 : vector<16xi32> to vector<16xi32>
      %shift_right_logical3A_188 = arith.constant 16 : i32
      %shift_right_logical3A_189 = vector.broadcast %shift_right_logical3A_188 : i32 to vector<16xi32>
      %shift_right_logical3A_190 = arith.shrui %get3A_187, %shift_right_logical3A_189 : vector<16xi32>
      %swap3A_191 = arith.constant 32 : index
      %swap3A_192 = tpu.vector_load %arg8[%swap3A_191] {strides = array<i32>} : memref<64xi32, #tpu.memory_space<vmem>>, vector<16xi32>,
      %swap3A_193 = vector.shape_cast %swap3A_192 : vector<16xi32> to vector<16xi32>
      %swap3A_194 = vector.shape_cast %shift_right_logical3A_190 : vector<16xi32> to vector<16xi32>
      tpu.vector_store %arg8[%swap3A_191], %swap3A_194 {strides = array<i32>} : memref<64xi32, #tpu.memory_space<vmem>>, vector<16xi32>,
      %mul3A_195 = arith.constant 64 : i32
      %mul3A_196 = arith.muli %add3A_116, %mul3A_195 : i32
      %add3A_197 = arith.constant 48 : i32
      %add3A_198 = arith.addi %mul3A_196, %add3A_197 : i32
      %get3A_199 = arith.index_cast %add3A_198 : i32 to index
      %get3A_200 = tpu.vector_load %arg6[%get3A_199] {strides = array<i32>} : memref<10048xi32, #tpu.memory_space<vmem>>, vector<16xi32>,
      %get3A_201 = vector.shape_cast %get3A_200 : vector<16xi32> to vector<16xi32>
      %shift_right_logical3A_202 = arith.constant 16 : i32
      %shift_right_logical3A_203 = vector.broadcast %shift_right_logical3A_202 : i32 to vector<16xi32>
      %shift_right_logical3A_204 = arith.shrui %get3A_201, %shift_right_logical3A_203 : vector<16xi32>
      %swap3A_205 = arith.constant 48 : index
      %swap3A_206 = tpu.vector_load %arg8[%swap3A_205] {strides = array<i32>} : memref<64xi32, #tpu.memory_space<vmem>>, vector<16xi32>,
      %swap3A_207 = vector.shape_cast %swap3A_206 : vector<16xi32> to vector<16xi32>
      %swap3A_208 = vector.shape_cast %shift_right_logical3A_204 : vector<16xi32> to vector<16xi32>
      tpu.vector_store %arg8[%swap3A_205], %swap3A_208 {strides = array<i32>} : memref<64xi32, #tpu.memory_space<vmem>>, vector<16xi32>,
      %dma_start3A_209 = arith.constant 0 : i32
      %dma_start3A_210 = arith.constant 0 : i32
      %dma_start3A_211 = tpu.memref_slice %arg9[%select_n3A_129, %dma_start3A_209, %dma_start3A_210] : memref<4x64x128xf32, #tpu.memory_space<vmem>> -> memref<1x64x128xf32, #tpu.memory_space<vmem>>
      %dma_start3A_212 = tpu.memref_squeeze %dma_start3A_211 : memref<1x64x128xf32, #tpu.memory_space<vmem>> -> memref<64x128xf32, #tpu.memory_space<vmem>>
      %dma_start3A_213 = arith.constant 0 : i32
      %dma_start3A_214 = arith.constant 0 : i32
      %dma_start3A_215 = tpu.memref_slice %arg10[%dma_start3A_213, %dma_start3A_214] : memref<10240x128xf32, #tpu.memory_space<vmem_shared>> -> memref<10240x128xf32, #tpu.memory_space<vmem_shared>>
      tpu.enqueue_indirect_dma source(%dma_start3A_212 : memref<64x128xf32, #tpu.memory_space<vmem>>) target(%dma_start3A_215 : memref<10240x128xf32, #tpu.memory_space<vmem_shared>>) offsets(%arg8 : memref<64xi32, #tpu.memory_space<vmem>>) semaphore(%arg12 : memref<!tpu.dma_semaphore, #tpu.memory_space<semaphore_mem>>) {add = true}
    }
    %dma_wait3A_94 = arith.constant 0 : i32
    %dma_wait3A_95 = arith.constant 0 : i32
    %dma_wait3A_96 = arith.constant 0 : i32
    %dma_wait3A_97 = tpu.memref_slice %arg9[%dma_wait3A_94, %dma_wait3A_95, %dma_wait3A_96] : memref<4x64x128xf32, #tpu.memory_space<vmem>> -> memref<1x64x128xf32, #tpu.memory_space<vmem>>
    %dma_wait3A_98 = tpu.memref_squeeze %dma_wait3A_97 : memref<1x64x128xf32, #tpu.memory_space<vmem>> -> memref<64x128xf32, #tpu.memory_space<vmem>>
    %dma_wait3A_99 = arith.constant 0 : i32
    %dma_wait3A_100 = arith.constant 0 : i32
    %dma_wait3A_101 = tpu.memref_slice %arg10[%dma_wait3A_99, %dma_wait3A_100] : memref<10240x128xf32, #tpu.memory_space<vmem_shared>> -> memref<64x128xf32, #tpu.memory_space<vmem_shared>>
    %dma_wait3A_102 = arith.constant 0 : i32
    %dma_wait3A_103 = arith.constant 0 : i32
    %dma_wait3A_104 = tpu.memref_slice %arg10[%dma_wait3A_102, %dma_wait3A_103] : memref<10240x128xf32, #tpu.memory_space<vmem_shared>> -> memref<64x128xf32, #tpu.memory_space<vmem_shared>>
    %dma_wait3A_105 = arith.constant 0 : i32
    %dma_wait3A_106 = arith.constant 0 : i32
    %dma_wait3A_107 = tpu.memref_slice %arg9[%dma_wait3A_94, %dma_wait3A_105, %dma_wait3A_106] : memref<4x64x128xf32, #tpu.memory_space<vmem>> -> memref<1x64x128xf32, #tpu.memory_space<vmem>>
    %dma_wait3A_108 = tpu.memref_squeeze %dma_wait3A_107 : memref<1x64x128xf32, #tpu.memory_space<vmem>> -> memref<64x128xf32, #tpu.memory_space<vmem>>
    tpu.wait_dma2 semaphore(%arg12 : memref<!tpu.dma_semaphore, #tpu.memory_space<semaphore_mem>>) src(%dma_wait3A_108 : memref<64x128xf32, #tpu.memory_space<vmem>>) dst(%dma_wait3A_104 : memref<64x128xf32, #tpu.memory_space<vmem_shared>>)
    %barrier3A_109 = arith.constant 0 : index
    tpu.barrier barrier_id(%barrier3A_109)
    %mul3A_110 = arith.constant 640 : i32
    %mul3A_111 = arith.muli %arg1, %mul3A_110 : i32
    %mul3A_112 = arith.constant 640 : i32
    %mul3A_113 = arith.muli %arg1, %mul3A_112 : i32
    "tpu.region"() ({
      %run_scoped3A = tpu.sem_alloc : memref<!tpu.dma_semaphore, #tpu.memory_space<semaphore_mem>>
      %dma_start3A_114 = arith.constant 0 : i32
      %dma_start3A_115 = tpu.memref_slice %arg5[%arg0, %mul3A_113, %dma_start3A_114] : memref<2x10240x128xf32, #tpu.memory_space<hbm>> -> memref<1x640x128xf32, #tpu.memory_space<hbm>>
      %dma_start3A_116 = tpu.memref_squeeze %dma_start3A_115 : memref<1x640x128xf32, #tpu.memory_space<hbm>> -> memref<640x128xf32, #tpu.memory_space<hbm>>
      %dma_start3A_117 = arith.constant 0 : i32
      %dma_start3A_118 = tpu.memref_slice %arg10[%mul3A_111, %dma_start3A_117] : memref<10240x128xf32, #tpu.memory_space<vmem_shared>> -> memref<640x128xf32, #tpu.memory_space<vmem_shared>>
      tpu.enqueue_dma source(%dma_start3A_118 : memref<640x128xf32, #tpu.memory_space<vmem_shared>>) target(%dma_start3A_116 : memref<640x128xf32, #tpu.memory_space<hbm>>) target_semaphore(%run_scoped3A : memref<!tpu.dma_semaphore, #tpu.memory_space<semaphore_mem>>)
      %dma_wait3A_119 = arith.constant 0 : i32
      %dma_wait3A_120 = tpu.memref_slice %arg5[%arg0, %mul3A_113, %dma_wait3A_119] : memref<2x10240x128xf32, #tpu.memory_space<hbm>> -> memref<1x640x128xf32, #tpu.memory_space<hbm>>
      %dma_wait3A_121 = tpu.memref_squeeze %dma_wait3A_120 : memref<1x640x128xf32, #tpu.memory_space<hbm>> -> memref<640x128xf32, #tpu.memory_space<hbm>>
      %dma_wait3A_122 = arith.constant 0 : i32
      %dma_wait3A_123 = tpu.memref_slice %arg10[%mul3A_111, %dma_wait3A_122] : memref<10240x128xf32, #tpu.memory_space<vmem_shared>> -> memref<640x128xf32, #tpu.memory_space<vmem_shared>>
      tpu.wait_dma2 semaphore(%run_scoped3A : memref<!tpu.dma_semaphore, #tpu.memory_space<semaphore_mem>>) src(%dma_wait3A_123 : memref<640x128xf32, #tpu.memory_space<vmem_shared>>) dst(%dma_wait3A_121 : memref<640x128xf32, #tpu.memory_space<hbm>>)
      tpu.yield
    }) : () -> ()
    return
  }
}

module attributes {stable_mosaic.version = 14 : i64} {
  func.func @_mm1_body(%arg0: i32, %arg1: memref<10240x128xf32, #tpu.memory_space<vmem>>, %arg2: memref<128x128xf32, #tpu.memory_space<vmem>>, %arg3: memref<2x80x128xf32, #tpu.memory_space<vmem>>, %arg4: memref<10240x128xf32, #tpu.memory_space<vmem>>) attributes {dimension_semantics = [#tpu.dimension_semantics<arbitrary>], iteration_bounds = array<i64: 1>, scalar_prefetch = 0 : i64, scratch_operands = 0 : i64, tpu.core_type = #tpu.core_type<tc>, window_params = [{transform_indices = @transform_0, window_bounds = array<i64: 10240, 128>}, {pipeline_mode = #tpu.pipeline_mode<synchronous>, transform_indices = @transform_1, window_bounds = array<i64: 128, 128>}, {pipeline_mode = #tpu.pipeline_mode<synchronous>, transform_indices = @transform_2, window_bounds = array<i64: 2, 80, 128>}, {pipeline_mode = #tpu.pipeline_mode<synchronous>, transform_indices = @transform_3, window_bounds = array<i64: 10240, 128>}]} {
    %get3A = arith.constant 0 : index
    %get3A_0 = arith.constant 0 : index
    %get3A_1 = arith.constant 0 : index
    %get3A_2 = vector.load %arg3[%get3A, %get3A_0, %get3A_1] : memref<2x80x128xf32, #tpu.memory_space<vmem>>, vector<1x80x128xf32>
    %get3A_3 = vector.shape_cast %get3A_2 : vector<1x80x128xf32> to vector<80x128xf32>
    %get3A_4 = arith.constant 1 : index
    %get3A_5 = arith.constant 0 : index
    %get3A_6 = arith.constant 0 : index
    %get3A_7 = vector.load %arg3[%get3A_4, %get3A_5, %get3A_6] : memref<2x80x128xf32, #tpu.memory_space<vmem>>, vector<1x80x128xf32>
    %get3A_8 = vector.shape_cast %get3A_7 : vector<1x80x128xf32> to vector<80x128xf32>
    %add3A = arith.addf %get3A_3, %get3A_8 : vector<80x128xf32>
    %add3A_9 = arith.constant 1.000000e+00 : f32
    %add3A_10 = vector.broadcast %add3A_9 : f32 to vector<80x128xf32>
    %add3A_11 = arith.addf %add3A, %add3A_10 : vector<80x128xf32>
    %rsqrt3A = math.rsqrt %add3A_11 : vector<80x128xf32>
    %broadcast_in_dim3A = vector.shape_cast %rsqrt3A : vector<80x128xf32> to vector<80x128x1xf32>
    %broadcast_in_dim3A_12 = vector.broadcast %broadcast_in_dim3A : vector<80x128x1xf32> to vector<80x128x128xf32>
    %reshape3A = vector.shape_cast %broadcast_in_dim3A_12 : vector<80x128x128xf32> to vector<10240x128xf32>
    %get3A_13 = arith.constant 0 : index
    %get3A_14 = arith.constant 0 : index
    %get3A_15 = vector.load %arg1[%get3A_13, %get3A_14] : memref<10240x128xf32, #tpu.memory_space<vmem>>, vector<10240x128xf32>
    %get3A_16 = arith.constant 0 : index
    %get3A_17 = arith.constant 0 : index
    %get3A_18 = vector.load %arg2[%get3A_16, %get3A_17] : memref<128x128xf32, #tpu.memory_space<vmem>>, vector<128x128xf32>
    %dot_general3A = arith.constant dense<0.000000e+00> : vector<10240x128xf32>
    %dot_general3A_19 = tpu.matmul %get3A_15, %get3A_18, %dot_general3A {dimension_numbers = #tpu.dot_dimension_numbers<[1], [0], [0], [1], [0, 0, 1, 1], [], []>, transpose_lhs_hint = false} : vector<10240x128xf32>, vector<128x128xf32>, vector<10240x128xf32> -> vector<10240x128xf32>
    %mul3A = arith.mulf %dot_general3A_19, %reshape3A : vector<10240x128xf32>
    %swap3A = arith.constant 0 : index
    %swap3A_20 = arith.constant 0 : index
    %swap3A_21 = vector.load %arg4[%swap3A, %swap3A_20] : memref<10240x128xf32, #tpu.memory_space<vmem>>, vector<10240x128xf32>
    tpu.vector_store %arg4[%swap3A, %swap3A_20], %mul3A {strides = array<i32>} : memref<10240x128xf32, #tpu.memory_space<vmem>>, vector<10240x128xf32>,
    return
  }
  func.func @transform_0(%arg0: i32) -> (i32, i32) {
    %c0_i32 = arith.constant 0 : i32
    %c0_i32_0 = arith.constant 0 : i32
    %c0_i32_1 = arith.constant 0 : i32
    return %c0_i32, %c0_i32_0 : i32, i32
  }
  func.func @transform_1(%arg0: i32) -> (i32, i32) {
    %c0_i32 = arith.constant 0 : i32
    %c0_i32_0 = arith.constant 0 : i32
    %c0_i32_1 = arith.constant 0 : i32
    return %c0_i32, %c0_i32_0 : i32, i32
  }
  func.func @transform_2(%arg0: i32) -> (i32, i32, i32) {
    %c0_i32 = arith.constant 0 : i32
    %c0_i32_0 = arith.constant 0 : i32
    %c0_i32_1 = arith.constant 0 : i32
    %c0_i32_2 = arith.constant 0 : i32
    return %c0_i32, %c0_i32_0, %c0_i32_1 : i32, i32, i32
  }
  func.func @transform_3(%arg0: i32) -> (i32, i32) {
    %c0_i32 = arith.constant 0 : i32
    %c0_i32_0 = arith.constant 0 : i32
    %c0_i32_1 = arith.constant 0 : i32
    return %c0_i32, %c0_i32_0 : i32, i32
  }
}

module attributes {stable_mosaic.version = 14 : i64} {
  func.func @_fin_body(%arg0: i32, %arg1: memref<2x10240x128xf32, #tpu.memory_space<vmem>>, %arg2: memref<10240x128xf32, #tpu.memory_space<vmem>>, %arg3: memref<2x80x128xf32, #tpu.memory_space<vmem>>, %arg4: memref<1x128xf32, #tpu.memory_space<vmem>>, %arg5: memref<10240x128xf32, #tpu.memory_space<vmem>>) attributes {dimension_semantics = [#tpu.dimension_semantics<arbitrary>], iteration_bounds = array<i64: 1>, scalar_prefetch = 0 : i64, scratch_operands = 0 : i64, tpu.core_type = #tpu.core_type<tc>, window_params = [{pipeline_mode = #tpu.pipeline_mode<synchronous>, transform_indices = @transform_0, window_bounds = array<i64: 2, 10240, 128>}, {pipeline_mode = #tpu.pipeline_mode<synchronous>, transform_indices = @transform_1, window_bounds = array<i64: 10240, 128>}, {pipeline_mode = #tpu.pipeline_mode<synchronous>, transform_indices = @transform_2, window_bounds = array<i64: 2, 80, 128>}, {pipeline_mode = #tpu.pipeline_mode<synchronous>, transform_indices = @transform_3, window_bounds = array<i64: 1, 128>}, {transform_indices = @transform_4, window_bounds = array<i64: 10240, 128>}]} {
    %get3A = arith.constant 0 : index
    %get3A_0 = arith.constant 0 : index
    %get3A_1 = arith.constant 0 : index
    %get3A_2 = vector.load %arg3[%get3A, %get3A_0, %get3A_1] : memref<2x80x128xf32, #tpu.memory_space<vmem>>, vector<1x80x128xf32>
    %get3A_3 = vector.shape_cast %get3A_2 : vector<1x80x128xf32> to vector<80x128xf32>
    %get3A_4 = arith.constant 1 : index
    %get3A_5 = arith.constant 0 : index
    %get3A_6 = arith.constant 0 : index
    %get3A_7 = vector.load %arg3[%get3A_4, %get3A_5, %get3A_6] : memref<2x80x128xf32, #tpu.memory_space<vmem>>, vector<1x80x128xf32>
    %get3A_8 = vector.shape_cast %get3A_7 : vector<1x80x128xf32> to vector<80x128xf32>
    %add3A = arith.addf %get3A_3, %get3A_8 : vector<80x128xf32>
    %add3A_9 = arith.constant 1.000000e+00 : f32
    %add3A_10 = vector.broadcast %add3A_9 : f32 to vector<80x128xf32>
    %add3A_11 = arith.addf %add3A, %add3A_10 : vector<80x128xf32>
    %rsqrt3A = math.rsqrt %add3A_11 : vector<80x128xf32>
    %broadcast_in_dim3A = vector.shape_cast %rsqrt3A : vector<80x128xf32> to vector<80x128x1xf32>
    %broadcast_in_dim3A_12 = vector.broadcast %broadcast_in_dim3A : vector<80x128x1xf32> to vector<80x128x128xf32>
    %reshape3A = vector.shape_cast %broadcast_in_dim3A_12 : vector<80x128x128xf32> to vector<10240x128xf32>
    %get3A_13 = arith.constant 0 : index
    %get3A_14 = arith.constant 0 : index
    %get3A_15 = arith.constant 0 : index
    %get3A_16 = vector.load %arg1[%get3A_13, %get3A_14, %get3A_15] : memref<2x10240x128xf32, #tpu.memory_space<vmem>>, vector<1x10240x128xf32>
    %get3A_17 = vector.shape_cast %get3A_16 : vector<1x10240x128xf32> to vector<10240x128xf32>
    %get3A_18 = arith.constant 1 : index
    %get3A_19 = arith.constant 0 : index
    %get3A_20 = arith.constant 0 : index
    %get3A_21 = vector.load %arg1[%get3A_18, %get3A_19, %get3A_20] : memref<2x10240x128xf32, #tpu.memory_space<vmem>>, vector<1x10240x128xf32>
    %get3A_22 = vector.shape_cast %get3A_21 : vector<1x10240x128xf32> to vector<10240x128xf32>
    %add3A_23 = arith.addf %get3A_17, %get3A_22 : vector<10240x128xf32>
    %get3A_24 = arith.constant 0 : index
    %get3A_25 = arith.constant 0 : index
    %get3A_26 = vector.load %arg2[%get3A_24, %get3A_25] : memref<10240x128xf32, #tpu.memory_space<vmem>>, vector<10240x128xf32>
    %add3A_27 = arith.addf %add3A_23, %get3A_26 : vector<10240x128xf32>
    %mul3A = arith.mulf %add3A_27, %reshape3A : vector<10240x128xf32>
    %get3A_28 = arith.constant 0 : index
    %get3A_29 = arith.constant 0 : index
    %get3A_30 = vector.load %arg4[%get3A_28, %get3A_29] : memref<1x128xf32, #tpu.memory_space<vmem>>, vector<1x128xf32>
    %add3A_31 = vector.broadcast %get3A_30 : vector<1x128xf32> to vector<10240x128xf32>
    %add3A_32 = arith.addf %mul3A, %add3A_31 : vector<10240x128xf32>
    %swap3A = arith.constant 0 : index
    %swap3A_33 = arith.constant 0 : index
    %swap3A_34 = vector.load %arg5[%swap3A, %swap3A_33] : memref<10240x128xf32, #tpu.memory_space<vmem>>, vector<10240x128xf32>
    tpu.vector_store %arg5[%swap3A, %swap3A_33], %add3A_32 {strides = array<i32>} : memref<10240x128xf32, #tpu.memory_space<vmem>>, vector<10240x128xf32>,
    return
  }
  func.func @transform_0(%arg0: i32) -> (i32, i32, i32) {
    %c0_i32 = arith.constant 0 : i32
    %c0_i32_0 = arith.constant 0 : i32
    %c0_i32_1 = arith.constant 0 : i32
    %c0_i32_2 = arith.constant 0 : i32
    return %c0_i32, %c0_i32_0, %c0_i32_1 : i32, i32, i32
  }
  func.func @transform_1(%arg0: i32) -> (i32, i32) {
    %c0_i32 = arith.constant 0 : i32
    %c0_i32_0 = arith.constant 0 : i32
    %c0_i32_1 = arith.constant 0 : i32
    return %c0_i32, %c0_i32_0 : i32, i32
  }
  func.func @transform_2(%arg0: i32) -> (i32, i32, i32) {
    %c0_i32 = arith.constant 0 : i32
    %c0_i32_0 = arith.constant 0 : i32
    %c0_i32_1 = arith.constant 0 : i32
    %c0_i32_2 = arith.constant 0 : i32
    return %c0_i32, %c0_i32_0, %c0_i32_1 : i32, i32, i32
  }
  func.func @transform_3(%arg0: i32) -> (i32, i32) {
    %c0_i32 = arith.constant 0 : i32
    %c0_i32_0 = arith.constant 0 : i32
    %c0_i32_1 = arith.constant 0 : i32
    return %c0_i32, %c0_i32_0 : i32, i32
  }
  func.func @transform_4(%arg0: i32) -> (i32, i32) {
    %c0_i32 = arith.constant 0 : i32
    %c0_i32_0 = arith.constant 0 : i32
    %c0_i32_1 = arith.constant 0 : i32
    return %c0_i32, %c0_i32_0 : i32, i32
  }
}

module attributes {stable_mosaic.version = 14 : i64} {
  func.func @_mm2_body(%arg0: i32, %arg1: memref<2x10240x128xf32, #tpu.memory_space<vmem>>, %arg2: memref<10240x128xf32, #tpu.memory_space<vmem>>, %arg3: memref<2x80x128xf32, #tpu.memory_space<vmem>>, %arg4: memref<1x128xf32, #tpu.memory_space<vmem>>, %arg5: memref<128x128xf32, #tpu.memory_space<vmem>>, %arg6: memref<10240x128xf32, #tpu.memory_space<vmem>>) attributes {dimension_semantics = [#tpu.dimension_semantics<arbitrary>], iteration_bounds = array<i64: 1>, scalar_prefetch = 0 : i64, scratch_operands = 0 : i64, tpu.core_type = #tpu.core_type<tc>, window_params = [{pipeline_mode = #tpu.pipeline_mode<synchronous>, transform_indices = @transform_0, window_bounds = array<i64: 2, 10240, 128>}, {pipeline_mode = #tpu.pipeline_mode<synchronous>, transform_indices = @transform_1, window_bounds = array<i64: 10240, 128>}, {pipeline_mode = #tpu.pipeline_mode<synchronous>, transform_indices = @transform_2, window_bounds = array<i64: 2, 80, 128>}, {pipeline_mode = #tpu.pipeline_mode<synchronous>, transform_indices = @transform_3, window_bounds = array<i64: 1, 128>}, {pipeline_mode = #tpu.pipeline_mode<synchronous>, transform_indices = @transform_4, window_bounds = array<i64: 128, 128>}, {pipeline_mode = #tpu.pipeline_mode<synchronous>, transform_indices = @transform_5, window_bounds = array<i64: 10240, 128>}]} {
    %get3A = arith.constant 0 : index
    %get3A_0 = arith.constant 0 : index
    %get3A_1 = arith.constant 0 : index
    %get3A_2 = vector.load %arg3[%get3A, %get3A_0, %get3A_1] : memref<2x80x128xf32, #tpu.memory_space<vmem>>, vector<1x80x128xf32>
    %get3A_3 = vector.shape_cast %get3A_2 : vector<1x80x128xf32> to vector<80x128xf32>
    %get3A_4 = arith.constant 1 : index
    %get3A_5 = arith.constant 0 : index
    %get3A_6 = arith.constant 0 : index
    %get3A_7 = vector.load %arg3[%get3A_4, %get3A_5, %get3A_6] : memref<2x80x128xf32, #tpu.memory_space<vmem>>, vector<1x80x128xf32>
    %get3A_8 = vector.shape_cast %get3A_7 : vector<1x80x128xf32> to vector<80x128xf32>
    %add3A = arith.addf %get3A_3, %get3A_8 : vector<80x128xf32>
    %add3A_9 = arith.constant 1.000000e+00 : f32
    %add3A_10 = vector.broadcast %add3A_9 : f32 to vector<80x128xf32>
    %add3A_11 = arith.addf %add3A, %add3A_10 : vector<80x128xf32>
    %rsqrt3A = math.rsqrt %add3A_11 : vector<80x128xf32>
    %broadcast_in_dim3A = vector.shape_cast %rsqrt3A : vector<80x128xf32> to vector<80x128x1xf32>
    %broadcast_in_dim3A_12 = vector.broadcast %broadcast_in_dim3A : vector<80x128x1xf32> to vector<80x128x128xf32>
    %reshape3A = vector.shape_cast %broadcast_in_dim3A_12 : vector<80x128x128xf32> to vector<10240x128xf32>
    %get3A_13 = arith.constant 0 : index
    %get3A_14 = arith.constant 0 : index
    %get3A_15 = arith.constant 0 : index
    %get3A_16 = vector.load %arg1[%get3A_13, %get3A_14, %get3A_15] : memref<2x10240x128xf32, #tpu.memory_space<vmem>>, vector<1x10240x128xf32>
    %get3A_17 = vector.shape_cast %get3A_16 : vector<1x10240x128xf32> to vector<10240x128xf32>
    %get3A_18 = arith.constant 1 : index
    %get3A_19 = arith.constant 0 : index
    %get3A_20 = arith.constant 0 : index
    %get3A_21 = vector.load %arg1[%get3A_18, %get3A_19, %get3A_20] : memref<2x10240x128xf32, #tpu.memory_space<vmem>>, vector<1x10240x128xf32>
    %get3A_22 = vector.shape_cast %get3A_21 : vector<1x10240x128xf32> to vector<10240x128xf32>
    %add3A_23 = arith.addf %get3A_17, %get3A_22 : vector<10240x128xf32>
    %get3A_24 = arith.constant 0 : index
    %get3A_25 = arith.constant 0 : index
    %get3A_26 = vector.load %arg2[%get3A_24, %get3A_25] : memref<10240x128xf32, #tpu.memory_space<vmem>>, vector<10240x128xf32>
    %add3A_27 = arith.addf %add3A_23, %get3A_26 : vector<10240x128xf32>
    %mul3A = arith.mulf %add3A_27, %reshape3A : vector<10240x128xf32>
    %get3A_28 = arith.constant 0 : index
    %get3A_29 = arith.constant 0 : index
    %get3A_30 = vector.load %arg4[%get3A_28, %get3A_29] : memref<1x128xf32, #tpu.memory_space<vmem>>, vector<1x128xf32>
    %add3A_31 = vector.broadcast %get3A_30 : vector<1x128xf32> to vector<10240x128xf32>
    %add3A_32 = arith.addf %mul3A, %add3A_31 : vector<10240x128xf32>
    %max3A = arith.constant 0.000000e+00 : f32
    %max3A_33 = vector.broadcast %max3A : f32 to vector<10240x128xf32>
    %max3A_34 = arith.maximumf %add3A_32, %max3A_33 : vector<10240x128xf32>
    %get3A_35 = arith.constant 0 : index
    %get3A_36 = arith.constant 0 : index
    %get3A_37 = vector.load %arg5[%get3A_35, %get3A_36] : memref<128x128xf32, #tpu.memory_space<vmem>>, vector<128x128xf32>
    %dot_general3A = arith.constant dense<0.000000e+00> : vector<10240x128xf32>
    %dot_general3A_38 = tpu.matmul %max3A_34, %get3A_37, %dot_general3A {dimension_numbers = #tpu.dot_dimension_numbers<[1], [0], [0], [1], [0, 0, 1, 1], [], []>, transpose_lhs_hint = false} : vector<10240x128xf32>, vector<128x128xf32>, vector<10240x128xf32> -> vector<10240x128xf32>
    %mul3A_39 = arith.mulf %dot_general3A_38, %reshape3A : vector<10240x128xf32>
    %swap3A = arith.constant 0 : index
    %swap3A_40 = arith.constant 0 : index
    %swap3A_41 = vector.load %arg6[%swap3A, %swap3A_40] : memref<10240x128xf32, #tpu.memory_space<vmem>>, vector<10240x128xf32>
    tpu.vector_store %arg6[%swap3A, %swap3A_40], %mul3A_39 {strides = array<i32>} : memref<10240x128xf32, #tpu.memory_space<vmem>>, vector<10240x128xf32>,
    return
  }
  func.func @transform_0(%arg0: i32) -> (i32, i32, i32) {
    %c0_i32 = arith.constant 0 : i32
    %c0_i32_0 = arith.constant 0 : i32
    %c0_i32_1 = arith.constant 0 : i32
    %c0_i32_2 = arith.constant 0 : i32
    return %c0_i32, %c0_i32_0, %c0_i32_1 : i32, i32, i32
  }
  func.func @transform_1(%arg0: i32) -> (i32, i32) {
    %c0_i32 = arith.constant 0 : i32
    %c0_i32_0 = arith.constant 0 : i32
    %c0_i32_1 = arith.constant 0 : i32
    return %c0_i32, %c0_i32_0 : i32, i32
  }
  func.func @transform_2(%arg0: i32) -> (i32, i32, i32) {
    %c0_i32 = arith.constant 0 : i32
    %c0_i32_0 = arith.constant 0 : i32
    %c0_i32_1 = arith.constant 0 : i32
    %c0_i32_2 = arith.constant 0 : i32
    return %c0_i32, %c0_i32_0, %c0_i32_1 : i32, i32, i32
  }
  func.func @transform_3(%arg0: i32) -> (i32, i32) {
    %c0_i32 = arith.constant 0 : i32
    %c0_i32_0 = arith.constant 0 : i32
    %c0_i32_1 = arith.constant 0 : i32
    return %c0_i32, %c0_i32_0 : i32, i32
  }
  func.func @transform_4(%arg0: i32) -> (i32, i32) {
    %c0_i32 = arith.constant 0 : i32
    %c0_i32_0 = arith.constant 0 : i32
    %c0_i32_1 = arith.constant 0 : i32
    return %c0_i32, %c0_i32_0 : i32, i32
  }
  func.func @transform_5(%arg0: i32) -> (i32, i32) {
    %c0_i32 = arith.constant 0 : i32
    %c0_i32_0 = arith.constant 0 : i32
    %c0_i32_1 = arith.constant 0 : i32
    return %c0_i32, %c0_i32_0 : i32, i32
  }
}

</mosaic_0001>

<sc_bundles>
// kernel: kernel.11.cloned.1.call-start
scs
__scs_entry_jumppad:
0x0: {  	(pc) =	sbr.rel $0x88, $3  }
0x1: {  	(tag) =	ssettag $0x0;
	lr =	simm.s32 $0x1  }
0x2: {  	[smem:$0x3F9B] =	sst lr;
	_ =	strace $0xD0000000  }
0x3: {  	_ = 	snop  }
0x4: {  	_ = 	snop  }
0x5: {  	_ = 	snop  }
0x6: {  	_ = 	snop  }
0x7: {  	_ = 	snop  }
__scs_overlays_trampoline_lowered:
0x8: {  	[smem:$0x3FAA] =	sst s0  }
0x9: {  	[smem:$0x3FAB] =	sst s1  }
0xa: {  	[smem:$0x3FAC] =	sst s2  }
0xb: {  	[smem:$0x3FAD] =	sst s3  }
0xc: {  	[smem:$0x3FAE] =	sst s4  }
0xd: {  	[smem:$0x3FAF] =	sst s5  }
0xe: {  	[smem:$0x3FB0] =	sst s6  }
0xf: {  	[smem:$0x3FB1] =	sst s7  }
0x10: {  	[smem:$0x3FB2] =	sst s8  }
0x11: {  	[smem:$0x3FB3] =	sst s9;
	s0 =	simm.s32 @!p0 $0x0  }
0x12: {  	s1 =	sld [smem:$0x3F99];
	s0 =	simm.s32 @p0 $0x1  }
0x13: {  	[smem:$0x3FB4] =	sst s0;
	s0 =	simm.s32 @!p1 $0x0  }
0x14: {  	s2 =	sld [smem:$0x3F98];
	s0 =	simm.s32 @p1 $0x1  }
0x15: {  	[smem:$0x3FB5] =	sst s0;
	s0 =	simm.s32 @!p2 $0x0  }
0x16: {  	s3 =	sld [smem:$0x3FDB];
	s0 =	simm.s32 @p2 $0x1  }
0x17: {  	s4 =	simm.s32 $0x1BF5;
	[smem:$0x3FB7] =	sst s0  }
0x18: {  	s0 =	sld [smem:$0x3F9A];
	_ =	swait.ge [sflag:s4], $0x0  }
0x19: {  	s7 =	sld [smem:$0x3F9B]  }
0x1a: {  	s8 =	sadd.s32 $0xFFFFE003, lr  }
0x1b: {  	s9 =	sadd.s32 $0xFFFFFEF7, lr;
	s5 =	simm.s32 $0xFFFFFFFF;
	p2 =	slt.u32 s8, $0xFFFFF086  }
0x1c: {  	p1 =	slt.u32 s9, $0xF7A;
	s5 =	simm.s32 @!p2 $0x0  }
0x1d: {  	s5 =	simm.s32 @p1 $0x1;
	p0 =	seq.s32 s7, s2  }
0x1e: {  	s7 =	smul.u32 @!p0 $0xF7A, s2;
	p2 =	seq.s32 @!p0 s5, $0x0  }
0x1f: {  	s9 =	smul.u32 $0xF7A, s1;
	s8 =	simm.s32 @!p0 $0x1BF5;
	p2 =	por !p2, p0  }
0x20: {  	[sflag:s8] =	ssyncset.s32 @!p0 $0xFFFFF086;
	s6 =	sadd.s32 @!p0 s3, s7;
	s7 =	simm.s32 @!p0 $0x108  }
0x21: {  	s3 =	sadd.s32 s3, s9;
	s6 =	sadd.s32 @!p0 $0x88, s6;
	s7 =	simm.s32 @p2 $0x1082  }
0x22: {  	[simem:s7], [sflag:s8] =	dma.local @!p0 [hbm:s6], $0xF7A  }
0x23: {  	s9 =	sor.u32 $0xD0000000, s2;
	s6 =	simm.s32 $0x108;
	_ =	swait.ge @!p0 [sflag:s8], $0x0  }
0x24: {  	s3 =	sadd.s32 $0x88, s3;
	s6 =	simm.s32 @!p1 $0x1082;
	[sflag:s4] =	ssyncset.s32 $0xFFFFF086  }
0x25: {  	[simem:s6], [sflag:s4] =	dma.local [hbm:s3], $0xF7A  }
0x26: {  	[smem:$0x3F9B] =	sst s1;
	(tag) =	ssettag s2;
	_ =	strace s9  }
0x27: {  	s1 =	sld [smem:$0x3FAB]  }
0x28: {  	s2 =	sld [smem:$0x3FAC]  }
0x29: {  	s4 =	sld [smem:$0x3FAE]  }
0x2a: {  	p0 =	seq.s32 s5, $0x0;
	s5 =	sld [smem:$0x3FAF]  }
0x2b: {  	s6 =	sld [smem:$0x3FB0]  }
0x2c: {  	s7 =	sld [smem:$0x3FB1]  }
0x2d: {  	s3 =	simm.s32 $0x108;
	s8 =	sld [smem:$0x3FB2]  }
0x2e: {  	s3 =	simm.s32 @!p0 $0x1082;
	s9 =	sld [smem:$0x3FB3]  }
0x2f: {  	lr =	sadd.s32 s0, s3;
	s0 =	sld [smem:$0x3FAA]  }
0x30: {  	s3 =	sld [smem:$0x3FAD]  }
0x31: {  	[smem:$0x3FB6] =	sst s10  }
0x32: {  	s10 =	sld [smem:$0x3FB4];
	_ =	sdelay $0x3  }
0x33: {  	p0 =	seq.s32 s10, $0x1;
	s10 =	sld [smem:$0x3FB6];
	_ =	sdelay $0x3  }
0x34: {  	[smem:$0x3FB6] =	sst s10  }
0x35: {  	s10 =	sld [smem:$0x3FB5];
	_ =	sdelay $0x3  }
0x36: {  	p1 =	seq.s32 s10, $0x1;
	s10 =	sld [smem:$0x3FB6];
	_ =	sdelay $0x3  }
0x37: {  	[smem:$0x3FB6] =	sst s10  }
0x38: {  	s10 =	sld [smem:$0x3FB7]  }
0x39: {  	_ = 	snop;
	(pc) =	sbr.ind lr, $3  }
0x3a: {  	_ = 	snop  }
0x3b: {  	_ = 	snop  }
0x3c: {  	p2 =	seq.s32 s10, $0x1;
	s10 =	sld [smem:$0x3FB6]  }
0x3d: {  	_ =	shalt  }
0x3e: {  	_ =	shalt  }
0x3f: {  	_ =	shalt  }
0x40: {  	_ =	shalt  }
0x41: {  	_ =	shalt  }
0x42: {  	_ =	shalt  }
0x43: {  	_ =	shalt  }
0x44: {  	_ =	shalt  }
0x45: {  	_ =	shalt  }
0x46: {  	_ =	shalt  }
0x47: {  	_ =	shalt  }
0x48: {  	_ =	shalt  }
0x49: {  	_ =	shalt  }
0x4a: {  	_ =	shalt  }
0x4b: {  	_ =	shalt  }
0x4c: {  	_ =	shalt  }
0x4d: {  	_ =	shalt  }
0x4e: {  	_ =	shalt  }
0x4f: {  	_ =	shalt  }
0x50: {  	_ =	shalt  }
0x51: {  	_ =	shalt  }
0x52: {  	_ =	shalt  }
0x53: {  	_ =	shalt  }
0x54: {  	_ =	shalt  }
0x55: {  	_ =	shalt  }
0x56: {  	_ =	shalt  }
0x57: {  	_ =	shalt  }
0x58: {  	_ =	shalt  }
0x59: {  	_ =	shalt  }
0x5a: {  	_ =	shalt  }
0x5b: {  	_ =	shalt  }
0x5c: {  	_ =	shalt  }
0x5d: {  	_ =	shalt  }
0x5e: {  	_ =	shalt  }
0x5f: {  	_ =	shalt  }
0x60: {  	_ =	shalt  }
0x61: {  	_ =	shalt  }
0x62: {  	_ =	shalt  }
0x63: {  	_ =	shalt  }
0x64: {  	_ =	shalt  }
0x65: {  	_ =	shalt  }
0x66: {  	_ =	shalt  }
0x67: {  	_ =	shalt  }
0x68: {  	_ =	shalt  }
0x69: {  	_ =	shalt  }
0x6a: {  	_ =	shalt  }
0x6b: {  	_ =	shalt  }
0x6c: {  	_ =	shalt  }
0x6d: {  	_ =	shalt  }
0x6e: {  	_ =	shalt  }
0x6f: {  	_ =	shalt  }
0x70: {  	_ =	shalt  }
0x71: {  	_ =	shalt  }
0x72: {  	_ =	shalt  }
0x73: {  	_ =	shalt  }
0x74: {  	_ =	shalt  }
0x75: {  	_ =	shalt  }
0x76: {  	_ =	shalt  }
0x77: {  	_ =	shalt  }
0x78: {  	_ =	shalt  }
0x79: {  	_ =	shalt  }
0x7a: {  	_ =	shalt  }
0x7b: {  	_ =	shalt  }
0x7c: {  	_ =	shalt  }
0x7d: {  	_ =	shalt  }
0x7e: {  	_ =	shalt  }
0x7f: {  	_ =	shalt  }
0x80: {  	_ =	shalt  }
0x81: {  	_ =	shalt  }
0x82: {  	_ =	shalt  }
0x83: {  	_ =	shalt  }
0x84: {  	_ =	shalt  }
0x85: {  	_ =	shalt  }
0x86: {  	_ =	shalt  }
0x87: {  	_ =	shalt  }
.Lfunc_end0:
.L_simem_size_0:
called_computation.1_lowered:
.L_overlay_start_0:
0x88: {  	s2 =	sld [smem:$0x3FD9]  }
0x89: {  	s3 =	sld [smem:$0x3FFE];
	_ =	sdelay $0x1  }
0x8a: {  	s1 =	srdreg.scid  }
0x8b: {  	s0 =	sand.u32 $0x1, s1  }
0x8c: {  	s17 =	sshll.u32 s0, $0xA;
	s2 =	sadd.s32 s3, s2  }
0x8d: {  	s2 =	sadd.s32 s2, s17  }
0x8e: {  	[smem:$0x3FC2] =	sst s2  }
0x8f: {  	_ = 	snop  }
0x90: {  	s2 =	sld [smem:$0x3FD0];
	(tm) =	ssettm $0x1  }
0x91: {  	s18 =	sld [smem:$0x3FFB];
	_ =	sdelay $0x3  }
0x92: {  	_ =	strace s18  }
0x93: {  	s3 =	sld [smem:$0x3FFC];
	_ =	sdelay $0x3  }
0x94: {  	_ =	strace s3  }
0x95: {  	s3 =	sld [smem:$0x3FFD];
	_ =	sdelay $0x3  }
0x96: {  	_ =	strace s3  }
0x97: {  	_ =	strace $0x8FFFFFFF  }
0x98: {  	s19 =	sld [smem:$0x3FDB];
	_ =	sdelay $0x1  }
0x99: {  	s4 =	simm.s32 $_scs_section_size  }
0x9a: {  	s5 =	simm.s32 $_size__tile_overlayer_lowered;
	s6 =	simm.s32 $_tile_overlayer_lowered  }
0x9b: {  	s22 =	simm.s32 $0x1BFF;
	s21 =	sshll.u32 s6, $0x1;
	s3 =	sadd.s32 s4, s19  }
0x9c: {  	s7 =	simm.s32 $0x0;
	s20 =	sshll.u32 s5, $0x1;
	s5 =	sadd.s32 s21, s3  }
0x9d: {  	[timem:s7], [sflag:s22] =	dma.local [hbm:s5], s20  }
0x9e: {  	_ =	swait.ge [sflag:s22], s20  }
0x9f: {  	s4 =	ssub.s32 $0x0, s20;
	[sflag:s22] =	ssyncset.done $0x0  }
0xa0: {  	[sflag:s22] =	ssyncadd.s32 s4;
	_ =	sdelay $0x1  }
0xa1: {  	s23 =	simm.s32 $0x1B8B  }
0xa2: {  	_ =	swait.ge [sflag:s23], $0x1  }
0xa3: {  	[sflag:s23] =	ssyncset.done $0x0  }
0xa4: {  	s25 =	simm.s32 $0x1B8E;
	s24 =	sld [smem:$0x3FFE];
	[sflag:s23] =	ssyncadd.s32 $0xFFFFFFFF  }
0xa5: {  	s26 =	simm.s32 $execute0_lowered;
	[smem:$0x3FD2] =	sst s25  }
0xa6: {  	s5 =	sshll.u32 s26, $0x1;
	_ =	strace $0x80000049;
	[dreg:$0x1] =	wrdreg $0xFFFFFFFF  }
0xa7: {  	s28 =	simm.s32 $_size_execute0_lowered;
	s3 =	sadd.s32 s3, s5;
	[dreg:$0x0] =	wrdreg $0x0  }
0xa8: {  	s5 =	sshll.u32 s28, $0x1;
	[dreg:$0x2] =	wrdreg s3  }
0xa9: {  	[dreg:$0x3] =	wrdreg s5  }
0xaa: {  	[dreg:$0x4] =	wrdreg $0xC0  }
0xab: {  	_ =	task [dreg:s7], $0x5FFFF  }
0xac: {  	[dreg:$0x1] =	wrdreg $0xFFFFFFFF  }
0xad: {  	[dreg:$0x0] =	wrdreg $0x60  }
0xae: {  	[dreg:$0x2] =	wrdreg s24  }
0xaf: {  	[dreg:$0x3] =	wrdreg s2  }
0xb0: {  	[dreg:$0x4] =	wrdreg $0xA9000  }
0xb1: {  	[dreg:$0x5] =	wrdreg $0x9  }
0xb2: {  	_ =	task.clear_ibuf [dreg:s7], $0x6FFFF;
	_ =	strace $0x90000049  }
0xb3: {  	s29 =	simm.s32 $0x9;
	_ =	strace $0x8000004B  }
0xb4: {  	_ =	swait.ge [sflag:s29], $0x1  }
0xb5: {  	[sflag:s29] =	ssyncadd.s32 $0xFFFFFFFF  }
0xb6: {  	_ =	strace $0x9000004B  }
0xb7: {  	_ =	sfence  }
0xb8: {  	s30 =	sld [smem:$0x0];
	_ =	sdelay $0x2  }
0xb9: {  	s31 =	sshll.u32 s1, $0xD;
	s1 =	sshrl.u32 s1, $0x2  }
0xba: {  	s3 =	sand.u32 $0x4000, s31;
	s1 =	sadd.s32 s1, s30  }
0xbb: {  	s0 =	sor.u32 s3, s0;
	s1 =	sshll.u32 s1, $0x11  }
0xbc: {  	s0 =	sor.u32 s1, s0  }
0xbd: {  	s0 =	sadd.s32 $0x8F2B, s0  }
0xbe: {  	[sflag:s0] =	ssyncadd.remote.s32 $0x1  }
0xbf: {  	_ =	sfence.sel $0xFFFF  }
0xc0: {  	[dreg:$0x0] =	wrdreg $0xFFFFFFFF;
	(pc) =	sbr.abs _section_cstart, $3  }
0xc1: {  	[dreg:$0x1] =	wrdreg $0xFFFFFFFF  }
0xc2: {  	_ =	task.clear_ibuf [dreg:s7], $0x2FFFF;
	_ =	strace $0x9FFFFFFF  }
0xc3: {  	(tm) =	ssettm $0x7FFFFFFF  }
tec
execute0_lowered:
.L_overlay_start_1:
0x0: {  	(tag) =	ssettag $0x1  }
0x1: {  	s6 =	rddreg [dreg:$0x0]  }
0x2: {  	s8 =	rddreg [dreg:$0x1]  }
0x3: {  	s1 =	rddreg [dreg:$0x2];
	s2 =	srdreg.scid;
	s3 =	simm.s32 $0x0  }
0x4: {  	s0 =	stileid.u32;
	s15 =	simm.s32 $0x40;
	s17 =	simm.s32 $0x2900  }
0x5: {  	s18 =	simm.s32 $0x27C0;
	s19 =	simm.s32 $0x4900;
	s20 =	simm.s32 $0x2800  }
0x6: {  	s21 =	simm.s32 $0x6900;
	s22 =	simm.s32 $0x2;
	s23 =	simm.s32 $0x1  }
0x7: {  	s24 =	simm.s32 $0x2880;
	s25 =	simm.s32 $0x0;
	s7 =	sand.u32 $0x1, s2  }
0x8: {  	[smem:$0x7FF] =	sst s3;
	s10 =	smul.u32 $0x14000, s0;
	s4 =	sadd.s32 $0x2600, s6  }
0x9: {  	s5 =	sadd.s32 $0x2A600, s6;
	s26 =	sshll.u32 s0, $0x1;
	s31 =	smul.u32 $0x50000, s0  }
0xa: {  	p0 =	slt.u32 s0, $0x4;
	s9 =	smul.u32 $0x140000, s7;
	s11 =	ssub.s32 $0x2, s7  }
0xb: {  	_ =	strace $0x8000004A;
	s7 =	sor.u32 s7, s26;
	s28 =	sshrl.u32 s11, $0x1  }
0xc: {  	s29 =	smul.u32 $0x9C, s7;
	s30 =	smin.u32 s7, $0x8;
	s9 =	sadd.s32 s10, s9  }
0xd: {  	s7 =	sshrl.u32 s31, $0x2;
	s13 =	ssub.s32 s11, s28;
	s9 =	sshrl.u32 s9, $0x3  }
0xe: {  	s14 =	sadd.s32 s7, s1;
	s12 =	sadd.s32 s9, s6;
	s6 =	simm.s32 $0x9D  }
0xf: {  	s7 =	sshll.u32 s0, $0x6;
	s9 =	sadd.s32 s30, s29;
	s6 =	simm.s32 @!p0 $0x9C  }
0x10: {  	s9 =	sshll.u32 s9, $0x3;
	s11 =	sadd.s32 $0x2CE00, s12;
	s12 =	smax.u32 s13, $0x1  }
0x11: {  	p0 =	sgt.u32 s0, $0x3;
	s13 =	sshrl.u32 s14, $0x3;
	s8 =	sadd.s32 s8, s9  }
0x12: {  	s14 =	simm.s32 $0x3;
	s9 =	sor.u32 $0x1C02, s7;
	s10 =	sadd.s32 $0x4E0, s8  }
.LBB2_1:
0x13: {  	[spmem:s13], [sflag:s9] =	dma.local [hbm:s5], $0x2800  }
0x14: {  	[tilespmem:s3], [sflag:$0x3] =	stream.linear.gather [hbm4b:s8+s3], $0x2700, $0x38;
	[tilespmem:$0x1E900] =	vst v63  }
0x15: {  	_ =	swait.ge [sflag:s14], $0x2700  }
0x16: {  	[sflag:s14] =	ssyncset.done $0x0  }
0x17: {  	s26 =	simm.s32 @!p0 $0x0;
	s28 =	simm.s32 @!p0 $0x2700;
	[sflag:s14] =	ssyncadd.s32 $0xFFFFD900  }
0x18: {  	[tilespmem:s28], [sflag:$0x3] =	stream.linear.gather @!p0 [hbm4b:s10+s26], $0x40, $0x38;
	[tilespmem:$0x1E900] =	vst v63  }
0x19: {  	s26 =	simm.s32 @!p0 $0x3  }
0x1a: {  	_ =	swait.ge @!p0 [sflag:s26], $0x40  }
0x1b: {  	[sflag:s26] =	ssyncset.done @!p0 $0x0  }
0x1c: {  	[sflag:s26] =	ssyncadd.s32 @!p0 $0xFFFFFFC0  }
0x1d: {  	v0 =	vld [tilespmem:$0x0]  }
0x1e: {  	v1 =	vld [tilespmem:$0x10]  }
0x1f: {  	v2 =	vld [tilespmem:$0x20]  }
0x20: {  	v3 =	vld [tilespmem:$0x30];
	_ =	sdelay $0x1  }
0x21: {  	v0 =	vand.u32 $0xFFFF, v0  }
0x22: {  	v47 =	vand.u32 $0xFFFF, v1;
	[tilespmem:$0x2780] =	vst v0  }
0x23: {  	v48 =	vand.u32 $0xFFFF, v2;
	[tilespmem:$0x2790] =	vst v47  }
0x24: {  	v49 =	vand.u32 $0xFFFF, v3;
	[tilespmem:$0x27A0] =	vst v48  }
0x25: {  	s0 =	simm.s32 $0x2780;
	[tilespmem:$0x27B0] =	vst v49  }
0x26: {  	[tilespmem:s17], [sflag:$0x1] =	stream.indirect.gather [hbm4b:s4+s15], $0x80, s0, s15, $0xb8;
	[tilespmem:$0x1E900] =	vst v63  }
0x27: {  	v50 =	vld [tilespmem:$0x40]  }
0x28: {  	v51 =	vld [tilespmem:$0x50]  }
0x29: {  	v52 =	vld [tilespmem:$0x60]  }
0x2a: {  	v53 =	vld [tilespmem:$0x70];
	_ =	sdelay $0x1  }
0x2b: {  	v0 =	vand.u32 $0xFFFF, v50  }
0x2c: {  	v54 =	vand.u32 $0xFFFF, v51;
	[tilespmem:$0x27C0] =	vst v0  }
0x2d: {  	v55 =	vand.u32 $0xFFFF, v52;
	[tilespmem:$0x27D0] =	vst v54  }
0x2e: {  	v56 =	vand.u32 $0xFFFF, v53;
	[tilespmem:$0x27E0] =	vst v55  }
0x2f: {  	[tilespmem:$0x27F0] =	vst v56  }
0x30: {  	[tilespmem:s19], [sflag:$0x1] =	stream.indirect.gather [hbm4b:s4+s15], $0x80, s18, s15, $0xb8;
	[tilespmem:$0x1E900] =	vst v63  }
0x31: {  	v57 =	vld [tilespmem:$0x80]  }
0x32: {  	v58 =	vld [tilespmem:$0x90]  }
0x33: {  	v59 =	vld [tilespmem:$0xA0]  }
0x34: {  	v60 =	vld [tilespmem:$0xB0];
	_ =	sdelay $0x1  }
0x35: {  	v0 =	vand.u32 $0xFFFF, v57  }
0x36: {  	v61 =	vand.u32 $0xFFFF, v58;
	[tilespmem:$0x2800] =	vst v0  }
0x37: {  	v62 =	vand.u32 $0xFFFF, v59;
	[tilespmem:$0x2810] =	vst v61  }
0x38: {  	v63 =	vand.u32 $0xFFFF, v60;
	[tilespmem:$0x2820] =	vst v62  }
0x39: {  	[tilespmem:$0x2830] =	vst v63  }
0x3a: {  	[tilespmem:s21], [sflag:$0x1] =	stream.indirect.gather [hbm4b:s4+s15], $0x80, s20, s15, $0xb8;
	[tilespmem:$0x1E900] =	vst v63  }
0x3b: {  	_ =	swait.ge [sflag:s22], $0x2800  }
0x3c: {  	[sflag:s22] =	ssyncset.done $0x0  }
0x3d: {  	[sflag:s22] =	ssyncadd.s32 $0xFFFFD800  }
0x3e: {  	[bflag:$0x0] =	sbarrier.arrive $0xFFFF  }
0x3f: {  	_ =	swait.ge [sflag:s23], $0x2000  }
0x40: {  	p2 =	por $0x1, $0x1;
	[sflag:s23] =	ssyncset.done $0x0  }
0x41: {  	s26 =	simm.s32 @!p2 $0x2;
	[sflag:s23] =	ssyncadd.s32 $0xFFFFE000  }
0x42: {  	_ =	swait.ge @!p2 [sflag:s26], $0x2000  }
0x43: {  	p1 =	sle.u32 s6, $0x3;
	s28 =	smulhi.u32 $0xAAAAAAAB, s14;
	[sflag:s26] =	ssyncset.done @!p2 $0x0  }
0x44: {  	[sflag:s26] =	ssyncadd.s32 @!p2 $0xFFFFE000;
	s26 =	simm.s32 @!p1 $0x0  }
0x45: {  	s28 =	sshrl.u32 s28, $0x1;
	v0 =	vld @!p1 [tilespmem:s26+$0xC0]  }
0x46: {  	s28 =	smul.u32 $0xFFFFFD00, s28;
	_ =	sdelay $0x1  }
0x47: {  	s28 =	sshra.s32 s28, $0x2  }
0x48: {  	s28 =	sadd.s32 $0x2780, s28  }
0x49: {  	s28 =	sadd.s32 @!p1 $0x0, s28;
	v0 =	vand.u32 @!p1 $0xFFFF, v0  }
0x4a: {  	[tilespmem:s28+$0xC0] =	vst @!p1 v0  }
0x4b: {  	v0 =	vld @!p1 [tilespmem:s26+$0xD0];
	_ =	sdelay $0x4  }
0x4c: {  	v0 =	vand.u32 @!p1 $0xFFFF, v0  }
0x4d: {  	[tilespmem:s28+$0xD0] =	vst @!p1 v0  }
0x4e: {  	v0 =	vld @!p1 [tilespmem:s26+$0xE0];
	_ =	sdelay $0x4  }
0x4f: {  	v0 =	vand.u32 @!p1 $0xFFFF, v0  }
0x50: {  	[tilespmem:s28+$0xE0] =	vst @!p1 v0  }
0x51: {  	v0 =	vld @!p1 [tilespmem:s26+$0xF0];
	_ =	sdelay $0x3  }
0x52: {  	s26 =	simm.s32 @!p1 $0x6000  }
0x53: {  	s30 =	simm.s32 $0x0;
	s26 =	sand.u32 @!p1 $0x6000, s26;
	v0 =	vand.u32 @!p1 $0xFFFF, v0  }
0x54: {  	s29 =	sadd.s32 @!p1 $0xC0, s28;
	s26 =	sadd.s32 @!p1 $0x2900, s26;
	[tilespmem:s28+$0xF0] =	vst @!p1 v0;
	s28 =	simm.s32 @!p1 $0x40  }
0x55: {  	[tilespmem:s26], [sflag:$0x1] =	stream.indirect.gather @!p1 [hbm4b:s4+s28], $0x80, s29, s28, $0xb8;
	[tilespmem:$0x1E900] =	vst v63  }
0x56: {  	v0 =	vld [tilespmem:s30+$0x0];
	_ =	sdelay $0x4  }
0x57: {  	v0 =	vshrl.u32 v0, $0x10  }
0x58: {  	[tilespmem:$0x2880] =	vst v0  }
0x59: {  	v0 =	vld [tilespmem:s30+$0x10];
	_ =	sdelay $0x4  }
0x5a: {  	v0 =	vshrl.u32 v0, $0x10  }
0x5b: {  	[tilespmem:$0x2890] =	vst v0  }
0x5c: {  	v0 =	vld [tilespmem:s30+$0x20];
	_ =	sdelay $0x4  }
0x5d: {  	v0 =	vshrl.u32 v0, $0x10  }
0x5e: {  	[tilespmem:$0x28A0] =	vst v0  }
0x5f: {  	v0 =	vld [tilespmem:s30+$0x30]  }
0x60: {  	p1 =	sne.s32 s6, $0x1  }
.Ltmp0:
0x61: {  	_ = 	snop;
	(pc) =	sbr.rel @!p1 .LBB2_3-.Ltmp0, $3  }
0x62: {  	_ =	sdelay $0x1  }
0x63: {  	s26 =	simm.s32 $0x1;
	s29 =	sand.u32 $0x6000, s3;
	s28 =	simm.s32 $0x2000;
	v0 =	vshrl.u32 v0, $0x10  }
0x64: {  	s31 =	sadd.s32 $0x2900, s29;
	s29 =	simm.s32 $0x4;
	s30 =	simm.s32 $0x100;
	[tilespmem:$0x28B0] =	vst v0  }
.LBB2_2:
0x65: {  	[spmem:s1] =	stream.indirect.scatter.add.f32 [tilespmem:s31], [sflag:$0x2], $0x80, s24, s15, $0xb8;
	[tilespmem:$0x1E900] =	vst v63  }
0x66: {  	s31 =	smov.u32 s26;
	s26 =	sadd.s32 $0x1, s26;
	_ =	swait.ge [sflag:s23], $0x2000  }
0x67: {  	p3 =	seq.s32 s30, $0x0;
	p1 =	sne.s32 s26, s6;
	[sflag:s23] =	ssyncset.done $0x0  }
0x68: {  	s0 =	simm.s32 @!p3 $0x2;
	[sflag:s23] =	ssyncadd.s32 $0xFFFFE000  }
0x69: {  	s31 =	sadd.s32 $0x3, s31;
	_ =	swait.ge @!p3 [sflag:s0], $0x2000  }
0x6a: {  	s2 =	smulhi.u32 $0xAAAAAAAB, s29;
	p2 =	sge.u32 s31, s6;
	[sflag:s0] =	ssyncset.done @!p3 $0x0  }
0x6b: {  	s31 =	sadd.s32 @!p2 $0x6000, s28;
	[sflag:s0] =	ssyncadd.s32 @!p3 $0xFFFFE000;
	s0 =	sshra.s32 @!p2 s30, $0x2  }
0x6c: {  	s2 =	sshrl.u32 s2, $0x1;
	s31 =	sand.u32 @!p2 $0x6000, s31;
	v0 =	vld @!p2 [tilespmem:s0+$0xC0]  }
0x6d: {  	s2 =	smul.u32 $0xFFFFFD00, s2;
	s31 =	sadd.s32 @!p2 $0x2900, s31;
	_ =	sdelay $0x1  }
0x6e: {  	s2 =	sshra.s32 s2, $0x2  }
0x6f: {  	s2 =	sadd.s32 $0x2780, s2  }
0x70: {  	s2 =	sadd.s32 @!p2 s0, s2;
	v0 =	vand.u32 @!p2 $0xFFFF, v0  }
0x71: {  	s16 =	sadd.s32 @!p2 $0xC0, s2;
	[tilespmem:s2+$0xC0] =	vst @!p2 v0  }
0x72: {  	v0 =	vld @!p2 [tilespmem:s0+$0xD0];
	_ =	sdelay $0x4  }
0x73: {  	v0 =	vand.u32 @!p2 $0xFFFF, v0  }
0x74: {  	[tilespmem:s2+$0xD0] =	vst @!p2 v0  }
0x75: {  	v0 =	vld @!p2 [tilespmem:s0+$0xE0];
	_ =	sdelay $0x4  }
0x76: {  	v0 =	vand.u32 @!p2 $0xFFFF, v0  }
0x77: {  	[tilespmem:s2+$0xE0] =	vst @!p2 v0  }
0x78: {  	v0 =	vld @!p2 [tilespmem:s0+$0xF0];
	_ =	sdelay $0x4  }
0x79: {  	v0 =	vand.u32 @!p2 $0xFFFF, v0  }
0x7a: {  	s0 =	simm.s32 @!p2 $0x40;
	[tilespmem:s2+$0xF0] =	vst @!p2 v0;
	s2 =	sshra.s32 s30, $0x2  }
0x7b: {  	[tilespmem:s31], [sflag:$0x1] =	stream.indirect.gather @!p2 [hbm4b:s4+s0], $0x80, s16, s0, $0xb8;
	[tilespmem:$0x1E900] =	vst v63  }
0x7c: {  	v0 =	vld [tilespmem:s2+$0x0];
	_ =	sdelay $0x4  }
0x7d: {  	v0 =	vshrl.u32 v0, $0x10  }
0x7e: {  	[tilespmem:$0x2880] =	vst v0  }
0x7f: {  	v0 =	vld [tilespmem:s2+$0x10];
	_ =	sdelay $0x4  }
0x80: {  	v0 =	vshrl.u32 v0, $0x10  }
0x81: {  	[tilespmem:$0x2890] =	vst v0  }
0x82: {  	v0 =	vld [tilespmem:s2+$0x20];
	_ =	sdelay $0x4  }
0x83: {  	v0 =	vshrl.u32 v0, $0x10  }
0x84: {  	[tilespmem:$0x28A0] =	vst v0  }
0x85: {  	v0 =	vld [tilespmem:s2+$0x30];
	_ =	sdelay $0x1  }
.Ltmp1:
0x86: {  	(pc) =	sbr.rel @p1 .LBB2_2-.Ltmp1, $3  }
0x87: {  	_ =	sdelay $0x1  }
0x88: {  	s0 =	sand.u32 $0x6000, s28;
	s28 =	sadd.s32 $0x2000, s28;
	v0 =	vshrl.u32 v0, $0x10  }
0x89: {  	s29 =	sadd.s32 $0x1, s29;
	s30 =	sadd.s32 $0x100, s30;
	s31 =	sadd.s32 $0x2900, s0;
	[tilespmem:$0x28B0] =	vst v0  }
.LBB2_3:
0x8a: {  	[spmem:s1] =	stream.indirect.scatter.add.f32 [tilespmem:s31], [sflag:$0x2], $0x80, s24, s15, $0xb8;
	[tilespmem:$0x1E900] =	vst v63  }
0x8b: {  	_ =	swait.ge [sflag:s22], $0x2000  }
0x8c: {  	s25 =	sadd.s32 $0x1, s25;
	[sflag:s22] =	ssyncset.done $0x0  }
0x8d: {  	p1 =	sne.s32 s25, s12;
	[sflag:s22] =	ssyncadd.s32 $0xFFFFE000  }
.Ltmp2:
0x8e: {  	s0 =	sor.u32 $0x1C03, s7;
	[bflag:$0x0] =	sbarrier.arrive $0xFFFF;
	(pc) =	sbr.rel @p1 .LBB2_1-.Ltmp2, $4  }
0x8f: {  	[hbm:s11], [sflag:s0] =	dma.local [spmem:s13], $0x2800  }
0x90: {  	_ =	swait.ge [sflag:s14], $0x2800  }
0x91: {  	[sflag:s14] =	ssyncset.done $0x0  }
0x92: {  	[sflag:s14] =	ssyncadd.s32 $0xFFFFD800  }
0x93: {  	_ =	sfence.sel $0x180000  }
0x94: {  	[bflag:$0x0] =	sbarrier.arrive $0xFFFF  }
0x95: {  	_ =	strace $0x9000004A  }
0x96: {  	s0 =	stileid.u32;
	[bflag:$0x2] =	sbarrier.arrive $0xFFFF  }
0x97: {  	p0 =	sne.s32 s0, $0x0;
	s0 =	rddreg [dreg:$0x3]  }
0x98: {  	s0 =	sadd.s32 @!p0 $0x100000, s0  }
0x99: {  	[sflag:s0] =	ssyncadd.tile.s32 @!p0 $0x1;
	_ =	shalt  }
.Lfunc_end2:
_tile_overlayer_lowered:
.L_overlay_start_2:
0x9a: {  	(tag) =	ssettag $0x2  }
0x9b: {  	s0 =	rddreg [dreg:$0x0];
	s2 =	stileid.u32  }
0x9c: {  	s1 =	rddreg [dreg:$0x1];
	p0 =	sne.s32 s2, $0x0  }
0x9d: {  	s3 =	rddreg [dreg:$0x2];
	[bflag:$0x3] =	sbarrier.arrive $0xFFFF;
	s2 =	simm.s32 @!p0 $0x1C03  }
0x9e: {  	[timem:s3], [sflag:s2] =	dma.local @!p0 [hbm:s0], s1  }
0x9f: {  	s0 =	simm.s32 @!p0 $0x3  }
0xa0: {  	_ =	swait.ge @!p0 [sflag:s0], s1  }
0xa1: {  	s1 =	ssub.s32 @!p0 $0x0, s1;
	[sflag:s0] =	ssyncset.done @!p0 $0x0  }
0xa2: {  	[sflag:s0] =	ssyncadd.s32 @!p0 s1  }
0xa3: {  	[bflag:$0x3] =	sbarrier.arrive $0xFFFF  }
0xa4: {  	_ =	shalt  }

// kernel: kernel.14.cloned.1.call-start
scs
__scs_entry_jumppad:
0x0: {  	(pc) =	sbr.rel $0x88, $3  }
0x1: {  	(tag) =	ssettag $0x0;
	lr =	simm.s32 $0x1  }
0x2: {  	[smem:$0x3F9B] =	sst lr;
	_ =	strace $0xD0000000  }
0x3: {  	_ = 	snop  }
0x4: {  	_ = 	snop  }
0x5: {  	_ = 	snop  }
0x6: {  	_ = 	snop  }
0x7: {  	_ = 	snop  }
__scs_overlays_trampoline_lowered:
0x8: {  	[smem:$0x3FAA] =	sst s0  }
0x9: {  	[smem:$0x3FAB] =	sst s1  }
0xa: {  	[smem:$0x3FAC] =	sst s2  }
0xb: {  	[smem:$0x3FAD] =	sst s3  }
0xc: {  	[smem:$0x3FAE] =	sst s4  }
0xd: {  	[smem:$0x3FAF] =	sst s5  }
0xe: {  	[smem:$0x3FB0] =	sst s6  }
0xf: {  	[smem:$0x3FB1] =	sst s7  }
0x10: {  	[smem:$0x3FB2] =	sst s8  }
0x11: {  	[smem:$0x3FB3] =	sst s9;
	s0 =	simm.s32 @!p0 $0x0  }
0x12: {  	s1 =	sld [smem:$0x3F99];
	s0 =	simm.s32 @p0 $0x1  }
0x13: {  	[smem:$0x3FB4] =	sst s0;
	s0 =	simm.s32 @!p1 $0x0  }
0x14: {  	s2 =	sld [smem:$0x3F98];
	s0 =	simm.s32 @p1 $0x1  }
0x15: {  	[smem:$0x3FB5] =	sst s0;
	s0 =	simm.s32 @!p2 $0x0  }
0x16: {  	s3 =	sld [smem:$0x3FDB];
	s0 =	simm.s32 @p2 $0x1  }
0x17: {  	s4 =	simm.s32 $0x1BF5;
	[smem:$0x3FB7] =	sst s0  }
0x18: {  	s0 =	sld [smem:$0x3F9A];
	_ =	swait.ge [sflag:s4], $0x0  }
0x19: {  	s7 =	sld [smem:$0x3F9B]  }
0x1a: {  	s8 =	sadd.s32 $0xFFFFE003, lr  }
0x1b: {  	s9 =	sadd.s32 $0xFFFFFEF7, lr;
	s5 =	simm.s32 $0xFFFFFFFF;
	p2 =	slt.u32 s8, $0xFFFFF086  }
0x1c: {  	p1 =	slt.u32 s9, $0xF7A;
	s5 =	simm.s32 @!p2 $0x0  }
0x1d: {  	s5 =	simm.s32 @p1 $0x1;
	p0 =	seq.s32 s7, s2  }
0x1e: {  	s7 =	smul.u32 @!p0 $0xF7A, s2;
	p2 =	seq.s32 @!p0 s5, $0x0  }
0x1f: {  	s9 =	smul.u32 $0xF7A, s1;
	s8 =	simm.s32 @!p0 $0x1BF5;
	p2 =	por !p2, p0  }
0x20: {  	[sflag:s8] =	ssyncset.s32 @!p0 $0xFFFFF086;
	s6 =	sadd.s32 @!p0 s3, s7;
	s7 =	simm.s32 @!p0 $0x108  }
0x21: {  	s3 =	sadd.s32 s3, s9;
	s6 =	sadd.s32 @!p0 $0x88, s6;
	s7 =	simm.s32 @p2 $0x1082  }
0x22: {  	[simem:s7], [sflag:s8] =	dma.local @!p0 [hbm:s6], $0xF7A  }
0x23: {  	s9 =	sor.u32 $0xD0000000, s2;
	s6 =	simm.s32 $0x108;
	_ =	swait.ge @!p0 [sflag:s8], $0x0  }
0x24: {  	s3 =	sadd.s32 $0x88, s3;
	s6 =	simm.s32 @!p1 $0x1082;
	[sflag:s4] =	ssyncset.s32 $0xFFFFF086  }
0x25: {  	[simem:s6], [sflag:s4] =	dma.local [hbm:s3], $0xF7A  }
0x26: {  	[smem:$0x3F9B] =	sst s1;
	(tag) =	ssettag s2;
	_ =	strace s9  }
0x27: {  	s1 =	sld [smem:$0x3FAB]  }
0x28: {  	s2 =	sld [smem:$0x3FAC]  }
0x29: {  	s4 =	sld [smem:$0x3FAE]  }
0x2a: {  	p0 =	seq.s32 s5, $0x0;
	s5 =	sld [smem:$0x3FAF]  }
0x2b: {  	s6 =	sld [smem:$0x3FB0]  }
0x2c: {  	s7 =	sld [smem:$0x3FB1]  }
0x2d: {  	s3 =	simm.s32 $0x108;
	s8 =	sld [smem:$0x3FB2]  }
0x2e: {  	s3 =	simm.s32 @!p0 $0x1082;
	s9 =	sld [smem:$0x3FB3]  }
0x2f: {  	lr =	sadd.s32 s0, s3;
	s0 =	sld [smem:$0x3FAA]  }
0x30: {  	s3 =	sld [smem:$0x3FAD]  }
0x31: {  	[smem:$0x3FB6] =	sst s10  }
0x32: {  	s10 =	sld [smem:$0x3FB4];
	_ =	sdelay $0x3  }
0x33: {  	p0 =	seq.s32 s10, $0x1;
	s10 =	sld [smem:$0x3FB6];
	_ =	sdelay $0x3  }
0x34: {  	[smem:$0x3FB6] =	sst s10  }
0x35: {  	s10 =	sld [smem:$0x3FB5];
	_ =	sdelay $0x3  }
0x36: {  	p1 =	seq.s32 s10, $0x1;
	s10 =	sld [smem:$0x3FB6];
	_ =	sdelay $0x3  }
0x37: {  	[smem:$0x3FB6] =	sst s10  }
0x38: {  	s10 =	sld [smem:$0x3FB7]  }
0x39: {  	_ = 	snop;
	(pc) =	sbr.ind lr, $3  }
0x3a: {  	_ = 	snop  }
0x3b: {  	_ = 	snop  }
0x3c: {  	p2 =	seq.s32 s10, $0x1;
	s10 =	sld [smem:$0x3FB6]  }
0x3d: {  	_ =	shalt  }
0x3e: {  	_ =	shalt  }
0x3f: {  	_ =	shalt  }
0x40: {  	_ =	shalt  }
0x41: {  	_ =	shalt  }
0x42: {  	_ =	shalt  }
0x43: {  	_ =	shalt  }
0x44: {  	_ =	shalt  }
0x45: {  	_ =	shalt  }
0x46: {  	_ =	shalt  }
0x47: {  	_ =	shalt  }
0x48: {  	_ =	shalt  }
0x49: {  	_ =	shalt  }
0x4a: {  	_ =	shalt  }
0x4b: {  	_ =	shalt  }
0x4c: {  	_ =	shalt  }
0x4d: {  	_ =	shalt  }
0x4e: {  	_ =	shalt  }
0x4f: {  	_ =	shalt  }
0x50: {  	_ =	shalt  }
0x51: {  	_ =	shalt  }
0x52: {  	_ =	shalt  }
0x53: {  	_ =	shalt  }
0x54: {  	_ =	shalt  }
0x55: {  	_ =	shalt  }
0x56: {  	_ =	shalt  }
0x57: {  	_ =	shalt  }
0x58: {  	_ =	shalt  }
0x59: {  	_ =	shalt  }
0x5a: {  	_ =	shalt  }
0x5b: {  	_ =	shalt  }
0x5c: {  	_ =	shalt  }
0x5d: {  	_ =	shalt  }
0x5e: {  	_ =	shalt  }
0x5f: {  	_ =	shalt  }
0x60: {  	_ =	shalt  }
0x61: {  	_ =	shalt  }
0x62: {  	_ =	shalt  }
0x63: {  	_ =	shalt  }
0x64: {  	_ =	shalt  }
0x65: {  	_ =	shalt  }
0x66: {  	_ =	shalt  }
0x67: {  	_ =	shalt  }
0x68: {  	_ =	shalt  }
0x69: {  	_ =	shalt  }
0x6a: {  	_ =	shalt  }
0x6b: {  	_ =	shalt  }
0x6c: {  	_ =	shalt  }
0x6d: {  	_ =	shalt  }
0x6e: {  	_ =	shalt  }
0x6f: {  	_ =	shalt  }
0x70: {  	_ =	shalt  }
0x71: {  	_ =	shalt  }
0x72: {  	_ =	shalt  }
0x73: {  	_ =	shalt  }
0x74: {  	_ =	shalt  }
0x75: {  	_ =	shalt  }
0x76: {  	_ =	shalt  }
0x77: {  	_ =	shalt  }
0x78: {  	_ =	shalt  }
0x79: {  	_ =	shalt  }
0x7a: {  	_ =	shalt  }
0x7b: {  	_ =	shalt  }
0x7c: {  	_ =	shalt  }
0x7d: {  	_ =	shalt  }
0x7e: {  	_ =	shalt  }
0x7f: {  	_ =	shalt  }
0x80: {  	_ =	shalt  }
0x81: {  	_ =	shalt  }
0x82: {  	_ =	shalt  }
0x83: {  	_ =	shalt  }
0x84: {  	_ =	shalt  }
0x85: {  	_ =	shalt  }
0x86: {  	_ =	shalt  }
0x87: {  	_ =	shalt  }
.Lfunc_end0:
.L_simem_size_0:
called_computation.2_lowered:
.L_overlay_start_0:
0x88: {  	s2 =	sld [smem:$0x3FD9]  }
0x89: {  	s3 =	sld [smem:$0x3FFE];
	_ =	sdelay $0x1  }
0x8a: {  	s1 =	srdreg.scid  }
0x8b: {  	s0 =	sand.u32 $0x1, s1  }
0x8c: {  	s17 =	sshll.u32 s0, $0xA;
	s2 =	sadd.s32 s3, s2  }
0x8d: {  	s2 =	sadd.s32 s2, s17  }
0x8e: {  	[smem:$0x3FC2] =	sst s2  }
0x8f: {  	_ = 	snop  }
0x90: {  	s2 =	sld [smem:$0x3FD0];
	(tm) =	ssettm $0x1  }
0x91: {  	s18 =	sld [smem:$0x3FFB];
	_ =	sdelay $0x3  }
0x92: {  	_ =	strace s18  }
0x93: {  	s3 =	sld [smem:$0x3FFC];
	_ =	sdelay $0x3  }
0x94: {  	_ =	strace s3  }
0x95: {  	s3 =	sld [smem:$0x3FFD];
	_ =	sdelay $0x3  }
0x96: {  	_ =	strace s3  }
0x97: {  	_ =	strace $0x8FFFFFFF  }
0x98: {  	s19 =	sld [smem:$0x3FDB];
	_ =	sdelay $0x1  }
0x99: {  	s4 =	simm.s32 $_scs_section_size  }
0x9a: {  	s5 =	simm.s32 $_size__tile_overlayer_lowered;
	s6 =	simm.s32 $_tile_overlayer_lowered  }
0x9b: {  	s22 =	simm.s32 $0x1BFF;
	s21 =	sshll.u32 s6, $0x1;
	s3 =	sadd.s32 s4, s19  }
0x9c: {  	s7 =	simm.s32 $0x0;
	s20 =	sshll.u32 s5, $0x1;
	s5 =	sadd.s32 s21, s3  }
0x9d: {  	[timem:s7], [sflag:s22] =	dma.local [hbm:s5], s20  }
0x9e: {  	_ =	swait.ge [sflag:s22], s20  }
0x9f: {  	s4 =	ssub.s32 $0x0, s20;
	[sflag:s22] =	ssyncset.done $0x0  }
0xa0: {  	[sflag:s22] =	ssyncadd.s32 s4;
	_ =	sdelay $0x1  }
0xa1: {  	s23 =	simm.s32 $0x1B8B  }
0xa2: {  	_ =	swait.ge [sflag:s23], $0x1  }
0xa3: {  	[sflag:s23] =	ssyncset.done $0x0  }
0xa4: {  	s25 =	simm.s32 $0x1B8E;
	s24 =	sld [smem:$0x3FFE];
	[sflag:s23] =	ssyncadd.s32 $0xFFFFFFFF  }
0xa5: {  	s26 =	simm.s32 $execute0_lowered;
	[smem:$0x3FD2] =	sst s25  }
0xa6: {  	s5 =	sshll.u32 s26, $0x1;
	_ =	strace $0x8000004C;
	[dreg:$0x1] =	wrdreg $0xFFFFFFFF  }
0xa7: {  	s28 =	simm.s32 $_size_execute0_lowered;
	s3 =	sadd.s32 s3, s5;
	[dreg:$0x0] =	wrdreg $0x0  }
0xa8: {  	s5 =	sshll.u32 s28, $0x1;
	[dreg:$0x2] =	wrdreg s3  }
0xa9: {  	[dreg:$0x3] =	wrdreg s5  }
0xaa: {  	[dreg:$0x4] =	wrdreg $0xC0  }
0xab: {  	_ =	task [dreg:s7], $0x5FFFF  }
0xac: {  	[dreg:$0x1] =	wrdreg $0xFFFFFFFF  }
0xad: {  	[dreg:$0x0] =	wrdreg $0x60  }
0xae: {  	[dreg:$0x2] =	wrdreg s24  }
0xaf: {  	[dreg:$0x3] =	wrdreg s2  }
0xb0: {  	[dreg:$0x4] =	wrdreg $0xA9000  }
0xb1: {  	[dreg:$0x5] =	wrdreg $0x9  }
0xb2: {  	_ =	task.clear_ibuf [dreg:s7], $0x6FFFF;
	_ =	strace $0x9000004C  }
0xb3: {  	s29 =	simm.s32 $0x9;
	_ =	strace $0x8000004E  }
0xb4: {  	_ =	swait.ge [sflag:s29], $0x1  }
0xb5: {  	[sflag:s29] =	ssyncadd.s32 $0xFFFFFFFF  }
0xb6: {  	_ =	strace $0x9000004E  }
0xb7: {  	_ =	sfence  }
0xb8: {  	s30 =	sld [smem:$0x0];
	_ =	sdelay $0x2  }
0xb9: {  	s31 =	sshll.u32 s1, $0xD;
	s1 =	sshrl.u32 s1, $0x2  }
0xba: {  	s3 =	sand.u32 $0x4000, s31;
	s1 =	sadd.s32 s1, s30  }
0xbb: {  	s0 =	sor.u32 s3, s0;
	s1 =	sshll.u32 s1, $0x11  }
0xbc: {  	s0 =	sor.u32 s1, s0  }
0xbd: {  	s0 =	sadd.s32 $0x8F2B, s0  }
0xbe: {  	[sflag:s0] =	ssyncadd.remote.s32 $0x1  }
0xbf: {  	_ =	sfence.sel $0xFFFF  }
0xc0: {  	[dreg:$0x0] =	wrdreg $0xFFFFFFFF;
	(pc) =	sbr.abs _section_cstart, $3  }
0xc1: {  	[dreg:$0x1] =	wrdreg $0xFFFFFFFF  }
0xc2: {  	_ =	task.clear_ibuf [dreg:s7], $0x2FFFF;
	_ =	strace $0x9FFFFFFF  }
0xc3: {  	(tm) =	ssettm $0x7FFFFFFF  }
tec
execute0_lowered:
.L_overlay_start_1:
0x0: {  	(tag) =	ssettag $0x1  }
0x1: {  	s6 =	rddreg [dreg:$0x0]  }
0x2: {  	s8 =	rddreg [dreg:$0x1]  }
0x3: {  	s1 =	rddreg [dreg:$0x2];
	s2 =	srdreg.scid;
	s3 =	simm.s32 $0x0  }
0x4: {  	s0 =	stileid.u32;
	s15 =	simm.s32 $0x40;
	s17 =	simm.s32 $0x2900  }
0x5: {  	s18 =	simm.s32 $0x27C0;
	s19 =	simm.s32 $0x4900;
	s20 =	simm.s32 $0x2800  }
0x6: {  	s21 =	simm.s32 $0x6900;
	s22 =	simm.s32 $0x2;
	s23 =	simm.s32 $0x1  }
0x7: {  	s24 =	simm.s32 $0x2880;
	s25 =	simm.s32 $0x0;
	s7 =	sand.u32 $0x1, s2  }
0x8: {  	[smem:$0x7FF] =	sst s3;
	s10 =	smul.u32 $0x14000, s0;
	s4 =	sadd.s32 $0x2600, s6  }
0x9: {  	s5 =	sadd.s32 $0x2A600, s6;
	s26 =	sshll.u32 s0, $0x1;
	s31 =	smul.u32 $0x50000, s0  }
0xa: {  	p0 =	slt.u32 s0, $0x4;
	s9 =	smul.u32 $0x140000, s7;
	s11 =	ssub.s32 $0x2, s7  }
0xb: {  	_ =	strace $0x8000004D;
	s7 =	sor.u32 s7, s26;
	s28 =	sshrl.u32 s11, $0x1  }
0xc: {  	s29 =	smul.u32 $0x9C, s7;
	s30 =	smin.u32 s7, $0x8;
	s9 =	sadd.s32 s10, s9  }
0xd: {  	s7 =	sshrl.u32 s31, $0x2;
	s13 =	ssub.s32 s11, s28;
	s9 =	sshrl.u32 s9, $0x3  }
0xe: {  	s14 =	sadd.s32 s7, s1;
	s12 =	sadd.s32 s9, s6;
	s6 =	simm.s32 $0x9D  }
0xf: {  	s7 =	sshll.u32 s0, $0x6;
	s9 =	sadd.s32 s30, s29;
	s6 =	simm.s32 @!p0 $0x9C  }
0x10: {  	s9 =	sshll.u32 s9, $0x3;
	s11 =	sadd.s32 $0x2CE00, s12;
	s12 =	smax.u32 s13, $0x1  }
0x11: {  	p0 =	sgt.u32 s0, $0x3;
	s13 =	sshrl.u32 s14, $0x3;
	s8 =	sadd.s32 s8, s9  }
0x12: {  	s14 =	simm.s32 $0x3;
	s9 =	sor.u32 $0x1C02, s7;
	s10 =	sadd.s32 $0x4E0, s8  }
.LBB2_1:
0x13: {  	[spmem:s13], [sflag:s9] =	dma.local [hbm:s5], $0x2800  }
0x14: {  	[tilespmem:s3], [sflag:$0x3] =	stream.linear.gather [hbm4b:s8+s3], $0x2700, $0x38;
	[tilespmem:$0x1E900] =	vst v63  }
0x15: {  	_ =	swait.ge [sflag:s14], $0x2700  }
0x16: {  	[sflag:s14] =	ssyncset.done $0x0  }
0x17: {  	s26 =	simm.s32 @!p0 $0x0;
	s28 =	simm.s32 @!p0 $0x2700;
	[sflag:s14] =	ssyncadd.s32 $0xFFFFD900  }
0x18: {  	[tilespmem:s28], [sflag:$0x3] =	stream.linear.gather @!p0 [hbm4b:s10+s26], $0x40, $0x38;
	[tilespmem:$0x1E900] =	vst v63  }
0x19: {  	s26 =	simm.s32 @!p0 $0x3  }
0x1a: {  	_ =	swait.ge @!p0 [sflag:s26], $0x40  }
0x1b: {  	[sflag:s26] =	ssyncset.done @!p0 $0x0  }
0x1c: {  	[sflag:s26] =	ssyncadd.s32 @!p0 $0xFFFFFFC0  }
0x1d: {  	v0 =	vld [tilespmem:$0x0]  }
0x1e: {  	v1 =	vld [tilespmem:$0x10]  }
0x1f: {  	v2 =	vld [tilespmem:$0x20]  }
0x20: {  	v3 =	vld [tilespmem:$0x30];
	_ =	sdelay $0x1  }
0x21: {  	v0 =	vand.u32 $0xFFFF, v0  }
0x22: {  	v47 =	vand.u32 $0xFFFF, v1;
	[tilespmem:$0x2780] =	vst v0  }
0x23: {  	v48 =	vand.u32 $0xFFFF, v2;
	[tilespmem:$0x2790] =	vst v47  }
0x24: {  	v49 =	vand.u32 $0xFFFF, v3;
	[tilespmem:$0x27A0] =	vst v48  }
0x25: {  	s0 =	simm.s32 $0x2780;
	[tilespmem:$0x27B0] =	vst v49  }
0x26: {  	[tilespmem:s17], [sflag:$0x1] =	stream.indirect.gather [hbm4b:s4+s15], $0x80, s0, s15, $0xb8;
	[tilespmem:$0x1E900] =	vst v63  }
0x27: {  	v50 =	vld [tilespmem:$0x40]  }
0x28: {  	v51 =	vld [tilespmem:$0x50]  }
0x29: {  	v52 =	vld [tilespmem:$0x60]  }
0x2a: {  	v53 =	vld [tilespmem:$0x70];
	_ =	sdelay $0x1  }
0x2b: {  	v0 =	vand.u32 $0xFFFF, v50  }
0x2c: {  	v54 =	vand.u32 $0xFFFF, v51;
	[tilespmem:$0x27C0] =	vst v0  }
0x2d: {  	v55 =	vand.u32 $0xFFFF, v52;
	[tilespmem:$0x27D0] =	vst v54  }
0x2e: {  	v56 =	vand.u32 $0xFFFF, v53;
	[tilespmem:$0x27E0] =	vst v55  }
0x2f: {  	[tilespmem:$0x27F0] =	vst v56  }
0x30: {  	[tilespmem:s19], [sflag:$0x1] =	stream.indirect.gather [hbm4b:s4+s15], $0x80, s18, s15, $0xb8;
	[tilespmem:$0x1E900] =	vst v63  }
0x31: {  	v57 =	vld [tilespmem:$0x80]  }
0x32: {  	v58 =	vld [tilespmem:$0x90]  }
0x33: {  	v59 =	vld [tilespmem:$0xA0]  }
0x34: {  	v60 =	vld [tilespmem:$0xB0];
	_ =	sdelay $0x1  }
0x35: {  	v0 =	vand.u32 $0xFFFF, v57  }
0x36: {  	v61 =	vand.u32 $0xFFFF, v58;
	[tilespmem:$0x2800] =	vst v0  }
0x37: {  	v62 =	vand.u32 $0xFFFF, v59;
	[tilespmem:$0x2810] =	vst v61  }
0x38: {  	v63 =	vand.u32 $0xFFFF, v60;
	[tilespmem:$0x2820] =	vst v62  }
0x39: {  	[tilespmem:$0x2830] =	vst v63  }
0x3a: {  	[tilespmem:s21], [sflag:$0x1] =	stream.indirect.gather [hbm4b:s4+s15], $0x80, s20, s15, $0xb8;
	[tilespmem:$0x1E900] =	vst v63  }
0x3b: {  	_ =	swait.ge [sflag:s22], $0x2800  }
0x3c: {  	[sflag:s22] =	ssyncset.done $0x0  }
0x3d: {  	[sflag:s22] =	ssyncadd.s32 $0xFFFFD800  }
0x3e: {  	[bflag:$0x0] =	sbarrier.arrive $0xFFFF  }
0x3f: {  	_ =	swait.ge [sflag:s23], $0x2000  }
0x40: {  	p2 =	por $0x1, $0x1;
	[sflag:s23] =	ssyncset.done $0x0  }
0x41: {  	s26 =	simm.s32 @!p2 $0x2;
	[sflag:s23] =	ssyncadd.s32 $0xFFFFE000  }
0x42: {  	_ =	swait.ge @!p2 [sflag:s26], $0x2000  }
0x43: {  	p1 =	sle.u32 s6, $0x3;
	s28 =	smulhi.u32 $0xAAAAAAAB, s14;
	[sflag:s26] =	ssyncset.done @!p2 $0x0  }
0x44: {  	[sflag:s26] =	ssyncadd.s32 @!p2 $0xFFFFE000;
	s26 =	simm.s32 @!p1 $0x0  }
0x45: {  	s28 =	sshrl.u32 s28, $0x1;
	v0 =	vld @!p1 [tilespmem:s26+$0xC0]  }
0x46: {  	s28 =	smul.u32 $0xFFFFFD00, s28;
	_ =	sdelay $0x1  }
0x47: {  	s28 =	sshra.s32 s28, $0x2  }
0x48: {  	s28 =	sadd.s32 $0x2780, s28  }
0x49: {  	s28 =	sadd.s32 @!p1 $0x0, s28;
	v0 =	vand.u32 @!p1 $0xFFFF, v0  }
0x4a: {  	[tilespmem:s28+$0xC0] =	vst @!p1 v0  }
0x4b: {  	v0 =	vld @!p1 [tilespmem:s26+$0xD0];
	_ =	sdelay $0x4  }
0x4c: {  	v0 =	vand.u32 @!p1 $0xFFFF, v0  }
0x4d: {  	[tilespmem:s28+$0xD0] =	vst @!p1 v0  }
0x4e: {  	v0 =	vld @!p1 [tilespmem:s26+$0xE0];
	_ =	sdelay $0x4  }
0x4f: {  	v0 =	vand.u32 @!p1 $0xFFFF, v0  }
0x50: {  	[tilespmem:s28+$0xE0] =	vst @!p1 v0  }
0x51: {  	v0 =	vld @!p1 [tilespmem:s26+$0xF0];
	_ =	sdelay $0x3  }
0x52: {  	s26 =	simm.s32 @!p1 $0x6000  }
0x53: {  	s30 =	simm.s32 $0x0;
	s26 =	sand.u32 @!p1 $0x6000, s26;
	v0 =	vand.u32 @!p1 $0xFFFF, v0  }
0x54: {  	s29 =	sadd.s32 @!p1 $0xC0, s28;
	s26 =	sadd.s32 @!p1 $0x2900, s26;
	[tilespmem:s28+$0xF0] =	vst @!p1 v0;
	s28 =	simm.s32 @!p1 $0x40  }
0x55: {  	[tilespmem:s26], [sflag:$0x1] =	stream.indirect.gather @!p1 [hbm4b:s4+s28], $0x80, s29, s28, $0xb8;
	[tilespmem:$0x1E900] =	vst v63  }
0x56: {  	v0 =	vld [tilespmem:s30+$0x0];
	_ =	sdelay $0x4  }
0x57: {  	v0 =	vshrl.u32 v0, $0x10  }
0x58: {  	[tilespmem:$0x2880] =	vst v0  }
0x59: {  	v0 =	vld [tilespmem:s30+$0x10];
	_ =	sdelay $0x4  }
0x5a: {  	v0 =	vshrl.u32 v0, $0x10  }
0x5b: {  	[tilespmem:$0x2890] =	vst v0  }
0x5c: {  	v0 =	vld [tilespmem:s30+$0x20];
	_ =	sdelay $0x4  }
0x5d: {  	v0 =	vshrl.u32 v0, $0x10  }
0x5e: {  	[tilespmem:$0x28A0] =	vst v0  }
0x5f: {  	v0 =	vld [tilespmem:s30+$0x30]  }
0x60: {  	p1 =	sne.s32 s6, $0x1  }
.Ltmp0:
0x61: {  	_ = 	snop;
	(pc) =	sbr.rel @!p1 .LBB2_3-.Ltmp0, $3  }
0x62: {  	_ =	sdelay $0x1  }
0x63: {  	s26 =	simm.s32 $0x1;
	s29 =	sand.u32 $0x6000, s3;
	s28 =	simm.s32 $0x2000;
	v0 =	vshrl.u32 v0, $0x10  }
0x64: {  	s31 =	sadd.s32 $0x2900, s29;
	s29 =	simm.s32 $0x4;
	s30 =	simm.s32 $0x100;
	[tilespmem:$0x28B0] =	vst v0  }
.LBB2_2:
0x65: {  	[spmem:s1] =	stream.indirect.scatter.add.f32 [tilespmem:s31], [sflag:$0x2], $0x80, s24, s15, $0xb8;
	[tilespmem:$0x1E900] =	vst v63  }
0x66: {  	s31 =	smov.u32 s26;
	s26 =	sadd.s32 $0x1, s26;
	_ =	swait.ge [sflag:s23], $0x2000  }
0x67: {  	p3 =	seq.s32 s30, $0x0;
	p1 =	sne.s32 s26, s6;
	[sflag:s23] =	ssyncset.done $0x0  }
0x68: {  	s0 =	simm.s32 @!p3 $0x2;
	[sflag:s23] =	ssyncadd.s32 $0xFFFFE000  }
0x69: {  	s31 =	sadd.s32 $0x3, s31;
	_ =	swait.ge @!p3 [sflag:s0], $0x2000  }
0x6a: {  	s2 =	smulhi.u32 $0xAAAAAAAB, s29;
	p2 =	sge.u32 s31, s6;
	[sflag:s0] =	ssyncset.done @!p3 $0x0  }
0x6b: {  	s31 =	sadd.s32 @!p2 $0x6000, s28;
	[sflag:s0] =	ssyncadd.s32 @!p3 $0xFFFFE000;
	s0 =	sshra.s32 @!p2 s30, $0x2  }
0x6c: {  	s2 =	sshrl.u32 s2, $0x1;
	s31 =	sand.u32 @!p2 $0x6000, s31;
	v0 =	vld @!p2 [tilespmem:s0+$0xC0]  }
0x6d: {  	s2 =	smul.u32 $0xFFFFFD00, s2;
	s31 =	sadd.s32 @!p2 $0x2900, s31;
	_ =	sdelay $0x1  }
0x6e: {  	s2 =	sshra.s32 s2, $0x2  }
0x6f: {  	s2 =	sadd.s32 $0x2780, s2  }
0x70: {  	s2 =	sadd.s32 @!p2 s0, s2;
	v0 =	vand.u32 @!p2 $0xFFFF, v0  }
0x71: {  	s16 =	sadd.s32 @!p2 $0xC0, s2;
	[tilespmem:s2+$0xC0] =	vst @!p2 v0  }
0x72: {  	v0 =	vld @!p2 [tilespmem:s0+$0xD0];
	_ =	sdelay $0x4  }
0x73: {  	v0 =	vand.u32 @!p2 $0xFFFF, v0  }
0x74: {  	[tilespmem:s2+$0xD0] =	vst @!p2 v0  }
0x75: {  	v0 =	vld @!p2 [tilespmem:s0+$0xE0];
	_ =	sdelay $0x4  }
0x76: {  	v0 =	vand.u32 @!p2 $0xFFFF, v0  }
0x77: {  	[tilespmem:s2+$0xE0] =	vst @!p2 v0  }
0x78: {  	v0 =	vld @!p2 [tilespmem:s0+$0xF0];
	_ =	sdelay $0x4  }
0x79: {  	v0 =	vand.u32 @!p2 $0xFFFF, v0  }
0x7a: {  	s0 =	simm.s32 @!p2 $0x40;
	[tilespmem:s2+$0xF0] =	vst @!p2 v0;
	s2 =	sshra.s32 s30, $0x2  }
0x7b: {  	[tilespmem:s31], [sflag:$0x1] =	stream.indirect.gather @!p2 [hbm4b:s4+s0], $0x80, s16, s0, $0xb8;
	[tilespmem:$0x1E900] =	vst v63  }
0x7c: {  	v0 =	vld [tilespmem:s2+$0x0];
	_ =	sdelay $0x4  }
0x7d: {  	v0 =	vshrl.u32 v0, $0x10  }
0x7e: {  	[tilespmem:$0x2880] =	vst v0  }
0x7f: {  	v0 =	vld [tilespmem:s2+$0x10];
	_ =	sdelay $0x4  }
0x80: {  	v0 =	vshrl.u32 v0, $0x10  }
0x81: {  	[tilespmem:$0x2890] =	vst v0  }
0x82: {  	v0 =	vld [tilespmem:s2+$0x20];
	_ =	sdelay $0x4  }
0x83: {  	v0 =	vshrl.u32 v0, $0x10  }
0x84: {  	[tilespmem:$0x28A0] =	vst v0  }
0x85: {  	v0 =	vld [tilespmem:s2+$0x30];
	_ =	sdelay $0x1  }
.Ltmp1:
0x86: {  	(pc) =	sbr.rel @p1 .LBB2_2-.Ltmp1, $3  }
0x87: {  	_ =	sdelay $0x1  }
0x88: {  	s0 =	sand.u32 $0x6000, s28;
	s28 =	sadd.s32 $0x2000, s28;
	v0 =	vshrl.u32 v0, $0x10  }
0x89: {  	s29 =	sadd.s32 $0x1, s29;
	s30 =	sadd.s32 $0x100, s30;
	s31 =	sadd.s32 $0x2900, s0;
	[tilespmem:$0x28B0] =	vst v0  }
.LBB2_3:
0x8a: {  	[spmem:s1] =	stream.indirect.scatter.add.f32 [tilespmem:s31], [sflag:$0x2], $0x80, s24, s15, $0xb8;
	[tilespmem:$0x1E900] =	vst v63  }
0x8b: {  	_ =	swait.ge [sflag:s22], $0x2000  }
0x8c: {  	s25 =	sadd.s32 $0x1, s25;
	[sflag:s22] =	ssyncset.done $0x0  }
0x8d: {  	p1 =	sne.s32 s25, s12;
	[sflag:s22] =	ssyncadd.s32 $0xFFFFE000  }
.Ltmp2:
0x8e: {  	s0 =	sor.u32 $0x1C03, s7;
	[bflag:$0x0] =	sbarrier.arrive $0xFFFF;
	(pc) =	sbr.rel @p1 .LBB2_1-.Ltmp2, $4  }
0x8f: {  	[hbm:s11], [sflag:s0] =	dma.local [spmem:s13], $0x2800  }
0x90: {  	_ =	swait.ge [sflag:s14], $0x2800  }
0x91: {  	[sflag:s14] =	ssyncset.done $0x0  }
0x92: {  	[sflag:s14] =	ssyncadd.s32 $0xFFFFD800  }
0x93: {  	_ =	sfence.sel $0x180000  }
0x94: {  	[bflag:$0x0] =	sbarrier.arrive $0xFFFF  }
0x95: {  	_ =	strace $0x9000004D  }
0x96: {  	s0 =	stileid.u32;
	[bflag:$0x2] =	sbarrier.arrive $0xFFFF  }
0x97: {  	p0 =	sne.s32 s0, $0x0;
	s0 =	rddreg [dreg:$0x3]  }
0x98: {  	s0 =	sadd.s32 @!p0 $0x100000, s0  }
0x99: {  	[sflag:s0] =	ssyncadd.tile.s32 @!p0 $0x1;
	_ =	shalt  }
.Lfunc_end2:
_tile_overlayer_lowered:
.L_overlay_start_2:
0x9a: {  	(tag) =	ssettag $0x2  }
0x9b: {  	s0 =	rddreg [dreg:$0x0];
	s2 =	stileid.u32  }
0x9c: {  	s1 =	rddreg [dreg:$0x1];
	p0 =	sne.s32 s2, $0x0  }
0x9d: {  	s3 =	rddreg [dreg:$0x2];
	[bflag:$0x3] =	sbarrier.arrive $0xFFFF;
	s2 =	simm.s32 @!p0 $0x1C03  }
0x9e: {  	[timem:s3], [sflag:s2] =	dma.local @!p0 [hbm:s0], s1  }
0x9f: {  	s0 =	simm.s32 @!p0 $0x3  }
0xa0: {  	_ =	swait.ge @!p0 [sflag:s0], s1  }
0xa1: {  	s1 =	ssub.s32 @!p0 $0x0, s1;
	[sflag:s0] =	ssyncset.done @!p0 $0x0  }
0xa2: {  	[sflag:s0] =	ssyncadd.s32 @!p0 s1  }
0xa3: {  	[bflag:$0x3] =	sbarrier.arrive $0xFFFF  }
0xa4: {  	_ =	shalt  }

// kernel: kernel.8.cloned.1.call-start
scs
__scs_entry_jumppad:
0x0: {  	(pc) =	sbr.rel $0x88, $3  }
0x1: {  	(tag) =	ssettag $0x0;
	lr =	simm.s32 $0x1  }
0x2: {  	[smem:$0x3F9B] =	sst lr;
	_ =	strace $0xD0000000  }
0x3: {  	_ = 	snop  }
0x4: {  	_ = 	snop  }
0x5: {  	_ = 	snop  }
0x6: {  	_ = 	snop  }
0x7: {  	_ = 	snop  }
__scs_overlays_trampoline_lowered:
0x8: {  	[smem:$0x3FAA] =	sst s0  }
0x9: {  	[smem:$0x3FAB] =	sst s1  }
0xa: {  	[smem:$0x3FAC] =	sst s2  }
0xb: {  	[smem:$0x3FAD] =	sst s3  }
0xc: {  	[smem:$0x3FAE] =	sst s4  }
0xd: {  	[smem:$0x3FAF] =	sst s5  }
0xe: {  	[smem:$0x3FB0] =	sst s6  }
0xf: {  	[smem:$0x3FB1] =	sst s7  }
0x10: {  	[smem:$0x3FB2] =	sst s8  }
0x11: {  	[smem:$0x3FB3] =	sst s9;
	s0 =	simm.s32 @!p0 $0x0  }
0x12: {  	s1 =	sld [smem:$0x3F99];
	s0 =	simm.s32 @p0 $0x1  }
0x13: {  	[smem:$0x3FB4] =	sst s0;
	s0 =	simm.s32 @!p1 $0x0  }
0x14: {  	s2 =	sld [smem:$0x3F98];
	s0 =	simm.s32 @p1 $0x1  }
0x15: {  	[smem:$0x3FB5] =	sst s0;
	s0 =	simm.s32 @!p2 $0x0  }
0x16: {  	s3 =	sld [smem:$0x3FDB];
	s0 =	simm.s32 @p2 $0x1  }
0x17: {  	s4 =	simm.s32 $0x1BF5;
	[smem:$0x3FB7] =	sst s0  }
0x18: {  	s0 =	sld [smem:$0x3F9A];
	_ =	swait.ge [sflag:s4], $0x0  }
0x19: {  	s7 =	sld [smem:$0x3F9B]  }
0x1a: {  	s8 =	sadd.s32 $0xFFFFE003, lr  }
0x1b: {  	s9 =	sadd.s32 $0xFFFFFEF7, lr;
	s5 =	simm.s32 $0xFFFFFFFF;
	p2 =	slt.u32 s8, $0xFFFFF086  }
0x1c: {  	p1 =	slt.u32 s9, $0xF7A;
	s5 =	simm.s32 @!p2 $0x0  }
0x1d: {  	s5 =	simm.s32 @p1 $0x1;
	p0 =	seq.s32 s7, s2  }
0x1e: {  	s7 =	smul.u32 @!p0 $0xF7A, s2;
	p2 =	seq.s32 @!p0 s5, $0x0  }
0x1f: {  	s9 =	smul.u32 $0xF7A, s1;
	s8 =	simm.s32 @!p0 $0x1BF5;
	p2 =	por !p2, p0  }
0x20: {  	[sflag:s8] =	ssyncset.s32 @!p0 $0xFFFFF086;
	s6 =	sadd.s32 @!p0 s3, s7;
	s7 =	simm.s32 @!p0 $0x108  }
0x21: {  	s3 =	sadd.s32 s3, s9;
	s6 =	sadd.s32 @!p0 $0x88, s6;
	s7 =	simm.s32 @p2 $0x1082  }
0x22: {  	[simem:s7], [sflag:s8] =	dma.local @!p0 [hbm:s6], $0xF7A  }
0x23: {  	s9 =	sor.u32 $0xD0000000, s2;
	s6 =	simm.s32 $0x108;
	_ =	swait.ge @!p0 [sflag:s8], $0x0  }
0x24: {  	s3 =	sadd.s32 $0x88, s3;
	s6 =	simm.s32 @!p1 $0x1082;
	[sflag:s4] =	ssyncset.s32 $0xFFFFF086  }
0x25: {  	[simem:s6], [sflag:s4] =	dma.local [hbm:s3], $0xF7A  }
0x26: {  	[smem:$0x3F9B] =	sst s1;
	(tag) =	ssettag s2;
	_ =	strace s9  }
0x27: {  	s1 =	sld [smem:$0x3FAB]  }
0x28: {  	s2 =	sld [smem:$0x3FAC]  }
0x29: {  	s4 =	sld [smem:$0x3FAE]  }
0x2a: {  	p0 =	seq.s32 s5, $0x0;
	s5 =	sld [smem:$0x3FAF]  }
0x2b: {  	s6 =	sld [smem:$0x3FB0]  }
0x2c: {  	s7 =	sld [smem:$0x3FB1]  }
0x2d: {  	s3 =	simm.s32 $0x108;
	s8 =	sld [smem:$0x3FB2]  }
0x2e: {  	s3 =	simm.s32 @!p0 $0x1082;
	s9 =	sld [smem:$0x3FB3]  }
0x2f: {  	lr =	sadd.s32 s0, s3;
	s0 =	sld [smem:$0x3FAA]  }
0x30: {  	s3 =	sld [smem:$0x3FAD]  }
0x31: {  	[smem:$0x3FB6] =	sst s10  }
0x32: {  	s10 =	sld [smem:$0x3FB4];
	_ =	sdelay $0x3  }
0x33: {  	p0 =	seq.s32 s10, $0x1;
	s10 =	sld [smem:$0x3FB6];
	_ =	sdelay $0x3  }
0x34: {  	[smem:$0x3FB6] =	sst s10  }
0x35: {  	s10 =	sld [smem:$0x3FB5];
	_ =	sdelay $0x3  }
0x36: {  	p1 =	seq.s32 s10, $0x1;
	s10 =	sld [smem:$0x3FB6];
	_ =	sdelay $0x3  }
0x37: {  	[smem:$0x3FB6] =	sst s10  }
0x38: {  	s10 =	sld [smem:$0x3FB7]  }
0x39: {  	_ = 	snop;
	(pc) =	sbr.ind lr, $3  }
0x3a: {  	_ = 	snop  }
0x3b: {  	_ = 	snop  }
0x3c: {  	p2 =	seq.s32 s10, $0x1;
	s10 =	sld [smem:$0x3FB6]  }
0x3d: {  	_ =	shalt  }
0x3e: {  	_ =	shalt  }
0x3f: {  	_ =	shalt  }
0x40: {  	_ =	shalt  }
0x41: {  	_ =	shalt  }
0x42: {  	_ =	shalt  }
0x43: {  	_ =	shalt  }
0x44: {  	_ =	shalt  }
0x45: {  	_ =	shalt  }
0x46: {  	_ =	shalt  }
0x47: {  	_ =	shalt  }
0x48: {  	_ =	shalt  }
0x49: {  	_ =	shalt  }
0x4a: {  	_ =	shalt  }
0x4b: {  	_ =	shalt  }
0x4c: {  	_ =	shalt  }
0x4d: {  	_ =	shalt  }
0x4e: {  	_ =	shalt  }
0x4f: {  	_ =	shalt  }
0x50: {  	_ =	shalt  }
0x51: {  	_ =	shalt  }
0x52: {  	_ =	shalt  }
0x53: {  	_ =	shalt  }
0x54: {  	_ =	shalt  }
0x55: {  	_ =	shalt  }
0x56: {  	_ =	shalt  }
0x57: {  	_ =	shalt  }
0x58: {  	_ =	shalt  }
0x59: {  	_ =	shalt  }
0x5a: {  	_ =	shalt  }
0x5b: {  	_ =	shalt  }
0x5c: {  	_ =	shalt  }
0x5d: {  	_ =	shalt  }
0x5e: {  	_ =	shalt  }
0x5f: {  	_ =	shalt  }
0x60: {  	_ =	shalt  }
0x61: {  	_ =	shalt  }
0x62: {  	_ =	shalt  }
0x63: {  	_ =	shalt  }
0x64: {  	_ =	shalt  }
0x65: {  	_ =	shalt  }
0x66: {  	_ =	shalt  }
0x67: {  	_ =	shalt  }
0x68: {  	_ =	shalt  }
0x69: {  	_ =	shalt  }
0x6a: {  	_ =	shalt  }
0x6b: {  	_ =	shalt  }
0x6c: {  	_ =	shalt  }
0x6d: {  	_ =	shalt  }
0x6e: {  	_ =	shalt  }
0x6f: {  	_ =	shalt  }
0x70: {  	_ =	shalt  }
0x71: {  	_ =	shalt  }
0x72: {  	_ =	shalt  }
0x73: {  	_ =	shalt  }
0x74: {  	_ =	shalt  }
0x75: {  	_ =	shalt  }
0x76: {  	_ =	shalt  }
0x77: {  	_ =	shalt  }
0x78: {  	_ =	shalt  }
0x79: {  	_ =	shalt  }
0x7a: {  	_ =	shalt  }
0x7b: {  	_ =	shalt  }
0x7c: {  	_ =	shalt  }
0x7d: {  	_ =	shalt  }
0x7e: {  	_ =	shalt  }
0x7f: {  	_ =	shalt  }
0x80: {  	_ =	shalt  }
0x81: {  	_ =	shalt  }
0x82: {  	_ =	shalt  }
0x83: {  	_ =	shalt  }
0x84: {  	_ =	shalt  }
0x85: {  	_ =	shalt  }
0x86: {  	_ =	shalt  }
0x87: {  	_ =	shalt  }
.Lfunc_end0:
.L_simem_size_0:
called_computation_lowered:
.L_overlay_start_0:
0x88: {  	s2 =	sld [smem:$0x3FD9]  }
0x89: {  	s3 =	sld [smem:$0x3FFE];
	_ =	sdelay $0x1  }
0x8a: {  	s1 =	srdreg.scid  }
0x8b: {  	s0 =	sand.u32 $0x1, s1  }
0x8c: {  	s17 =	sshll.u32 s0, $0xA;
	s2 =	sadd.s32 s3, s2  }
0x8d: {  	s2 =	sadd.s32 s2, s17  }
0x8e: {  	[smem:$0x3FC2] =	sst s2  }
0x8f: {  	_ = 	snop  }
0x90: {  	s2 =	sld [smem:$0x3FC8]  }
0x91: {  	s18 =	sld [smem:$0x3FD0];
	(tm) =	ssettm $0x1  }
0x92: {  	s4 =	sld [smem:$0x3FFB];
	_ =	sdelay $0x3  }
0x93: {  	_ =	strace s4  }
0x94: {  	s4 =	sld [smem:$0x3FFC];
	_ =	sdelay $0x3  }
0x95: {  	_ =	strace s4  }
0x96: {  	s4 =	sld [smem:$0x3FFD];
	_ =	sdelay $0x3  }
0x97: {  	_ =	strace s4  }
0x98: {  	_ =	strace $0x8FFFFFFF  }
0x99: {  	s19 =	sld [smem:$0x3FDB];
	_ =	sdelay $0x1  }
0x9a: {  	s5 =	simm.s32 $_scs_section_size  }
0x9b: {  	s6 =	simm.s32 $_size__tile_overlayer_lowered;
	s7 =	simm.s32 $_tile_overlayer_lowered  }
0x9c: {  	s22 =	simm.s32 $0x1BFF;
	s21 =	sshll.u32 s7, $0x1;
	s4 =	sadd.s32 s5, s19  }
0x9d: {  	s8 =	simm.s32 $0x0;
	s20 =	sshll.u32 s6, $0x1;
	s6 =	sadd.s32 s21, s4  }
0x9e: {  	[timem:s8], [sflag:s22] =	dma.local [hbm:s6], s20  }
0x9f: {  	_ =	swait.ge [sflag:s22], s20  }
0xa0: {  	s5 =	ssub.s32 $0x0, s20;
	[sflag:s22] =	ssyncset.done $0x0  }
0xa1: {  	[sflag:s22] =	ssyncadd.s32 s5;
	_ =	sdelay $0x1  }
0xa2: {  	s23 =	simm.s32 $0x1B8B  }
0xa3: {  	_ =	swait.ge [sflag:s23], $0x1  }
0xa4: {  	[sflag:s23] =	ssyncset.done $0x0  }
0xa5: {  	s25 =	simm.s32 $0x1B8E;
	s24 =	sld [smem:$0x3FFE];
	[sflag:s23] =	ssyncadd.s32 $0xFFFFFFFF  }
0xa6: {  	s26 =	simm.s32 $execute0_lowered;
	[smem:$0x3FD2] =	sst s25  }
0xa7: {  	s6 =	sshll.u32 s26, $0x1;
	_ =	strace $0x80000046;
	[dreg:$0x1] =	wrdreg $0xFFFFFFFF  }
0xa8: {  	s28 =	simm.s32 $_size_execute0_lowered;
	s4 =	sadd.s32 s4, s6;
	[dreg:$0x0] =	wrdreg $0x0  }
0xa9: {  	s6 =	sshll.u32 s28, $0x1;
	[dreg:$0x2] =	wrdreg s4  }
0xaa: {  	[dreg:$0x3] =	wrdreg s6  }
0xab: {  	[dreg:$0x4] =	wrdreg $0xC0  }
0xac: {  	_ =	task [dreg:s8], $0x5FFFF  }
0xad: {  	[dreg:$0x1] =	wrdreg $0xFFFFFFFF  }
0xae: {  	[dreg:$0x0] =	wrdreg $0x60  }
0xaf: {  	[dreg:$0x2] =	wrdreg s2  }
0xb0: {  	[dreg:$0x3] =	wrdreg s24  }
0xb1: {  	[dreg:$0x4] =	wrdreg s18  }
0xb2: {  	[dreg:$0x5] =	wrdreg $0x51800  }
0xb3: {  	[dreg:$0x6] =	wrdreg $0x9  }
0xb4: {  	_ =	task.clear_ibuf [dreg:s8], $0x7FFFF;
	_ =	strace $0x90000046  }
0xb5: {  	s29 =	simm.s32 $0x9;
	_ =	strace $0x80000048  }
0xb6: {  	_ =	swait.ge [sflag:s29], $0x1  }
0xb7: {  	[sflag:s29] =	ssyncadd.s32 $0xFFFFFFFF  }
0xb8: {  	_ =	strace $0x90000048  }
0xb9: {  	_ =	sfence  }
0xba: {  	s30 =	sld [smem:$0x0];
	_ =	sdelay $0x2  }
0xbb: {  	s31 =	sshll.u32 s1, $0xD;
	s1 =	sshrl.u32 s1, $0x2  }
0xbc: {  	s3 =	sand.u32 $0x4000, s31;
	s1 =	sadd.s32 s1, s30  }
0xbd: {  	s0 =	sor.u32 s3, s0;
	s1 =	sshll.u32 s1, $0x11  }
0xbe: {  	s0 =	sor.u32 s1, s0  }
0xbf: {  	s0 =	sadd.s32 $0x8F2B, s0  }
0xc0: {  	[sflag:s0] =	ssyncadd.remote.s32 $0x1  }
0xc1: {  	_ =	sfence.sel $0xFFFF  }
0xc2: {  	[dreg:$0x0] =	wrdreg $0xFFFFFFFF;
	(pc) =	sbr.abs _section_cstart, $3  }
0xc3: {  	[dreg:$0x1] =	wrdreg $0xFFFFFFFF  }
0xc4: {  	_ =	task.clear_ibuf [dreg:s8], $0x2FFFF;
	_ =	strace $0x9FFFFFFF  }
0xc5: {  	(tm) =	ssettm $0x7FFFFFFF  }
tec
execute0_lowered:
.L_overlay_start_1:
0x0: {  	(tag) =	ssettag $0x1  }
0x1: {  	s0 =	rddreg [dreg:$0x0]  }
0x2: {  	s5 =	rddreg [dreg:$0x1]  }
0x3: {  	s10 =	rddreg [dreg:$0x2]  }
0x4: {  	s2 =	rddreg [dreg:$0x3];
	s3 =	simm.s32 $0x0;
	s4 =	srdreg.scid  }
0x5: {  	s1 =	stileid.u32;
	s17 =	simm.s32 $0x80;
	s18 =	simm.s32 $0x100  }
0x6: {  	s21 =	simm.s32 $0x5100;
	s22 =	simm.s32 $0x4F80;
	s23 =	simm.s32 $0x1  }
0x7: {  	s25 =	simm.s32 $0x20;
	s28 =	simm.s32 $0x0;
	[smem:$0x7FF] =	sst s3  }
0x8: {  	s6 =	sand.u32 $0x1, s4;
	s7 =	smul.u32 $0x500, s1;
	s9 =	sshll.u32 s1, $0x1  }
0x9: {  	s4 =	sadd.s32 $0x2600, s5;
	s12 =	smul.u32 $0xA00, s1;
	p0 =	slt.u32 s1, $0x2  }
0xa: {  	s30 =	sshll.u32 s1, $0x6;
	s19 =	sadd.s32 $0x10, s0;
	_ =	strace $0x80000047  }
0xb: {  	s8 =	sshll.u32 s6, $0x7;
	s26 =	sor.u32 s6, s9;
	s6 =	ssub.s32 $0x2, s6  }
0xc: {  	s7 =	sor.u32 s8, s7;
	s9 =	smul.u32 $0x4E, s26;
	s11 =	sshrl.u32 s6, $0x1  }
0xd: {  	s8 =	smin.u32 s26, $0x4;
	s29 =	sshrl.u32 s12, $0x2;
	s26 =	simm.s32 $0x10  }
0xe: {  	s7 =	sshrl.u32 s7, $0x3;
	s14 =	ssub.s32 s6, s11;
	s15 =	sadd.s32 s29, s2  }
0xf: {  	s13 =	sadd.s32 s7, s5;
	s8 =	sadd.s32 s8, s9;
	s5 =	simm.s32 $0x4F  }
0x10: {  	s6 =	sor.u32 $0x1C02, s30;
	s5 =	simm.s32 @!p0 $0x4E;
	s16 =	sshll.u32 s8, $0x5  }
0x11: {  	s31 =	sshll.u32 s8, $0x4;
	s12 =	sadd.s32 $0x2800, s13;
	s13 =	smax.u32 s14, $0x1  }
0x12: {  	p0 =	sgt.u32 s1, $0x1;
	s14 =	sshrl.u32 s15, $0x3;
	s15 =	simm.s32 $0x2  }
0x13: {  	s7 =	sadd.s32 s0, s16;
	s20 =	sadd.s32 $0x9C0, s16;
	s9 =	sshll.u32 s5, $0x3  }
0x14: {  	s10 =	sadd.s32 s10, s31;
	s16 =	sadd.s32 s16, s19;
	s8 =	sadd.s32 s0, s20  }
0x15: {  	v0 =	vimm.f32 $1.000000000e+00;
	s11 =	sadd.s32 $0x4E0, s10;
	s19 =	sadd.s32 @!p0 s20, s19;
	s20 =	simm.s32 $0x4F00  }
.LBB2_1:
0x16: {  	[tilespmem:$0x5100] =	vst v0  }
0x17: {  	[tilespmem:$0x5110] =	vst v0  }
0x18: {  	[tilespmem:$0x5120] =	vst v0  }
0x19: {  	[tilespmem:$0x5130] =	vst v0  }
0x1a: {  	[tilespmem:$0x5140] =	vst v0  }
0x1b: {  	[tilespmem:$0x5150] =	vst v0  }
0x1c: {  	[tilespmem:$0x5160] =	vst v0  }
0x1d: {  	[tilespmem:$0x5170] =	vst v0  }
0x1e: {  	[spmem:s14], [sflag:s6] =	dma.local [hbm:s4], $0x50  }
0x1f: {  	_ =	swait.ge [sflag:s15], $0x50  }
0x20: {  	[sflag:s15] =	ssyncset.done $0x0  }
0x21: {  	[sflag:s15] =	ssyncadd.s32 $0xFFFFFFB0  }
0x22: {  	[tilespmem:s3], [sflag:$0x2] =	stream.strided.gather [hbm4b:s16+s17], $0x2700, s18, s17, $0x38;
	[tilespmem:$0x5400] =	vst v63  }
0x23: {  	_ =	swait.ge [sflag:s15], $0x2700  }
0x24: {  	s0 =	simm.s32 @p0 $0x80;
	[sflag:s15] =	ssyncset.done $0x0  }
0x25: {  	s29 =	simm.s32 @p0 $0x100;
	s30 =	simm.s32 @p0 $0x2780;
	[sflag:s15] =	ssyncadd.s32 $0xFFFFD900  }
0x26: {  	[tilespmem:s30], [sflag:$0x2] =	stream.strided.gather @p0 [hbm4b:s7+s0], $0x2700, s29, s0, $0x38;
	[tilespmem:$0x5400] =	vst v63  }
0x27: {  	s0 =	simm.s32 @p0 $0x2  }
0x28: {  	_ =	swait.ge @p0 [sflag:s0], $0x2700  }
0x29: {  	[sflag:s0] =	ssyncset.done @p0 $0x0  }
0x2a: {  	s29 =	simm.s32 @!p0 $0x2700;
	[sflag:s0] =	ssyncadd.s32 @p0 $0xFFFFD900;
	s0 =	simm.s32 @!p0 $0x0  }
0x2b: {  	[tilespmem:s29], [sflag:$0x2] =	stream.linear.gather @!p0 [hbm4b:s19+s0], $0x80, $0x38;
	[tilespmem:$0x5400] =	vst v63  }
0x2c: {  	s29 =	simm.s32 @!p0 $0x2  }
0x2d: {  	_ =	swait.ge @!p0 [sflag:s29], $0x80  }
0x2e: {  	s31 =	simm.s32 @!p0 $0x100;
	[sflag:s29] =	ssyncset.done @!p0 $0x0  }
0x2f: {  	s1 =	simm.s32 @!p0 $0x2780;
	s30 =	simm.s32 @!p0 $0x80;
	[sflag:s29] =	ssyncadd.s32 @!p0 $0xFFFFFF80  }
0x30: {  	[tilespmem:s1], [sflag:$0x2] =	stream.strided.gather @!p0 [hbm4b:s7+s30], $0x2700, s31, s30, $0x38;
	[tilespmem:$0x5400] =	vst v63  }
0x31: {  	_ =	swait.ge @!p0 [sflag:s29], $0x2700  }
0x32: {  	[sflag:s29] =	ssyncset.done @!p0 $0x0  }
0x33: {  	s1 =	simm.s32 @!p0 $0x4E80;
	[sflag:s29] =	ssyncadd.s32 @!p0 $0xFFFFD900  }
0x34: {  	[tilespmem:s1], [sflag:$0x2] =	stream.linear.gather @!p0 [hbm4b:s8+s0], $0x80, $0x38;
	[tilespmem:$0x5400] =	vst v63  }
0x35: {  	_ =	swait.ge @!p0 [sflag:s29], $0x80  }
0x36: {  	[sflag:s29] =	ssyncset.done @!p0 $0x0  }
0x37: {  	[sflag:s29] =	ssyncadd.s32 @!p0 $0xFFFFFF80  }
0x38: {  	[bflag:$0x0] =	sbarrier.arrive $0xFFFF  }
0x39: {  	v1 =	vld [tilespmem:s18+$0xFFFFFF00];
	_ =	sdelay $0x4  }
0x3a: {  	[tilespmem:$0x4F00] =	vst v1  }
0x3b: {  	v1 =	vld [tilespmem:s18+$0xFFFFFF10];
	_ =	sdelay $0x4  }
0x3c: {  	[tilespmem:$0x4F10] =	vst v1  }
0x3d: {  	v1 =	vld [tilespmem:s18+$0xFFFFFF20];
	_ =	sdelay $0x4  }
0x3e: {  	[tilespmem:$0x4F20] =	vst v1  }
0x3f: {  	v1 =	vld [tilespmem:s18+$0xFFFFFF30];
	_ =	sdelay $0x4  }
0x40: {  	[tilespmem:$0x4F30] =	vst v1  }
0x41: {  	v1 =	vld [tilespmem:s18+$0xFFFFFF40];
	_ =	sdelay $0x4  }
0x42: {  	[tilespmem:$0x4F40] =	vst v1  }
0x43: {  	v1 =	vld [tilespmem:s18+$0xFFFFFF50];
	_ =	sdelay $0x4  }
0x44: {  	[tilespmem:$0x4F50] =	vst v1  }
0x45: {  	v1 =	vld [tilespmem:s18+$0xFFFFFF60];
	_ =	sdelay $0x4  }
0x46: {  	[tilespmem:$0x4F60] =	vst v1  }
0x47: {  	v1 =	vld [tilespmem:s18+$0xFFFFFF70];
	_ =	sdelay $0x4  }
0x48: {  	[tilespmem:$0x4F70] =	vst v1  }
0x49: {  	[spmem:s2] =	stream.indirect.scatter.add.f32 [tilespmem:s21], [sflag:$0x1], $0x1, s20, s17, $0xb8;
	[tilespmem:$0x5400] =	vst v63  }
0x4a: {  	v1 =	vld [tilespmem:s18+$0xFFFFFF80];
	_ =	sdelay $0x4  }
0x4b: {  	[tilespmem:$0x4F80] =	vst v1  }
0x4c: {  	v1 =	vld [tilespmem:s18+$0xFFFFFF90];
	_ =	sdelay $0x4  }
0x4d: {  	[tilespmem:$0x4F90] =	vst v1  }
0x4e: {  	v1 =	vld [tilespmem:s18+$0xFFFFFFA0];
	_ =	sdelay $0x4  }
0x4f: {  	[tilespmem:$0x4FA0] =	vst v1  }
0x50: {  	v1 =	vld [tilespmem:s18+$0xFFFFFFB0];
	_ =	sdelay $0x4  }
0x51: {  	[tilespmem:$0x4FB0] =	vst v1  }
0x52: {  	v1 =	vld [tilespmem:s18+$0xFFFFFFC0];
	_ =	sdelay $0x4  }
0x53: {  	[tilespmem:$0x4FC0] =	vst v1  }
0x54: {  	v1 =	vld [tilespmem:s18+$0xFFFFFFD0];
	_ =	sdelay $0x4  }
0x55: {  	[tilespmem:$0x4FD0] =	vst v1  }
0x56: {  	v1 =	vld [tilespmem:s18+$0xFFFFFFE0];
	_ =	sdelay $0x4  }
0x57: {  	[tilespmem:$0x4FE0] =	vst v1  }
0x58: {  	v1 =	vld [tilespmem:s18+$0xFFFFFFF0];
	_ =	sdelay $0x4  }
0x59: {  	p1 =	sle.u32 s5, $0x2;
	[tilespmem:$0x4FF0] =	vst v1  }
0x5a: {  	[spmem:s2] =	stream.indirect.scatter.add.f32 [tilespmem:s21], [sflag:$0x1], $0x1, s22, s17, $0xb8;
	[tilespmem:$0x5400] =	vst v63  }
0x5b: {  	v1 =	vld @!p1 [tilespmem:s18+$0x0];
	_ =	sdelay $0x4  }
0x5c: {  	[tilespmem:$0x5000] =	vst @!p1 v1  }
0x5d: {  	v1 =	vld @!p1 [tilespmem:s18+$0x10];
	_ =	sdelay $0x4  }
0x5e: {  	[tilespmem:$0x5010] =	vst @!p1 v1  }
0x5f: {  	v1 =	vld @!p1 [tilespmem:s18+$0x20];
	_ =	sdelay $0x4  }
0x60: {  	[tilespmem:$0x5020] =	vst @!p1 v1  }
0x61: {  	v1 =	vld @!p1 [tilespmem:s18+$0x30];
	_ =	sdelay $0x4  }
0x62: {  	[tilespmem:$0x5030] =	vst @!p1 v1  }
0x63: {  	v1 =	vld @!p1 [tilespmem:s18+$0x40];
	_ =	sdelay $0x4  }
0x64: {  	[tilespmem:$0x5040] =	vst @!p1 v1  }
0x65: {  	v1 =	vld @!p1 [tilespmem:s18+$0x50];
	_ =	sdelay $0x4  }
0x66: {  	[tilespmem:$0x5050] =	vst @!p1 v1  }
0x67: {  	v1 =	vld @!p1 [tilespmem:s18+$0x60];
	_ =	sdelay $0x4  }
0x68: {  	[tilespmem:$0x5060] =	vst @!p1 v1  }
0x69: {  	v1 =	vld @!p1 [tilespmem:s18+$0x70];
	_ =	sdelay $0x3  }
0x6a: {  	p3 =	sle.u32 s5, $0x3  }
0x6b: {  	s0 =	simm.s32 @!p1 $0x80;
	s1 =	simm.s32 @!p1 $0x5000;
	s29 =	simm.s32 @!p1 $0x5100;
	[tilespmem:$0x5070] =	vst @!p1 v1  }
0x6c: {  	[spmem:s2] =	stream.indirect.scatter.add.f32 @!p1 [tilespmem:s29], [sflag:$0x1], $0x1, s1, s0, $0xb8;
	[tilespmem:$0x5400] =	vst v63  }
0x6d: {  	v1 =	vld @!p3 [tilespmem:s18+$0x80];
	_ =	sdelay $0x4  }
0x6e: {  	[tilespmem:$0x5080] =	vst @!p3 v1  }
0x6f: {  	v1 =	vld @!p3 [tilespmem:s18+$0x90];
	_ =	sdelay $0x4  }
0x70: {  	[tilespmem:$0x5090] =	vst @!p3 v1  }
0x71: {  	v1 =	vld @!p3 [tilespmem:s18+$0xA0];
	_ =	sdelay $0x4  }
0x72: {  	[tilespmem:$0x50A0] =	vst @!p3 v1  }
0x73: {  	v1 =	vld @!p3 [tilespmem:s18+$0xB0];
	_ =	sdelay $0x4  }
0x74: {  	[tilespmem:$0x50B0] =	vst @!p3 v1  }
0x75: {  	v1 =	vld @!p3 [tilespmem:s18+$0xC0];
	_ =	sdelay $0x4  }
0x76: {  	[tilespmem:$0x50C0] =	vst @!p3 v1  }
0x77: {  	v1 =	vld @!p3 [tilespmem:s18+$0xD0];
	_ =	sdelay $0x4  }
0x78: {  	[tilespmem:$0x50D0] =	vst @!p3 v1  }
0x79: {  	v1 =	vld @!p3 [tilespmem:s18+$0xE0];
	_ =	sdelay $0x4  }
0x7a: {  	[tilespmem:$0x50E0] =	vst @!p3 v1  }
0x7b: {  	v1 =	vld @!p3 [tilespmem:s18+$0xF0];
	_ =	sdelay $0x4  }
0x7c: {  	s0 =	simm.s32 @!p3 $0x80;
	s1 =	simm.s32 @!p3 $0x5080;
	s29 =	simm.s32 @!p3 $0x5100;
	[tilespmem:$0x50F0] =	vst @!p3 v1  }
0x7d: {  	[spmem:s2] =	stream.indirect.scatter.add.f32 @!p3 [tilespmem:s29], [sflag:$0x1], $0x1, s1, s0, $0xb8;
	[tilespmem:$0x5400] =	vst v63  }
0x7e: {  	_ =	swait.ge [sflag:s23], $0x80  }
0x7f: {  	[sflag:s23] =	ssyncset.done $0x0  }
0x80: {  	[sflag:s23] =	ssyncadd.s32 $0xFFFFFF80  }
0x81: {  	_ =	swait.ge [sflag:s23], $0x80  }
0x82: {  	[sflag:s23] =	ssyncset.done $0x0  }
0x83: {  	s1 =	simm.s32 @!p1 $0x1;
	[sflag:s23] =	ssyncadd.s32 $0xFFFFFF80  }
0x84: {  	_ =	swait.ge @!p1 [sflag:s1], $0x80  }
0x85: {  	[sflag:s1] =	ssyncset.done @!p1 $0x0  }
0x86: {  	s0 =	simm.s32 @!p3 $0x1;
	[sflag:s1] =	ssyncadd.s32 @!p1 $0xFFFFFF80  }
0x87: {  	s30 =	simm.s32 $0x100;
	s29 =	simm.s32 $0x7;
	_ =	swait.ge @!p3 [sflag:s0], $0x80  }
.LBB2_2:
0x88: {  	[sflag:s0] =	ssyncset.done @!p3 $0x0  }
0x89: {  	s30 =	sadd.s32 $0x200, s30;
	s31 =	smov.u32 s29;
	s29 =	sadd.s32 $0x4, s29  }
0x8a: {  	p1 =	sne.s32 s29, $0x53;
	[sflag:s0] =	ssyncadd.s32 @!p3 $0xFFFFFF80  }
0x8b: {  	v1 =	vld [tilespmem:s30+$0xFFFFFF00];
	_ =	sdelay $0x4  }
0x8c: {  	[tilespmem:$0x4F00] =	vst v1  }
0x8d: {  	v1 =	vld [tilespmem:s30+$0xFFFFFF10];
	_ =	sdelay $0x4  }
0x8e: {  	[tilespmem:$0x4F10] =	vst v1  }
0x8f: {  	v1 =	vld [tilespmem:s30+$0xFFFFFF20];
	_ =	sdelay $0x4  }
0x90: {  	[tilespmem:$0x4F20] =	vst v1  }
0x91: {  	v1 =	vld [tilespmem:s30+$0xFFFFFF30];
	_ =	sdelay $0x4  }
0x92: {  	[tilespmem:$0x4F30] =	vst v1  }
0x93: {  	v1 =	vld [tilespmem:s30+$0xFFFFFF40];
	_ =	sdelay $0x4  }
0x94: {  	[tilespmem:$0x4F40] =	vst v1  }
0x95: {  	v1 =	vld [tilespmem:s30+$0xFFFFFF50];
	_ =	sdelay $0x4  }
0x96: {  	[tilespmem:$0x4F50] =	vst v1  }
0x97: {  	v1 =	vld [tilespmem:s30+$0xFFFFFF60];
	_ =	sdelay $0x4  }
0x98: {  	[tilespmem:$0x4F60] =	vst v1  }
0x99: {  	v1 =	vld [tilespmem:s30+$0xFFFFFF70];
	_ =	sdelay $0x4  }
0x9a: {  	[tilespmem:$0x4F70] =	vst v1  }
0x9b: {  	[spmem:s2] =	stream.indirect.scatter.add.f32 [tilespmem:s21], [sflag:$0x1], $0x1, s20, s17, $0xb8;
	[tilespmem:$0x5400] =	vst v63  }
0x9c: {  	v1 =	vld [tilespmem:s30+$0xFFFFFF80];
	_ =	sdelay $0x4  }
0x9d: {  	[tilespmem:$0x4F80] =	vst v1  }
0x9e: {  	v1 =	vld [tilespmem:s30+$0xFFFFFF90];
	_ =	sdelay $0x4  }
0x9f: {  	[tilespmem:$0x4F90] =	vst v1  }
0xa0: {  	v1 =	vld [tilespmem:s30+$0xFFFFFFA0];
	_ =	sdelay $0x4  }
0xa1: {  	[tilespmem:$0x4FA0] =	vst v1  }
0xa2: {  	v1 =	vld [tilespmem:s30+$0xFFFFFFB0];
	_ =	sdelay $0x4  }
0xa3: {  	[tilespmem:$0x4FB0] =	vst v1  }
0xa4: {  	v1 =	vld [tilespmem:s30+$0xFFFFFFC0];
	_ =	sdelay $0x4  }
0xa5: {  	[tilespmem:$0x4FC0] =	vst v1  }
0xa6: {  	v1 =	vld [tilespmem:s30+$0xFFFFFFD0];
	_ =	sdelay $0x4  }
0xa7: {  	[tilespmem:$0x4FD0] =	vst v1  }
0xa8: {  	v1 =	vld [tilespmem:s30+$0xFFFFFFE0];
	_ =	sdelay $0x4  }
0xa9: {  	[tilespmem:$0x4FE0] =	vst v1  }
0xaa: {  	v1 =	vld [tilespmem:s30+$0xFFFFFFF0];
	_ =	sdelay $0x3  }
0xab: {  	s0 =	sadd.s32 $0xFFFFFFFF, s31  }
0xac: {  	p2 =	sge.u32 s0, s5;
	[tilespmem:$0x4FF0] =	vst v1  }
0xad: {  	[spmem:s2] =	stream.indirect.scatter.add.f32 [tilespmem:s21], [sflag:$0x1], $0x1, s22, s17, $0xb8;
	[tilespmem:$0x5400] =	vst v63  }
0xae: {  	v1 =	vld @!p2 [tilespmem:s30+$0x0];
	_ =	sdelay $0x4  }
0xaf: {  	[tilespmem:$0x5000] =	vst @!p2 v1  }
0xb0: {  	v1 =	vld @!p2 [tilespmem:s30+$0x10];
	_ =	sdelay $0x4  }
0xb1: {  	[tilespmem:$0x5010] =	vst @!p2 v1  }
0xb2: {  	v1 =	vld @!p2 [tilespmem:s30+$0x20];
	_ =	sdelay $0x4  }
0xb3: {  	[tilespmem:$0x5020] =	vst @!p2 v1  }
0xb4: {  	v1 =	vld @!p2 [tilespmem:s30+$0x30];
	_ =	sdelay $0x4  }
0xb5: {  	[tilespmem:$0x5030] =	vst @!p2 v1  }
0xb6: {  	v1 =	vld @!p2 [tilespmem:s30+$0x40];
	_ =	sdelay $0x4  }
0xb7: {  	[tilespmem:$0x5040] =	vst @!p2 v1  }
0xb8: {  	v1 =	vld @!p2 [tilespmem:s30+$0x50];
	_ =	sdelay $0x4  }
0xb9: {  	[tilespmem:$0x5050] =	vst @!p2 v1  }
0xba: {  	v1 =	vld @!p2 [tilespmem:s30+$0x60];
	_ =	sdelay $0x4  }
0xbb: {  	[tilespmem:$0x5060] =	vst @!p2 v1  }
0xbc: {  	v1 =	vld @!p2 [tilespmem:s30+$0x70];
	_ =	sdelay $0x3  }
0xbd: {  	s0 =	simm.s32 @!p2 $0x80;
	s1 =	simm.s32 @!p2 $0x5000;
	s24 =	simm.s32 @!p2 $0x5100  }
0xbe: {  	p3 =	sge.u32 s31, s5;
	[tilespmem:$0x5070] =	vst @!p2 v1  }
0xbf: {  	[spmem:s2] =	stream.indirect.scatter.add.f32 @!p2 [tilespmem:s24], [sflag:$0x1], $0x1, s1, s0, $0xb8;
	[tilespmem:$0x5400] =	vst v63  }
0xc0: {  	v1 =	vld @!p3 [tilespmem:s30+$0x80];
	_ =	sdelay $0x4  }
0xc1: {  	[tilespmem:$0x5080] =	vst @!p3 v1  }
0xc2: {  	v1 =	vld @!p3 [tilespmem:s30+$0x90];
	_ =	sdelay $0x4  }
0xc3: {  	[tilespmem:$0x5090] =	vst @!p3 v1  }
0xc4: {  	v1 =	vld @!p3 [tilespmem:s30+$0xA0];
	_ =	sdelay $0x4  }
0xc5: {  	[tilespmem:$0x50A0] =	vst @!p3 v1  }
0xc6: {  	v1 =	vld @!p3 [tilespmem:s30+$0xB0];
	_ =	sdelay $0x4  }
0xc7: {  	[tilespmem:$0x50B0] =	vst @!p3 v1  }
0xc8: {  	v1 =	vld @!p3 [tilespmem:s30+$0xC0];
	_ =	sdelay $0x4  }
0xc9: {  	[tilespmem:$0x50C0] =	vst @!p3 v1  }
0xca: {  	v1 =	vld @!p3 [tilespmem:s30+$0xD0];
	_ =	sdelay $0x4  }
0xcb: {  	[tilespmem:$0x50D0] =	vst @!p3 v1  }
0xcc: {  	v1 =	vld @!p3 [tilespmem:s30+$0xE0];
	_ =	sdelay $0x4  }
0xcd: {  	[tilespmem:$0x50E0] =	vst @!p3 v1  }
0xce: {  	v1 =	vld @!p3 [tilespmem:s30+$0xF0];
	_ =	sdelay $0x3  }
0xcf: {  	s0 =	simm.s32 @!p3 $0x80;
	s1 =	simm.s32 @!p3 $0x5080;
	s24 =	simm.s32 @!p3 $0x5100  }
0xd0: {  	[tilespmem:$0x50F0] =	vst @!p3 v1  }
0xd1: {  	[spmem:s2] =	stream.indirect.scatter.add.f32 @!p3 [tilespmem:s24], [sflag:$0x1], $0x1, s1, s0, $0xb8;
	[tilespmem:$0x5400] =	vst v63  }
0xd2: {  	_ =	swait.ge [sflag:s23], $0x80  }
0xd3: {  	[sflag:s23] =	ssyncset.done $0x0  }
0xd4: {  	[sflag:s23] =	ssyncadd.s32 $0xFFFFFF80  }
0xd5: {  	_ =	swait.ge [sflag:s23], $0x80  }
0xd6: {  	s1 =	simm.s32 @!p2 $0x1;
	[sflag:s23] =	ssyncset.done $0x0  }
.Ltmp0:
0xd7: {  	[sflag:s23] =	ssyncadd.s32 $0xFFFFFF80;
	(pc) =	sbr.rel @p1 .LBB2_2-.Ltmp0, $4  }
0xd8: {  	_ =	swait.ge @!p2 [sflag:s1], $0x80  }
0xd9: {  	s0 =	simm.s32 @!p3 $0x1;
	[sflag:s1] =	ssyncset.done @!p2 $0x0  }
0xda: {  	[sflag:s1] =	ssyncadd.s32 @!p2 $0xFFFFFF80  }
0xdb: {  	_ =	swait.ge @!p3 [sflag:s0], $0x80  }
0xdc: {  	p1 =	sne.s32 s9, $0x1  }
.Ltmp1:
0xdd: {  	_ = 	snop;
	(pc) =	sbr.rel @!p1 .LBB2_5-.Ltmp1, $4  }
0xde: {  	_ = 	snop  }
0xdf: {  	[sflag:s0] =	ssyncset.done @!p3 $0x0  }
0xe0: {  	s30 =	simm.s32 $0x0;
	[sflag:s0] =	ssyncadd.s32 @!p3 $0xFFFFFF80  }
0xe1: {  	s29 =	simm.s32 $0x2780;
	s31 =	sadd.s32 $0xFFFFFFFF, s9;
	v1 =	vld [tilespmem:s30+$0x0]  }
.LBB2_4:
0xe2: {  	p1 =	sne.s32 s31, $0x1;
	v2 =	vld [tilespmem:s29+$0x0];
	_ =	sdelay $0x2  }
.Ltmp2:
0xe3: {  	(pc) =	sbr.rel @p1 .LBB2_4-.Ltmp2, $4  }
0xe4: {  	v1 =	vshll.u32 v1, $0x10  }
0xe5: {  	v1 =	vor.u32 v2, v1  }
0xe6: {  	s30 =	sadd.s32 $0x10, s30;
	[tilespmem:s29+$0x0] =	vst v1  }
0xe7: {  	s31 =	sadd.s32 $0xFFFFFFFF, s31;
	s29 =	sadd.s32 $0x10, s29;
	v1 =	vld [tilespmem:s30+$0x0]  }
.LBB2_5:
0xe8: {  	v2 =	vld [tilespmem:s29+$0x0];
	_ =	sdelay $0x3  }
0xe9: {  	v1 =	vshll.u32 v1, $0x10  }
0xea: {  	v1 =	vor.u32 v2, v1  }
0xeb: {  	s0 =	simm.s32 $0x2780;
	[tilespmem:s29+$0x0] =	vst v1  }
0xec: {  	[hbm4b:s10+s3] =	stream.linear.scatter [tilespmem:s0], [sflag:$0x2], $0x2700, $0x38;
	[tilespmem:$0x5400] =	vst v63  }
0xed: {  	_ =	swait.ge [sflag:s15], $0x2700  }
0xee: {  	[sflag:s15] =	ssyncset.done $0x0  }
0xef: {  	s1 =	simm.s32 @!p0 $0x4E80;
	s0 =	simm.s32 @!p0 $0x0;
	[sflag:s15] =	ssyncadd.s32 $0xFFFFD900  }
0xf0: {  	[hbm4b:s11+s0] =	stream.linear.scatter @!p0 [tilespmem:s1], [sflag:$0x2], $0x80, $0x38;
	[tilespmem:$0x5400] =	vst v63  }
0xf1: {  	s0 =	simm.s32 @!p0 $0x2  }
0xf2: {  	_ =	swait.ge @!p0 [sflag:s0], $0x80  }
0xf3: {  	s28 =	sadd.s32 $0x1, s28;
	[sflag:s0] =	ssyncset.done @!p0 $0x0  }
0xf4: {  	p1 =	sne.s32 s28, s13;
	[sflag:s0] =	ssyncadd.s32 @!p0 $0xFFFFFF80  }
.Ltmp3:
0xf5: {  	[bflag:$0x0] =	sbarrier.arrive $0xFFFF;
	(pc) =	sbr.rel @p1 .LBB2_1-.Ltmp3, $4  }
0xf6: {  	[hbm:s12@s25], [sflag:s6] =	dma.strided [spmem:s14@s26], $0x50, s23, $0x10   }
0xf7: {  	_ =	swait.ge [sflag:s15], $0x50  }
0xf8: {  	[sflag:s15] =	ssyncset.done $0x0  }
0xf9: {  	[sflag:s15] =	ssyncadd.s32 $0xFFFFFFB0  }
0xfa: {  	_ =	sfence.sel $0x180000  }
0xfb: {  	[bflag:$0x0] =	sbarrier.arrive $0xFFFF  }
0xfc: {  	_ =	strace $0x90000047  }
0xfd: {  	s0 =	stileid.u32;
	[bflag:$0x2] =	sbarrier.arrive $0xFFFF  }
0xfe: {  	p0 =	sne.s32 s0, $0x0;
	s0 =	rddreg [dreg:$0x4]  }
0xff: {  	s0 =	sadd.s32 @!p0 $0x100000, s0  }
0x100: {  	[sflag:s0] =	ssyncadd.tile.s32 @!p0 $0x1;
	_ =	shalt  }
.Lfunc_end2:
_tile_overlayer_lowered:
.L_overlay_start_2:
0x101: {  	(tag) =	ssettag $0x2  }
0x102: {  	s0 =	rddreg [dreg:$0x0];
	s2 =	stileid.u32  }
0x103: {  	s1 =	rddreg [dreg:$0x1];
	p0 =	sne.s32 s2, $0x0  }
0x104: {  	s3 =	rddreg [dreg:$0x2];
	[bflag:$0x3] =	sbarrier.arrive $0xFFFF;
	s2 =	simm.s32 @!p0 $0x1C02  }
0x105: {  	[timem:s3], [sflag:s2] =	dma.local @!p0 [hbm:s0], s1  }
0x106: {  	s0 =	simm.s32 @!p0 $0x2  }
0x107: {  	_ =	swait.ge @!p0 [sflag:s0], s1  }
0x108: {  	s1 =	ssub.s32 @!p0 $0x0, s1;
	[sflag:s0] =	ssyncset.done @!p0 $0x0  }
0x109: {  	[sflag:s0] =	ssyncadd.s32 @!p0 s1  }
0x10a: {  	[bflag:$0x3] =	sbarrier.arrive $0xFFFF  }
0x10b: {  	_ =	shalt  }

</sc_bundles>
